<compile_context>
chip_gen: v7x
topology: tpu7x:2x2x1
jax: 0.10.2.dev20260603
libtpu: 0.0.44.dev20260713+nightly
codegen_flags: <defaults>
</compile_context>

<pallas_src>
import functools

import jax
import jax.numpy as jnp
from jax import lax
from jax.experimental import pallas as pl
from jax.experimental.pallas import tpu as pltpu
from jax.experimental.pallas import tpu_sc as plsc

H = 128
LANES = 16
NJ = H // LANES
EPS = 1e-12
CHUNK = 128
NSLOT = 6


def _rsqrt_scalar(x):
    i = lax.bitcast_convert_type(x, jnp.int32)
    i = jnp.int32(0x5F3759DF) - (i >> 1)
    y = lax.bitcast_convert_type(i, jnp.float32)
    for _ in range(3):
        y = y * (1.5 - 0.5 * x * y * y)
    return y


def _make_sc_call(n_rows, v, pt_rows):
    info = plsc.get_sparse_core_info()
    nw = info.num_cores * info.num_subcores
    rows_per_w = n_rows // nw
    n_chunks = rows_per_w // CHUNK
    mesh = plsc.VectorSubcoreMesh(core_axis_name="c", subcore_axis_name="s")

    @functools.partial(
        pl.kernel,
        out_type=jax.ShapeDtypeStruct((n_rows, H), jnp.float32),
        mesh=mesh,
        scratch_types=[
            pltpu.VMEM((2, rows_per_w), jnp.int32),
            pltpu.VMEM((NSLOT, CHUNK, H), jnp.float32),
            pltpu.VMEM((H,), jnp.float32),
            pltpu.VMEM((H,), jnp.float32),
            pltpu.SemaphoreType.DMA,
            pltpu.SemaphoreType.DMA,
            pltpu.SemaphoreType.DMA,
            pltpu.SemaphoreType.DMA,
        ],
        compiler_params=pltpu.CompilerParams(needs_layout_passes=False),
    )
    def sc_call(idx2_h, word_h, ptab_h, gam_h, bet_h, out_h,
                idx_v, gbuf_v, gam_v, bet_v,
                wsem, psem, osem0, osem1):
        wid = lax.axis_index("s") * info.num_cores + lax.axis_index("c")
        base_w = wid * rows_per_w

        pltpu.sync_copy(gam_h, gam_v)
        pltpu.sync_copy(bet_h, bet_v)
        pltpu.sync_copy(idx2_h.at[:, pl.ds(base_w, rows_per_w)], idx_v)

        def wg_handle(c):
            return pltpu.make_async_copy(
                word_h.at[idx_v.at[0, pl.ds(c * CHUNK, CHUNK)]],
                gbuf_v.at[c % NSLOT], wsem)

        def pgather(c):
            pltpu.async_copy(
                ptab_h.at[idx_v.at[1, pl.ds(c * CHUNK, CHUNK)]],
                gbuf_v.at[c % NSLOT], psem, add=True)

        def wait_pgather(c):
            pltpu.make_async_copy(
                ptab_h.at[idx_v.at[1, pl.ds(c * CHUNK, CHUNK)]],
                gbuf_v.at[c % NSLOT], psem).wait()

        def out_handle(c, sem):
            return pltpu.make_async_copy(
                gbuf_v.at[c % NSLOT],
                out_h.at[pl.ds(base_w + c * CHUNK, CHUNK)], sem)

        wg_handle(0).start()
        wg_handle(0).wait()
        pgather(0)
        wg_handle(1).start()

        def chunk_body(c, carry):
            s = c % NSLOT
            even = (c % 2) == 0
            wait_pgather(c)

            @pl.when(c + 1 < n_chunks)
            def _():
                wg_handle(c + 1).wait()
                pgather(c + 1)

            @pl.when(jnp.logical_and(c > 3, even))
            def _():
                out_handle(c - 4, osem0).wait()

            @pl.when(jnp.logical_and(c > 3, jnp.logical_not(even)))
            def _():
                out_handle(c - 4, osem1).wait()

            @pl.when(c + 2 < n_chunks)
            def _():
                wg_handle(c + 2).start()

            means = []
            invs = []

            def group_body(gi, rcarry):
                means.clear()
                invs.clear()
                for r16 in range(LANES):
                    r = gi * LANES + r16
                    xs = [gbuf_v[s, r, pl.ds(j * LANES, LANES)]
                          for j in range(NJ)]
                    sums = xs
                    sqs = [x * x for x in xs]
                    while len(sums) > 1:
                        sums = [a + b for a, b in zip(sums[::2], sums[1::2])]
                        sqs = [a + b for a, b in zip(sqs[::2], sqs[1::2])]
                    rs = jnp.sum(sums[0])
                    rq = jnp.sum(sqs[0])
                    mean = rs * (1.0 / H)
                    var = jnp.maximum(rq * (1.0 / H) - mean * mean, 0.0)
                    means.append(mean)
                    invs.append(_rsqrt_scalar(var + EPS))
                for j in range(NJ):
                    g = gam_v[pl.ds(j * LANES, LANES)]
                    b = bet_v[pl.ds(j * LANES, LANES)]
                    for r16 in range(LANES):
                        r = gi * LANES + r16
                        x = gbuf_v[s, r, pl.ds(j * LANES, LANES)]
                        gbuf_v[s, r, pl.ds(j * LANES, LANES)] = (
                            (x - means[r16]) * invs[r16]) * g + b
                return rcarry

            lax.fori_loop(0, CHUNK // LANES, group_body, 0, unroll=False)

            @pl.when(even)
            def _():
                out_handle(c, osem0).start()

            @pl.when(jnp.logical_not(even))
            def _():
                out_handle(c, osem1).start()

            return carry

        lax.fori_loop(0, n_chunks, chunk_body, 0, unroll=False)
        out_handle(n_chunks - 4, osem0).wait()
        out_handle(n_chunks - 3, osem1).wait()
        out_handle(n_chunks - 2, osem0).wait()
        out_handle(n_chunks - 1, osem1).wait()

    return sc_call


def kernel(input_ids, position_ids, token_type_ids, word_embeddings,
           position_embeddings, token_type_embeddings, ln_gamma, ln_beta):
    b, l = input_ids.shape
    v, h = word_embeddings.shape
    p = position_embeddings.shape[0]
    t = token_type_embeddings.shape[0]
    n_rows = b * l
    ids = input_ids.reshape(n_rows).astype(jnp.int32)
    ptids = (token_type_ids.reshape(n_rows).astype(jnp.int32) * p
             + position_ids.reshape(n_rows).astype(jnp.int32))
    idx2 = jnp.stack([ids, ptids])
    ptab = (position_embeddings[None, :, :]
            + token_type_embeddings[:, None, :]).reshape(t * p, h)
    sc_call = _make_sc_call(n_rows, v, t * p)
    out = sc_call(idx2, word_embeddings, ptab, ln_gamma, ln_beta)
    return out.reshape(b, l, h)

# --- scband reference (transcript-rebuilt; emitter-appended) ---
"""Pipeline reference for scband-uniter-text-embeddings-80616536146490 (READ-ONLY COPY).

The authoritative reference and input builder live on the scoring server;
editing this copy changes nothing except your own understanding.
"""

import jax, jax.numpy as jnp
import numpy as np

B, L = 1024, 200
V, H, P, T = 100000, 128, 512, 2
EPS = 1e-12


def setup_inputs(seed: int = 0) -> dict:
    key = jax.random.key(seed)
    k1, k2, k3, k4, k5, k6 = jax.random.split(key, 6)
    input_ids = jax.random.randint(k1, (B, L), 0, V)
    position_ids = jax.random.randint(k2, (B, L), 0, P)
    token_type_ids = jax.random.randint(k3, (B, L), 0, T)
    word_embeddings = jax.random.normal(k4, (V, H), dtype=jnp.float32) * 0.02
    position_embeddings = jax.random.normal(k5, (P, H), dtype=jnp.float32) * 0.02
    token_type_embeddings = jax.random.normal(k6, (T, H), dtype=jnp.float32) * 0.02
    ln_gamma = jnp.ones((H,), dtype=jnp.float32)
    ln_beta = jnp.zeros((H,), dtype=jnp.float32)
    return {
        "input_ids": input_ids,
        "position_ids": position_ids,
        "token_type_ids": token_type_ids,
        "word_embeddings": word_embeddings,
        "position_embeddings": position_embeddings,
        "token_type_embeddings": token_type_embeddings,
        "ln_gamma": ln_gamma,
        "ln_beta": ln_beta,
    }


def reference(input_ids, position_ids, token_type_ids, word_embeddings,
              position_embeddings, token_type_embeddings, ln_gamma, ln_beta):
    words = jnp.take(word_embeddings, input_ids, axis=0)
    pos = jnp.take(position_embeddings, position_ids, axis=0)
    typ = jnp.take(token_type_embeddings, token_type_ids, axis=0)
    emb = words + pos + typ
    mean = jnp.mean(emb, axis=-1, keepdims=True)
    var = jnp.mean(jnp.square(emb - mean), axis=-1, keepdims=True)
    normed = (emb - mean) / jnp.sqrt(var + EPS)
    out = normed * ln_gamma + ln_beta
    # dropout is identity at inference
    return out

if __name__ == "__main__":
    import jax
    _d = setup_inputs()
    print(jax.jit(kernel)(*tuple(_d.values())))

</pallas_src>

<mosaic_0001>
#map = affine_map<(d0, d1) -> (0, 0)>
#map1 = affine_map<(d0, d1) -> (0)>
module attributes {stable_mosaic.version = 14 : i64} {
  func.func @sc_call(%arg0: i32, %arg1: i32, %arg2: memref<2x204800xi32, #tpu.memory_space<hbm>>, %arg3: memref<100000x128xf32, #tpu.memory_space<hbm>>, %arg4: memref<1024x128xf32, #tpu.memory_space<hbm>>, %arg5: memref<128xf32, #tpu.memory_space<hbm>>, %arg6: memref<128xf32, #tpu.memory_space<hbm>>, %arg7: memref<204800x128xf32, #tpu.memory_space<hbm>>, %arg8: memref<2x6400xi32, #tpu.memory_space<vmem>>, %arg9: memref<6x128x128xf32, #tpu.memory_space<vmem>>, %arg10: memref<128xf32, #tpu.memory_space<vmem>>, %arg11: memref<128xf32, #tpu.memory_space<vmem>>, %arg12: memref<!tpu.dma_semaphore, #tpu.memory_space<semaphore_mem>>, %arg13: memref<!tpu.dma_semaphore, #tpu.memory_space<semaphore_mem>>, %arg14: memref<!tpu.dma_semaphore, #tpu.memory_space<semaphore_mem>>, %arg15: memref<!tpu.dma_semaphore, #tpu.memory_space<semaphore_mem>>) attributes {dimension_semantics = [#tpu.dimension_semantics<core_parallel>, #tpu.dimension_semantics<subcore_parallel>], iteration_bounds = array<i64: 2, 16>, scalar_prefetch = 0 : i64, scratch_operands = 8 : i64, tpu.core_type = #tpu.core_type<sc_vector_subcore>, window_params = [{transform_indices = #map}, {transform_indices = #map}, {transform_indices = #map}, {transform_indices = #map1}, {transform_indices = #map1}, {transform_indices = #map}]} {
    %mul3A = arith.constant 2 : i32
    %mul3A_0 = arith.muli %arg1, %mul3A : i32
    %add3A = arith.addi %mul3A_0, %arg0 : i32
    %mul3A_1 = arith.constant 6400 : i32
    %mul3A_2 = arith.muli %add3A, %mul3A_1 : i32
    "tpu.region"() ({
      %run_scoped3A = tpu.sem_alloc : memref<!tpu.dma_semaphore, #tpu.memory_space<semaphore_mem>>
      tpu.enqueue_dma source(%arg5 : memref<128xf32, #tpu.memory_space<hbm>>) target(%arg10 : memref<128xf32, #tpu.memory_space<vmem>>) target_semaphore(%run_scoped3A : memref<!tpu.dma_semaphore, #tpu.memory_space<semaphore_mem>>)
      tpu.wait_dma2 semaphore(%run_scoped3A : memref<!tpu.dma_semaphore, #tpu.memory_space<semaphore_mem>>) src(%arg5 : memref<128xf32, #tpu.memory_space<hbm>>) dst(%arg10 : memref<128xf32, #tpu.memory_space<vmem>>)
      tpu.yield
    }) : () -> ()
    "tpu.region"() ({
      %run_scoped3A = tpu.sem_alloc : memref<!tpu.dma_semaphore, #tpu.memory_space<semaphore_mem>>
      tpu.enqueue_dma source(%arg6 : memref<128xf32, #tpu.memory_space<hbm>>) target(%arg11 : memref<128xf32, #tpu.memory_space<vmem>>) target_semaphore(%run_scoped3A : memref<!tpu.dma_semaphore, #tpu.memory_space<semaphore_mem>>)
      tpu.wait_dma2 semaphore(%run_scoped3A : memref<!tpu.dma_semaphore, #tpu.memory_space<semaphore_mem>>) src(%arg6 : memref<128xf32, #tpu.memory_space<hbm>>) dst(%arg11 : memref<128xf32, #tpu.memory_space<vmem>>)
      tpu.yield
    }) : () -> ()
    "tpu.region"() ({
      %run_scoped3A = tpu.sem_alloc : memref<!tpu.dma_semaphore, #tpu.memory_space<semaphore_mem>>
      %dma_start3A_114 = arith.constant 0 : i32
      %dma_start3A_115 = tpu.memref_slice %arg2[%dma_start3A_114, %mul3A_2] : memref<2x204800xi32, #tpu.memory_space<hbm>> -> memref<2x6400xi32, #tpu.memory_space<hbm>>
      %dma_start3A_116 = arith.constant 0 : i32
      %dma_start3A_117 = tpu.memref_slice %arg2[%dma_start3A_116, %mul3A_2] : memref<2x204800xi32, #tpu.memory_space<hbm>> -> memref<2x6400xi32, #tpu.memory_space<hbm>>
      tpu.enqueue_dma source(%dma_start3A_117 : memref<2x6400xi32, #tpu.memory_space<hbm>>) target(%arg8 : memref<2x6400xi32, #tpu.memory_space<vmem>>) target_semaphore(%run_scoped3A : memref<!tpu.dma_semaphore, #tpu.memory_space<semaphore_mem>>)
      %dma_wait3A_118 = arith.constant 0 : i32
      %dma_wait3A_119 = tpu.memref_slice %arg2[%dma_wait3A_118, %mul3A_2] : memref<2x204800xi32, #tpu.memory_space<hbm>> -> memref<2x6400xi32, #tpu.memory_space<hbm>>
      %dma_wait3A_120 = arith.constant 0 : i32
      %dma_wait3A_121 = tpu.memref_slice %arg2[%dma_wait3A_120, %mul3A_2] : memref<2x204800xi32, #tpu.memory_space<hbm>> -> memref<2x6400xi32, #tpu.memory_space<hbm>>
      tpu.wait_dma2 semaphore(%run_scoped3A : memref<!tpu.dma_semaphore, #tpu.memory_space<semaphore_mem>>) src(%dma_wait3A_121 : memref<2x6400xi32, #tpu.memory_space<hbm>>) dst(%arg8 : memref<2x6400xi32, #tpu.memory_space<vmem>>)
      tpu.yield
    }) : () -> ()
    %dma_start3A = arith.constant 0 : i32
    %dma_start3A_3 = arith.constant 0 : i32
    %dma_start3A_4 = arith.constant 0 : i32
    %dma_start3A_5 = arith.constant 0 : i32
    %dma_start3A_6 = tpu.memref_slice %arg9[%dma_start3A_3, %dma_start3A_4, %dma_start3A_5] : memref<6x128x128xf32, #tpu.memory_space<vmem>> -> memref<1x128x128xf32, #tpu.memory_space<vmem>>
    %dma_start3A_7 = tpu.memref_squeeze %dma_start3A_6 : memref<1x128x128xf32, #tpu.memory_space<vmem>> -> memref<128x128xf32, #tpu.memory_space<vmem>>
    %dma_start3A_8 = arith.constant 0 : i32
    %dma_start3A_9 = tpu.memref_slice %arg8[%dma_start3A, %dma_start3A_8] : memref<2x6400xi32, #tpu.memory_space<vmem>> -> memref<1x128xi32, #tpu.memory_space<vmem>>
    %dma_start3A_10 = tpu.memref_squeeze %dma_start3A_9 : memref<1x128xi32, #tpu.memory_space<vmem>> -> memref<128xi32, #tpu.memory_space<vmem>>
    %dma_start3A_11 = arith.constant 0 : i32
    %dma_start3A_12 = arith.constant 0 : i32
    %dma_start3A_13 = tpu.memref_slice %arg3[%dma_start3A_11, %dma_start3A_12] : memref<100000x128xf32, #tpu.memory_space<hbm>> -> memref<100000x128xf32, #tpu.memory_space<hbm>>
    tpu.enqueue_indirect_dma source(%dma_start3A_13 : memref<100000x128xf32, #tpu.memory_space<hbm>>) target(%dma_start3A_7 : memref<128x128xf32, #tpu.memory_space<vmem>>) offsets(%dma_start3A_10 : memref<128xi32, #tpu.memory_space<vmem>>) semaphore(%arg12 : memref<!tpu.dma_semaphore, #tpu.memory_space<semaphore_mem>>)
    %dma_wait3A = arith.constant 0 : i32
    %dma_wait3A_14 = arith.constant 0 : i32
    %dma_wait3A_15 = arith.constant 0 : i32
    %dma_wait3A_16 = arith.constant 0 : i32
    %dma_wait3A_17 = tpu.memref_slice %arg9[%dma_wait3A_14, %dma_wait3A_15, %dma_wait3A_16] : memref<6x128x128xf32, #tpu.memory_space<vmem>> -> memref<1x128x128xf32, #tpu.memory_space<vmem>>
    %dma_wait3A_18 = tpu.memref_squeeze %dma_wait3A_17 : memref<1x128x128xf32, #tpu.memory_space<vmem>> -> memref<128x128xf32, #tpu.memory_space<vmem>>
    %dma_wait3A_19 = arith.constant 0 : i32
    %dma_wait3A_20 = tpu.memref_slice %arg8[%dma_wait3A, %dma_wait3A_19] : memref<2x6400xi32, #tpu.memory_space<vmem>> -> memref<1x128xi32, #tpu.memory_space<vmem>>
    %dma_wait3A_21 = tpu.memref_squeeze %dma_wait3A_20 : memref<1x128xi32, #tpu.memory_space<vmem>> -> memref<128xi32, #tpu.memory_space<vmem>>
    %dma_wait3A_22 = arith.constant 0 : i32
    %dma_wait3A_23 = arith.constant 0 : i32
    %dma_wait3A_24 = tpu.memref_slice %arg3[%dma_wait3A_22, %dma_wait3A_23] : memref<100000x128xf32, #tpu.memory_space<hbm>> -> memref<100000x128xf32, #tpu.memory_space<hbm>>
    tpu.wait_indirect_dma semaphore(%arg12 : memref<!tpu.dma_semaphore, #tpu.memory_space<semaphore_mem>>) src(%dma_wait3A_24 : memref<100000x128xf32, #tpu.memory_space<hbm>>) dst(%dma_wait3A_18 : memref<128x128xf32, #tpu.memory_space<vmem>>)
    %dma_start3A_25 = arith.constant 1 : i32
    %dma_start3A_26 = arith.constant 0 : i32
    %dma_start3A_27 = arith.constant 0 : i32
    %dma_start3A_28 = arith.constant 0 : i32
    %dma_start3A_29 = tpu.memref_slice %arg9[%dma_start3A_26, %dma_start3A_27, %dma_start3A_28] : memref<6x128x128xf32, #tpu.memory_space<vmem>> -> memref<1x128x128xf32, #tpu.memory_space<vmem>>
    %dma_start3A_30 = tpu.memref_squeeze %dma_start3A_29 : memref<1x128x128xf32, #tpu.memory_space<vmem>> -> memref<128x128xf32, #tpu.memory_space<vmem>>
    %dma_start3A_31 = arith.constant 0 : i32
    %dma_start3A_32 = tpu.memref_slice %arg8[%dma_start3A_25, %dma_start3A_31] : memref<2x6400xi32, #tpu.memory_space<vmem>> -> memref<1x128xi32, #tpu.memory_space<vmem>>
    %dma_start3A_33 = tpu.memref_squeeze %dma_start3A_32 : memref<1x128xi32, #tpu.memory_space<vmem>> -> memref<128xi32, #tpu.memory_space<vmem>>
    %dma_start3A_34 = arith.constant 0 : i32
    %dma_start3A_35 = arith.constant 0 : i32
    %dma_start3A_36 = tpu.memref_slice %arg4[%dma_start3A_34, %dma_start3A_35] : memref<1024x128xf32, #tpu.memory_space<hbm>> -> memref<1024x128xf32, #tpu.memory_space<hbm>>
    tpu.enqueue_indirect_dma source(%dma_start3A_36 : memref<1024x128xf32, #tpu.memory_space<hbm>>) target(%dma_start3A_30 : memref<128x128xf32, #tpu.memory_space<vmem>>) offsets(%dma_start3A_33 : memref<128xi32, #tpu.memory_space<vmem>>) semaphore(%arg13 : memref<!tpu.dma_semaphore, #tpu.memory_space<semaphore_mem>>) {add = true}
    %dma_start3A_37 = arith.constant 0 : i32
    %dma_start3A_38 = arith.constant 1 : i32
    %dma_start3A_39 = arith.constant 0 : i32
    %dma_start3A_40 = arith.constant 0 : i32
    %dma_start3A_41 = tpu.memref_slice %arg9[%dma_start3A_38, %dma_start3A_39, %dma_start3A_40] : memref<6x128x128xf32, #tpu.memory_space<vmem>> -> memref<1x128x128xf32, #tpu.memory_space<vmem>>
    %dma_start3A_42 = tpu.memref_squeeze %dma_start3A_41 : memref<1x128x128xf32, #tpu.memory_space<vmem>> -> memref<128x128xf32, #tpu.memory_space<vmem>>
    %dma_start3A_43 = arith.constant 128 : i32
    %dma_start3A_44 = tpu.memref_slice %arg8[%dma_start3A_37, %dma_start3A_43] : memref<2x6400xi32, #tpu.memory_space<vmem>> -> memref<1x128xi32, #tpu.memory_space<vmem>>
    %dma_start3A_45 = tpu.memref_squeeze %dma_start3A_44 : memref<1x128xi32, #tpu.memory_space<vmem>> -> memref<128xi32, #tpu.memory_space<vmem>>
    %dma_start3A_46 = arith.constant 0 : i32
    %dma_start3A_47 = arith.constant 0 : i32
    %dma_start3A_48 = tpu.memref_slice %arg3[%dma_start3A_46, %dma_start3A_47] : memref<100000x128xf32, #tpu.memory_space<hbm>> -> memref<100000x128xf32, #tpu.memory_space<hbm>>
    tpu.enqueue_indirect_dma source(%dma_start3A_48 : memref<100000x128xf32, #tpu.memory_space<hbm>>) target(%dma_start3A_42 : memref<128x128xf32, #tpu.memory_space<vmem>>) offsets(%dma_start3A_45 : memref<128xi32, #tpu.memory_space<vmem>>) semaphore(%arg12 : memref<!tpu.dma_semaphore, #tpu.memory_space<semaphore_mem>>)
    %scan3A = arith.constant 0 : i32
    %scan3A_49 = arith.constant 0 : i32
    %scan3A_50 = arith.constant 50 : i32
    %scan3A_51 = arith.addi %scan3A_49, %scan3A_50 : i32
    %scan3A_52 = arith.constant 1 : i32
    scf.for %scan3A_114 = %scan3A_49 to %scan3A_51 step %scan3A_52  : i32 {
      %jit3A = arith.constant 6 : i32
      %eq3A = arith.constant 0 : i32
      %eq3A_115 = arith.cmpi eq, %jit3A, %eq3A : i32
      %jit3A_116 = arith.constant 1 : i32
      %select_n3A = arith.select %eq3A_115, %jit3A_116, %jit3A : i32
      %rem3A = arith.remsi %scan3A_114, %select_n3A : i32
      %ne3A = arith.constant 0 : i32
      %ne3A_117 = arith.cmpi ne, %rem3A, %ne3A : i32
      %lt3A = arith.constant 0 : i32
      %lt3A_118 = arith.cmpi slt, %rem3A, %lt3A : i32
      %lt3A_119 = arith.constant 0 : i32
      %lt3A_120 = arith.cmpi slt, %select_n3A, %lt3A_119 : i32
      %ne3A_121 = arith.xori %lt3A_118, %lt3A_120 : i1
      %and3A = arith.andi %ne3A_121, %ne3A_117 : i1
      %add3A_122 = arith.addi %rem3A, %select_n3A : i32
      %select_n3A_123 = arith.select %and3A, %add3A_122, %rem3A : i32
      %jit3A_124 = arith.constant 2 : i32
      %eq3A_125 = arith.constant 0 : i32
      %eq3A_126 = arith.cmpi eq, %jit3A_124, %eq3A_125 : i32
      %jit3A_127 = arith.constant 1 : i32
      %select_n3A_128 = arith.select %eq3A_126, %jit3A_127, %jit3A_124 : i32
      %rem3A_129 = arith.remsi %scan3A_114, %select_n3A_128 : i32
      %ne3A_130 = arith.constant 0 : i32
      %ne3A_131 = arith.cmpi ne, %rem3A_129, %ne3A_130 : i32
      %lt3A_132 = arith.constant 0 : i32
      %lt3A_133 = arith.cmpi slt, %rem3A_129, %lt3A_132 : i32
      %lt3A_134 = arith.constant 0 : i32
      %lt3A_135 = arith.cmpi slt, %select_n3A_128, %lt3A_134 : i32
      %ne3A_136 = arith.xori %lt3A_133, %lt3A_135 : i1
      %and3A_137 = arith.andi %ne3A_136, %ne3A_131 : i1
      %add3A_138 = arith.addi %rem3A_129, %select_n3A_128 : i32
      %select_n3A_139 = arith.select %and3A_137, %add3A_138, %rem3A_129 : i32
      %eq3A_140 = arith.constant 0 : i32
      %eq3A_141 = arith.cmpi eq, %select_n3A_139, %eq3A_140 : i32
      %mul3A_142 = arith.constant 128 : i32
      %mul3A_143 = arith.muli %scan3A_114, %mul3A_142 : i32
      %jit3A_144 = arith.constant 6 : i32
      %eq3A_145 = arith.constant 0 : i32
      %eq3A_146 = arith.cmpi eq, %jit3A_144, %eq3A_145 : i32
      %jit3A_147 = arith.constant 1 : i32
      %select_n3A_148 = arith.select %eq3A_146, %jit3A_147, %jit3A_144 : i32
      %rem3A_149 = arith.remsi %scan3A_114, %select_n3A_148 : i32
      %ne3A_150 = arith.constant 0 : i32
      %ne3A_151 = arith.cmpi ne, %rem3A_149, %ne3A_150 : i32
      %lt3A_152 = arith.constant 0 : i32
      %lt3A_153 = arith.cmpi slt, %rem3A_149, %lt3A_152 : i32
      %lt3A_154 = arith.constant 0 : i32
      %lt3A_155 = arith.cmpi slt, %select_n3A_148, %lt3A_154 : i32
      %ne3A_156 = arith.xori %lt3A_153, %lt3A_155 : i1
      %and3A_157 = arith.andi %ne3A_156, %ne3A_151 : i1
      %add3A_158 = arith.addi %rem3A_149, %select_n3A_148 : i32
      %select_n3A_159 = arith.select %and3A_157, %add3A_158, %rem3A_149 : i32
      %dma_wait3A_160 = arith.constant 1 : i32
      %dma_wait3A_161 = arith.constant 0 : i32
      %dma_wait3A_162 = arith.constant 0 : i32
      %dma_wait3A_163 = tpu.memref_slice %arg9[%select_n3A_159, %dma_wait3A_161, %dma_wait3A_162] : memref<6x128x128xf32, #tpu.memory_space<vmem>> -> memref<1x128x128xf32, #tpu.memory_space<vmem>>
      %dma_wait3A_164 = tpu.memref_squeeze %dma_wait3A_163 : memref<1x128x128xf32, #tpu.memory_space<vmem>> -> memref<128x128xf32, #tpu.memory_space<vmem>>
      %dma_wait3A_165 = tpu.memref_slice %arg8[%dma_wait3A_160, %mul3A_143] : memref<2x6400xi32, #tpu.memory_space<vmem>> -> memref<1x128xi32, #tpu.memory_space<vmem>>
      %dma_wait3A_166 = tpu.memref_squeeze %dma_wait3A_165 : memref<1x128xi32, #tpu.memory_space<vmem>> -> memref<128xi32, #tpu.memory_space<vmem>>
      %dma_wait3A_167 = arith.constant 0 : i32
      %dma_wait3A_168 = arith.constant 0 : i32
      %dma_wait3A_169 = tpu.memref_slice %arg4[%dma_wait3A_167, %dma_wait3A_168] : memref<1024x128xf32, #tpu.memory_space<hbm>> -> memref<1024x128xf32, #tpu.memory_space<hbm>>
      tpu.wait_indirect_dma semaphore(%arg13 : memref<!tpu.dma_semaphore, #tpu.memory_space<semaphore_mem>>) src(%dma_wait3A_169 : memref<1024x128xf32, #tpu.memory_space<hbm>>) dst(%dma_wait3A_164 : memref<128x128xf32, #tpu.memory_space<vmem>>)
      %add3A_170 = arith.constant 1 : i32
      %add3A_171 = arith.addi %scan3A_114, %add3A_170 : i32
      %lt3A_172 = arith.constant 50 : i32
      %lt3A_173 = arith.cmpi slt, %add3A_171, %lt3A_172 : i32
      %convert_element_type3A = arith.extui %lt3A_173 : i1 to i32
      %cond3A = arith.constant 0 : i32
      %cond3A_174 = arith.cmpi ne, %convert_element_type3A, %cond3A : i32
      scf.if %cond3A_174 {
        %add3A_208 = arith.constant 1 : i32
        %add3A_209 = arith.addi %scan3A_114, %add3A_208 : i32
        %mul3A_210 = arith.constant 128 : i32
        %mul3A_211 = arith.muli %add3A_209, %mul3A_210 : i32
        %jit3A_212 = arith.constant 6 : i32
        %eq3A_213 = arith.constant 0 : i32
        %eq3A_214 = arith.cmpi eq, %jit3A_212, %eq3A_213 : i32
        %jit3A_215 = arith.constant 1 : i32
        %select_n3A_216 = arith.select %eq3A_214, %jit3A_215, %jit3A_212 : i32
        %rem3A_217 = arith.remsi %add3A_209, %select_n3A_216 : i32
        %ne3A_218 = arith.constant 0 : i32
        %ne3A_219 = arith.cmpi ne, %rem3A_217, %ne3A_218 : i32
        %lt3A_220 = arith.constant 0 : i32
        %lt3A_221 = arith.cmpi slt, %rem3A_217, %lt3A_220 : i32
        %lt3A_222 = arith.constant 0 : i32
        %lt3A_223 = arith.cmpi slt, %select_n3A_216, %lt3A_222 : i32
        %ne3A_224 = arith.xori %lt3A_221, %lt3A_223 : i1
        %and3A_225 = arith.andi %ne3A_224, %ne3A_219 : i1
        %add3A_226 = arith.addi %rem3A_217, %select_n3A_216 : i32
        %select_n3A_227 = arith.select %and3A_225, %add3A_226, %rem3A_217 : i32
        %dma_wait3A_228 = arith.constant 0 : i32
        %dma_wait3A_229 = arith.constant 0 : i32
        %dma_wait3A_230 = arith.constant 0 : i32
        %dma_wait3A_231 = tpu.memref_slice %arg9[%select_n3A_227, %dma_wait3A_229, %dma_wait3A_230] : memref<6x128x128xf32, #tpu.memory_space<vmem>> -> memref<1x128x128xf32, #tpu.memory_space<vmem>>
        %dma_wait3A_232 = tpu.memref_squeeze %dma_wait3A_231 : memref<1x128x128xf32, #tpu.memory_space<vmem>> -> memref<128x128xf32, #tpu.memory_space<vmem>>
        %dma_wait3A_233 = tpu.memref_slice %arg8[%dma_wait3A_228, %mul3A_211] : memref<2x6400xi32, #tpu.memory_space<vmem>> -> memref<1x128xi32, #tpu.memory_space<vmem>>
        %dma_wait3A_234 = tpu.memref_squeeze %dma_wait3A_233 : memref<1x128xi32, #tpu.memory_space<vmem>> -> memref<128xi32, #tpu.memory_space<vmem>>
        %dma_wait3A_235 = arith.constant 0 : i32
        %dma_wait3A_236 = arith.constant 0 : i32
        %dma_wait3A_237 = tpu.memref_slice %arg3[%dma_wait3A_235, %dma_wait3A_236] : memref<100000x128xf32, #tpu.memory_space<hbm>> -> memref<100000x128xf32, #tpu.memory_space<hbm>>
        tpu.wait_indirect_dma semaphore(%arg12 : memref<!tpu.dma_semaphore, #tpu.memory_space<semaphore_mem>>) src(%dma_wait3A_237 : memref<100000x128xf32, #tpu.memory_space<hbm>>) dst(%dma_wait3A_232 : memref<128x128xf32, #tpu.memory_space<vmem>>)
        %add3A_238 = arith.constant 1 : i32
        %add3A_239 = arith.addi %scan3A_114, %add3A_238 : i32
        %mul3A_240 = arith.constant 128 : i32
        %mul3A_241 = arith.muli %add3A_239, %mul3A_240 : i32
        %jit3A_242 = arith.constant 6 : i32
        %eq3A_243 = arith.constant 0 : i32
        %eq3A_244 = arith.cmpi eq, %jit3A_242, %eq3A_243 : i32
        %jit3A_245 = arith.constant 1 : i32
        %select_n3A_246 = arith.select %eq3A_244, %jit3A_245, %jit3A_242 : i32
        %rem3A_247 = arith.remsi %add3A_239, %select_n3A_246 : i32
        %ne3A_248 = arith.constant 0 : i32
        %ne3A_249 = arith.cmpi ne, %rem3A_247, %ne3A_248 : i32
        %lt3A_250 = arith.constant 0 : i32
        %lt3A_251 = arith.cmpi slt, %rem3A_247, %lt3A_250 : i32
        %lt3A_252 = arith.constant 0 : i32
        %lt3A_253 = arith.cmpi slt, %select_n3A_246, %lt3A_252 : i32
        %ne3A_254 = arith.xori %lt3A_251, %lt3A_253 : i1
        %and3A_255 = arith.andi %ne3A_254, %ne3A_249 : i1
        %add3A_256 = arith.addi %rem3A_247, %select_n3A_246 : i32
        %select_n3A_257 = arith.select %and3A_255, %add3A_256, %rem3A_247 : i32
        %dma_start3A_258 = arith.constant 1 : i32
        %dma_start3A_259 = arith.constant 0 : i32
        %dma_start3A_260 = arith.constant 0 : i32
        %dma_start3A_261 = tpu.memref_slice %arg9[%select_n3A_257, %dma_start3A_259, %dma_start3A_260] : memref<6x128x128xf32, #tpu.memory_space<vmem>> -> memref<1x128x128xf32, #tpu.memory_space<vmem>>
        %dma_start3A_262 = tpu.memref_squeeze %dma_start3A_261 : memref<1x128x128xf32, #tpu.memory_space<vmem>> -> memref<128x128xf32, #tpu.memory_space<vmem>>
        %dma_start3A_263 = tpu.memref_slice %arg8[%dma_start3A_258, %mul3A_241] : memref<2x6400xi32, #tpu.memory_space<vmem>> -> memref<1x128xi32, #tpu.memory_space<vmem>>
        %dma_start3A_264 = tpu.memref_squeeze %dma_start3A_263 : memref<1x128xi32, #tpu.memory_space<vmem>> -> memref<128xi32, #tpu.memory_space<vmem>>
        %dma_start3A_265 = arith.constant 0 : i32
        %dma_start3A_266 = arith.constant 0 : i32
        %dma_start3A_267 = tpu.memref_slice %arg4[%dma_start3A_265, %dma_start3A_266] : memref<1024x128xf32, #tpu.memory_space<hbm>> -> memref<1024x128xf32, #tpu.memory_space<hbm>>
        tpu.enqueue_indirect_dma source(%dma_start3A_267 : memref<1024x128xf32, #tpu.memory_space<hbm>>) target(%dma_start3A_262 : memref<128x128xf32, #tpu.memory_space<vmem>>) offsets(%dma_start3A_264 : memref<128xi32, #tpu.memory_space<vmem>>) semaphore(%arg13 : memref<!tpu.dma_semaphore, #tpu.memory_space<semaphore_mem>>) {add = true}
      } else {
      }
      %gt3A = arith.constant 3 : i32
      %gt3A_175 = arith.cmpi sgt, %scan3A_114, %gt3A : i32
      %and3A_176 = arith.andi %gt3A_175, %eq3A_141 : i1
      %convert_element_type3A_177 = arith.extui %and3A_176 : i1 to i32
      %cond3A_178 = arith.constant 0 : i32
      %cond3A_179 = arith.cmpi ne, %convert_element_type3A_177, %cond3A_178 : i32
      scf.if %cond3A_179 {
        %sub3A = arith.constant 4 : i32
        %sub3A_208 = arith.subi %scan3A_114, %sub3A : i32
        %jit3A_209 = arith.constant 6 : i32
        %eq3A_210 = arith.constant 0 : i32
        %eq3A_211 = arith.cmpi eq, %jit3A_209, %eq3A_210 : i32
        %jit3A_212 = arith.constant 1 : i32
        %select_n3A_213 = arith.select %eq3A_211, %jit3A_212, %jit3A_209 : i32
        %rem3A_214 = arith.remsi %sub3A_208, %select_n3A_213 : i32
        %ne3A_215 = arith.constant 0 : i32
        %ne3A_216 = arith.cmpi ne, %rem3A_214, %ne3A_215 : i32
        %lt3A_217 = arith.constant 0 : i32
        %lt3A_218 = arith.cmpi slt, %rem3A_214, %lt3A_217 : i32
        %lt3A_219 = arith.constant 0 : i32
        %lt3A_220 = arith.cmpi slt, %select_n3A_213, %lt3A_219 : i32
        %ne3A_221 = arith.xori %lt3A_218, %lt3A_220 : i1
        %and3A_222 = arith.andi %ne3A_221, %ne3A_216 : i1
        %add3A_223 = arith.addi %rem3A_214, %select_n3A_213 : i32
        %select_n3A_224 = arith.select %and3A_222, %add3A_223, %rem3A_214 : i32
        %mul3A_225 = arith.constant 128 : i32
        %mul3A_226 = arith.muli %sub3A_208, %mul3A_225 : i32
        %add3A_227 = arith.addi %mul3A_2, %mul3A_226 : i32
        %dma_wait3A_228 = arith.constant 0 : i32
        %dma_wait3A_229 = arith.constant 0 : i32
        %dma_wait3A_230 = tpu.memref_slice %arg9[%select_n3A_224, %dma_wait3A_228, %dma_wait3A_229] : memref<6x128x128xf32, #tpu.memory_space<vmem>> -> memref<1x128x128xf32, #tpu.memory_space<vmem>>
        %dma_wait3A_231 = tpu.memref_squeeze %dma_wait3A_230 : memref<1x128x128xf32, #tpu.memory_space<vmem>> -> memref<128x128xf32, #tpu.memory_space<vmem>>
        %dma_wait3A_232 = arith.constant 0 : i32
        %dma_wait3A_233 = tpu.memref_slice %arg7[%add3A_227, %dma_wait3A_232] : memref<204800x128xf32, #tpu.memory_space<hbm>> -> memref<128x128xf32, #tpu.memory_space<hbm>>
        %dma_wait3A_234 = arith.constant 0 : i32
        %dma_wait3A_235 = tpu.memref_slice %arg7[%add3A_227, %dma_wait3A_234] : memref<204800x128xf32, #tpu.memory_space<hbm>> -> memref<128x128xf32, #tpu.memory_space<hbm>>
        %dma_wait3A_236 = arith.constant 0 : i32
        %dma_wait3A_237 = arith.constant 0 : i32
        %dma_wait3A_238 = tpu.memref_slice %arg9[%select_n3A_224, %dma_wait3A_236, %dma_wait3A_237] : memref<6x128x128xf32, #tpu.memory_space<vmem>> -> memref<1x128x128xf32, #tpu.memory_space<vmem>>
        %dma_wait3A_239 = tpu.memref_squeeze %dma_wait3A_238 : memref<1x128x128xf32, #tpu.memory_space<vmem>> -> memref<128x128xf32, #tpu.memory_space<vmem>>
        tpu.wait_dma2 semaphore(%arg14 : memref<!tpu.dma_semaphore, #tpu.memory_space<semaphore_mem>>) src(%dma_wait3A_239 : memref<128x128xf32, #tpu.memory_space<vmem>>) dst(%dma_wait3A_235 : memref<128x128xf32, #tpu.memory_space<hbm>>)
      } else {
      }
      %gt3A_180 = arith.constant 3 : i32
      %gt3A_181 = arith.cmpi sgt, %scan3A_114, %gt3A_180 : i32
      %not3A = arith.constant true
      %not3A_182 = arith.xori %eq3A_141, %not3A : i1
      %and3A_183 = arith.andi %gt3A_181, %not3A_182 : i1
      %convert_element_type3A_184 = arith.extui %and3A_183 : i1 to i32
      %cond3A_185 = arith.constant 0 : i32
      %cond3A_186 = arith.cmpi ne, %convert_element_type3A_184, %cond3A_185 : i32
      scf.if %cond3A_186 {
        %sub3A = arith.constant 4 : i32
        %sub3A_208 = arith.subi %scan3A_114, %sub3A : i32
        %jit3A_209 = arith.constant 6 : i32
        %eq3A_210 = arith.constant 0 : i32
        %eq3A_211 = arith.cmpi eq, %jit3A_209, %eq3A_210 : i32
        %jit3A_212 = arith.constant 1 : i32
        %select_n3A_213 = arith.select %eq3A_211, %jit3A_212, %jit3A_209 : i32
        %rem3A_214 = arith.remsi %sub3A_208, %select_n3A_213 : i32
        %ne3A_215 = arith.constant 0 : i32
        %ne3A_216 = arith.cmpi ne, %rem3A_214, %ne3A_215 : i32
        %lt3A_217 = arith.constant 0 : i32
        %lt3A_218 = arith.cmpi slt, %rem3A_214, %lt3A_217 : i32
        %lt3A_219 = arith.constant 0 : i32
        %lt3A_220 = arith.cmpi slt, %select_n3A_213, %lt3A_219 : i32
        %ne3A_221 = arith.xori %lt3A_218, %lt3A_220 : i1
        %and3A_222 = arith.andi %ne3A_221, %ne3A_216 : i1
        %add3A_223 = arith.addi %rem3A_214, %select_n3A_213 : i32
        %select_n3A_224 = arith.select %and3A_222, %add3A_223, %rem3A_214 : i32
        %mul3A_225 = arith.constant 128 : i32
        %mul3A_226 = arith.muli %sub3A_208, %mul3A_225 : i32
        %add3A_227 = arith.addi %mul3A_2, %mul3A_226 : i32
        %dma_wait3A_228 = arith.constant 0 : i32
        %dma_wait3A_229 = arith.constant 0 : i32
        %dma_wait3A_230 = tpu.memref_slice %arg9[%select_n3A_224, %dma_wait3A_228, %dma_wait3A_229] : memref<6x128x128xf32, #tpu.memory_space<vmem>> -> memref<1x128x128xf32, #tpu.memory_space<vmem>>
        %dma_wait3A_231 = tpu.memref_squeeze %dma_wait3A_230 : memref<1x128x128xf32, #tpu.memory_space<vmem>> -> memref<128x128xf32, #tpu.memory_space<vmem>>
        %dma_wait3A_232 = arith.constant 0 : i32
        %dma_wait3A_233 = tpu.memref_slice %arg7[%add3A_227, %dma_wait3A_232] : memref<204800x128xf32, #tpu.memory_space<hbm>> -> memref<128x128xf32, #tpu.memory_space<hbm>>
        %dma_wait3A_234 = arith.constant 0 : i32
        %dma_wait3A_235 = tpu.memref_slice %arg7[%add3A_227, %dma_wait3A_234] : memref<204800x128xf32, #tpu.memory_space<hbm>> -> memref<128x128xf32, #tpu.memory_space<hbm>>
        %dma_wait3A_236 = arith.constant 0 : i32
        %dma_wait3A_237 = arith.constant 0 : i32
        %dma_wait3A_238 = tpu.memref_slice %arg9[%select_n3A_224, %dma_wait3A_236, %dma_wait3A_237] : memref<6x128x128xf32, #tpu.memory_space<vmem>> -> memref<1x128x128xf32, #tpu.memory_space<vmem>>
        %dma_wait3A_239 = tpu.memref_squeeze %dma_wait3A_238 : memref<1x128x128xf32, #tpu.memory_space<vmem>> -> memref<128x128xf32, #tpu.memory_space<vmem>>
        tpu.wait_dma2 semaphore(%arg15 : memref<!tpu.dma_semaphore, #tpu.memory_space<semaphore_mem>>) src(%dma_wait3A_239 : memref<128x128xf32, #tpu.memory_space<vmem>>) dst(%dma_wait3A_235 : memref<128x128xf32, #tpu.memory_space<hbm>>)
      } else {
      }
      %add3A_187 = arith.constant 2 : i32
      %add3A_188 = arith.addi %scan3A_114, %add3A_187 : i32
      %lt3A_189 = arith.constant 50 : i32
      %lt3A_190 = arith.cmpi slt, %add3A_188, %lt3A_189 : i32
      %convert_element_type3A_191 = arith.extui %lt3A_190 : i1 to i32
      %cond3A_192 = arith.constant 0 : i32
      %cond3A_193 = arith.cmpi ne, %convert_element_type3A_191, %cond3A_192 : i32
      scf.if %cond3A_193 {
        %add3A_208 = arith.constant 2 : i32
        %add3A_209 = arith.addi %scan3A_114, %add3A_208 : i32
        %mul3A_210 = arith.constant 128 : i32
        %mul3A_211 = arith.muli %add3A_209, %mul3A_210 : i32
        %jit3A_212 = arith.constant 6 : i32
        %eq3A_213 = arith.constant 0 : i32
        %eq3A_214 = arith.cmpi eq, %jit3A_212, %eq3A_213 : i32
        %jit3A_215 = arith.constant 1 : i32
        %select_n3A_216 = arith.select %eq3A_214, %jit3A_215, %jit3A_212 : i32
        %rem3A_217 = arith.remsi %add3A_209, %select_n3A_216 : i32
        %ne3A_218 = arith.constant 0 : i32
        %ne3A_219 = arith.cmpi ne, %rem3A_217, %ne3A_218 : i32
        %lt3A_220 = arith.constant 0 : i32
        %lt3A_221 = arith.cmpi slt, %rem3A_217, %lt3A_220 : i32
        %lt3A_222 = arith.constant 0 : i32
        %lt3A_223 = arith.cmpi slt, %select_n3A_216, %lt3A_222 : i32
        %ne3A_224 = arith.xori %lt3A_221, %lt3A_223 : i1
        %and3A_225 = arith.andi %ne3A_224, %ne3A_219 : i1
        %add3A_226 = arith.addi %rem3A_217, %select_n3A_216 : i32
        %select_n3A_227 = arith.select %and3A_225, %add3A_226, %rem3A_217 : i32
        %dma_start3A_228 = arith.constant 0 : i32
        %dma_start3A_229 = arith.constant 0 : i32
        %dma_start3A_230 = arith.constant 0 : i32
        %dma_start3A_231 = tpu.memref_slice %arg9[%select_n3A_227, %dma_start3A_229, %dma_start3A_230] : memref<6x128x128xf32, #tpu.memory_space<vmem>> -> memref<1x128x128xf32, #tpu.memory_space<vmem>>
        %dma_start3A_232 = tpu.memref_squeeze %dma_start3A_231 : memref<1x128x128xf32, #tpu.memory_space<vmem>> -> memref<128x128xf32, #tpu.memory_space<vmem>>
        %dma_start3A_233 = tpu.memref_slice %arg8[%dma_start3A_228, %mul3A_211] : memref<2x6400xi32, #tpu.memory_space<vmem>> -> memref<1x128xi32, #tpu.memory_space<vmem>>
        %dma_start3A_234 = tpu.memref_squeeze %dma_start3A_233 : memref<1x128xi32, #tpu.memory_space<vmem>> -> memref<128xi32, #tpu.memory_space<vmem>>
        %dma_start3A_235 = arith.constant 0 : i32
        %dma_start3A_236 = arith.constant 0 : i32
        %dma_start3A_237 = tpu.memref_slice %arg3[%dma_start3A_235, %dma_start3A_236] : memref<100000x128xf32, #tpu.memory_space<hbm>> -> memref<100000x128xf32, #tpu.memory_space<hbm>>
        tpu.enqueue_indirect_dma source(%dma_start3A_237 : memref<100000x128xf32, #tpu.memory_space<hbm>>) target(%dma_start3A_232 : memref<128x128xf32, #tpu.memory_space<vmem>>) offsets(%dma_start3A_234 : memref<128xi32, #tpu.memory_space<vmem>>) semaphore(%arg12 : memref<!tpu.dma_semaphore, #tpu.memory_space<semaphore_mem>>)
      } else {
      }
      %scan3A_194 = arith.constant 0 : i32
      %scan3A_195 = arith.constant 0 : i32
      %scan3A_196 = arith.constant 8 : i32
      %scan3A_197 = arith.addi %scan3A_195, %scan3A_196 : i32
      %scan3A_198 = arith.constant 1 : i32
      scf.for %scan3A_208 = %scan3A_195 to %scan3A_197 step %scan3A_198  : i32 {
        %mul3A_209 = arith.constant 16 : i32
        %mul3A_210 = arith.muli %scan3A_208, %mul3A_209 : i32
        %add3A_211 = arith.constant 0 : i32
        %add3A_212 = arith.addi %mul3A_210, %add3A_211 : i32
        %get3A = arith.index_cast %select_n3A_123 : i32 to index
        %get3A_213 = arith.index_cast %add3A_212 : i32 to index
        %get3A_214 = arith.constant 0 : index
        %get3A_215 = tpu.vector_load %arg9[%get3A, %get3A_213, %get3A_214] {strides = array<i32>} : memref<6x128x128xf32, #tpu.memory_space<vmem>>, vector<16xf32>,
        %get3A_216 = arith.index_cast %select_n3A_123 : i32 to index
        %get3A_217 = arith.index_cast %add3A_212 : i32 to index
        %get3A_218 = arith.constant 16 : index
        %get3A_219 = tpu.vector_load %arg9[%get3A_216, %get3A_217, %get3A_218] {strides = array<i32>} : memref<6x128x128xf32, #tpu.memory_space<vmem>>, vector<16xf32>,
        %get3A_220 = arith.index_cast %select_n3A_123 : i32 to index
        %get3A_221 = arith.index_cast %add3A_212 : i32 to index
        %get3A_222 = arith.constant 32 : index
        %get3A_223 = tpu.vector_load %arg9[%get3A_220, %get3A_221, %get3A_222] {strides = array<i32>} : memref<6x128x128xf32, #tpu.memory_space<vmem>>, vector<16xf32>,
        %get3A_224 = arith.index_cast %select_n3A_123 : i32 to index
        %get3A_225 = arith.index_cast %add3A_212 : i32 to index
        %get3A_226 = arith.constant 48 : index
        %get3A_227 = tpu.vector_load %arg9[%get3A_224, %get3A_225, %get3A_226] {strides = array<i32>} : memref<6x128x128xf32, #tpu.memory_space<vmem>>, vector<16xf32>,
        %get3A_228 = arith.index_cast %select_n3A_123 : i32 to index
        %get3A_229 = arith.index_cast %add3A_212 : i32 to index
        %get3A_230 = arith.constant 64 : index
        %get3A_231 = tpu.vector_load %arg9[%get3A_228, %get3A_229, %get3A_230] {strides = array<i32>} : memref<6x128x128xf32, #tpu.memory_space<vmem>>, vector<16xf32>,
        %get3A_232 = arith.index_cast %select_n3A_123 : i32 to index
        %get3A_233 = arith.index_cast %add3A_212 : i32 to index
        %get3A_234 = arith.constant 80 : index
        %get3A_235 = tpu.vector_load %arg9[%get3A_232, %get3A_233, %get3A_234] {strides = array<i32>} : memref<6x128x128xf32, #tpu.memory_space<vmem>>, vector<16xf32>,
        %get3A_236 = arith.index_cast %select_n3A_123 : i32 to index
        %get3A_237 = arith.index_cast %add3A_212 : i32 to index
        %get3A_238 = arith.constant 96 : index
        %get3A_239 = tpu.vector_load %arg9[%get3A_236, %get3A_237, %get3A_238] {strides = array<i32>} : memref<6x128x128xf32, #tpu.memory_space<vmem>>, vector<16xf32>,
        %get3A_240 = arith.index_cast %select_n3A_123 : i32 to index
        %get3A_241 = arith.index_cast %add3A_212 : i32 to index
        %get3A_242 = arith.constant 112 : index
        %get3A_243 = tpu.vector_load %arg9[%get3A_240, %get3A_241, %get3A_242] {strides = array<i32>} : memref<6x128x128xf32, #tpu.memory_space<vmem>>, vector<16xf32>,
        %mul3A_244 = arith.mulf %get3A_215, %get3A_215 : vector<16xf32>
        %mul3A_245 = arith.mulf %get3A_219, %get3A_219 : vector<16xf32>
        %mul3A_246 = arith.mulf %get3A_223, %get3A_223 : vector<16xf32>
        %mul3A_247 = arith.mulf %get3A_227, %get3A_227 : vector<16xf32>
        %mul3A_248 = arith.mulf %get3A_231, %get3A_231 : vector<16xf32>
        %mul3A_249 = arith.mulf %get3A_235, %get3A_235 : vector<16xf32>
        %mul3A_250 = arith.mulf %get3A_239, %get3A_239 : vector<16xf32>
        %mul3A_251 = arith.mulf %get3A_243, %get3A_243 : vector<16xf32>
        %add3A_252 = arith.addf %get3A_215, %get3A_219 : vector<16xf32>
        %add3A_253 = arith.addf %get3A_223, %get3A_227 : vector<16xf32>
        %add3A_254 = arith.addf %get3A_231, %get3A_235 : vector<16xf32>
        %add3A_255 = arith.addf %get3A_239, %get3A_243 : vector<16xf32>
        %add3A_256 = arith.addf %mul3A_244, %mul3A_245 : vector<16xf32>
        %add3A_257 = arith.addf %mul3A_246, %mul3A_247 : vector<16xf32>
        %add3A_258 = arith.addf %mul3A_248, %mul3A_249 : vector<16xf32>
        %add3A_259 = arith.addf %mul3A_250, %mul3A_251 : vector<16xf32>
        %add3A_260 = arith.addf %add3A_252, %add3A_253 : vector<16xf32>
        %add3A_261 = arith.addf %add3A_254, %add3A_255 : vector<16xf32>
        %add3A_262 = arith.addf %add3A_256, %add3A_257 : vector<16xf32>
        %add3A_263 = arith.addf %add3A_258, %add3A_259 : vector<16xf32>
        %add3A_264 = arith.addf %add3A_260, %add3A_261 : vector<16xf32>
        %add3A_265 = arith.addf %add3A_262, %add3A_263 : vector<16xf32>
        %reduce_sum3A = arith.constant true
        %reduce_sum3A_266 = vector.broadcast %reduce_sum3A : i1 to vector<16xi1>
        %reduce_sum3A_267 = tpu.scan <sum>, %add3A_264 masked %reduce_sum3A_266 : vector<16xf32>, vector<16xi1> -> vector<16xf32>
        %reduce_sum3A_268 = vector.extract %reduce_sum3A_267[15] : f32 from vector<16xf32>
        %reduce_sum3A_269 = arith.constant true
        %reduce_sum3A_270 = vector.broadcast %reduce_sum3A_269 : i1 to vector<16xi1>
        %reduce_sum3A_271 = tpu.scan <sum>, %add3A_265 masked %reduce_sum3A_270 : vector<16xf32>, vector<16xi1> -> vector<16xf32>
        %reduce_sum3A_272 = vector.extract %reduce_sum3A_271[15] : f32 from vector<16xf32>
        %mul3A_273 = arith.constant 7.812500e-03 : f32
        %mul3A_274 = arith.mulf %reduce_sum3A_268, %mul3A_273 : f32
        %mul3A_275 = arith.constant 7.812500e-03 : f32
        %mul3A_276 = arith.mulf %reduce_sum3A_272, %mul3A_275 : f32
        %mul3A_277 = arith.mulf %mul3A_274, %mul3A_274 : f32
        %sub3A = arith.subf %mul3A_276, %mul3A_277 : f32
        %max3A = arith.constant 0.000000e+00 : f32
        %max3A_278 = arith.maximumf %sub3A, %max3A : f32
        %add3A_279 = arith.constant 9.99999996E-13 : f32
        %add3A_280 = arith.addf %max3A_278, %add3A_279 : f32
        %bitcast_convert_type3A = arith.bitcast %add3A_280 : f32 to i32
        %shift_right_arithmetic3A = arith.constant 1 : i32
        %shift_right_arithmetic3A_281 = arith.shrsi %bitcast_convert_type3A, %shift_right_arithmetic3A : i32
        %sub3A_282 = arith.constant 1597463007 : i32
        %sub3A_283 = arith.subi %sub3A_282, %shift_right_arithmetic3A_281 : i32
        %bitcast_convert_type3A_284 = arith.bitcast %sub3A_283 : i32 to f32
        %mul3A_285 = arith.constant 5.000000e-01 : f32
        %mul3A_286 = arith.mulf %mul3A_285, %add3A_280 : f32
        %mul3A_287 = arith.mulf %mul3A_286, %bitcast_convert_type3A_284 : f32
        %mul3A_288 = arith.mulf %mul3A_287, %bitcast_convert_type3A_284 : f32
        %sub3A_289 = arith.constant 1.500000e+00 : f32
        %sub3A_290 = arith.subf %sub3A_289, %mul3A_288 : f32
        %mul3A_291 = arith.mulf %bitcast_convert_type3A_284, %sub3A_290 : f32
        %mul3A_292 = arith.constant 5.000000e-01 : f32
        %mul3A_293 = arith.mulf %mul3A_292, %add3A_280 : f32
        %mul3A_294 = arith.mulf %mul3A_293, %mul3A_291 : f32
        %mul3A_295 = arith.mulf %mul3A_294, %mul3A_291 : f32
        %sub3A_296 = arith.constant 1.500000e+00 : f32
        %sub3A_297 = arith.subf %sub3A_296, %mul3A_295 : f32
        %mul3A_298 = arith.mulf %mul3A_291, %sub3A_297 : f32
        %mul3A_299 = arith.constant 5.000000e-01 : f32
        %mul3A_300 = arith.mulf %mul3A_299, %add3A_280 : f32
        %mul3A_301 = arith.mulf %mul3A_300, %mul3A_298 : f32
        %mul3A_302 = arith.mulf %mul3A_301, %mul3A_298 : f32
        %sub3A_303 = arith.constant 1.500000e+00 : f32
        %sub3A_304 = arith.subf %sub3A_303, %mul3A_302 : f32
        %mul3A_305 = arith.mulf %mul3A_298, %sub3A_304 : f32
        %mul3A_306 = arith.constant 16 : i32
        %mul3A_307 = arith.muli %scan3A_208, %mul3A_306 : i32
        %add3A_308 = arith.constant 1 : i32
        %add3A_309 = arith.addi %mul3A_307, %add3A_308 : i32
        %get3A_310 = arith.index_cast %select_n3A_123 : i32 to index
        %get3A_311 = arith.index_cast %add3A_309 : i32 to index
        %get3A_312 = arith.constant 0 : index
        %get3A_313 = tpu.vector_load %arg9[%get3A_310, %get3A_311, %get3A_312] {strides = array<i32>} : memref<6x128x128xf32, #tpu.memory_space<vmem>>, vector<16xf32>,
        %get3A_314 = arith.index_cast %select_n3A_123 : i32 to index
        %get3A_315 = arith.index_cast %add3A_309 : i32 to index
        %get3A_316 = arith.constant 16 : index
        %get3A_317 = tpu.vector_load %arg9[%get3A_314, %get3A_315, %get3A_316] {strides = array<i32>} : memref<6x128x128xf32, #tpu.memory_space<vmem>>, vector<16xf32>,
        %get3A_318 = arith.index_cast %select_n3A_123 : i32 to index
        %get3A_319 = arith.index_cast %add3A_309 : i32 to index
        %get3A_320 = arith.constant 32 : index
        %get3A_321 = tpu.vector_load %arg9[%get3A_318, %get3A_319, %get3A_320] {strides = array<i32>} : memref<6x128x128xf32, #tpu.memory_space<vmem>>, vector<16xf32>,
        %get3A_322 = arith.index_cast %select_n3A_123 : i32 to index
        %get3A_323 = arith.index_cast %add3A_309 : i32 to index
        %get3A_324 = arith.constant 48 : index
        %get3A_325 = tpu.vector_load %arg9[%get3A_322, %get3A_323, %get3A_324] {strides = array<i32>} : memref<6x128x128xf32, #tpu.memory_space<vmem>>, vector<16xf32>,
        %get3A_326 = arith.index_cast %select_n3A_123 : i32 to index
        %get3A_327 = arith.index_cast %add3A_309 : i32 to index
        %get3A_328 = arith.constant 64 : index
        %get3A_329 = tpu.vector_load %arg9[%get3A_326, %get3A_327, %get3A_328] {strides = array<i32>} : memref<6x128x128xf32, #tpu.memory_space<vmem>>, vector<16xf32>,
        %get3A_330 = arith.index_cast %select_n3A_123 : i32 to index
        %get3A_331 = arith.index_cast %add3A_309 : i32 to index
        %get3A_332 = arith.constant 80 : index
        %get3A_333 = tpu.vector_load %arg9[%get3A_330, %get3A_331, %get3A_332] {strides = array<i32>} : memref<6x128x128xf32, #tpu.memory_space<vmem>>, vector<16xf32>,
        %get3A_334 = arith.index_cast %select_n3A_123 : i32 to index
        %get3A_335 = arith.index_cast %add3A_309 : i32 to index
        %get3A_336 = arith.constant 96 : index
        %get3A_337 = tpu.vector_load %arg9[%get3A_334, %get3A_335, %get3A_336] {strides = array<i32>} : memref<6x128x128xf32, #tpu.memory_space<vmem>>, vector<16xf32>,
        %get3A_338 = arith.index_cast %select_n3A_123 : i32 to index
        %get3A_339 = arith.index_cast %add3A_309 : i32 to index
        %get3A_340 = arith.constant 112 : index
        %get3A_341 = tpu.vector_load %arg9[%get3A_338, %get3A_339, %get3A_340] {strides = array<i32>} : memref<6x128x128xf32, #tpu.memory_space<vmem>>, vector<16xf32>,
        %mul3A_342 = arith.mulf %get3A_313, %get3A_313 : vector<16xf32>
        %mul3A_343 = arith.mulf %get3A_317, %get3A_317 : vector<16xf32>
        %mul3A_344 = arith.mulf %get3A_321, %get3A_321 : vector<16xf32>
        %mul3A_345 = arith.mulf %get3A_325, %get3A_325 : vector<16xf32>
        %mul3A_346 = arith.mulf %get3A_329, %get3A_329 : vector<16xf32>
        %mul3A_347 = arith.mulf %get3A_333, %get3A_333 : vector<16xf32>
        %mul3A_348 = arith.mulf %get3A_337, %get3A_337 : vector<16xf32>
        %mul3A_349 = arith.mulf %get3A_341, %get3A_341 : vector<16xf32>
        %add3A_350 = arith.addf %get3A_313, %get3A_317 : vector<16xf32>
        %add3A_351 = arith.addf %get3A_321, %get3A_325 : vector<16xf32>
        %add3A_352 = arith.addf %get3A_329, %get3A_333 : vector<16xf32>
        %add3A_353 = arith.addf %get3A_337, %get3A_341 : vector<16xf32>
        %add3A_354 = arith.addf %mul3A_342, %mul3A_343 : vector<16xf32>
        %add3A_355 = arith.addf %mul3A_344, %mul3A_345 : vector<16xf32>
        %add3A_356 = arith.addf %mul3A_346, %mul3A_347 : vector<16xf32>
        %add3A_357 = arith.addf %mul3A_348, %mul3A_349 : vector<16xf32>
        %add3A_358 = arith.addf %add3A_350, %add3A_351 : vector<16xf32>
        %add3A_359 = arith.addf %add3A_352, %add3A_353 : vector<16xf32>
        %add3A_360 = arith.addf %add3A_354, %add3A_355 : vector<16xf32>
        %add3A_361 = arith.addf %add3A_356, %add3A_357 : vector<16xf32>
        %add3A_362 = arith.addf %add3A_358, %add3A_359 : vector<16xf32>
        %add3A_363 = arith.addf %add3A_360, %add3A_361 : vector<16xf32>
        %reduce_sum3A_364 = arith.constant true
        %reduce_sum3A_365 = vector.broadcast %reduce_sum3A_364 : i1 to vector<16xi1>
        %reduce_sum3A_366 = tpu.scan <sum>, %add3A_362 masked %reduce_sum3A_365 : vector<16xf32>, vector<16xi1> -> vector<16xf32>
        %reduce_sum3A_367 = vector.extract %reduce_sum3A_366[15] : f32 from vector<16xf32>
        %reduce_sum3A_368 = arith.constant true
        %reduce_sum3A_369 = vector.broadcast %reduce_sum3A_368 : i1 to vector<16xi1>
        %reduce_sum3A_370 = tpu.scan <sum>, %add3A_363 masked %reduce_sum3A_369 : vector<16xf32>, vector<16xi1> -> vector<16xf32>
        %reduce_sum3A_371 = vector.extract %reduce_sum3A_370[15] : f32 from vector<16xf32>
        %mul3A_372 = arith.constant 7.812500e-03 : f32
        %mul3A_373 = arith.mulf %reduce_sum3A_367, %mul3A_372 : f32
        %mul3A_374 = arith.constant 7.812500e-03 : f32
        %mul3A_375 = arith.mulf %reduce_sum3A_371, %mul3A_374 : f32
        %mul3A_376 = arith.mulf %mul3A_373, %mul3A_373 : f32
        %sub3A_377 = arith.subf %mul3A_375, %mul3A_376 : f32
        %max3A_378 = arith.constant 0.000000e+00 : f32
        %max3A_379 = arith.maximumf %sub3A_377, %max3A_378 : f32
        %add3A_380 = arith.constant 9.99999996E-13 : f32
        %add3A_381 = arith.addf %max3A_379, %add3A_380 : f32
        %bitcast_convert_type3A_382 = arith.bitcast %add3A_381 : f32 to i32
        %shift_right_arithmetic3A_383 = arith.constant 1 : i32
        %shift_right_arithmetic3A_384 = arith.shrsi %bitcast_convert_type3A_382, %shift_right_arithmetic3A_383 : i32
        %sub3A_385 = arith.constant 1597463007 : i32
        %sub3A_386 = arith.subi %sub3A_385, %shift_right_arithmetic3A_384 : i32
        %bitcast_convert_type3A_387 = arith.bitcast %sub3A_386 : i32 to f32
        %mul3A_388 = arith.constant 5.000000e-01 : f32
        %mul3A_389 = arith.mulf %mul3A_388, %add3A_381 : f32
        %mul3A_390 = arith.mulf %mul3A_389, %bitcast_convert_type3A_387 : f32
        %mul3A_391 = arith.mulf %mul3A_390, %bitcast_convert_type3A_387 : f32
        %sub3A_392 = arith.constant 1.500000e+00 : f32
        %sub3A_393 = arith.subf %sub3A_392, %mul3A_391 : f32
        %mul3A_394 = arith.mulf %bitcast_convert_type3A_387, %sub3A_393 : f32
        %mul3A_395 = arith.constant 5.000000e-01 : f32
        %mul3A_396 = arith.mulf %mul3A_395, %add3A_381 : f32
        %mul3A_397 = arith.mulf %mul3A_396, %mul3A_394 : f32
        %mul3A_398 = arith.mulf %mul3A_397, %mul3A_394 : f32
        %sub3A_399 = arith.constant 1.500000e+00 : f32
        %sub3A_400 = arith.subf %sub3A_399, %mul3A_398 : f32
        %mul3A_401 = arith.mulf %mul3A_394, %sub3A_400 : f32
        %mul3A_402 = arith.constant 5.000000e-01 : f32
        %mul3A_403 = arith.mulf %mul3A_402, %add3A_381 : f32
        %mul3A_404 = arith.mulf %mul3A_403, %mul3A_401 : f32
        %mul3A_405 = arith.mulf %mul3A_404, %mul3A_401 : f32
        %sub3A_406 = arith.constant 1.500000e+00 : f32
        %sub3A_407 = arith.subf %sub3A_406, %mul3A_405 : f32
        %mul3A_408 = arith.mulf %mul3A_401, %sub3A_407 : f32
        %mul3A_409 = arith.constant 16 : i32
        %mul3A_410 = arith.muli %scan3A_208, %mul3A_409 : i32
        %add3A_411 = arith.constant 2 : i32
        %add3A_412 = arith.addi %mul3A_410, %add3A_411 : i32
        %get3A_413 = arith.index_cast %select_n3A_123 : i32 to index
        %get3A_414 = arith.index_cast %add3A_412 : i32 to index
        %get3A_415 = arith.constant 0 : index
        %get3A_416 = tpu.vector_load %arg9[%get3A_413, %get3A_414, %get3A_415] {strides = array<i32>} : memref<6x128x128xf32, #tpu.memory_space<vmem>>, vector<16xf32>,
        %get3A_417 = arith.index_cast %select_n3A_123 : i32 to index
        %get3A_418 = arith.index_cast %add3A_412 : i32 to index
        %get3A_419 = arith.constant 16 : index
        %get3A_420 = tpu.vector_load %arg9[%get3A_417, %get3A_418, %get3A_419] {strides = array<i32>} : memref<6x128x128xf32, #tpu.memory_space<vmem>>, vector<16xf32>,
        %get3A_421 = arith.index_cast %select_n3A_123 : i32 to index
        %get3A_422 = arith.index_cast %add3A_412 : i32 to index
        %get3A_423 = arith.constant 32 : index
        %get3A_424 = tpu.vector_load %arg9[%get3A_421, %get3A_422, %get3A_423] {strides = array<i32>} : memref<6x128x128xf32, #tpu.memory_space<vmem>>, vector<16xf32>,
        %get3A_425 = arith.index_cast %select_n3A_123 : i32 to index
        %get3A_426 = arith.index_cast %add3A_412 : i32 to index
        %get3A_427 = arith.constant 48 : index
        %get3A_428 = tpu.vector_load %arg9[%get3A_425, %get3A_426, %get3A_427] {strides = array<i32>} : memref<6x128x128xf32, #tpu.memory_space<vmem>>, vector<16xf32>,
        %get3A_429 = arith.index_cast %select_n3A_123 : i32 to index
        %get3A_430 = arith.index_cast %add3A_412 : i32 to index
        %get3A_431 = arith.constant 64 : index
        %get3A_432 = tpu.vector_load %arg9[%get3A_429, %get3A_430, %get3A_431] {strides = array<i32>} : memref<6x128x128xf32, #tpu.memory_space<vmem>>, vector<16xf32>,
        %get3A_433 = arith.index_cast %select_n3A_123 : i32 to index
        %get3A_434 = arith.index_cast %add3A_412 : i32 to index
        %get3A_435 = arith.constant 80 : index
        %get3A_436 = tpu.vector_load %arg9[%get3A_433, %get3A_434, %get3A_435] {strides = array<i32>} : memref<6x128x128xf32, #tpu.memory_space<vmem>>, vector<16xf32>,
        %get3A_437 = arith.index_cast %select_n3A_123 : i32 to index
        %get3A_438 = arith.index_cast %add3A_412 : i32 to index
        %get3A_439 = arith.constant 96 : index
        %get3A_440 = tpu.vector_load %arg9[%get3A_437, %get3A_438, %get3A_439] {strides = array<i32>} : memref<6x128x128xf32, #tpu.memory_space<vmem>>, vector<16xf32>,
        %get3A_441 = arith.index_cast %select_n3A_123 : i32 to index
        %get3A_442 = arith.index_cast %add3A_412 : i32 to index
        %get3A_443 = arith.constant 112 : index
        %get3A_444 = tpu.vector_load %arg9[%get3A_441, %get3A_442, %get3A_443] {strides = array<i32>} : memref<6x128x128xf32, #tpu.memory_space<vmem>>, vector<16xf32>,
        %mul3A_445 = arith.mulf %get3A_416, %get3A_416 : vector<16xf32>
        %mul3A_446 = arith.mulf %get3A_420, %get3A_420 : vector<16xf32>
        %mul3A_447 = arith.mulf %get3A_424, %get3A_424 : vector<16xf32>
        %mul3A_448 = arith.mulf %get3A_428, %get3A_428 : vector<16xf32>
        %mul3A_449 = arith.mulf %get3A_432, %get3A_432 : vector<16xf32>
        %mul3A_450 = arith.mulf %get3A_436, %get3A_436 : vector<16xf32>
        %mul3A_451 = arith.mulf %get3A_440, %get3A_440 : vector<16xf32>
        %mul3A_452 = arith.mulf %get3A_444, %get3A_444 : vector<16xf32>
        %add3A_453 = arith.addf %get3A_416, %get3A_420 : vector<16xf32>
        %add3A_454 = arith.addf %get3A_424, %get3A_428 : vector<16xf32>
        %add3A_455 = arith.addf %get3A_432, %get3A_436 : vector<16xf32>
        %add3A_456 = arith.addf %get3A_440, %get3A_444 : vector<16xf32>
        %add3A_457 = arith.addf %mul3A_445, %mul3A_446 : vector<16xf32>
        %add3A_458 = arith.addf %mul3A_447, %mul3A_448 : vector<16xf32>
        %add3A_459 = arith.addf %mul3A_449, %mul3A_450 : vector<16xf32>
        %add3A_460 = arith.addf %mul3A_451, %mul3A_452 : vector<16xf32>
        %add3A_461 = arith.addf %add3A_453, %add3A_454 : vector<16xf32>
        %add3A_462 = arith.addf %add3A_455, %add3A_456 : vector<16xf32>
        %add3A_463 = arith.addf %add3A_457, %add3A_458 : vector<16xf32>
        %add3A_464 = arith.addf %add3A_459, %add3A_460 : vector<16xf32>
        %add3A_465 = arith.addf %add3A_461, %add3A_462 : vector<16xf32>
        %add3A_466 = arith.addf %add3A_463, %add3A_464 : vector<16xf32>
        %reduce_sum3A_467 = arith.constant true
        %reduce_sum3A_468 = vector.broadcast %reduce_sum3A_467 : i1 to vector<16xi1>
        %reduce_sum3A_469 = tpu.scan <sum>, %add3A_465 masked %reduce_sum3A_468 : vector<16xf32>, vector<16xi1> -> vector<16xf32>
        %reduce_sum3A_470 = vector.extract %reduce_sum3A_469[15] : f32 from vector<16xf32>
        %reduce_sum3A_471 = arith.constant true
        %reduce_sum3A_472 = vector.broadcast %reduce_sum3A_471 : i1 to vector<16xi1>
        %reduce_sum3A_473 = tpu.scan <sum>, %add3A_466 masked %reduce_sum3A_472 : vector<16xf32>, vector<16xi1> -> vector<16xf32>
        %reduce_sum3A_474 = vector.extract %reduce_sum3A_473[15] : f32 from vector<16xf32>
        %mul3A_475 = arith.constant 7.812500e-03 : f32
        %mul3A_476 = arith.mulf %reduce_sum3A_470, %mul3A_475 : f32
        %mul3A_477 = arith.constant 7.812500e-03 : f32
        %mul3A_478 = arith.mulf %reduce_sum3A_474, %mul3A_477 : f32
        %mul3A_479 = arith.mulf %mul3A_476, %mul3A_476 : f32
        %sub3A_480 = arith.subf %mul3A_478, %mul3A_479 : f32
        %max3A_481 = arith.constant 0.000000e+00 : f32
        %max3A_482 = arith.maximumf %sub3A_480, %max3A_481 : f32
        %add3A_483 = arith.constant 9.99999996E-13 : f32
        %add3A_484 = arith.addf %max3A_482, %add3A_483 : f32
        %bitcast_convert_type3A_485 = arith.bitcast %add3A_484 : f32 to i32
        %shift_right_arithmetic3A_486 = arith.constant 1 : i32
        %shift_right_arithmetic3A_487 = arith.shrsi %bitcast_convert_type3A_485, %shift_right_arithmetic3A_486 : i32
        %sub3A_488 = arith.constant 1597463007 : i32
        %sub3A_489 = arith.subi %sub3A_488, %shift_right_arithmetic3A_487 : i32
        %bitcast_convert_type3A_490 = arith.bitcast %sub3A_489 : i32 to f32
        %mul3A_491 = arith.constant 5.000000e-01 : f32
        %mul3A_492 = arith.mulf %mul3A_491, %add3A_484 : f32
        %mul3A_493 = arith.mulf %mul3A_492, %bitcast_convert_type3A_490 : f32
        %mul3A_494 = arith.mulf %mul3A_493, %bitcast_convert_type3A_490 : f32
        %sub3A_495 = arith.constant 1.500000e+00 : f32
        %sub3A_496 = arith.subf %sub3A_495, %mul3A_494 : f32
        %mul3A_497 = arith.mulf %bitcast_convert_type3A_490, %sub3A_496 : f32
        %mul3A_498 = arith.constant 5.000000e-01 : f32
        %mul3A_499 = arith.mulf %mul3A_498, %add3A_484 : f32
        %mul3A_500 = arith.mulf %mul3A_499, %mul3A_497 : f32
        %mul3A_501 = arith.mulf %mul3A_500, %mul3A_497 : f32
        %sub3A_502 = arith.constant 1.500000e+00 : f32
        %sub3A_503 = arith.subf %sub3A_502, %mul3A_501 : f32
        %mul3A_504 = arith.mulf %mul3A_497, %sub3A_503 : f32
        %mul3A_505 = arith.constant 5.000000e-01 : f32
        %mul3A_506 = arith.mulf %mul3A_505, %add3A_484 : f32
        %mul3A_507 = arith.mulf %mul3A_506, %mul3A_504 : f32
        %mul3A_508 = arith.mulf %mul3A_507, %mul3A_504 : f32
        %sub3A_509 = arith.constant 1.500000e+00 : f32
        %sub3A_510 = arith.subf %sub3A_509, %mul3A_508 : f32
        %mul3A_511 = arith.mulf %mul3A_504, %sub3A_510 : f32
        %mul3A_512 = arith.constant 16 : i32
        %mul3A_513 = arith.muli %scan3A_208, %mul3A_512 : i32
        %add3A_514 = arith.constant 3 : i32
        %add3A_515 = arith.addi %mul3A_513, %add3A_514 : i32
        %get3A_516 = arith.index_cast %select_n3A_123 : i32 to index
        %get3A_517 = arith.index_cast %add3A_515 : i32 to index
        %get3A_518 = arith.constant 0 : index
        %get3A_519 = tpu.vector_load %arg9[%get3A_516, %get3A_517, %get3A_518] {strides = array<i32>} : memref<6x128x128xf32, #tpu.memory_space<vmem>>, vector<16xf32>,
        %get3A_520 = arith.index_cast %select_n3A_123 : i32 to index
        %get3A_521 = arith.index_cast %add3A_515 : i32 to index
        %get3A_522 = arith.constant 16 : index
        %get3A_523 = tpu.vector_load %arg9[%get3A_520, %get3A_521, %get3A_522] {strides = array<i32>} : memref<6x128x128xf32, #tpu.memory_space<vmem>>, vector<16xf32>,
        %get3A_524 = arith.index_cast %select_n3A_123 : i32 to index
        %get3A_525 = arith.index_cast %add3A_515 : i32 to index
        %get3A_526 = arith.constant 32 : index
        %get3A_527 = tpu.vector_load %arg9[%get3A_524, %get3A_525, %get3A_526] {strides = array<i32>} : memref<6x128x128xf32, #tpu.memory_space<vmem>>, vector<16xf32>,
        %get3A_528 = arith.index_cast %select_n3A_123 : i32 to index
        %get3A_529 = arith.index_cast %add3A_515 : i32 to index
        %get3A_530 = arith.constant 48 : index
        %get3A_531 = tpu.vector_load %arg9[%get3A_528, %get3A_529, %get3A_530] {strides = array<i32>} : memref<6x128x128xf32, #tpu.memory_space<vmem>>, vector<16xf32>,
        %get3A_532 = arith.index_cast %select_n3A_123 : i32 to index
        %get3A_533 = arith.index_cast %add3A_515 : i32 to index
        %get3A_534 = arith.constant 64 : index
        %get3A_535 = tpu.vector_load %arg9[%get3A_532, %get3A_533, %get3A_534] {strides = array<i32>} : memref<6x128x128xf32, #tpu.memory_space<vmem>>, vector<16xf32>,
        %get3A_536 = arith.index_cast %select_n3A_123 : i32 to index
        %get3A_537 = arith.index_cast %add3A_515 : i32 to index
        %get3A_538 = arith.constant 80 : index
        %get3A_539 = tpu.vector_load %arg9[%get3A_536, %get3A_537, %get3A_538] {strides = array<i32>} : memref<6x128x128xf32, #tpu.memory_space<vmem>>, vector<16xf32>,
        %get3A_540 = arith.index_cast %select_n3A_123 : i32 to index
        %get3A_541 = arith.index_cast %add3A_515 : i32 to index
        %get3A_542 = arith.constant 96 : index
        %get3A_543 = tpu.vector_load %arg9[%get3A_540, %get3A_541, %get3A_542] {strides = array<i32>} : memref<6x128x128xf32, #tpu.memory_space<vmem>>, vector<16xf32>,
        %get3A_544 = arith.index_cast %select_n3A_123 : i32 to index
        %get3A_545 = arith.index_cast %add3A_515 : i32 to index
        %get3A_546 = arith.constant 112 : index
        %get3A_547 = tpu.vector_load %arg9[%get3A_544, %get3A_545, %get3A_546] {strides = array<i32>} : memref<6x128x128xf32, #tpu.memory_space<vmem>>, vector<16xf32>,
        %mul3A_548 = arith.mulf %get3A_519, %get3A_519 : vector<16xf32>
        %mul3A_549 = arith.mulf %get3A_523, %get3A_523 : vector<16xf32>
        %mul3A_550 = arith.mulf %get3A_527, %get3A_527 : vector<16xf32>
        %mul3A_551 = arith.mulf %get3A_531, %get3A_531 : vector<16xf32>
        %mul3A_552 = arith.mulf %get3A_535, %get3A_535 : vector<16xf32>
        %mul3A_553 = arith.mulf %get3A_539, %get3A_539 : vector<16xf32>
        %mul3A_554 = arith.mulf %get3A_543, %get3A_543 : vector<16xf32>
        %mul3A_555 = arith.mulf %get3A_547, %get3A_547 : vector<16xf32>
        %add3A_556 = arith.addf %get3A_519, %get3A_523 : vector<16xf32>
        %add3A_557 = arith.addf %get3A_527, %get3A_531 : vector<16xf32>
        %add3A_558 = arith.addf %get3A_535, %get3A_539 : vector<16xf32>
        %add3A_559 = arith.addf %get3A_543, %get3A_547 : vector<16xf32>
        %add3A_560 = arith.addf %mul3A_548, %mul3A_549 : vector<16xf32>
        %add3A_561 = arith.addf %mul3A_550, %mul3A_551 : vector<16xf32>
        %add3A_562 = arith.addf %mul3A_552, %mul3A_553 : vector<16xf32>
        %add3A_563 = arith.addf %mul3A_554, %mul3A_555 : vector<16xf32>
        %add3A_564 = arith.addf %add3A_556, %add3A_557 : vector<16xf32>
        %add3A_565 = arith.addf %add3A_558, %add3A_559 : vector<16xf32>
        %add3A_566 = arith.addf %add3A_560, %add3A_561 : vector<16xf32>
        %add3A_567 = arith.addf %add3A_562, %add3A_563 : vector<16xf32>
        %add3A_568 = arith.addf %add3A_564, %add3A_565 : vector<16xf32>
        %add3A_569 = arith.addf %add3A_566, %add3A_567 : vector<16xf32>
        %reduce_sum3A_570 = arith.constant true
        %reduce_sum3A_571 = vector.broadcast %reduce_sum3A_570 : i1 to vector<16xi1>
        %reduce_sum3A_572 = tpu.scan <sum>, %add3A_568 masked %reduce_sum3A_571 : vector<16xf32>, vector<16xi1> -> vector<16xf32>
        %reduce_sum3A_573 = vector.extract %reduce_sum3A_572[15] : f32 from vector<16xf32>
        %reduce_sum3A_574 = arith.constant true
        %reduce_sum3A_575 = vector.broadcast %reduce_sum3A_574 : i1 to vector<16xi1>
        %reduce_sum3A_576 = tpu.scan <sum>, %add3A_569 masked %reduce_sum3A_575 : vector<16xf32>, vector<16xi1> -> vector<16xf32>
        %reduce_sum3A_577 = vector.extract %reduce_sum3A_576[15] : f32 from vector<16xf32>
        %mul3A_578 = arith.constant 7.812500e-03 : f32
        %mul3A_579 = arith.mulf %reduce_sum3A_573, %mul3A_578 : f32
        %mul3A_580 = arith.constant 7.812500e-03 : f32
        %mul3A_581 = arith.mulf %reduce_sum3A_577, %mul3A_580 : f32
        %mul3A_582 = arith.mulf %mul3A_579, %mul3A_579 : f32
        %sub3A_583 = arith.subf %mul3A_581, %mul3A_582 : f32
        %max3A_584 = arith.constant 0.000000e+00 : f32
        %max3A_585 = arith.maximumf %sub3A_583, %max3A_584 : f32
        %add3A_586 = arith.constant 9.99999996E-13 : f32
        %add3A_587 = arith.addf %max3A_585, %add3A_586 : f32
        %bitcast_convert_type3A_588 = arith.bitcast %add3A_587 : f32 to i32
        %shift_right_arithmetic3A_589 = arith.constant 1 : i32
        %shift_right_arithmetic3A_590 = arith.shrsi %bitcast_convert_type3A_588, %shift_right_arithmetic3A_589 : i32
        %sub3A_591 = arith.constant 1597463007 : i32
        %sub3A_592 = arith.subi %sub3A_591, %shift_right_arithmetic3A_590 : i32
        %bitcast_convert_type3A_593 = arith.bitcast %sub3A_592 : i32 to f32
        %mul3A_594 = arith.constant 5.000000e-01 : f32
        %mul3A_595 = arith.mulf %mul3A_594, %add3A_587 : f32
        %mul3A_596 = arith.mulf %mul3A_595, %bitcast_convert_type3A_593 : f32
        %mul3A_597 = arith.mulf %mul3A_596, %bitcast_convert_type3A_593 : f32
        %sub3A_598 = arith.constant 1.500000e+00 : f32
        %sub3A_599 = arith.subf %sub3A_598, %mul3A_597 : f32
        %mul3A_600 = arith.mulf %bitcast_convert_type3A_593, %sub3A_599 : f32
        %mul3A_601 = arith.constant 5.000000e-01 : f32
        %mul3A_602 = arith.mulf %mul3A_601, %add3A_587 : f32
        %mul3A_603 = arith.mulf %mul3A_602, %mul3A_600 : f32
        %mul3A_604 = arith.mulf %mul3A_603, %mul3A_600 : f32
        %sub3A_605 = arith.constant 1.500000e+00 : f32
        %sub3A_606 = arith.subf %sub3A_605, %mul3A_604 : f32
        %mul3A_607 = arith.mulf %mul3A_600, %sub3A_606 : f32
        %mul3A_608 = arith.constant 5.000000e-01 : f32
        %mul3A_609 = arith.mulf %mul3A_608, %add3A_587 : f32
        %mul3A_610 = arith.mulf %mul3A_609, %mul3A_607 : f32
        %mul3A_611 = arith.mulf %mul3A_610, %mul3A_607 : f32
        %sub3A_612 = arith.constant 1.500000e+00 : f32
        %sub3A_613 = arith.subf %sub3A_612, %mul3A_611 : f32
        %mul3A_614 = arith.mulf %mul3A_607, %sub3A_613 : f32
        %mul3A_615 = arith.constant 16 : i32
        %mul3A_616 = arith.muli %scan3A_208, %mul3A_615 : i32
        %add3A_617 = arith.constant 4 : i32
        %add3A_618 = arith.addi %mul3A_616, %add3A_617 : i32
        %get3A_619 = arith.index_cast %select_n3A_123 : i32 to index
        %get3A_620 = arith.index_cast %add3A_618 : i32 to index
        %get3A_621 = arith.constant 0 : index
        %get3A_622 = tpu.vector_load %arg9[%get3A_619, %get3A_620, %get3A_621] {strides = array<i32>} : memref<6x128x128xf32, #tpu.memory_space<vmem>>, vector<16xf32>,
        %get3A_623 = arith.index_cast %select_n3A_123 : i32 to index
        %get3A_624 = arith.index_cast %add3A_618 : i32 to index
        %get3A_625 = arith.constant 16 : index
        %get3A_626 = tpu.vector_load %arg9[%get3A_623, %get3A_624, %get3A_625] {strides = array<i32>} : memref<6x128x128xf32, #tpu.memory_space<vmem>>, vector<16xf32>,
        %get3A_627 = arith.index_cast %select_n3A_123 : i32 to index
        %get3A_628 = arith.index_cast %add3A_618 : i32 to index
        %get3A_629 = arith.constant 32 : index
        %get3A_630 = tpu.vector_load %arg9[%get3A_627, %get3A_628, %get3A_629] {strides = array<i32>} : memref<6x128x128xf32, #tpu.memory_space<vmem>>, vector<16xf32>,
        %get3A_631 = arith.index_cast %select_n3A_123 : i32 to index
        %get3A_632 = arith.index_cast %add3A_618 : i32 to index
        %get3A_633 = arith.constant 48 : index
        %get3A_634 = tpu.vector_load %arg9[%get3A_631, %get3A_632, %get3A_633] {strides = array<i32>} : memref<6x128x128xf32, #tpu.memory_space<vmem>>, vector<16xf32>,
        %get3A_635 = arith.index_cast %select_n3A_123 : i32 to index
        %get3A_636 = arith.index_cast %add3A_618 : i32 to index
        %get3A_637 = arith.constant 64 : index
        %get3A_638 = tpu.vector_load %arg9[%get3A_635, %get3A_636, %get3A_637] {strides = array<i32>} : memref<6x128x128xf32, #tpu.memory_space<vmem>>, vector<16xf32>,
        %get3A_639 = arith.index_cast %select_n3A_123 : i32 to index
        %get3A_640 = arith.index_cast %add3A_618 : i32 to index
        %get3A_641 = arith.constant 80 : index
        %get3A_642 = tpu.vector_load %arg9[%get3A_639, %get3A_640, %get3A_641] {strides = array<i32>} : memref<6x128x128xf32, #tpu.memory_space<vmem>>, vector<16xf32>,
        %get3A_643 = arith.index_cast %select_n3A_123 : i32 to index
        %get3A_644 = arith.index_cast %add3A_618 : i32 to index
        %get3A_645 = arith.constant 96 : index
        %get3A_646 = tpu.vector_load %arg9[%get3A_643, %get3A_644, %get3A_645] {strides = array<i32>} : memref<6x128x128xf32, #tpu.memory_space<vmem>>, vector<16xf32>,
        %get3A_647 = arith.index_cast %select_n3A_123 : i32 to index
        %get3A_648 = arith.index_cast %add3A_618 : i32 to index
        %get3A_649 = arith.constant 112 : index
        %get3A_650 = tpu.vector_load %arg9[%get3A_647, %get3A_648, %get3A_649] {strides = array<i32>} : memref<6x128x128xf32, #tpu.memory_space<vmem>>, vector<16xf32>,
        %mul3A_651 = arith.mulf %get3A_622, %get3A_622 : vector<16xf32>
        %mul3A_652 = arith.mulf %get3A_626, %get3A_626 : vector<16xf32>
        %mul3A_653 = arith.mulf %get3A_630, %get3A_630 : vector<16xf32>
        %mul3A_654 = arith.mulf %get3A_634, %get3A_634 : vector<16xf32>
        %mul3A_655 = arith.mulf %get3A_638, %get3A_638 : vector<16xf32>
        %mul3A_656 = arith.mulf %get3A_642, %get3A_642 : vector<16xf32>
        %mul3A_657 = arith.mulf %get3A_646, %get3A_646 : vector<16xf32>
        %mul3A_658 = arith.mulf %get3A_650, %get3A_650 : vector<16xf32>
        %add3A_659 = arith.addf %get3A_622, %get3A_626 : vector<16xf32>
        %add3A_660 = arith.addf %get3A_630, %get3A_634 : vector<16xf32>
        %add3A_661 = arith.addf %get3A_638, %get3A_642 : vector<16xf32>
        %add3A_662 = arith.addf %get3A_646, %get3A_650 : vector<16xf32>
        %add3A_663 = arith.addf %mul3A_651, %mul3A_652 : vector<16xf32>
        %add3A_664 = arith.addf %mul3A_653, %mul3A_654 : vector<16xf32>
        %add3A_665 = arith.addf %mul3A_655, %mul3A_656 : vector<16xf32>
        %add3A_666 = arith.addf %mul3A_657, %mul3A_658 : vector<16xf32>
        %add3A_667 = arith.addf %add3A_659, %add3A_660 : vector<16xf32>
        %add3A_668 = arith.addf %add3A_661, %add3A_662 : vector<16xf32>
        %add3A_669 = arith.addf %add3A_663, %add3A_664 : vector<16xf32>
        %add3A_670 = arith.addf %add3A_665, %add3A_666 : vector<16xf32>
        %add3A_671 = arith.addf %add3A_667, %add3A_668 : vector<16xf32>
        %add3A_672 = arith.addf %add3A_669, %add3A_670 : vector<16xf32>
        %reduce_sum3A_673 = arith.constant true
        %reduce_sum3A_674 = vector.broadcast %reduce_sum3A_673 : i1 to vector<16xi1>
        %reduce_sum3A_675 = tpu.scan <sum>, %add3A_671 masked %reduce_sum3A_674 : vector<16xf32>, vector<16xi1> -> vector<16xf32>
        %reduce_sum3A_676 = vector.extract %reduce_sum3A_675[15] : f32 from vector<16xf32>
        %reduce_sum3A_677 = arith.constant true
        %reduce_sum3A_678 = vector.broadcast %reduce_sum3A_677 : i1 to vector<16xi1>
        %reduce_sum3A_679 = tpu.scan <sum>, %add3A_672 masked %reduce_sum3A_678 : vector<16xf32>, vector<16xi1> -> vector<16xf32>
        %reduce_sum3A_680 = vector.extract %reduce_sum3A_679[15] : f32 from vector<16xf32>
        %mul3A_681 = arith.constant 7.812500e-03 : f32
        %mul3A_682 = arith.mulf %reduce_sum3A_676, %mul3A_681 : f32
        %mul3A_683 = arith.constant 7.812500e-03 : f32
        %mul3A_684 = arith.mulf %reduce_sum3A_680, %mul3A_683 : f32
        %mul3A_685 = arith.mulf %mul3A_682, %mul3A_682 : f32
        %sub3A_686 = arith.subf %mul3A_684, %mul3A_685 : f32
        %max3A_687 = arith.constant 0.000000e+00 : f32
        %max3A_688 = arith.maximumf %sub3A_686, %max3A_687 : f32
        %add3A_689 = arith.constant 9.99999996E-13 : f32
        %add3A_690 = arith.addf %max3A_688, %add3A_689 : f32
        %bitcast_convert_type3A_691 = arith.bitcast %add3A_690 : f32 to i32
        %shift_right_arithmetic3A_692 = arith.constant 1 : i32
        %shift_right_arithmetic3A_693 = arith.shrsi %bitcast_convert_type3A_691, %shift_right_arithmetic3A_692 : i32
        %sub3A_694 = arith.constant 1597463007 : i32
        %sub3A_695 = arith.subi %sub3A_694, %shift_right_arithmetic3A_693 : i32
        %bitcast_convert_type3A_696 = arith.bitcast %sub3A_695 : i32 to f32
        %mul3A_697 = arith.constant 5.000000e-01 : f32
        %mul3A_698 = arith.mulf %mul3A_697, %add3A_690 : f32
        %mul3A_699 = arith.mulf %mul3A_698, %bitcast_convert_type3A_696 : f32
        %mul3A_700 = arith.mulf %mul3A_699, %bitcast_convert_type3A_696 : f32
        %sub3A_701 = arith.constant 1.500000e+00 : f32
        %sub3A_702 = arith.subf %sub3A_701, %mul3A_700 : f32
        %mul3A_703 = arith.mulf %bitcast_convert_type3A_696, %sub3A_702 : f32
        %mul3A_704 = arith.constant 5.000000e-01 : f32
        %mul3A_705 = arith.mulf %mul3A_704, %add3A_690 : f32
        %mul3A_706 = arith.mulf %mul3A_705, %mul3A_703 : f32
        %mul3A_707 = arith.mulf %mul3A_706, %mul3A_703 : f32
        %sub3A_708 = arith.constant 1.500000e+00 : f32
        %sub3A_709 = arith.subf %sub3A_708, %mul3A_707 : f32
        %mul3A_710 = arith.mulf %mul3A_703, %sub3A_709 : f32
        %mul3A_711 = arith.constant 5.000000e-01 : f32
        %mul3A_712 = arith.mulf %mul3A_711, %add3A_690 : f32
        %mul3A_713 = arith.mulf %mul3A_712, %mul3A_710 : f32
        %mul3A_714 = arith.mulf %mul3A_713, %mul3A_710 : f32
        %sub3A_715 = arith.constant 1.500000e+00 : f32
        %sub3A_716 = arith.subf %sub3A_715, %mul3A_714 : f32
        %mul3A_717 = arith.mulf %mul3A_710, %sub3A_716 : f32
        %mul3A_718 = arith.constant 16 : i32
        %mul3A_719 = arith.muli %scan3A_208, %mul3A_718 : i32
        %add3A_720 = arith.constant 5 : i32
        %add3A_721 = arith.addi %mul3A_719, %add3A_720 : i32
        %get3A_722 = arith.index_cast %select_n3A_123 : i32 to index
        %get3A_723 = arith.index_cast %add3A_721 : i32 to index
        %get3A_724 = arith.constant 0 : index
        %get3A_725 = tpu.vector_load %arg9[%get3A_722, %get3A_723, %get3A_724] {strides = array<i32>} : memref<6x128x128xf32, #tpu.memory_space<vmem>>, vector<16xf32>,
        %get3A_726 = arith.index_cast %select_n3A_123 : i32 to index
        %get3A_727 = arith.index_cast %add3A_721 : i32 to index
        %get3A_728 = arith.constant 16 : index
        %get3A_729 = tpu.vector_load %arg9[%get3A_726, %get3A_727, %get3A_728] {strides = array<i32>} : memref<6x128x128xf32, #tpu.memory_space<vmem>>, vector<16xf32>,
        %get3A_730 = arith.index_cast %select_n3A_123 : i32 to index
        %get3A_731 = arith.index_cast %add3A_721 : i32 to index
        %get3A_732 = arith.constant 32 : index
        %get3A_733 = tpu.vector_load %arg9[%get3A_730, %get3A_731, %get3A_732] {strides = array<i32>} : memref<6x128x128xf32, #tpu.memory_space<vmem>>, vector<16xf32>,
        %get3A_734 = arith.index_cast %select_n3A_123 : i32 to index
        %get3A_735 = arith.index_cast %add3A_721 : i32 to index
        %get3A_736 = arith.constant 48 : index
        %get3A_737 = tpu.vector_load %arg9[%get3A_734, %get3A_735, %get3A_736] {strides = array<i32>} : memref<6x128x128xf32, #tpu.memory_space<vmem>>, vector<16xf32>,
        %get3A_738 = arith.index_cast %select_n3A_123 : i32 to index
        %get3A_739 = arith.index_cast %add3A_721 : i32 to index
        %get3A_740 = arith.constant 64 : index
        %get3A_741 = tpu.vector_load %arg9[%get3A_738, %get3A_739, %get3A_740] {strides = array<i32>} : memref<6x128x128xf32, #tpu.memory_space<vmem>>, vector<16xf32>,
        %get3A_742 = arith.index_cast %select_n3A_123 : i32 to index
        %get3A_743 = arith.index_cast %add3A_721 : i32 to index
        %get3A_744 = arith.constant 80 : index
        %get3A_745 = tpu.vector_load %arg9[%get3A_742, %get3A_743, %get3A_744] {strides = array<i32>} : memref<6x128x128xf32, #tpu.memory_space<vmem>>, vector<16xf32>,
        %get3A_746 = arith.index_cast %select_n3A_123 : i32 to index
        %get3A_747 = arith.index_cast %add3A_721 : i32 to index
        %get3A_748 = arith.constant 96 : index
        %get3A_749 = tpu.vector_load %arg9[%get3A_746, %get3A_747, %get3A_748] {strides = array<i32>} : memref<6x128x128xf32, #tpu.memory_space<vmem>>, vector<16xf32>,
        %get3A_750 = arith.index_cast %select_n3A_123 : i32 to index
        %get3A_751 = arith.index_cast %add3A_721 : i32 to index
        %get3A_752 = arith.constant 112 : index
        %get3A_753 = tpu.vector_load %arg9[%get3A_750, %get3A_751, %get3A_752] {strides = array<i32>} : memref<6x128x128xf32, #tpu.memory_space<vmem>>, vector<16xf32>,
        %mul3A_754 = arith.mulf %get3A_725, %get3A_725 : vector<16xf32>
        %mul3A_755 = arith.mulf %get3A_729, %get3A_729 : vector<16xf32>
        %mul3A_756 = arith.mulf %get3A_733, %get3A_733 : vector<16xf32>
        %mul3A_757 = arith.mulf %get3A_737, %get3A_737 : vector<16xf32>
        %mul3A_758 = arith.mulf %get3A_741, %get3A_741 : vector<16xf32>
        %mul3A_759 = arith.mulf %get3A_745, %get3A_745 : vector<16xf32>
        %mul3A_760 = arith.mulf %get3A_749, %get3A_749 : vector<16xf32>
        %mul3A_761 = arith.mulf %get3A_753, %get3A_753 : vector<16xf32>
        %add3A_762 = arith.addf %get3A_725, %get3A_729 : vector<16xf32>
        %add3A_763 = arith.addf %get3A_733, %get3A_737 : vector<16xf32>
        %add3A_764 = arith.addf %get3A_741, %get3A_745 : vector<16xf32>
        %add3A_765 = arith.addf %get3A_749, %get3A_753 : vector<16xf32>
        %add3A_766 = arith.addf %mul3A_754, %mul3A_755 : vector<16xf32>
        %add3A_767 = arith.addf %mul3A_756, %mul3A_757 : vector<16xf32>
        %add3A_768 = arith.addf %mul3A_758, %mul3A_759 : vector<16xf32>
        %add3A_769 = arith.addf %mul3A_760, %mul3A_761 : vector<16xf32>
        %add3A_770 = arith.addf %add3A_762, %add3A_763 : vector<16xf32>
        %add3A_771 = arith.addf %add3A_764, %add3A_765 : vector<16xf32>
        %add3A_772 = arith.addf %add3A_766, %add3A_767 : vector<16xf32>
        %add3A_773 = arith.addf %add3A_768, %add3A_769 : vector<16xf32>
        %add3A_774 = arith.addf %add3A_770, %add3A_771 : vector<16xf32>
        %add3A_775 = arith.addf %add3A_772, %add3A_773 : vector<16xf32>
        %reduce_sum3A_776 = arith.constant true
        %reduce_sum3A_777 = vector.broadcast %reduce_sum3A_776 : i1 to vector<16xi1>
        %reduce_sum3A_778 = tpu.scan <sum>, %add3A_774 masked %reduce_sum3A_777 : vector<16xf32>, vector<16xi1> -> vector<16xf32>
        %reduce_sum3A_779 = vector.extract %reduce_sum3A_778[15] : f32 from vector<16xf32>
        %reduce_sum3A_780 = arith.constant true
        %reduce_sum3A_781 = vector.broadcast %reduce_sum3A_780 : i1 to vector<16xi1>
        %reduce_sum3A_782 = tpu.scan <sum>, %add3A_775 masked %reduce_sum3A_781 : vector<16xf32>, vector<16xi1> -> vector<16xf32>
        %reduce_sum3A_783 = vector.extract %reduce_sum3A_782[15] : f32 from vector<16xf32>
        %mul3A_784 = arith.constant 7.812500e-03 : f32
        %mul3A_785 = arith.mulf %reduce_sum3A_779, %mul3A_784 : f32
        %mul3A_786 = arith.constant 7.812500e-03 : f32
        %mul3A_787 = arith.mulf %reduce_sum3A_783, %mul3A_786 : f32
        %mul3A_788 = arith.mulf %mul3A_785, %mul3A_785 : f32
        %sub3A_789 = arith.subf %mul3A_787, %mul3A_788 : f32
        %max3A_790 = arith.constant 0.000000e+00 : f32
        %max3A_791 = arith.maximumf %sub3A_789, %max3A_790 : f32
        %add3A_792 = arith.constant 9.99999996E-13 : f32
        %add3A_793 = arith.addf %max3A_791, %add3A_792 : f32
        %bitcast_convert_type3A_794 = arith.bitcast %add3A_793 : f32 to i32
        %shift_right_arithmetic3A_795 = arith.constant 1 : i32
        %shift_right_arithmetic3A_796 = arith.shrsi %bitcast_convert_type3A_794, %shift_right_arithmetic3A_795 : i32
        %sub3A_797 = arith.constant 1597463007 : i32
        %sub3A_798 = arith.subi %sub3A_797, %shift_right_arithmetic3A_796 : i32
        %bitcast_convert_type3A_799 = arith.bitcast %sub3A_798 : i32 to f32
        %mul3A_800 = arith.constant 5.000000e-01 : f32
        %mul3A_801 = arith.mulf %mul3A_800, %add3A_793 : f32
        %mul3A_802 = arith.mulf %mul3A_801, %bitcast_convert_type3A_799 : f32
        %mul3A_803 = arith.mulf %mul3A_802, %bitcast_convert_type3A_799 : f32
        %sub3A_804 = arith.constant 1.500000e+00 : f32
        %sub3A_805 = arith.subf %sub3A_804, %mul3A_803 : f32
        %mul3A_806 = arith.mulf %bitcast_convert_type3A_799, %sub3A_805 : f32
        %mul3A_807 = arith.constant 5.000000e-01 : f32
        %mul3A_808 = arith.mulf %mul3A_807, %add3A_793 : f32
        %mul3A_809 = arith.mulf %mul3A_808, %mul3A_806 : f32
        %mul3A_810 = arith.mulf %mul3A_809, %mul3A_806 : f32
        %sub3A_811 = arith.constant 1.500000e+00 : f32
        %sub3A_812 = arith.subf %sub3A_811, %mul3A_810 : f32
        %mul3A_813 = arith.mulf %mul3A_806, %sub3A_812 : f32
        %mul3A_814 = arith.constant 5.000000e-01 : f32
        %mul3A_815 = arith.mulf %mul3A_814, %add3A_793 : f32
        %mul3A_816 = arith.mulf %mul3A_815, %mul3A_813 : f32
        %mul3A_817 = arith.mulf %mul3A_816, %mul3A_813 : f32
        %sub3A_818 = arith.constant 1.500000e+00 : f32
        %sub3A_819 = arith.subf %sub3A_818, %mul3A_817 : f32
        %mul3A_820 = arith.mulf %mul3A_813, %sub3A_819 : f32
        %mul3A_821 = arith.constant 16 : i32
        %mul3A_822 = arith.muli %scan3A_208, %mul3A_821 : i32
        %add3A_823 = arith.constant 6 : i32
        %add3A_824 = arith.addi %mul3A_822, %add3A_823 : i32
        %get3A_825 = arith.index_cast %select_n3A_123 : i32 to index
        %get3A_826 = arith.index_cast %add3A_824 : i32 to index
        %get3A_827 = arith.constant 0 : index
        %get3A_828 = tpu.vector_load %arg9[%get3A_825, %get3A_826, %get3A_827] {strides = array<i32>} : memref<6x128x128xf32, #tpu.memory_space<vmem>>, vector<16xf32>,
        %get3A_829 = arith.index_cast %select_n3A_123 : i32 to index
        %get3A_830 = arith.index_cast %add3A_824 : i32 to index
        %get3A_831 = arith.constant 16 : index
        %get3A_832 = tpu.vector_load %arg9[%get3A_829, %get3A_830, %get3A_831] {strides = array<i32>} : memref<6x128x128xf32, #tpu.memory_space<vmem>>, vector<16xf32>,
        %get3A_833 = arith.index_cast %select_n3A_123 : i32 to index
        %get3A_834 = arith.index_cast %add3A_824 : i32 to index
        %get3A_835 = arith.constant 32 : index
        %get3A_836 = tpu.vector_load %arg9[%get3A_833, %get3A_834, %get3A_835] {strides = array<i32>} : memref<6x128x128xf32, #tpu.memory_space<vmem>>, vector<16xf32>,
        %get3A_837 = arith.index_cast %select_n3A_123 : i32 to index
        %get3A_838 = arith.index_cast %add3A_824 : i32 to index
        %get3A_839 = arith.constant 48 : index
        %get3A_840 = tpu.vector_load %arg9[%get3A_837, %get3A_838, %get3A_839] {strides = array<i32>} : memref<6x128x128xf32, #tpu.memory_space<vmem>>, vector<16xf32>,
        %get3A_841 = arith.index_cast %select_n3A_123 : i32 to index
        %get3A_842 = arith.index_cast %add3A_824 : i32 to index
        %get3A_843 = arith.constant 64 : index
        %get3A_844 = tpu.vector_load %arg9[%get3A_841, %get3A_842, %get3A_843] {strides = array<i32>} : memref<6x128x128xf32, #tpu.memory_space<vmem>>, vector<16xf32>,
        %get3A_845 = arith.index_cast %select_n3A_123 : i32 to index
        %get3A_846 = arith.index_cast %add3A_824 : i32 to index
        %get3A_847 = arith.constant 80 : index
        %get3A_848 = tpu.vector_load %arg9[%get3A_845, %get3A_846, %get3A_847] {strides = array<i32>} : memref<6x128x128xf32, #tpu.memory_space<vmem>>, vector<16xf32>,
        %get3A_849 = arith.index_cast %select_n3A_123 : i32 to index
        %get3A_850 = arith.index_cast %add3A_824 : i32 to index
        %get3A_851 = arith.constant 96 : index
        %get3A_852 = tpu.vector_load %arg9[%get3A_849, %get3A_850, %get3A_851] {strides = array<i32>} : memref<6x128x128xf32, #tpu.memory_space<vmem>>, vector<16xf32>,
        %get3A_853 = arith.index_cast %select_n3A_123 : i32 to index
        %get3A_854 = arith.index_cast %add3A_824 : i32 to index
        %get3A_855 = arith.constant 112 : index
        %get3A_856 = tpu.vector_load %arg9[%get3A_853, %get3A_854, %get3A_855] {strides = array<i32>} : memref<6x128x128xf32, #tpu.memory_space<vmem>>, vector<16xf32>,
        %mul3A_857 = arith.mulf %get3A_828, %get3A_828 : vector<16xf32>
        %mul3A_858 = arith.mulf %get3A_832, %get3A_832 : vector<16xf32>
        %mul3A_859 = arith.mulf %get3A_836, %get3A_836 : vector<16xf32>
        %mul3A_860 = arith.mulf %get3A_840, %get3A_840 : vector<16xf32>
        %mul3A_861 = arith.mulf %get3A_844, %get3A_844 : vector<16xf32>
        %mul3A_862 = arith.mulf %get3A_848, %get3A_848 : vector<16xf32>
        %mul3A_863 = arith.mulf %get3A_852, %get3A_852 : vector<16xf32>
        %mul3A_864 = arith.mulf %get3A_856, %get3A_856 : vector<16xf32>
        %add3A_865 = arith.addf %get3A_828, %get3A_832 : vector<16xf32>
        %add3A_866 = arith.addf %get3A_836, %get3A_840 : vector<16xf32>
        %add3A_867 = arith.addf %get3A_844, %get3A_848 : vector<16xf32>
        %add3A_868 = arith.addf %get3A_852, %get3A_856 : vector<16xf32>
        %add3A_869 = arith.addf %mul3A_857, %mul3A_858 : vector<16xf32>
        %add3A_870 = arith.addf %mul3A_859, %mul3A_860 : vector<16xf32>
        %add3A_871 = arith.addf %mul3A_861, %mul3A_862 : vector<16xf32>
        %add3A_872 = arith.addf %mul3A_863, %mul3A_864 : vector<16xf32>
        %add3A_873 = arith.addf %add3A_865, %add3A_866 : vector<16xf32>
        %add3A_874 = arith.addf %add3A_867, %add3A_868 : vector<16xf32>
        %add3A_875 = arith.addf %add3A_869, %add3A_870 : vector<16xf32>
        %add3A_876 = arith.addf %add3A_871, %add3A_872 : vector<16xf32>
        %add3A_877 = arith.addf %add3A_873, %add3A_874 : vector<16xf32>
        %add3A_878 = arith.addf %add3A_875, %add3A_876 : vector<16xf32>
        %reduce_sum3A_879 = arith.constant true
        %reduce_sum3A_880 = vector.broadcast %reduce_sum3A_879 : i1 to vector<16xi1>
        %reduce_sum3A_881 = tpu.scan <sum>, %add3A_877 masked %reduce_sum3A_880 : vector<16xf32>, vector<16xi1> -> vector<16xf32>
        %reduce_sum3A_882 = vector.extract %reduce_sum3A_881[15] : f32 from vector<16xf32>
        %reduce_sum3A_883 = arith.constant true
        %reduce_sum3A_884 = vector.broadcast %reduce_sum3A_883 : i1 to vector<16xi1>
        %reduce_sum3A_885 = tpu.scan <sum>, %add3A_878 masked %reduce_sum3A_884 : vector<16xf32>, vector<16xi1> -> vector<16xf32>
        %reduce_sum3A_886 = vector.extract %reduce_sum3A_885[15] : f32 from vector<16xf32>
        %mul3A_887 = arith.constant 7.812500e-03 : f32
        %mul3A_888 = arith.mulf %reduce_sum3A_882, %mul3A_887 : f32
        %mul3A_889 = arith.constant 7.812500e-03 : f32
        %mul3A_890 = arith.mulf %reduce_sum3A_886, %mul3A_889 : f32
        %mul3A_891 = arith.mulf %mul3A_888, %mul3A_888 : f32
        %sub3A_892 = arith.subf %mul3A_890, %mul3A_891 : f32
        %max3A_893 = arith.constant 0.000000e+00 : f32
        %max3A_894 = arith.maximumf %sub3A_892, %max3A_893 : f32
        %add3A_895 = arith.constant 9.99999996E-13 : f32
        %add3A_896 = arith.addf %max3A_894, %add3A_895 : f32
        %bitcast_convert_type3A_897 = arith.bitcast %add3A_896 : f32 to i32
        %shift_right_arithmetic3A_898 = arith.constant 1 : i32
        %shift_right_arithmetic3A_899 = arith.shrsi %bitcast_convert_type3A_897, %shift_right_arithmetic3A_898 : i32
        %sub3A_900 = arith.constant 1597463007 : i32
        %sub3A_901 = arith.subi %sub3A_900, %shift_right_arithmetic3A_899 : i32
        %bitcast_convert_type3A_902 = arith.bitcast %sub3A_901 : i32 to f32
        %mul3A_903 = arith.constant 5.000000e-01 : f32
        %mul3A_904 = arith.mulf %mul3A_903, %add3A_896 : f32
        %mul3A_905 = arith.mulf %mul3A_904, %bitcast_convert_type3A_902 : f32
        %mul3A_906 = arith.mulf %mul3A_905, %bitcast_convert_type3A_902 : f32
        %sub3A_907 = arith.constant 1.500000e+00 : f32
        %sub3A_908 = arith.subf %sub3A_907, %mul3A_906 : f32
        %mul3A_909 = arith.mulf %bitcast_convert_type3A_902, %sub3A_908 : f32
        %mul3A_910 = arith.constant 5.000000e-01 : f32
        %mul3A_911 = arith.mulf %mul3A_910, %add3A_896 : f32
        %mul3A_912 = arith.mulf %mul3A_911, %mul3A_909 : f32
        %mul3A_913 = arith.mulf %mul3A_912, %mul3A_909 : f32
        %sub3A_914 = arith.constant 1.500000e+00 : f32
        %sub3A_915 = arith.subf %sub3A_914, %mul3A_913 : f32
        %mul3A_916 = arith.mulf %mul3A_909, %sub3A_915 : f32
        %mul3A_917 = arith.constant 5.000000e-01 : f32
        %mul3A_918 = arith.mulf %mul3A_917, %add3A_896 : f32
        %mul3A_919 = arith.mulf %mul3A_918, %mul3A_916 : f32
        %mul3A_920 = arith.mulf %mul3A_919, %mul3A_916 : f32
        %sub3A_921 = arith.constant 1.500000e+00 : f32
        %sub3A_922 = arith.subf %sub3A_921, %mul3A_920 : f32
        %mul3A_923 = arith.mulf %mul3A_916, %sub3A_922 : f32
        %mul3A_924 = arith.constant 16 : i32
        %mul3A_925 = arith.muli %scan3A_208, %mul3A_924 : i32
        %add3A_926 = arith.constant 7 : i32
        %add3A_927 = arith.addi %mul3A_925, %add3A_926 : i32
        %get3A_928 = arith.index_cast %select_n3A_123 : i32 to index
        %get3A_929 = arith.index_cast %add3A_927 : i32 to index
        %get3A_930 = arith.constant 0 : index
        %get3A_931 = tpu.vector_load %arg9[%get3A_928, %get3A_929, %get3A_930] {strides = array<i32>} : memref<6x128x128xf32, #tpu.memory_space<vmem>>, vector<16xf32>,
        %get3A_932 = arith.index_cast %select_n3A_123 : i32 to index
        %get3A_933 = arith.index_cast %add3A_927 : i32 to index
        %get3A_934 = arith.constant 16 : index
        %get3A_935 = tpu.vector_load %arg9[%get3A_932, %get3A_933, %get3A_934] {strides = array<i32>} : memref<6x128x128xf32, #tpu.memory_space<vmem>>, vector<16xf32>,
        %get3A_936 = arith.index_cast %select_n3A_123 : i32 to index
        %get3A_937 = arith.index_cast %add3A_927 : i32 to index
        %get3A_938 = arith.constant 32 : index
        %get3A_939 = tpu.vector_load %arg9[%get3A_936, %get3A_937, %get3A_938] {strides = array<i32>} : memref<6x128x128xf32, #tpu.memory_space<vmem>>, vector<16xf32>,
        %get3A_940 = arith.index_cast %select_n3A_123 : i32 to index
        %get3A_941 = arith.index_cast %add3A_927 : i32 to index
        %get3A_942 = arith.constant 48 : index
        %get3A_943 = tpu.vector_load %arg9[%get3A_940, %get3A_941, %get3A_942] {strides = array<i32>} : memref<6x128x128xf32, #tpu.memory_space<vmem>>, vector<16xf32>,
        %get3A_944 = arith.index_cast %select_n3A_123 : i32 to index
        %get3A_945 = arith.index_cast %add3A_927 : i32 to index
        %get3A_946 = arith.constant 64 : index
        %get3A_947 = tpu.vector_load %arg9[%get3A_944, %get3A_945, %get3A_946] {strides = array<i32>} : memref<6x128x128xf32, #tpu.memory_space<vmem>>, vector<16xf32>,
        %get3A_948 = arith.index_cast %select_n3A_123 : i32 to index
        %get3A_949 = arith.index_cast %add3A_927 : i32 to index
        %get3A_950 = arith.constant 80 : index
        %get3A_951 = tpu.vector_load %arg9[%get3A_948, %get3A_949, %get3A_950] {strides = array<i32>} : memref<6x128x128xf32, #tpu.memory_space<vmem>>, vector<16xf32>,
        %get3A_952 = arith.index_cast %select_n3A_123 : i32 to index
        %get3A_953 = arith.index_cast %add3A_927 : i32 to index
        %get3A_954 = arith.constant 96 : index
        %get3A_955 = tpu.vector_load %arg9[%get3A_952, %get3A_953, %get3A_954] {strides = array<i32>} : memref<6x128x128xf32, #tpu.memory_space<vmem>>, vector<16xf32>,
        %get3A_956 = arith.index_cast %select_n3A_123 : i32 to index
        %get3A_957 = arith.index_cast %add3A_927 : i32 to index
        %get3A_958 = arith.constant 112 : index
        %get3A_959 = tpu.vector_load %arg9[%get3A_956, %get3A_957, %get3A_958] {strides = array<i32>} : memref<6x128x128xf32, #tpu.memory_space<vmem>>, vector<16xf32>,
        %mul3A_960 = arith.mulf %get3A_931, %get3A_931 : vector<16xf32>
        %mul3A_961 = arith.mulf %get3A_935, %get3A_935 : vector<16xf32>
        %mul3A_962 = arith.mulf %get3A_939, %get3A_939 : vector<16xf32>
        %mul3A_963 = arith.mulf %get3A_943, %get3A_943 : vector<16xf32>
        %mul3A_964 = arith.mulf %get3A_947, %get3A_947 : vector<16xf32>
        %mul3A_965 = arith.mulf %get3A_951, %get3A_951 : vector<16xf32>
        %mul3A_966 = arith.mulf %get3A_955, %get3A_955 : vector<16xf32>
        %mul3A_967 = arith.mulf %get3A_959, %get3A_959 : vector<16xf32>
        %add3A_968 = arith.addf %get3A_931, %get3A_935 : vector<16xf32>
        %add3A_969 = arith.addf %get3A_939, %get3A_943 : vector<16xf32>
        %add3A_970 = arith.addf %get3A_947, %get3A_951 : vector<16xf32>
        %add3A_971 = arith.addf %get3A_955, %get3A_959 : vector<16xf32>
        %add3A_972 = arith.addf %mul3A_960, %mul3A_961 : vector<16xf32>
        %add3A_973 = arith.addf %mul3A_962, %mul3A_963 : vector<16xf32>
        %add3A_974 = arith.addf %mul3A_964, %mul3A_965 : vector<16xf32>
        %add3A_975 = arith.addf %mul3A_966, %mul3A_967 : vector<16xf32>
        %add3A_976 = arith.addf %add3A_968, %add3A_969 : vector<16xf32>
        %add3A_977 = arith.addf %add3A_970, %add3A_971 : vector<16xf32>
        %add3A_978 = arith.addf %add3A_972, %add3A_973 : vector<16xf32>
        %add3A_979 = arith.addf %add3A_974, %add3A_975 : vector<16xf32>
        %add3A_980 = arith.addf %add3A_976, %add3A_977 : vector<16xf32>
        %add3A_981 = arith.addf %add3A_978, %add3A_979 : vector<16xf32>
        %reduce_sum3A_982 = arith.constant true
        %reduce_sum3A_983 = vector.broadcast %reduce_sum3A_982 : i1 to vector<16xi1>
        %reduce_sum3A_984 = tpu.scan <sum>, %add3A_980 masked %reduce_sum3A_983 : vector<16xf32>, vector<16xi1> -> vector<16xf32>
        %reduce_sum3A_985 = vector.extract %reduce_sum3A_984[15] : f32 from vector<16xf32>
        %reduce_sum3A_986 = arith.constant true
        %reduce_sum3A_987 = vector.broadcast %reduce_sum3A_986 : i1 to vector<16xi1>
        %reduce_sum3A_988 = tpu.scan <sum>, %add3A_981 masked %reduce_sum3A_987 : vector<16xf32>, vector<16xi1> -> vector<16xf32>
        %reduce_sum3A_989 = vector.extract %reduce_sum3A_988[15] : f32 from vector<16xf32>
        %mul3A_990 = arith.constant 7.812500e-03 : f32
        %mul3A_991 = arith.mulf %reduce_sum3A_985, %mul3A_990 : f32
        %mul3A_992 = arith.constant 7.812500e-03 : f32
        %mul3A_993 = arith.mulf %reduce_sum3A_989, %mul3A_992 : f32
        %mul3A_994 = arith.mulf %mul3A_991, %mul3A_991 : f32
        %sub3A_995 = arith.subf %mul3A_993, %mul3A_994 : f32
        %max3A_996 = arith.constant 0.000000e+00 : f32
        %max3A_997 = arith.maximumf %sub3A_995, %max3A_996 : f32
        %add3A_998 = arith.constant 9.99999996E-13 : f32
        %add3A_999 = arith.addf %max3A_997, %add3A_998 : f32
        %bitcast_convert_type3A_1000 = arith.bitcast %add3A_999 : f32 to i32
        %shift_right_arithmetic3A_1001 = arith.constant 1 : i32
        %shift_right_arithmetic3A_1002 = arith.shrsi %bitcast_convert_type3A_1000, %shift_right_arithmetic3A_1001 : i32
        %sub3A_1003 = arith.constant 1597463007 : i32
        %sub3A_1004 = arith.subi %sub3A_1003, %shift_right_arithmetic3A_1002 : i32
        %bitcast_convert_type3A_1005 = arith.bitcast %sub3A_1004 : i32 to f32
        %mul3A_1006 = arith.constant 5.000000e-01 : f32
        %mul3A_1007 = arith.mulf %mul3A_1006, %add3A_999 : f32
        %mul3A_1008 = arith.mulf %mul3A_1007, %bitcast_convert_type3A_1005 : f32
        %mul3A_1009 = arith.mulf %mul3A_1008, %bitcast_convert_type3A_1005 : f32
        %sub3A_1010 = arith.constant 1.500000e+00 : f32
        %sub3A_1011 = arith.subf %sub3A_1010, %mul3A_1009 : f32
        %mul3A_1012 = arith.mulf %bitcast_convert_type3A_1005, %sub3A_1011 : f32
        %mul3A_1013 = arith.constant 5.000000e-01 : f32
        %mul3A_1014 = arith.mulf %mul3A_1013, %add3A_999 : f32
        %mul3A_1015 = arith.mulf %mul3A_1014, %mul3A_1012 : f32
        %mul3A_1016 = arith.mulf %mul3A_1015, %mul3A_1012 : f32
        %sub3A_1017 = arith.constant 1.500000e+00 : f32
        %sub3A_1018 = arith.subf %sub3A_1017, %mul3A_1016 : f32
        %mul3A_1019 = arith.mulf %mul3A_1012, %sub3A_1018 : f32
        %mul3A_1020 = arith.constant 5.000000e-01 : f32
        %mul3A_1021 = arith.mulf %mul3A_1020, %add3A_999 : f32
        %mul3A_1022 = arith.mulf %mul3A_1021, %mul3A_1019 : f32
        %mul3A_1023 = arith.mulf %mul3A_1022, %mul3A_1019 : f32
        %sub3A_1024 = arith.constant 1.500000e+00 : f32
        %sub3A_1025 = arith.subf %sub3A_1024, %mul3A_1023 : f32
        %mul3A_1026 = arith.mulf %mul3A_1019, %sub3A_1025 : f32
        %mul3A_1027 = arith.constant 16 : i32
        %mul3A_1028 = arith.muli %scan3A_208, %mul3A_1027 : i32
        %add3A_1029 = arith.constant 8 : i32
        %add3A_1030 = arith.addi %mul3A_1028, %add3A_1029 : i32
        %get3A_1031 = arith.index_cast %select_n3A_123 : i32 to index
        %get3A_1032 = arith.index_cast %add3A_1030 : i32 to index
        %get3A_1033 = arith.constant 0 : index
        %get3A_1034 = tpu.vector_load %arg9[%get3A_1031, %get3A_1032, %get3A_1033] {strides = array<i32>} : memref<6x128x128xf32, #tpu.memory_space<vmem>>, vector<16xf32>,
        %get3A_1035 = arith.index_cast %select_n3A_123 : i32 to index
        %get3A_1036 = arith.index_cast %add3A_1030 : i32 to index
        %get3A_1037 = arith.constant 16 : index
        %get3A_1038 = tpu.vector_load %arg9[%get3A_1035, %get3A_1036, %get3A_1037] {strides = array<i32>} : memref<6x128x128xf32, #tpu.memory_space<vmem>>, vector<16xf32>,
        %get3A_1039 = arith.index_cast %select_n3A_123 : i32 to index
        %get3A_1040 = arith.index_cast %add3A_1030 : i32 to index
        %get3A_1041 = arith.constant 32 : index
        %get3A_1042 = tpu.vector_load %arg9[%get3A_1039, %get3A_1040, %get3A_1041] {strides = array<i32>} : memref<6x128x128xf32, #tpu.memory_space<vmem>>, vector<16xf32>,
        %get3A_1043 = arith.index_cast %select_n3A_123 : i32 to index
        %get3A_1044 = arith.index_cast %add3A_1030 : i32 to index
        %get3A_1045 = arith.constant 48 : index
        %get3A_1046 = tpu.vector_load %arg9[%get3A_1043, %get3A_1044, %get3A_1045] {strides = array<i32>} : memref<6x128x128xf32, #tpu.memory_space<vmem>>, vector<16xf32>,
        %get3A_1047 = arith.index_cast %select_n3A_123 : i32 to index
        %get3A_1048 = arith.index_cast %add3A_1030 : i32 to index
        %get3A_1049 = arith.constant 64 : index
        %get3A_1050 = tpu.vector_load %arg9[%get3A_1047, %get3A_1048, %get3A_1049] {strides = array<i32>} : memref<6x128x128xf32, #tpu.memory_space<vmem>>, vector<16xf32>,
        %get3A_1051 = arith.index_cast %select_n3A_123 : i32 to index
        %get3A_1052 = arith.index_cast %add3A_1030 : i32 to index
        %get3A_1053 = arith.constant 80 : index
        %get3A_1054 = tpu.vector_load %arg9[%get3A_1051, %get3A_1052, %get3A_1053] {strides = array<i32>} : memref<6x128x128xf32, #tpu.memory_space<vmem>>, vector<16xf32>,
        %get3A_1055 = arith.index_cast %select_n3A_123 : i32 to index
        %get3A_1056 = arith.index_cast %add3A_1030 : i32 to index
        %get3A_1057 = arith.constant 96 : index
        %get3A_1058 = tpu.vector_load %arg9[%get3A_1055, %get3A_1056, %get3A_1057] {strides = array<i32>} : memref<6x128x128xf32, #tpu.memory_space<vmem>>, vector<16xf32>,
        %get3A_1059 = arith.index_cast %select_n3A_123 : i32 to index
        %get3A_1060 = arith.index_cast %add3A_1030 : i32 to index
        %get3A_1061 = arith.constant 112 : index
        %get3A_1062 = tpu.vector_load %arg9[%get3A_1059, %get3A_1060, %get3A_1061] {strides = array<i32>} : memref<6x128x128xf32, #tpu.memory_space<vmem>>, vector<16xf32>,
        %mul3A_1063 = arith.mulf %get3A_1034, %get3A_1034 : vector<16xf32>
        %mul3A_1064 = arith.mulf %get3A_1038, %get3A_1038 : vector<16xf32>
        %mul3A_1065 = arith.mulf %get3A_1042, %get3A_1042 : vector<16xf32>
        %mul3A_1066 = arith.mulf %get3A_1046, %get3A_1046 : vector<16xf32>
        %mul3A_1067 = arith.mulf %get3A_1050, %get3A_1050 : vector<16xf32>
        %mul3A_1068 = arith.mulf %get3A_1054, %get3A_1054 : vector<16xf32>
        %mul3A_1069 = arith.mulf %get3A_1058, %get3A_1058 : vector<16xf32>
        %mul3A_1070 = arith.mulf %get3A_1062, %get3A_1062 : vector<16xf32>
        %add3A_1071 = arith.addf %get3A_1034, %get3A_1038 : vector<16xf32>
        %add3A_1072 = arith.addf %get3A_1042, %get3A_1046 : vector<16xf32>
        %add3A_1073 = arith.addf %get3A_1050, %get3A_1054 : vector<16xf32>
        %add3A_1074 = arith.addf %get3A_1058, %get3A_1062 : vector<16xf32>
        %add3A_1075 = arith.addf %mul3A_1063, %mul3A_1064 : vector<16xf32>
        %add3A_1076 = arith.addf %mul3A_1065, %mul3A_1066 : vector<16xf32>
        %add3A_1077 = arith.addf %mul3A_1067, %mul3A_1068 : vector<16xf32>
        %add3A_1078 = arith.addf %mul3A_1069, %mul3A_1070 : vector<16xf32>
        %add3A_1079 = arith.addf %add3A_1071, %add3A_1072 : vector<16xf32>
        %add3A_1080 = arith.addf %add3A_1073, %add3A_1074 : vector<16xf32>
        %add3A_1081 = arith.addf %add3A_1075, %add3A_1076 : vector<16xf32>
        %add3A_1082 = arith.addf %add3A_1077, %add3A_1078 : vector<16xf32>
        %add3A_1083 = arith.addf %add3A_1079, %add3A_1080 : vector<16xf32>
        %add3A_1084 = arith.addf %add3A_1081, %add3A_1082 : vector<16xf32>
        %reduce_sum3A_1085 = arith.constant true
        %reduce_sum3A_1086 = vector.broadcast %reduce_sum3A_1085 : i1 to vector<16xi1>
        %reduce_sum3A_1087 = tpu.scan <sum>, %add3A_1083 masked %reduce_sum3A_1086 : vector<16xf32>, vector<16xi1> -> vector<16xf32>
        %reduce_sum3A_1088 = vector.extract %reduce_sum3A_1087[15] : f32 from vector<16xf32>
        %reduce_sum3A_1089 = arith.constant true
        %reduce_sum3A_1090 = vector.broadcast %reduce_sum3A_1089 : i1 to vector<16xi1>
        %reduce_sum3A_1091 = tpu.scan <sum>, %add3A_1084 masked %reduce_sum3A_1090 : vector<16xf32>, vector<16xi1> -> vector<16xf32>
        %reduce_sum3A_1092 = vector.extract %reduce_sum3A_1091[15] : f32 from vector<16xf32>
        %mul3A_1093 = arith.constant 7.812500e-03 : f32
        %mul3A_1094 = arith.mulf %reduce_sum3A_1088, %mul3A_1093 : f32
        %mul3A_1095 = arith.constant 7.812500e-03 : f32
        %mul3A_1096 = arith.mulf %reduce_sum3A_1092, %mul3A_1095 : f32
        %mul3A_1097 = arith.mulf %mul3A_1094, %mul3A_1094 : f32
        %sub3A_1098 = arith.subf %mul3A_1096, %mul3A_1097 : f32
        %max3A_1099 = arith.constant 0.000000e+00 : f32
        %max3A_1100 = arith.maximumf %sub3A_1098, %max3A_1099 : f32
        %add3A_1101 = arith.constant 9.99999996E-13 : f32
        %add3A_1102 = arith.addf %max3A_1100, %add3A_1101 : f32
        %bitcast_convert_type3A_1103 = arith.bitcast %add3A_1102 : f32 to i32
        %shift_right_arithmetic3A_1104 = arith.constant 1 : i32
        %shift_right_arithmetic3A_1105 = arith.shrsi %bitcast_convert_type3A_1103, %shift_right_arithmetic3A_1104 : i32
        %sub3A_1106 = arith.constant 1597463007 : i32
        %sub3A_1107 = arith.subi %sub3A_1106, %shift_right_arithmetic3A_1105 : i32
        %bitcast_convert_type3A_1108 = arith.bitcast %sub3A_1107 : i32 to f32
        %mul3A_1109 = arith.constant 5.000000e-01 : f32
        %mul3A_1110 = arith.mulf %mul3A_1109, %add3A_1102 : f32
        %mul3A_1111 = arith.mulf %mul3A_1110, %bitcast_convert_type3A_1108 : f32
        %mul3A_1112 = arith.mulf %mul3A_1111, %bitcast_convert_type3A_1108 : f32
        %sub3A_1113 = arith.constant 1.500000e+00 : f32
        %sub3A_1114 = arith.subf %sub3A_1113, %mul3A_1112 : f32
        %mul3A_1115 = arith.mulf %bitcast_convert_type3A_1108, %sub3A_1114 : f32
        %mul3A_1116 = arith.constant 5.000000e-01 : f32
        %mul3A_1117 = arith.mulf %mul3A_1116, %add3A_1102 : f32
        %mul3A_1118 = arith.mulf %mul3A_1117, %mul3A_1115 : f32
        %mul3A_1119 = arith.mulf %mul3A_1118, %mul3A_1115 : f32
        %sub3A_1120 = arith.constant 1.500000e+00 : f32
        %sub3A_1121 = arith.subf %sub3A_1120, %mul3A_1119 : f32
        %mul3A_1122 = arith.mulf %mul3A_1115, %sub3A_1121 : f32
        %mul3A_1123 = arith.constant 5.000000e-01 : f32
        %mul3A_1124 = arith.mulf %mul3A_1123, %add3A_1102 : f32
        %mul3A_1125 = arith.mulf %mul3A_1124, %mul3A_1122 : f32
        %mul3A_1126 = arith.mulf %mul3A_1125, %mul3A_1122 : f32
        %sub3A_1127 = arith.constant 1.500000e+00 : f32
        %sub3A_1128 = arith.subf %sub3A_1127, %mul3A_1126 : f32
        %mul3A_1129 = arith.mulf %mul3A_1122, %sub3A_1128 : f32
        %mul3A_1130 = arith.constant 16 : i32
        %mul3A_1131 = arith.muli %scan3A_208, %mul3A_1130 : i32
        %add3A_1132 = arith.constant 9 : i32
        %add3A_1133 = arith.addi %mul3A_1131, %add3A_1132 : i32
        %get3A_1134 = arith.index_cast %select_n3A_123 : i32 to index
        %get3A_1135 = arith.index_cast %add3A_1133 : i32 to index
        %get3A_1136 = arith.constant 0 : index
        %get3A_1137 = tpu.vector_load %arg9[%get3A_1134, %get3A_1135, %get3A_1136] {strides = array<i32>} : memref<6x128x128xf32, #tpu.memory_space<vmem>>, vector<16xf32>,
        %get3A_1138 = arith.index_cast %select_n3A_123 : i32 to index
        %get3A_1139 = arith.index_cast %add3A_1133 : i32 to index
        %get3A_1140 = arith.constant 16 : index
        %get3A_1141 = tpu.vector_load %arg9[%get3A_1138, %get3A_1139, %get3A_1140] {strides = array<i32>} : memref<6x128x128xf32, #tpu.memory_space<vmem>>, vector<16xf32>,
        %get3A_1142 = arith.index_cast %select_n3A_123 : i32 to index
        %get3A_1143 = arith.index_cast %add3A_1133 : i32 to index
        %get3A_1144 = arith.constant 32 : index
        %get3A_1145 = tpu.vector_load %arg9[%get3A_1142, %get3A_1143, %get3A_1144] {strides = array<i32>} : memref<6x128x128xf32, #tpu.memory_space<vmem>>, vector<16xf32>,
        %get3A_1146 = arith.index_cast %select_n3A_123 : i32 to index
        %get3A_1147 = arith.index_cast %add3A_1133 : i32 to index
        %get3A_1148 = arith.constant 48 : index
        %get3A_1149 = tpu.vector_load %arg9[%get3A_1146, %get3A_1147, %get3A_1148] {strides = array<i32>} : memref<6x128x128xf32, #tpu.memory_space<vmem>>, vector<16xf32>,
        %get3A_1150 = arith.index_cast %select_n3A_123 : i32 to index
        %get3A_1151 = arith.index_cast %add3A_1133 : i32 to index
        %get3A_1152 = arith.constant 64 : index
        %get3A_1153 = tpu.vector_load %arg9[%get3A_1150, %get3A_1151, %get3A_1152] {strides = array<i32>} : memref<6x128x128xf32, #tpu.memory_space<vmem>>, vector<16xf32>,
        %get3A_1154 = arith.index_cast %select_n3A_123 : i32 to index
        %get3A_1155 = arith.index_cast %add3A_1133 : i32 to index
        %get3A_1156 = arith.constant 80 : index
        %get3A_1157 = tpu.vector_load %arg9[%get3A_1154, %get3A_1155, %get3A_1156] {strides = array<i32>} : memref<6x128x128xf32, #tpu.memory_space<vmem>>, vector<16xf32>,
        %get3A_1158 = arith.index_cast %select_n3A_123 : i32 to index
        %get3A_1159 = arith.index_cast %add3A_1133 : i32 to index
        %get3A_1160 = arith.constant 96 : index
        %get3A_1161 = tpu.vector_load %arg9[%get3A_1158, %get3A_1159, %get3A_1160] {strides = array<i32>} : memref<6x128x128xf32, #tpu.memory_space<vmem>>, vector<16xf32>,
        %get3A_1162 = arith.index_cast %select_n3A_123 : i32 to index
        %get3A_1163 = arith.index_cast %add3A_1133 : i32 to index
        %get3A_1164 = arith.constant 112 : index
        %get3A_1165 = tpu.vector_load %arg9[%get3A_1162, %get3A_1163, %get3A_1164] {strides = array<i32>} : memref<6x128x128xf32, #tpu.memory_space<vmem>>, vector<16xf32>,
        %mul3A_1166 = arith.mulf %get3A_1137, %get3A_1137 : vector<16xf32>
        %mul3A_1167 = arith.mulf %get3A_1141, %get3A_1141 : vector<16xf32>
        %mul3A_1168 = arith.mulf %get3A_1145, %get3A_1145 : vector<16xf32>
        %mul3A_1169 = arith.mulf %get3A_1149, %get3A_1149 : vector<16xf32>
        %mul3A_1170 = arith.mulf %get3A_1153, %get3A_1153 : vector<16xf32>
        %mul3A_1171 = arith.mulf %get3A_1157, %get3A_1157 : vector<16xf32>
        %mul3A_1172 = arith.mulf %get3A_1161, %get3A_1161 : vector<16xf32>
        %mul3A_1173 = arith.mulf %get3A_1165, %get3A_1165 : vector<16xf32>
        %add3A_1174 = arith.addf %get3A_1137, %get3A_1141 : vector<16xf32>
        %add3A_1175 = arith.addf %get3A_1145, %get3A_1149 : vector<16xf32>
        %add3A_1176 = arith.addf %get3A_1153, %get3A_1157 : vector<16xf32>
        %add3A_1177 = arith.addf %get3A_1161, %get3A_1165 : vector<16xf32>
        %add3A_1178 = arith.addf %mul3A_1166, %mul3A_1167 : vector<16xf32>
        %add3A_1179 = arith.addf %mul3A_1168, %mul3A_1169 : vector<16xf32>
        %add3A_1180 = arith.addf %mul3A_1170, %mul3A_1171 : vector<16xf32>
        %add3A_1181 = arith.addf %mul3A_1172, %mul3A_1173 : vector<16xf32>
        %add3A_1182 = arith.addf %add3A_1174, %add3A_1175 : vector<16xf32>
        %add3A_1183 = arith.addf %add3A_1176, %add3A_1177 : vector<16xf32>
        %add3A_1184 = arith.addf %add3A_1178, %add3A_1179 : vector<16xf32>
        %add3A_1185 = arith.addf %add3A_1180, %add3A_1181 : vector<16xf32>
        %add3A_1186 = arith.addf %add3A_1182, %add3A_1183 : vector<16xf32>
        %add3A_1187 = arith.addf %add3A_1184, %add3A_1185 : vector<16xf32>
        %reduce_sum3A_1188 = arith.constant true
        %reduce_sum3A_1189 = vector.broadcast %reduce_sum3A_1188 : i1 to vector<16xi1>
        %reduce_sum3A_1190 = tpu.scan <sum>, %add3A_1186 masked %reduce_sum3A_1189 : vector<16xf32>, vector<16xi1> -> vector<16xf32>
        %reduce_sum3A_1191 = vector.extract %reduce_sum3A_1190[15] : f32 from vector<16xf32>
        %reduce_sum3A_1192 = arith.constant true
        %reduce_sum3A_1193 = vector.broadcast %reduce_sum3A_1192 : i1 to vector<16xi1>
        %reduce_sum3A_1194 = tpu.scan <sum>, %add3A_1187 masked %reduce_sum3A_1193 : vector<16xf32>, vector<16xi1> -> vector<16xf32>
        %reduce_sum3A_1195 = vector.extract %reduce_sum3A_1194[15] : f32 from vector<16xf32>
        %mul3A_1196 = arith.constant 7.812500e-03 : f32
        %mul3A_1197 = arith.mulf %reduce_sum3A_1191, %mul3A_1196 : f32
        %mul3A_1198 = arith.constant 7.812500e-03 : f32
        %mul3A_1199 = arith.mulf %reduce_sum3A_1195, %mul3A_1198 : f32
        %mul3A_1200 = arith.mulf %mul3A_1197, %mul3A_1197 : f32
        %sub3A_1201 = arith.subf %mul3A_1199, %mul3A_1200 : f32
        %max3A_1202 = arith.constant 0.000000e+00 : f32
        %max3A_1203 = arith.maximumf %sub3A_1201, %max3A_1202 : f32
        %add3A_1204 = arith.constant 9.99999996E-13 : f32
        %add3A_1205 = arith.addf %max3A_1203, %add3A_1204 : f32
        %bitcast_convert_type3A_1206 = arith.bitcast %add3A_1205 : f32 to i32
        %shift_right_arithmetic3A_1207 = arith.constant 1 : i32
        %shift_right_arithmetic3A_1208 = arith.shrsi %bitcast_convert_type3A_1206, %shift_right_arithmetic3A_1207 : i32
        %sub3A_1209 = arith.constant 1597463007 : i32
        %sub3A_1210 = arith.subi %sub3A_1209, %shift_right_arithmetic3A_1208 : i32
        %bitcast_convert_type3A_1211 = arith.bitcast %sub3A_1210 : i32 to f32
        %mul3A_1212 = arith.constant 5.000000e-01 : f32
        %mul3A_1213 = arith.mulf %mul3A_1212, %add3A_1205 : f32
        %mul3A_1214 = arith.mulf %mul3A_1213, %bitcast_convert_type3A_1211 : f32
        %mul3A_1215 = arith.mulf %mul3A_1214, %bitcast_convert_type3A_1211 : f32
        %sub3A_1216 = arith.constant 1.500000e+00 : f32
        %sub3A_1217 = arith.subf %sub3A_1216, %mul3A_1215 : f32
        %mul3A_1218 = arith.mulf %bitcast_convert_type3A_1211, %sub3A_1217 : f32
        %mul3A_1219 = arith.constant 5.000000e-01 : f32
        %mul3A_1220 = arith.mulf %mul3A_1219, %add3A_1205 : f32
        %mul3A_1221 = arith.mulf %mul3A_1220, %mul3A_1218 : f32
        %mul3A_1222 = arith.mulf %mul3A_1221, %mul3A_1218 : f32
        %sub3A_1223 = arith.constant 1.500000e+00 : f32
        %sub3A_1224 = arith.subf %sub3A_1223, %mul3A_1222 : f32
        %mul3A_1225 = arith.mulf %mul3A_1218, %sub3A_1224 : f32
        %mul3A_1226 = arith.constant 5.000000e-01 : f32
        %mul3A_1227 = arith.mulf %mul3A_1226, %add3A_1205 : f32
        %mul3A_1228 = arith.mulf %mul3A_1227, %mul3A_1225 : f32
        %mul3A_1229 = arith.mulf %mul3A_1228, %mul3A_1225 : f32
        %sub3A_1230 = arith.constant 1.500000e+00 : f32
        %sub3A_1231 = arith.subf %sub3A_1230, %mul3A_1229 : f32
        %mul3A_1232 = arith.mulf %mul3A_1225, %sub3A_1231 : f32
        %mul3A_1233 = arith.constant 16 : i32
        %mul3A_1234 = arith.muli %scan3A_208, %mul3A_1233 : i32
        %add3A_1235 = arith.constant 10 : i32
        %add3A_1236 = arith.addi %mul3A_1234, %add3A_1235 : i32
        %get3A_1237 = arith.index_cast %select_n3A_123 : i32 to index
        %get3A_1238 = arith.index_cast %add3A_1236 : i32 to index
        %get3A_1239 = arith.constant 0 : index
        %get3A_1240 = tpu.vector_load %arg9[%get3A_1237, %get3A_1238, %get3A_1239] {strides = array<i32>} : memref<6x128x128xf32, #tpu.memory_space<vmem>>, vector<16xf32>,
        %get3A_1241 = arith.index_cast %select_n3A_123 : i32 to index
        %get3A_1242 = arith.index_cast %add3A_1236 : i32 to index
        %get3A_1243 = arith.constant 16 : index
        %get3A_1244 = tpu.vector_load %arg9[%get3A_1241, %get3A_1242, %get3A_1243] {strides = array<i32>} : memref<6x128x128xf32, #tpu.memory_space<vmem>>, vector<16xf32>,
        %get3A_1245 = arith.index_cast %select_n3A_123 : i32 to index
        %get3A_1246 = arith.index_cast %add3A_1236 : i32 to index
        %get3A_1247 = arith.constant 32 : index
        %get3A_1248 = tpu.vector_load %arg9[%get3A_1245, %get3A_1246, %get3A_1247] {strides = array<i32>} : memref<6x128x128xf32, #tpu.memory_space<vmem>>, vector<16xf32>,
        %get3A_1249 = arith.index_cast %select_n3A_123 : i32 to index
        %get3A_1250 = arith.index_cast %add3A_1236 : i32 to index
        %get3A_1251 = arith.constant 48 : index
        %get3A_1252 = tpu.vector_load %arg9[%get3A_1249, %get3A_1250, %get3A_1251] {strides = array<i32>} : memref<6x128x128xf32, #tpu.memory_space<vmem>>, vector<16xf32>,
        %get3A_1253 = arith.index_cast %select_n3A_123 : i32 to index
        %get3A_1254 = arith.index_cast %add3A_1236 : i32 to index
        %get3A_1255 = arith.constant 64 : index
        %get3A_1256 = tpu.vector_load %arg9[%get3A_1253, %get3A_1254, %get3A_1255] {strides = array<i32>} : memref<6x128x128xf32, #tpu.memory_space<vmem>>, vector<16xf32>,
        %get3A_1257 = arith.index_cast %select_n3A_123 : i32 to index
        %get3A_1258 = arith.index_cast %add3A_1236 : i32 to index
        %get3A_1259 = arith.constant 80 : index
        %get3A_1260 = tpu.vector_load %arg9[%get3A_1257, %get3A_1258, %get3A_1259] {strides = array<i32>} : memref<6x128x128xf32, #tpu.memory_space<vmem>>, vector<16xf32>,
        %get3A_1261 = arith.index_cast %select_n3A_123 : i32 to index
        %get3A_1262 = arith.index_cast %add3A_1236 : i32 to index
        %get3A_1263 = arith.constant 96 : index
        %get3A_1264 = tpu.vector_load %arg9[%get3A_1261, %get3A_1262, %get3A_1263] {strides = array<i32>} : memref<6x128x128xf32, #tpu.memory_space<vmem>>, vector<16xf32>,
        %get3A_1265 = arith.index_cast %select_n3A_123 : i32 to index
        %get3A_1266 = arith.index_cast %add3A_1236 : i32 to index
        %get3A_1267 = arith.constant 112 : index
        %get3A_1268 = tpu.vector_load %arg9[%get3A_1265, %get3A_1266, %get3A_1267] {strides = array<i32>} : memref<6x128x128xf32, #tpu.memory_space<vmem>>, vector<16xf32>,
        %mul3A_1269 = arith.mulf %get3A_1240, %get3A_1240 : vector<16xf32>
        %mul3A_1270 = arith.mulf %get3A_1244, %get3A_1244 : vector<16xf32>
        %mul3A_1271 = arith.mulf %get3A_1248, %get3A_1248 : vector<16xf32>
        %mul3A_1272 = arith.mulf %get3A_1252, %get3A_1252 : vector<16xf32>
        %mul3A_1273 = arith.mulf %get3A_1256, %get3A_1256 : vector<16xf32>
        %mul3A_1274 = arith.mulf %get3A_1260, %get3A_1260 : vector<16xf32>
        %mul3A_1275 = arith.mulf %get3A_1264, %get3A_1264 : vector<16xf32>
        %mul3A_1276 = arith.mulf %get3A_1268, %get3A_1268 : vector<16xf32>
        %add3A_1277 = arith.addf %get3A_1240, %get3A_1244 : vector<16xf32>
        %add3A_1278 = arith.addf %get3A_1248, %get3A_1252 : vector<16xf32>
        %add3A_1279 = arith.addf %get3A_1256, %get3A_1260 : vector<16xf32>
        %add3A_1280 = arith.addf %get3A_1264, %get3A_1268 : vector<16xf32>
        %add3A_1281 = arith.addf %mul3A_1269, %mul3A_1270 : vector<16xf32>
        %add3A_1282 = arith.addf %mul3A_1271, %mul3A_1272 : vector<16xf32>
        %add3A_1283 = arith.addf %mul3A_1273, %mul3A_1274 : vector<16xf32>
        %add3A_1284 = arith.addf %mul3A_1275, %mul3A_1276 : vector<16xf32>
        %add3A_1285 = arith.addf %add3A_1277, %add3A_1278 : vector<16xf32>
        %add3A_1286 = arith.addf %add3A_1279, %add3A_1280 : vector<16xf32>
        %add3A_1287 = arith.addf %add3A_1281, %add3A_1282 : vector<16xf32>
        %add3A_1288 = arith.addf %add3A_1283, %add3A_1284 : vector<16xf32>
        %add3A_1289 = arith.addf %add3A_1285, %add3A_1286 : vector<16xf32>
        %add3A_1290 = arith.addf %add3A_1287, %add3A_1288 : vector<16xf32>
        %reduce_sum3A_1291 = arith.constant true
        %reduce_sum3A_1292 = vector.broadcast %reduce_sum3A_1291 : i1 to vector<16xi1>
        %reduce_sum3A_1293 = tpu.scan <sum>, %add3A_1289 masked %reduce_sum3A_1292 : vector<16xf32>, vector<16xi1> -> vector<16xf32>
        %reduce_sum3A_1294 = vector.extract %reduce_sum3A_1293[15] : f32 from vector<16xf32>
        %reduce_sum3A_1295 = arith.constant true
        %reduce_sum3A_1296 = vector.broadcast %reduce_sum3A_1295 : i1 to vector<16xi1>
        %reduce_sum3A_1297 = tpu.scan <sum>, %add3A_1290 masked %reduce_sum3A_1296 : vector<16xf32>, vector<16xi1> -> vector<16xf32>
        %reduce_sum3A_1298 = vector.extract %reduce_sum3A_1297[15] : f32 from vector<16xf32>
        %mul3A_1299 = arith.constant 7.812500e-03 : f32
        %mul3A_1300 = arith.mulf %reduce_sum3A_1294, %mul3A_1299 : f32
        %mul3A_1301 = arith.constant 7.812500e-03 : f32
        %mul3A_1302 = arith.mulf %reduce_sum3A_1298, %mul3A_1301 : f32
        %mul3A_1303 = arith.mulf %mul3A_1300, %mul3A_1300 : f32
        %sub3A_1304 = arith.subf %mul3A_1302, %mul3A_1303 : f32
        %max3A_1305 = arith.constant 0.000000e+00 : f32
        %max3A_1306 = arith.maximumf %sub3A_1304, %max3A_1305 : f32
        %add3A_1307 = arith.constant 9.99999996E-13 : f32
        %add3A_1308 = arith.addf %max3A_1306, %add3A_1307 : f32
        %bitcast_convert_type3A_1309 = arith.bitcast %add3A_1308 : f32 to i32
        %shift_right_arithmetic3A_1310 = arith.constant 1 : i32
        %shift_right_arithmetic3A_1311 = arith.shrsi %bitcast_convert_type3A_1309, %shift_right_arithmetic3A_1310 : i32
        %sub3A_1312 = arith.constant 1597463007 : i32
        %sub3A_1313 = arith.subi %sub3A_1312, %shift_right_arithmetic3A_1311 : i32
        %bitcast_convert_type3A_1314 = arith.bitcast %sub3A_1313 : i32 to f32
        %mul3A_1315 = arith.constant 5.000000e-01 : f32
        %mul3A_1316 = arith.mulf %mul3A_1315, %add3A_1308 : f32
        %mul3A_1317 = arith.mulf %mul3A_1316, %bitcast_convert_type3A_1314 : f32
        %mul3A_1318 = arith.mulf %mul3A_1317, %bitcast_convert_type3A_1314 : f32
        %sub3A_1319 = arith.constant 1.500000e+00 : f32
        %sub3A_1320 = arith.subf %sub3A_1319, %mul3A_1318 : f32
        %mul3A_1321 = arith.mulf %bitcast_convert_type3A_1314, %sub3A_1320 : f32
        %mul3A_1322 = arith.constant 5.000000e-01 : f32
        %mul3A_1323 = arith.mulf %mul3A_1322, %add3A_1308 : f32
        %mul3A_1324 = arith.mulf %mul3A_1323, %mul3A_1321 : f32
        %mul3A_1325 = arith.mulf %mul3A_1324, %mul3A_1321 : f32
        %sub3A_1326 = arith.constant 1.500000e+00 : f32
        %sub3A_1327 = arith.subf %sub3A_1326, %mul3A_1325 : f32
        %mul3A_1328 = arith.mulf %mul3A_1321, %sub3A_1327 : f32
        %mul3A_1329 = arith.constant 5.000000e-01 : f32
        %mul3A_1330 = arith.mulf %mul3A_1329, %add3A_1308 : f32
        %mul3A_1331 = arith.mulf %mul3A_1330, %mul3A_1328 : f32
        %mul3A_1332 = arith.mulf %mul3A_1331, %mul3A_1328 : f32
        %sub3A_1333 = arith.constant 1.500000e+00 : f32
        %sub3A_1334 = arith.subf %sub3A_1333, %mul3A_1332 : f32
        %mul3A_1335 = arith.mulf %mul3A_1328, %sub3A_1334 : f32
        %mul3A_1336 = arith.constant 16 : i32
        %mul3A_1337 = arith.muli %scan3A_208, %mul3A_1336 : i32
        %add3A_1338 = arith.constant 11 : i32
        %add3A_1339 = arith.addi %mul3A_1337, %add3A_1338 : i32
        %get3A_1340 = arith.index_cast %select_n3A_123 : i32 to index
        %get3A_1341 = arith.index_cast %add3A_1339 : i32 to index
        %get3A_1342 = arith.constant 0 : index
        %get3A_1343 = tpu.vector_load %arg9[%get3A_1340, %get3A_1341, %get3A_1342] {strides = array<i32>} : memref<6x128x128xf32, #tpu.memory_space<vmem>>, vector<16xf32>,
        %get3A_1344 = arith.index_cast %select_n3A_123 : i32 to index
        %get3A_1345 = arith.index_cast %add3A_1339 : i32 to index
        %get3A_1346 = arith.constant 16 : index
        %get3A_1347 = tpu.vector_load %arg9[%get3A_1344, %get3A_1345, %get3A_1346] {strides = array<i32>} : memref<6x128x128xf32, #tpu.memory_space<vmem>>, vector<16xf32>,
        %get3A_1348 = arith.index_cast %select_n3A_123 : i32 to index
        %get3A_1349 = arith.index_cast %add3A_1339 : i32 to index
        %get3A_1350 = arith.constant 32 : index
        %get3A_1351 = tpu.vector_load %arg9[%get3A_1348, %get3A_1349, %get3A_1350] {strides = array<i32>} : memref<6x128x128xf32, #tpu.memory_space<vmem>>, vector<16xf32>,
        %get3A_1352 = arith.index_cast %select_n3A_123 : i32 to index
        %get3A_1353 = arith.index_cast %add3A_1339 : i32 to index
        %get3A_1354 = arith.constant 48 : index
        %get3A_1355 = tpu.vector_load %arg9[%get3A_1352, %get3A_1353, %get3A_1354] {strides = array<i32>} : memref<6x128x128xf32, #tpu.memory_space<vmem>>, vector<16xf32>,
        %get3A_1356 = arith.index_cast %select_n3A_123 : i32 to index
        %get3A_1357 = arith.index_cast %add3A_1339 : i32 to index
        %get3A_1358 = arith.constant 64 : index
        %get3A_1359 = tpu.vector_load %arg9[%get3A_1356, %get3A_1357, %get3A_1358] {strides = array<i32>} : memref<6x128x128xf32, #tpu.memory_space<vmem>>, vector<16xf32>,
        %get3A_1360 = arith.index_cast %select_n3A_123 : i32 to index
        %get3A_1361 = arith.index_cast %add3A_1339 : i32 to index
        %get3A_1362 = arith.constant 80 : index
        %get3A_1363 = tpu.vector_load %arg9[%get3A_1360, %get3A_1361, %get3A_1362] {strides = array<i32>} : memref<6x128x128xf32, #tpu.memory_space<vmem>>, vector<16xf32>,
        %get3A_1364 = arith.index_cast %select_n3A_123 : i32 to index
        %get3A_1365 = arith.index_cast %add3A_1339 : i32 to index
        %get3A_1366 = arith.constant 96 : index
        %get3A_1367 = tpu.vector_load %arg9[%get3A_1364, %get3A_1365, %get3A_1366] {strides = array<i32>} : memref<6x128x128xf32, #tpu.memory_space<vmem>>, vector<16xf32>,
        %get3A_1368 = arith.index_cast %select_n3A_123 : i32 to index
        %get3A_1369 = arith.index_cast %add3A_1339 : i32 to index
        %get3A_1370 = arith.constant 112 : index
        %get3A_1371 = tpu.vector_load %arg9[%get3A_1368, %get3A_1369, %get3A_1370] {strides = array<i32>} : memref<6x128x128xf32, #tpu.memory_space<vmem>>, vector<16xf32>,
        %mul3A_1372 = arith.mulf %get3A_1343, %get3A_1343 : vector<16xf32>
        %mul3A_1373 = arith.mulf %get3A_1347, %get3A_1347 : vector<16xf32>
        %mul3A_1374 = arith.mulf %get3A_1351, %get3A_1351 : vector<16xf32>
        %mul3A_1375 = arith.mulf %get3A_1355, %get3A_1355 : vector<16xf32>
        %mul3A_1376 = arith.mulf %get3A_1359, %get3A_1359 : vector<16xf32>
        %mul3A_1377 = arith.mulf %get3A_1363, %get3A_1363 : vector<16xf32>
        %mul3A_1378 = arith.mulf %get3A_1367, %get3A_1367 : vector<16xf32>
        %mul3A_1379 = arith.mulf %get3A_1371, %get3A_1371 : vector<16xf32>
        %add3A_1380 = arith.addf %get3A_1343, %get3A_1347 : vector<16xf32>
        %add3A_1381 = arith.addf %get3A_1351, %get3A_1355 : vector<16xf32>
        %add3A_1382 = arith.addf %get3A_1359, %get3A_1363 : vector<16xf32>
        %add3A_1383 = arith.addf %get3A_1367, %get3A_1371 : vector<16xf32>
        %add3A_1384 = arith.addf %mul3A_1372, %mul3A_1373 : vector<16xf32>
        %add3A_1385 = arith.addf %mul3A_1374, %mul3A_1375 : vector<16xf32>
        %add3A_1386 = arith.addf %mul3A_1376, %mul3A_1377 : vector<16xf32>
        %add3A_1387 = arith.addf %mul3A_1378, %mul3A_1379 : vector<16xf32>
        %add3A_1388 = arith.addf %add3A_1380, %add3A_1381 : vector<16xf32>
        %add3A_1389 = arith.addf %add3A_1382, %add3A_1383 : vector<16xf32>
        %add3A_1390 = arith.addf %add3A_1384, %add3A_1385 : vector<16xf32>
        %add3A_1391 = arith.addf %add3A_1386, %add3A_1387 : vector<16xf32>
        %add3A_1392 = arith.addf %add3A_1388, %add3A_1389 : vector<16xf32>
        %add3A_1393 = arith.addf %add3A_1390, %add3A_1391 : vector<16xf32>
        %reduce_sum3A_1394 = arith.constant true
        %reduce_sum3A_1395 = vector.broadcast %reduce_sum3A_1394 : i1 to vector<16xi1>
        %reduce_sum3A_1396 = tpu.scan <sum>, %add3A_1392 masked %reduce_sum3A_1395 : vector<16xf32>, vector<16xi1> -> vector<16xf32>
        %reduce_sum3A_1397 = vector.extract %reduce_sum3A_1396[15] : f32 from vector<16xf32>
        %reduce_sum3A_1398 = arith.constant true
        %reduce_sum3A_1399 = vector.broadcast %reduce_sum3A_1398 : i1 to vector<16xi1>
        %reduce_sum3A_1400 = tpu.scan <sum>, %add3A_1393 masked %reduce_sum3A_1399 : vector<16xf32>, vector<16xi1> -> vector<16xf32>
        %reduce_sum3A_1401 = vector.extract %reduce_sum3A_1400[15] : f32 from vector<16xf32>
        %mul3A_1402 = arith.constant 7.812500e-03 : f32
        %mul3A_1403 = arith.mulf %reduce_sum3A_1397, %mul3A_1402 : f32
        %mul3A_1404 = arith.constant 7.812500e-03 : f32
        %mul3A_1405 = arith.mulf %reduce_sum3A_1401, %mul3A_1404 : f32
        %mul3A_1406 = arith.mulf %mul3A_1403, %mul3A_1403 : f32
        %sub3A_1407 = arith.subf %mul3A_1405, %mul3A_1406 : f32
        %max3A_1408 = arith.constant 0.000000e+00 : f32
        %max3A_1409 = arith.maximumf %sub3A_1407, %max3A_1408 : f32
        %add3A_1410 = arith.constant 9.99999996E-13 : f32
        %add3A_1411 = arith.addf %max3A_1409, %add3A_1410 : f32
        %bitcast_convert_type3A_1412 = arith.bitcast %add3A_1411 : f32 to i32
        %shift_right_arithmetic3A_1413 = arith.constant 1 : i32
        %shift_right_arithmetic3A_1414 = arith.shrsi %bitcast_convert_type3A_1412, %shift_right_arithmetic3A_1413 : i32
        %sub3A_1415 = arith.constant 1597463007 : i32
        %sub3A_1416 = arith.subi %sub3A_1415, %shift_right_arithmetic3A_1414 : i32
        %bitcast_convert_type3A_1417 = arith.bitcast %sub3A_1416 : i32 to f32
        %mul3A_1418 = arith.constant 5.000000e-01 : f32
        %mul3A_1419 = arith.mulf %mul3A_1418, %add3A_1411 : f32
        %mul3A_1420 = arith.mulf %mul3A_1419, %bitcast_convert_type3A_1417 : f32
        %mul3A_1421 = arith.mulf %mul3A_1420, %bitcast_convert_type3A_1417 : f32
        %sub3A_1422 = arith.constant 1.500000e+00 : f32
        %sub3A_1423 = arith.subf %sub3A_1422, %mul3A_1421 : f32
        %mul3A_1424 = arith.mulf %bitcast_convert_type3A_1417, %sub3A_1423 : f32
        %mul3A_1425 = arith.constant 5.000000e-01 : f32
        %mul3A_1426 = arith.mulf %mul3A_1425, %add3A_1411 : f32
        %mul3A_1427 = arith.mulf %mul3A_1426, %mul3A_1424 : f32
        %mul3A_1428 = arith.mulf %mul3A_1427, %mul3A_1424 : f32
        %sub3A_1429 = arith.constant 1.500000e+00 : f32
        %sub3A_1430 = arith.subf %sub3A_1429, %mul3A_1428 : f32
        %mul3A_1431 = arith.mulf %mul3A_1424, %sub3A_1430 : f32
        %mul3A_1432 = arith.constant 5.000000e-01 : f32
        %mul3A_1433 = arith.mulf %mul3A_1432, %add3A_1411 : f32
        %mul3A_1434 = arith.mulf %mul3A_1433, %mul3A_1431 : f32
        %mul3A_1435 = arith.mulf %mul3A_1434, %mul3A_1431 : f32
        %sub3A_1436 = arith.constant 1.500000e+00 : f32
        %sub3A_1437 = arith.subf %sub3A_1436, %mul3A_1435 : f32
        %mul3A_1438 = arith.mulf %mul3A_1431, %sub3A_1437 : f32
        %mul3A_1439 = arith.constant 16 : i32
        %mul3A_1440 = arith.muli %scan3A_208, %mul3A_1439 : i32
        %add3A_1441 = arith.constant 12 : i32
        %add3A_1442 = arith.addi %mul3A_1440, %add3A_1441 : i32
        %get3A_1443 = arith.index_cast %select_n3A_123 : i32 to index
        %get3A_1444 = arith.index_cast %add3A_1442 : i32 to index
        %get3A_1445 = arith.constant 0 : index
        %get3A_1446 = tpu.vector_load %arg9[%get3A_1443, %get3A_1444, %get3A_1445] {strides = array<i32>} : memref<6x128x128xf32, #tpu.memory_space<vmem>>, vector<16xf32>,
        %get3A_1447 = arith.index_cast %select_n3A_123 : i32 to index
        %get3A_1448 = arith.index_cast %add3A_1442 : i32 to index
        %get3A_1449 = arith.constant 16 : index
        %get3A_1450 = tpu.vector_load %arg9[%get3A_1447, %get3A_1448, %get3A_1449] {strides = array<i32>} : memref<6x128x128xf32, #tpu.memory_space<vmem>>, vector<16xf32>,
        %get3A_1451 = arith.index_cast %select_n3A_123 : i32 to index
        %get3A_1452 = arith.index_cast %add3A_1442 : i32 to index
        %get3A_1453 = arith.constant 32 : index
        %get3A_1454 = tpu.vector_load %arg9[%get3A_1451, %get3A_1452, %get3A_1453] {strides = array<i32>} : memref<6x128x128xf32, #tpu.memory_space<vmem>>, vector<16xf32>,
        %get3A_1455 = arith.index_cast %select_n3A_123 : i32 to index
        %get3A_1456 = arith.index_cast %add3A_1442 : i32 to index
        %get3A_1457 = arith.constant 48 : index
        %get3A_1458 = tpu.vector_load %arg9[%get3A_1455, %get3A_1456, %get3A_1457] {strides = array<i32>} : memref<6x128x128xf32, #tpu.memory_space<vmem>>, vector<16xf32>,
        %get3A_1459 = arith.index_cast %select_n3A_123 : i32 to index
        %get3A_1460 = arith.index_cast %add3A_1442 : i32 to index
        %get3A_1461 = arith.constant 64 : index
        %get3A_1462 = tpu.vector_load %arg9[%get3A_1459, %get3A_1460, %get3A_1461] {strides = array<i32>} : memref<6x128x128xf32, #tpu.memory_space<vmem>>, vector<16xf32>,
        %get3A_1463 = arith.index_cast %select_n3A_123 : i32 to index
        %get3A_1464 = arith.index_cast %add3A_1442 : i32 to index
        %get3A_1465 = arith.constant 80 : index
        %get3A_1466 = tpu.vector_load %arg9[%get3A_1463, %get3A_1464, %get3A_1465] {strides = array<i32>} : memref<6x128x128xf32, #tpu.memory_space<vmem>>, vector<16xf32>,
        %get3A_1467 = arith.index_cast %select_n3A_123 : i32 to index
        %get3A_1468 = arith.index_cast %add3A_1442 : i32 to index
        %get3A_1469 = arith.constant 96 : index
        %get3A_1470 = tpu.vector_load %arg9[%get3A_1467, %get3A_1468, %get3A_1469] {strides = array<i32>} : memref<6x128x128xf32, #tpu.memory_space<vmem>>, vector<16xf32>,
        %get3A_1471 = arith.index_cast %select_n3A_123 : i32 to index
        %get3A_1472 = arith.index_cast %add3A_1442 : i32 to index
        %get3A_1473 = arith.constant 112 : index
        %get3A_1474 = tpu.vector_load %arg9[%get3A_1471, %get3A_1472, %get3A_1473] {strides = array<i32>} : memref<6x128x128xf32, #tpu.memory_space<vmem>>, vector<16xf32>,
        %mul3A_1475 = arith.mulf %get3A_1446, %get3A_1446 : vector<16xf32>
        %mul3A_1476 = arith.mulf %get3A_1450, %get3A_1450 : vector<16xf32>
        %mul3A_1477 = arith.mulf %get3A_1454, %get3A_1454 : vector<16xf32>
        %mul3A_1478 = arith.mulf %get3A_1458, %get3A_1458 : vector<16xf32>
        %mul3A_1479 = arith.mulf %get3A_1462, %get3A_1462 : vector<16xf32>
        %mul3A_1480 = arith.mulf %get3A_1466, %get3A_1466 : vector<16xf32>
        %mul3A_1481 = arith.mulf %get3A_1470, %get3A_1470 : vector<16xf32>
        %mul3A_1482 = arith.mulf %get3A_1474, %get3A_1474 : vector<16xf32>
        %add3A_1483 = arith.addf %get3A_1446, %get3A_1450 : vector<16xf32>
        %add3A_1484 = arith.addf %get3A_1454, %get3A_1458 : vector<16xf32>
        %add3A_1485 = arith.addf %get3A_1462, %get3A_1466 : vector<16xf32>
        %add3A_1486 = arith.addf %get3A_1470, %get3A_1474 : vector<16xf32>
        %add3A_1487 = arith.addf %mul3A_1475, %mul3A_1476 : vector<16xf32>
        %add3A_1488 = arith.addf %mul3A_1477, %mul3A_1478 : vector<16xf32>
        %add3A_1489 = arith.addf %mul3A_1479, %mul3A_1480 : vector<16xf32>
        %add3A_1490 = arith.addf %mul3A_1481, %mul3A_1482 : vector<16xf32>
        %add3A_1491 = arith.addf %add3A_1483, %add3A_1484 : vector<16xf32>
        %add3A_1492 = arith.addf %add3A_1485, %add3A_1486 : vector<16xf32>
        %add3A_1493 = arith.addf %add3A_1487, %add3A_1488 : vector<16xf32>
        %add3A_1494 = arith.addf %add3A_1489, %add3A_1490 : vector<16xf32>
        %add3A_1495 = arith.addf %add3A_1491, %add3A_1492 : vector<16xf32>
        %add3A_1496 = arith.addf %add3A_1493, %add3A_1494 : vector<16xf32>
        %reduce_sum3A_1497 = arith.constant true
        %reduce_sum3A_1498 = vector.broadcast %reduce_sum3A_1497 : i1 to vector<16xi1>
        %reduce_sum3A_1499 = tpu.scan <sum>, %add3A_1495 masked %reduce_sum3A_1498 : vector<16xf32>, vector<16xi1> -> vector<16xf32>
        %reduce_sum3A_1500 = vector.extract %reduce_sum3A_1499[15] : f32 from vector<16xf32>
        %reduce_sum3A_1501 = arith.constant true
        %reduce_sum3A_1502 = vector.broadcast %reduce_sum3A_1501 : i1 to vector<16xi1>
        %reduce_sum3A_1503 = tpu.scan <sum>, %add3A_1496 masked %reduce_sum3A_1502 : vector<16xf32>, vector<16xi1> -> vector<16xf32>
        %reduce_sum3A_1504 = vector.extract %reduce_sum3A_1503[15] : f32 from vector<16xf32>
        %mul3A_1505 = arith.constant 7.812500e-03 : f32
        %mul3A_1506 = arith.mulf %reduce_sum3A_1500, %mul3A_1505 : f32
        %mul3A_1507 = arith.constant 7.812500e-03 : f32
        %mul3A_1508 = arith.mulf %reduce_sum3A_1504, %mul3A_1507 : f32
        %mul3A_1509 = arith.mulf %mul3A_1506, %mul3A_1506 : f32
        %sub3A_1510 = arith.subf %mul3A_1508, %mul3A_1509 : f32
        %max3A_1511 = arith.constant 0.000000e+00 : f32
        %max3A_1512 = arith.maximumf %sub3A_1510, %max3A_1511 : f32
        %add3A_1513 = arith.constant 9.99999996E-13 : f32
        %add3A_1514 = arith.addf %max3A_1512, %add3A_1513 : f32
        %bitcast_convert_type3A_1515 = arith.bitcast %add3A_1514 : f32 to i32
        %shift_right_arithmetic3A_1516 = arith.constant 1 : i32
        %shift_right_arithmetic3A_1517 = arith.shrsi %bitcast_convert_type3A_1515, %shift_right_arithmetic3A_1516 : i32
        %sub3A_1518 = arith.constant 1597463007 : i32
        %sub3A_1519 = arith.subi %sub3A_1518, %shift_right_arithmetic3A_1517 : i32
        %bitcast_convert_type3A_1520 = arith.bitcast %sub3A_1519 : i32 to f32
        %mul3A_1521 = arith.constant 5.000000e-01 : f32
        %mul3A_1522 = arith.mulf %mul3A_1521, %add3A_1514 : f32
        %mul3A_1523 = arith.mulf %mul3A_1522, %bitcast_convert_type3A_1520 : f32
        %mul3A_1524 = arith.mulf %mul3A_1523, %bitcast_convert_type3A_1520 : f32
        %sub3A_1525 = arith.constant 1.500000e+00 : f32
        %sub3A_1526 = arith.subf %sub3A_1525, %mul3A_1524 : f32
        %mul3A_1527 = arith.mulf %bitcast_convert_type3A_1520, %sub3A_1526 : f32
        %mul3A_1528 = arith.constant 5.000000e-01 : f32
        %mul3A_1529 = arith.mulf %mul3A_1528, %add3A_1514 : f32
        %mul3A_1530 = arith.mulf %mul3A_1529, %mul3A_1527 : f32
        %mul3A_1531 = arith.mulf %mul3A_1530, %mul3A_1527 : f32
        %sub3A_1532 = arith.constant 1.500000e+00 : f32
        %sub3A_1533 = arith.subf %sub3A_1532, %mul3A_1531 : f32
        %mul3A_1534 = arith.mulf %mul3A_1527, %sub3A_1533 : f32
        %mul3A_1535 = arith.constant 5.000000e-01 : f32
        %mul3A_1536 = arith.mulf %mul3A_1535, %add3A_1514 : f32
        %mul3A_1537 = arith.mulf %mul3A_1536, %mul3A_1534 : f32
        %mul3A_1538 = arith.mulf %mul3A_1537, %mul3A_1534 : f32
        %sub3A_1539 = arith.constant 1.500000e+00 : f32
        %sub3A_1540 = arith.subf %sub3A_1539, %mul3A_1538 : f32
        %mul3A_1541 = arith.mulf %mul3A_1534, %sub3A_1540 : f32
        %mul3A_1542 = arith.constant 16 : i32
        %mul3A_1543 = arith.muli %scan3A_208, %mul3A_1542 : i32
        %add3A_1544 = arith.constant 13 : i32
        %add3A_1545 = arith.addi %mul3A_1543, %add3A_1544 : i32
        %get3A_1546 = arith.index_cast %select_n3A_123 : i32 to index
        %get3A_1547 = arith.index_cast %add3A_1545 : i32 to index
        %get3A_1548 = arith.constant 0 : index
        %get3A_1549 = tpu.vector_load %arg9[%get3A_1546, %get3A_1547, %get3A_1548] {strides = array<i32>} : memref<6x128x128xf32, #tpu.memory_space<vmem>>, vector<16xf32>,
        %get3A_1550 = arith.index_cast %select_n3A_123 : i32 to index
        %get3A_1551 = arith.index_cast %add3A_1545 : i32 to index
        %get3A_1552 = arith.constant 16 : index
        %get3A_1553 = tpu.vector_load %arg9[%get3A_1550, %get3A_1551, %get3A_1552] {strides = array<i32>} : memref<6x128x128xf32, #tpu.memory_space<vmem>>, vector<16xf32>,
        %get3A_1554 = arith.index_cast %select_n3A_123 : i32 to index
        %get3A_1555 = arith.index_cast %add3A_1545 : i32 to index
        %get3A_1556 = arith.constant 32 : index
        %get3A_1557 = tpu.vector_load %arg9[%get3A_1554, %get3A_1555, %get3A_1556] {strides = array<i32>} : memref<6x128x128xf32, #tpu.memory_space<vmem>>, vector<16xf32>,
        %get3A_1558 = arith.index_cast %select_n3A_123 : i32 to index
        %get3A_1559 = arith.index_cast %add3A_1545 : i32 to index
        %get3A_1560 = arith.constant 48 : index
        %get3A_1561 = tpu.vector_load %arg9[%get3A_1558, %get3A_1559, %get3A_1560] {strides = array<i32>} : memref<6x128x128xf32, #tpu.memory_space<vmem>>, vector<16xf32>,
        %get3A_1562 = arith.index_cast %select_n3A_123 : i32 to index
        %get3A_1563 = arith.index_cast %add3A_1545 : i32 to index
        %get3A_1564 = arith.constant 64 : index
        %get3A_1565 = tpu.vector_load %arg9[%get3A_1562, %get3A_1563, %get3A_1564] {strides = array<i32>} : memref<6x128x128xf32, #tpu.memory_space<vmem>>, vector<16xf32>,
        %get3A_1566 = arith.index_cast %select_n3A_123 : i32 to index
        %get3A_1567 = arith.index_cast %add3A_1545 : i32 to index
        %get3A_1568 = arith.constant 80 : index
        %get3A_1569 = tpu.vector_load %arg9[%get3A_1566, %get3A_1567, %get3A_1568] {strides = array<i32>} : memref<6x128x128xf32, #tpu.memory_space<vmem>>, vector<16xf32>,
        %get3A_1570 = arith.index_cast %select_n3A_123 : i32 to index
        %get3A_1571 = arith.index_cast %add3A_1545 : i32 to index
        %get3A_1572 = arith.constant 96 : index
        %get3A_1573 = tpu.vector_load %arg9[%get3A_1570, %get3A_1571, %get3A_1572] {strides = array<i32>} : memref<6x128x128xf32, #tpu.memory_space<vmem>>, vector<16xf32>,
        %get3A_1574 = arith.index_cast %select_n3A_123 : i32 to index
        %get3A_1575 = arith.index_cast %add3A_1545 : i32 to index
        %get3A_1576 = arith.constant 112 : index
        %get3A_1577 = tpu.vector_load %arg9[%get3A_1574, %get3A_1575, %get3A_1576] {strides = array<i32>} : memref<6x128x128xf32, #tpu.memory_space<vmem>>, vector<16xf32>,
        %mul3A_1578 = arith.mulf %get3A_1549, %get3A_1549 : vector<16xf32>
        %mul3A_1579 = arith.mulf %get3A_1553, %get3A_1553 : vector<16xf32>
        %mul3A_1580 = arith.mulf %get3A_1557, %get3A_1557 : vector<16xf32>
        %mul3A_1581 = arith.mulf %get3A_1561, %get3A_1561 : vector<16xf32>
        %mul3A_1582 = arith.mulf %get3A_1565, %get3A_1565 : vector<16xf32>
        %mul3A_1583 = arith.mulf %get3A_1569, %get3A_1569 : vector<16xf32>
        %mul3A_1584 = arith.mulf %get3A_1573, %get3A_1573 : vector<16xf32>
        %mul3A_1585 = arith.mulf %get3A_1577, %get3A_1577 : vector<16xf32>
        %add3A_1586 = arith.addf %get3A_1549, %get3A_1553 : vector<16xf32>
        %add3A_1587 = arith.addf %get3A_1557, %get3A_1561 : vector<16xf32>
        %add3A_1588 = arith.addf %get3A_1565, %get3A_1569 : vector<16xf32>
        %add3A_1589 = arith.addf %get3A_1573, %get3A_1577 : vector<16xf32>
        %add3A_1590 = arith.addf %mul3A_1578, %mul3A_1579 : vector<16xf32>
        %add3A_1591 = arith.addf %mul3A_1580, %mul3A_1581 : vector<16xf32>
        %add3A_1592 = arith.addf %mul3A_1582, %mul3A_1583 : vector<16xf32>
        %add3A_1593 = arith.addf %mul3A_1584, %mul3A_1585 : vector<16xf32>
        %add3A_1594 = arith.addf %add3A_1586, %add3A_1587 : vector<16xf32>
        %add3A_1595 = arith.addf %add3A_1588, %add3A_1589 : vector<16xf32>
        %add3A_1596 = arith.addf %add3A_1590, %add3A_1591 : vector<16xf32>
        %add3A_1597 = arith.addf %add3A_1592, %add3A_1593 : vector<16xf32>
        %add3A_1598 = arith.addf %add3A_1594, %add3A_1595 : vector<16xf32>
        %add3A_1599 = arith.addf %add3A_1596, %add3A_1597 : vector<16xf32>
        %reduce_sum3A_1600 = arith.constant true
        %reduce_sum3A_1601 = vector.broadcast %reduce_sum3A_1600 : i1 to vector<16xi1>
        %reduce_sum3A_1602 = tpu.scan <sum>, %add3A_1598 masked %reduce_sum3A_1601 : vector<16xf32>, vector<16xi1> -> vector<16xf32>
        %reduce_sum3A_1603 = vector.extract %reduce_sum3A_1602[15] : f32 from vector<16xf32>
        %reduce_sum3A_1604 = arith.constant true
        %reduce_sum3A_1605 = vector.broadcast %reduce_sum3A_1604 : i1 to vector<16xi1>
        %reduce_sum3A_1606 = tpu.scan <sum>, %add3A_1599 masked %reduce_sum3A_1605 : vector<16xf32>, vector<16xi1> -> vector<16xf32>
        %reduce_sum3A_1607 = vector.extract %reduce_sum3A_1606[15] : f32 from vector<16xf32>
        %mul3A_1608 = arith.constant 7.812500e-03 : f32
        %mul3A_1609 = arith.mulf %reduce_sum3A_1603, %mul3A_1608 : f32
        %mul3A_1610 = arith.constant 7.812500e-03 : f32
        %mul3A_1611 = arith.mulf %reduce_sum3A_1607, %mul3A_1610 : f32
        %mul3A_1612 = arith.mulf %mul3A_1609, %mul3A_1609 : f32
        %sub3A_1613 = arith.subf %mul3A_1611, %mul3A_1612 : f32
        %max3A_1614 = arith.constant 0.000000e+00 : f32
        %max3A_1615 = arith.maximumf %sub3A_1613, %max3A_1614 : f32
        %add3A_1616 = arith.constant 9.99999996E-13 : f32
        %add3A_1617 = arith.addf %max3A_1615, %add3A_1616 : f32
        %bitcast_convert_type3A_1618 = arith.bitcast %add3A_1617 : f32 to i32
        %shift_right_arithmetic3A_1619 = arith.constant 1 : i32
        %shift_right_arithmetic3A_1620 = arith.shrsi %bitcast_convert_type3A_1618, %shift_right_arithmetic3A_1619 : i32
        %sub3A_1621 = arith.constant 1597463007 : i32
        %sub3A_1622 = arith.subi %sub3A_1621, %shift_right_arithmetic3A_1620 : i32
        %bitcast_convert_type3A_1623 = arith.bitcast %sub3A_1622 : i32 to f32
        %mul3A_1624 = arith.constant 5.000000e-01 : f32
        %mul3A_1625 = arith.mulf %mul3A_1624, %add3A_1617 : f32
        %mul3A_1626 = arith.mulf %mul3A_1625, %bitcast_convert_type3A_1623 : f32
        %mul3A_1627 = arith.mulf %mul3A_1626, %bitcast_convert_type3A_1623 : f32
        %sub3A_1628 = arith.constant 1.500000e+00 : f32
        %sub3A_1629 = arith.subf %sub3A_1628, %mul3A_1627 : f32
        %mul3A_1630 = arith.mulf %bitcast_convert_type3A_1623, %sub3A_1629 : f32
        %mul3A_1631 = arith.constant 5.000000e-01 : f32
        %mul3A_1632 = arith.mulf %mul3A_1631, %add3A_1617 : f32
        %mul3A_1633 = arith.mulf %mul3A_1632, %mul3A_1630 : f32
        %mul3A_1634 = arith.mulf %mul3A_1633, %mul3A_1630 : f32
        %sub3A_1635 = arith.constant 1.500000e+00 : f32
        %sub3A_1636 = arith.subf %sub3A_1635, %mul3A_1634 : f32
        %mul3A_1637 = arith.mulf %mul3A_1630, %sub3A_1636 : f32
        %mul3A_1638 = arith.constant 5.000000e-01 : f32
        %mul3A_1639 = arith.mulf %mul3A_1638, %add3A_1617 : f32
        %mul3A_1640 = arith.mulf %mul3A_1639, %mul3A_1637 : f32
        %mul3A_1641 = arith.mulf %mul3A_1640, %mul3A_1637 : f32
        %sub3A_1642 = arith.constant 1.500000e+00 : f32
        %sub3A_1643 = arith.subf %sub3A_1642, %mul3A_1641 : f32
        %mul3A_1644 = arith.mulf %mul3A_1637, %sub3A_1643 : f32
        %mul3A_1645 = arith.constant 16 : i32
        %mul3A_1646 = arith.muli %scan3A_208, %mul3A_1645 : i32
        %add3A_1647 = arith.constant 14 : i32
        %add3A_1648 = arith.addi %mul3A_1646, %add3A_1647 : i32
        %get3A_1649 = arith.index_cast %select_n3A_123 : i32 to index
        %get3A_1650 = arith.index_cast %add3A_1648 : i32 to index
        %get3A_1651 = arith.constant 0 : index
        %get3A_1652 = tpu.vector_load %arg9[%get3A_1649, %get3A_1650, %get3A_1651] {strides = array<i32>} : memref<6x128x128xf32, #tpu.memory_space<vmem>>, vector<16xf32>,
        %get3A_1653 = arith.index_cast %select_n3A_123 : i32 to index
        %get3A_1654 = arith.index_cast %add3A_1648 : i32 to index
        %get3A_1655 = arith.constant 16 : index
        %get3A_1656 = tpu.vector_load %arg9[%get3A_1653, %get3A_1654, %get3A_1655] {strides = array<i32>} : memref<6x128x128xf32, #tpu.memory_space<vmem>>, vector<16xf32>,
        %get3A_1657 = arith.index_cast %select_n3A_123 : i32 to index
        %get3A_1658 = arith.index_cast %add3A_1648 : i32 to index
        %get3A_1659 = arith.constant 32 : index
        %get3A_1660 = tpu.vector_load %arg9[%get3A_1657, %get3A_1658, %get3A_1659] {strides = array<i32>} : memref<6x128x128xf32, #tpu.memory_space<vmem>>, vector<16xf32>,
        %get3A_1661 = arith.index_cast %select_n3A_123 : i32 to index
        %get3A_1662 = arith.index_cast %add3A_1648 : i32 to index
        %get3A_1663 = arith.constant 48 : index
        %get3A_1664 = tpu.vector_load %arg9[%get3A_1661, %get3A_1662, %get3A_1663] {strides = array<i32>} : memref<6x128x128xf32, #tpu.memory_space<vmem>>, vector<16xf32>,
        %get3A_1665 = arith.index_cast %select_n3A_123 : i32 to index
        %get3A_1666 = arith.index_cast %add3A_1648 : i32 to index
        %get3A_1667 = arith.constant 64 : index
        %get3A_1668 = tpu.vector_load %arg9[%get3A_1665, %get3A_1666, %get3A_1667] {strides = array<i32>} : memref<6x128x128xf32, #tpu.memory_space<vmem>>, vector<16xf32>,
        %get3A_1669 = arith.index_cast %select_n3A_123 : i32 to index
        %get3A_1670 = arith.index_cast %add3A_1648 : i32 to index
        %get3A_1671 = arith.constant 80 : index
        %get3A_1672 = tpu.vector_load %arg9[%get3A_1669, %get3A_1670, %get3A_1671] {strides = array<i32>} : memref<6x128x128xf32, #tpu.memory_space<vmem>>, vector<16xf32>,
        %get3A_1673 = arith.index_cast %select_n3A_123 : i32 to index
        %get3A_1674 = arith.index_cast %add3A_1648 : i32 to index
        %get3A_1675 = arith.constant 96 : index
        %get3A_1676 = tpu.vector_load %arg9[%get3A_1673, %get3A_1674, %get3A_1675] {strides = array<i32>} : memref<6x128x128xf32, #tpu.memory_space<vmem>>, vector<16xf32>,
        %get3A_1677 = arith.index_cast %select_n3A_123 : i32 to index
        %get3A_1678 = arith.index_cast %add3A_1648 : i32 to index
        %get3A_1679 = arith.constant 112 : index
        %get3A_1680 = tpu.vector_load %arg9[%get3A_1677, %get3A_1678, %get3A_1679] {strides = array<i32>} : memref<6x128x128xf32, #tpu.memory_space<vmem>>, vector<16xf32>,
        %mul3A_1681 = arith.mulf %get3A_1652, %get3A_1652 : vector<16xf32>
        %mul3A_1682 = arith.mulf %get3A_1656, %get3A_1656 : vector<16xf32>
        %mul3A_1683 = arith.mulf %get3A_1660, %get3A_1660 : vector<16xf32>
        %mul3A_1684 = arith.mulf %get3A_1664, %get3A_1664 : vector<16xf32>
        %mul3A_1685 = arith.mulf %get3A_1668, %get3A_1668 : vector<16xf32>
        %mul3A_1686 = arith.mulf %get3A_1672, %get3A_1672 : vector<16xf32>
        %mul3A_1687 = arith.mulf %get3A_1676, %get3A_1676 : vector<16xf32>
        %mul3A_1688 = arith.mulf %get3A_1680, %get3A_1680 : vector<16xf32>
        %add3A_1689 = arith.addf %get3A_1652, %get3A_1656 : vector<16xf32>
        %add3A_1690 = arith.addf %get3A_1660, %get3A_1664 : vector<16xf32>
        %add3A_1691 = arith.addf %get3A_1668, %get3A_1672 : vector<16xf32>
        %add3A_1692 = arith.addf %get3A_1676, %get3A_1680 : vector<16xf32>
        %add3A_1693 = arith.addf %mul3A_1681, %mul3A_1682 : vector<16xf32>
        %add3A_1694 = arith.addf %mul3A_1683, %mul3A_1684 : vector<16xf32>
        %add3A_1695 = arith.addf %mul3A_1685, %mul3A_1686 : vector<16xf32>
        %add3A_1696 = arith.addf %mul3A_1687, %mul3A_1688 : vector<16xf32>
        %add3A_1697 = arith.addf %add3A_1689, %add3A_1690 : vector<16xf32>
        %add3A_1698 = arith.addf %add3A_1691, %add3A_1692 : vector<16xf32>
        %add3A_1699 = arith.addf %add3A_1693, %add3A_1694 : vector<16xf32>
        %add3A_1700 = arith.addf %add3A_1695, %add3A_1696 : vector<16xf32>
        %add3A_1701 = arith.addf %add3A_1697, %add3A_1698 : vector<16xf32>
        %add3A_1702 = arith.addf %add3A_1699, %add3A_1700 : vector<16xf32>
        %reduce_sum3A_1703 = arith.constant true
        %reduce_sum3A_1704 = vector.broadcast %reduce_sum3A_1703 : i1 to vector<16xi1>
        %reduce_sum3A_1705 = tpu.scan <sum>, %add3A_1701 masked %reduce_sum3A_1704 : vector<16xf32>, vector<16xi1> -> vector<16xf32>
        %reduce_sum3A_1706 = vector.extract %reduce_sum3A_1705[15] : f32 from vector<16xf32>
        %reduce_sum3A_1707 = arith.constant true
        %reduce_sum3A_1708 = vector.broadcast %reduce_sum3A_1707 : i1 to vector<16xi1>
        %reduce_sum3A_1709 = tpu.scan <sum>, %add3A_1702 masked %reduce_sum3A_1708 : vector<16xf32>, vector<16xi1> -> vector<16xf32>
        %reduce_sum3A_1710 = vector.extract %reduce_sum3A_1709[15] : f32 from vector<16xf32>
        %mul3A_1711 = arith.constant 7.812500e-03 : f32
        %mul3A_1712 = arith.mulf %reduce_sum3A_1706, %mul3A_1711 : f32
        %mul3A_1713 = arith.constant 7.812500e-03 : f32
        %mul3A_1714 = arith.mulf %reduce_sum3A_1710, %mul3A_1713 : f32
        %mul3A_1715 = arith.mulf %mul3A_1712, %mul3A_1712 : f32
        %sub3A_1716 = arith.subf %mul3A_1714, %mul3A_1715 : f32
        %max3A_1717 = arith.constant 0.000000e+00 : f32
        %max3A_1718 = arith.maximumf %sub3A_1716, %max3A_1717 : f32
        %add3A_1719 = arith.constant 9.99999996E-13 : f32
        %add3A_1720 = arith.addf %max3A_1718, %add3A_1719 : f32
        %bitcast_convert_type3A_1721 = arith.bitcast %add3A_1720 : f32 to i32
        %shift_right_arithmetic3A_1722 = arith.constant 1 : i32
        %shift_right_arithmetic3A_1723 = arith.shrsi %bitcast_convert_type3A_1721, %shift_right_arithmetic3A_1722 : i32
        %sub3A_1724 = arith.constant 1597463007 : i32
        %sub3A_1725 = arith.subi %sub3A_1724, %shift_right_arithmetic3A_1723 : i32
        %bitcast_convert_type3A_1726 = arith.bitcast %sub3A_1725 : i32 to f32
        %mul3A_1727 = arith.constant 5.000000e-01 : f32
        %mul3A_1728 = arith.mulf %mul3A_1727, %add3A_1720 : f32
        %mul3A_1729 = arith.mulf %mul3A_1728, %bitcast_convert_type3A_1726 : f32
        %mul3A_1730 = arith.mulf %mul3A_1729, %bitcast_convert_type3A_1726 : f32
        %sub3A_1731 = arith.constant 1.500000e+00 : f32
        %sub3A_1732 = arith.subf %sub3A_1731, %mul3A_1730 : f32
        %mul3A_1733 = arith.mulf %bitcast_convert_type3A_1726, %sub3A_1732 : f32
        %mul3A_1734 = arith.constant 5.000000e-01 : f32
        %mul3A_1735 = arith.mulf %mul3A_1734, %add3A_1720 : f32
        %mul3A_1736 = arith.mulf %mul3A_1735, %mul3A_1733 : f32
        %mul3A_1737 = arith.mulf %mul3A_1736, %mul3A_1733 : f32
        %sub3A_1738 = arith.constant 1.500000e+00 : f32
        %sub3A_1739 = arith.subf %sub3A_1738, %mul3A_1737 : f32
        %mul3A_1740 = arith.mulf %mul3A_1733, %sub3A_1739 : f32
        %mul3A_1741 = arith.constant 5.000000e-01 : f32
        %mul3A_1742 = arith.mulf %mul3A_1741, %add3A_1720 : f32
        %mul3A_1743 = arith.mulf %mul3A_1742, %mul3A_1740 : f32
        %mul3A_1744 = arith.mulf %mul3A_1743, %mul3A_1740 : f32
        %sub3A_1745 = arith.constant 1.500000e+00 : f32
        %sub3A_1746 = arith.subf %sub3A_1745, %mul3A_1744 : f32
        %mul3A_1747 = arith.mulf %mul3A_1740, %sub3A_1746 : f32
        %mul3A_1748 = arith.constant 16 : i32
        %mul3A_1749 = arith.muli %scan3A_208, %mul3A_1748 : i32
        %add3A_1750 = arith.constant 15 : i32
        %add3A_1751 = arith.addi %mul3A_1749, %add3A_1750 : i32
        %get3A_1752 = arith.index_cast %select_n3A_123 : i32 to index
        %get3A_1753 = arith.index_cast %add3A_1751 : i32 to index
        %get3A_1754 = arith.constant 0 : index
        %get3A_1755 = tpu.vector_load %arg9[%get3A_1752, %get3A_1753, %get3A_1754] {strides = array<i32>} : memref<6x128x128xf32, #tpu.memory_space<vmem>>, vector<16xf32>,
        %get3A_1756 = arith.index_cast %select_n3A_123 : i32 to index
        %get3A_1757 = arith.index_cast %add3A_1751 : i32 to index
        %get3A_1758 = arith.constant 16 : index
        %get3A_1759 = tpu.vector_load %arg9[%get3A_1756, %get3A_1757, %get3A_1758] {strides = array<i32>} : memref<6x128x128xf32, #tpu.memory_space<vmem>>, vector<16xf32>,
        %get3A_1760 = arith.index_cast %select_n3A_123 : i32 to index
        %get3A_1761 = arith.index_cast %add3A_1751 : i32 to index
        %get3A_1762 = arith.constant 32 : index
        %get3A_1763 = tpu.vector_load %arg9[%get3A_1760, %get3A_1761, %get3A_1762] {strides = array<i32>} : memref<6x128x128xf32, #tpu.memory_space<vmem>>, vector<16xf32>,
        %get3A_1764 = arith.index_cast %select_n3A_123 : i32 to index
        %get3A_1765 = arith.index_cast %add3A_1751 : i32 to index
        %get3A_1766 = arith.constant 48 : index
        %get3A_1767 = tpu.vector_load %arg9[%get3A_1764, %get3A_1765, %get3A_1766] {strides = array<i32>} : memref<6x128x128xf32, #tpu.memory_space<vmem>>, vector<16xf32>,
        %get3A_1768 = arith.index_cast %select_n3A_123 : i32 to index
        %get3A_1769 = arith.index_cast %add3A_1751 : i32 to index
        %get3A_1770 = arith.constant 64 : index
        %get3A_1771 = tpu.vector_load %arg9[%get3A_1768, %get3A_1769, %get3A_1770] {strides = array<i32>} : memref<6x128x128xf32, #tpu.memory_space<vmem>>, vector<16xf32>,
        %get3A_1772 = arith.index_cast %select_n3A_123 : i32 to index
        %get3A_1773 = arith.index_cast %add3A_1751 : i32 to index
        %get3A_1774 = arith.constant 80 : index
        %get3A_1775 = tpu.vector_load %arg9[%get3A_1772, %get3A_1773, %get3A_1774] {strides = array<i32>} : memref<6x128x128xf32, #tpu.memory_space<vmem>>, vector<16xf32>,
        %get3A_1776 = arith.index_cast %select_n3A_123 : i32 to index
        %get3A_1777 = arith.index_cast %add3A_1751 : i32 to index
        %get3A_1778 = arith.constant 96 : index
        %get3A_1779 = tpu.vector_load %arg9[%get3A_1776, %get3A_1777, %get3A_1778] {strides = array<i32>} : memref<6x128x128xf32, #tpu.memory_space<vmem>>, vector<16xf32>,
        %get3A_1780 = arith.index_cast %select_n3A_123 : i32 to index
        %get3A_1781 = arith.index_cast %add3A_1751 : i32 to index
        %get3A_1782 = arith.constant 112 : index
        %get3A_1783 = tpu.vector_load %arg9[%get3A_1780, %get3A_1781, %get3A_1782] {strides = array<i32>} : memref<6x128x128xf32, #tpu.memory_space<vmem>>, vector<16xf32>,
        %mul3A_1784 = arith.mulf %get3A_1755, %get3A_1755 : vector<16xf32>
        %mul3A_1785 = arith.mulf %get3A_1759, %get3A_1759 : vector<16xf32>
        %mul3A_1786 = arith.mulf %get3A_1763, %get3A_1763 : vector<16xf32>
        %mul3A_1787 = arith.mulf %get3A_1767, %get3A_1767 : vector<16xf32>
        %mul3A_1788 = arith.mulf %get3A_1771, %get3A_1771 : vector<16xf32>
        %mul3A_1789 = arith.mulf %get3A_1775, %get3A_1775 : vector<16xf32>
        %mul3A_1790 = arith.mulf %get3A_1779, %get3A_1779 : vector<16xf32>
        %mul3A_1791 = arith.mulf %get3A_1783, %get3A_1783 : vector<16xf32>
        %add3A_1792 = arith.addf %get3A_1755, %get3A_1759 : vector<16xf32>
        %add3A_1793 = arith.addf %get3A_1763, %get3A_1767 : vector<16xf32>
        %add3A_1794 = arith.addf %get3A_1771, %get3A_1775 : vector<16xf32>
        %add3A_1795 = arith.addf %get3A_1779, %get3A_1783 : vector<16xf32>
        %add3A_1796 = arith.addf %mul3A_1784, %mul3A_1785 : vector<16xf32>
        %add3A_1797 = arith.addf %mul3A_1786, %mul3A_1787 : vector<16xf32>
        %add3A_1798 = arith.addf %mul3A_1788, %mul3A_1789 : vector<16xf32>
        %add3A_1799 = arith.addf %mul3A_1790, %mul3A_1791 : vector<16xf32>
        %add3A_1800 = arith.addf %add3A_1792, %add3A_1793 : vector<16xf32>
        %add3A_1801 = arith.addf %add3A_1794, %add3A_1795 : vector<16xf32>
        %add3A_1802 = arith.addf %add3A_1796, %add3A_1797 : vector<16xf32>
        %add3A_1803 = arith.addf %add3A_1798, %add3A_1799 : vector<16xf32>
        %add3A_1804 = arith.addf %add3A_1800, %add3A_1801 : vector<16xf32>
        %add3A_1805 = arith.addf %add3A_1802, %add3A_1803 : vector<16xf32>
        %reduce_sum3A_1806 = arith.constant true
        %reduce_sum3A_1807 = vector.broadcast %reduce_sum3A_1806 : i1 to vector<16xi1>
        %reduce_sum3A_1808 = tpu.scan <sum>, %add3A_1804 masked %reduce_sum3A_1807 : vector<16xf32>, vector<16xi1> -> vector<16xf32>
        %reduce_sum3A_1809 = vector.extract %reduce_sum3A_1808[15] : f32 from vector<16xf32>
        %reduce_sum3A_1810 = arith.constant true
        %reduce_sum3A_1811 = vector.broadcast %reduce_sum3A_1810 : i1 to vector<16xi1>
        %reduce_sum3A_1812 = tpu.scan <sum>, %add3A_1805 masked %reduce_sum3A_1811 : vector<16xf32>, vector<16xi1> -> vector<16xf32>
        %reduce_sum3A_1813 = vector.extract %reduce_sum3A_1812[15] : f32 from vector<16xf32>
        %mul3A_1814 = arith.constant 7.812500e-03 : f32
        %mul3A_1815 = arith.mulf %reduce_sum3A_1809, %mul3A_1814 : f32
        %mul3A_1816 = arith.constant 7.812500e-03 : f32
        %mul3A_1817 = arith.mulf %reduce_sum3A_1813, %mul3A_1816 : f32
        %mul3A_1818 = arith.mulf %mul3A_1815, %mul3A_1815 : f32
        %sub3A_1819 = arith.subf %mul3A_1817, %mul3A_1818 : f32
        %max3A_1820 = arith.constant 0.000000e+00 : f32
        %max3A_1821 = arith.maximumf %sub3A_1819, %max3A_1820 : f32
        %add3A_1822 = arith.constant 9.99999996E-13 : f32
        %add3A_1823 = arith.addf %max3A_1821, %add3A_1822 : f32
        %bitcast_convert_type3A_1824 = arith.bitcast %add3A_1823 : f32 to i32
        %shift_right_arithmetic3A_1825 = arith.constant 1 : i32
        %shift_right_arithmetic3A_1826 = arith.shrsi %bitcast_convert_type3A_1824, %shift_right_arithmetic3A_1825 : i32
        %sub3A_1827 = arith.constant 1597463007 : i32
        %sub3A_1828 = arith.subi %sub3A_1827, %shift_right_arithmetic3A_1826 : i32
        %bitcast_convert_type3A_1829 = arith.bitcast %sub3A_1828 : i32 to f32
        %mul3A_1830 = arith.constant 5.000000e-01 : f32
        %mul3A_1831 = arith.mulf %mul3A_1830, %add3A_1823 : f32
        %mul3A_1832 = arith.mulf %mul3A_1831, %bitcast_convert_type3A_1829 : f32
        %mul3A_1833 = arith.mulf %mul3A_1832, %bitcast_convert_type3A_1829 : f32
        %sub3A_1834 = arith.constant 1.500000e+00 : f32
        %sub3A_1835 = arith.subf %sub3A_1834, %mul3A_1833 : f32
        %mul3A_1836 = arith.mulf %bitcast_convert_type3A_1829, %sub3A_1835 : f32
        %mul3A_1837 = arith.constant 5.000000e-01 : f32
        %mul3A_1838 = arith.mulf %mul3A_1837, %add3A_1823 : f32
        %mul3A_1839 = arith.mulf %mul3A_1838, %mul3A_1836 : f32
        %mul3A_1840 = arith.mulf %mul3A_1839, %mul3A_1836 : f32
        %sub3A_1841 = arith.constant 1.500000e+00 : f32
        %sub3A_1842 = arith.subf %sub3A_1841, %mul3A_1840 : f32
        %mul3A_1843 = arith.mulf %mul3A_1836, %sub3A_1842 : f32
        %mul3A_1844 = arith.constant 5.000000e-01 : f32
        %mul3A_1845 = arith.mulf %mul3A_1844, %add3A_1823 : f32
        %mul3A_1846 = arith.mulf %mul3A_1845, %mul3A_1843 : f32
        %mul3A_1847 = arith.mulf %mul3A_1846, %mul3A_1843 : f32
        %sub3A_1848 = arith.constant 1.500000e+00 : f32
        %sub3A_1849 = arith.subf %sub3A_1848, %mul3A_1847 : f32
        %mul3A_1850 = arith.mulf %mul3A_1843, %sub3A_1849 : f32
        %get3A_1851 = arith.constant 0 : index
        %get3A_1852 = tpu.vector_load %arg10[%get3A_1851] {strides = array<i32>} : memref<128xf32, #tpu.memory_space<vmem>>, vector<16xf32>,
        %get3A_1853 = arith.constant 0 : index
        %get3A_1854 = tpu.vector_load %arg11[%get3A_1853] {strides = array<i32>} : memref<128xf32, #tpu.memory_space<vmem>>, vector<16xf32>,
        %mul3A_1855 = arith.constant 16 : i32
        %mul3A_1856 = arith.muli %scan3A_208, %mul3A_1855 : i32
        %add3A_1857 = arith.constant 0 : i32
        %add3A_1858 = arith.addi %mul3A_1856, %add3A_1857 : i32
        %get3A_1859 = arith.index_cast %select_n3A_123 : i32 to index
        %get3A_1860 = arith.index_cast %add3A_1858 : i32 to index
        %get3A_1861 = arith.constant 0 : index
        %get3A_1862 = tpu.vector_load %arg9[%get3A_1859, %get3A_1860, %get3A_1861] {strides = array<i32>} : memref<6x128x128xf32, #tpu.memory_space<vmem>>, vector<16xf32>,
        %sub3A_1863 = vector.broadcast %mul3A_274 : f32 to vector<16xf32>
        %sub3A_1864 = arith.subf %get3A_1862, %sub3A_1863 : vector<16xf32>
        %mul3A_1865 = vector.broadcast %mul3A_305 : f32 to vector<16xf32>
        %mul3A_1866 = arith.mulf %sub3A_1864, %mul3A_1865 : vector<16xf32>
        %mul3A_1867 = arith.mulf %mul3A_1866, %get3A_1852 : vector<16xf32>
        %add3A_1868 = arith.addf %mul3A_1867, %get3A_1854 : vector<16xf32>
        %swap3A = arith.index_cast %select_n3A_123 : i32 to index
        %swap3A_1869 = arith.index_cast %add3A_1858 : i32 to index
        %swap3A_1870 = arith.constant 0 : index
        %swap3A_1871 = tpu.vector_load %arg9[%swap3A, %swap3A_1869, %swap3A_1870] {strides = array<i32>} : memref<6x128x128xf32, #tpu.memory_space<vmem>>, vector<16xf32>,
        tpu.vector_store %arg9[%swap3A, %swap3A_1869, %swap3A_1870], %add3A_1868 {strides = array<i32>} : memref<6x128x128xf32, #tpu.memory_space<vmem>>, vector<16xf32>,
        %mul3A_1872 = arith.constant 16 : i32
        %mul3A_1873 = arith.muli %scan3A_208, %mul3A_1872 : i32
        %add3A_1874 = arith.constant 1 : i32
        %add3A_1875 = arith.addi %mul3A_1873, %add3A_1874 : i32
        %get3A_1876 = arith.index_cast %select_n3A_123 : i32 to index
        %get3A_1877 = arith.index_cast %add3A_1875 : i32 to index
        %get3A_1878 = arith.constant 0 : index
        %get3A_1879 = tpu.vector_load %arg9[%get3A_1876, %get3A_1877, %get3A_1878] {strides = array<i32>} : memref<6x128x128xf32, #tpu.memory_space<vmem>>, vector<16xf32>,
        %sub3A_1880 = vector.broadcast %mul3A_373 : f32 to vector<16xf32>
        %sub3A_1881 = arith.subf %get3A_1879, %sub3A_1880 : vector<16xf32>
        %mul3A_1882 = vector.broadcast %mul3A_408 : f32 to vector<16xf32>
        %mul3A_1883 = arith.mulf %sub3A_1881, %mul3A_1882 : vector<16xf32>
        %mul3A_1884 = arith.mulf %mul3A_1883, %get3A_1852 : vector<16xf32>
        %add3A_1885 = arith.addf %mul3A_1884, %get3A_1854 : vector<16xf32>
        %swap3A_1886 = arith.index_cast %select_n3A_123 : i32 to index
        %swap3A_1887 = arith.index_cast %add3A_1875 : i32 to index
        %swap3A_1888 = arith.constant 0 : index
        %swap3A_1889 = tpu.vector_load %arg9[%swap3A_1886, %swap3A_1887, %swap3A_1888] {strides = array<i32>} : memref<6x128x128xf32, #tpu.memory_space<vmem>>, vector<16xf32>,
        tpu.vector_store %arg9[%swap3A_1886, %swap3A_1887, %swap3A_1888], %add3A_1885 {strides = array<i32>} : memref<6x128x128xf32, #tpu.memory_space<vmem>>, vector<16xf32>,
        %mul3A_1890 = arith.constant 16 : i32
        %mul3A_1891 = arith.muli %scan3A_208, %mul3A_1890 : i32
        %add3A_1892 = arith.constant 2 : i32
        %add3A_1893 = arith.addi %mul3A_1891, %add3A_1892 : i32
        %get3A_1894 = arith.index_cast %select_n3A_123 : i32 to index
        %get3A_1895 = arith.index_cast %add3A_1893 : i32 to index
        %get3A_1896 = arith.constant 0 : index
        %get3A_1897 = tpu.vector_load %arg9[%get3A_1894, %get3A_1895, %get3A_1896] {strides = array<i32>} : memref<6x128x128xf32, #tpu.memory_space<vmem>>, vector<16xf32>,
        %sub3A_1898 = vector.broadcast %mul3A_476 : f32 to vector<16xf32>
        %sub3A_1899 = arith.subf %get3A_1897, %sub3A_1898 : vector<16xf32>
        %mul3A_1900 = vector.broadcast %mul3A_511 : f32 to vector<16xf32>
        %mul3A_1901 = arith.mulf %sub3A_1899, %mul3A_1900 : vector<16xf32>
        %mul3A_1902 = arith.mulf %mul3A_1901, %get3A_1852 : vector<16xf32>
        %add3A_1903 = arith.addf %mul3A_1902, %get3A_1854 : vector<16xf32>
        %swap3A_1904 = arith.index_cast %select_n3A_123 : i32 to index
        %swap3A_1905 = arith.index_cast %add3A_1893 : i32 to index
        %swap3A_1906 = arith.constant 0 : index
        %swap3A_1907 = tpu.vector_load %arg9[%swap3A_1904, %swap3A_1905, %swap3A_1906] {strides = array<i32>} : memref<6x128x128xf32, #tpu.memory_space<vmem>>, vector<16xf32>,
        tpu.vector_store %arg9[%swap3A_1904, %swap3A_1905, %swap3A_1906], %add3A_1903 {strides = array<i32>} : memref<6x128x128xf32, #tpu.memory_space<vmem>>, vector<16xf32>,
        %mul3A_1908 = arith.constant 16 : i32
        %mul3A_1909 = arith.muli %scan3A_208, %mul3A_1908 : i32
        %add3A_1910 = arith.constant 3 : i32
        %add3A_1911 = arith.addi %mul3A_1909, %add3A_1910 : i32
        %get3A_1912 = arith.index_cast %select_n3A_123 : i32 to index
        %get3A_1913 = arith.index_cast %add3A_1911 : i32 to index
        %get3A_1914 = arith.constant 0 : index
        %get3A_1915 = tpu.vector_load %arg9[%get3A_1912, %get3A_1913, %get3A_1914] {strides = array<i32>} : memref<6x128x128xf32, #tpu.memory_space<vmem>>, vector<16xf32>,
        %sub3A_1916 = vector.broadcast %mul3A_579 : f32 to vector<16xf32>
        %sub3A_1917 = arith.subf %get3A_1915, %sub3A_1916 : vector<16xf32>
        %mul3A_1918 = vector.broadcast %mul3A_614 : f32 to vector<16xf32>
        %mul3A_1919 = arith.mulf %sub3A_1917, %mul3A_1918 : vector<16xf32>
        %mul3A_1920 = arith.mulf %mul3A_1919, %get3A_1852 : vector<16xf32>
        %add3A_1921 = arith.addf %mul3A_1920, %get3A_1854 : vector<16xf32>
        %swap3A_1922 = arith.index_cast %select_n3A_123 : i32 to index
        %swap3A_1923 = arith.index_cast %add3A_1911 : i32 to index
        %swap3A_1924 = arith.constant 0 : index
        %swap3A_1925 = tpu.vector_load %arg9[%swap3A_1922, %swap3A_1923, %swap3A_1924] {strides = array<i32>} : memref<6x128x128xf32, #tpu.memory_space<vmem>>, vector<16xf32>,
        tpu.vector_store %arg9[%swap3A_1922, %swap3A_1923, %swap3A_1924], %add3A_1921 {strides = array<i32>} : memref<6x128x128xf32, #tpu.memory_space<vmem>>, vector<16xf32>,
        %mul3A_1926 = arith.constant 16 : i32
        %mul3A_1927 = arith.muli %scan3A_208, %mul3A_1926 : i32
        %add3A_1928 = arith.constant 4 : i32
        %add3A_1929 = arith.addi %mul3A_1927, %add3A_1928 : i32
        %get3A_1930 = arith.index_cast %select_n3A_123 : i32 to index
        %get3A_1931 = arith.index_cast %add3A_1929 : i32 to index
        %get3A_1932 = arith.constant 0 : index
        %get3A_1933 = tpu.vector_load %arg9[%get3A_1930, %get3A_1931, %get3A_1932] {strides = array<i32>} : memref<6x128x128xf32, #tpu.memory_space<vmem>>, vector<16xf32>,
        %sub3A_1934 = vector.broadcast %mul3A_682 : f32 to vector<16xf32>
        %sub3A_1935 = arith.subf %get3A_1933, %sub3A_1934 : vector<16xf32>
        %mul3A_1936 = vector.broadcast %mul3A_717 : f32 to vector<16xf32>
        %mul3A_1937 = arith.mulf %sub3A_1935, %mul3A_1936 : vector<16xf32>
        %mul3A_1938 = arith.mulf %mul3A_1937, %get3A_1852 : vector<16xf32>
        %add3A_1939 = arith.addf %mul3A_1938, %get3A_1854 : vector<16xf32>
        %swap3A_1940 = arith.index_cast %select_n3A_123 : i32 to index
        %swap3A_1941 = arith.index_cast %add3A_1929 : i32 to index
        %swap3A_1942 = arith.constant 0 : index
        %swap3A_1943 = tpu.vector_load %arg9[%swap3A_1940, %swap3A_1941, %swap3A_1942] {strides = array<i32>} : memref<6x128x128xf32, #tpu.memory_space<vmem>>, vector<16xf32>,
        tpu.vector_store %arg9[%swap3A_1940, %swap3A_1941, %swap3A_1942], %add3A_1939 {strides = array<i32>} : memref<6x128x128xf32, #tpu.memory_space<vmem>>, vector<16xf32>,
        %mul3A_1944 = arith.constant 16 : i32
        %mul3A_1945 = arith.muli %scan3A_208, %mul3A_1944 : i32
        %add3A_1946 = arith.constant 5 : i32
        %add3A_1947 = arith.addi %mul3A_1945, %add3A_1946 : i32
        %get3A_1948 = arith.index_cast %select_n3A_123 : i32 to index
        %get3A_1949 = arith.index_cast %add3A_1947 : i32 to index
        %get3A_1950 = arith.constant 0 : index
        %get3A_1951 = tpu.vector_load %arg9[%get3A_1948, %get3A_1949, %get3A_1950] {strides = array<i32>} : memref<6x128x128xf32, #tpu.memory_space<vmem>>, vector<16xf32>,
        %sub3A_1952 = vector.broadcast %mul3A_785 : f32 to vector<16xf32>
        %sub3A_1953 = arith.subf %get3A_1951, %sub3A_1952 : vector<16xf32>
        %mul3A_1954 = vector.broadcast %mul3A_820 : f32 to vector<16xf32>
        %mul3A_1955 = arith.mulf %sub3A_1953, %mul3A_1954 : vector<16xf32>
        %mul3A_1956 = arith.mulf %mul3A_1955, %get3A_1852 : vector<16xf32>
        %add3A_1957 = arith.addf %mul3A_1956, %get3A_1854 : vector<16xf32>
        %swap3A_1958 = arith.index_cast %select_n3A_123 : i32 to index
        %swap3A_1959 = arith.index_cast %add3A_1947 : i32 to index
        %swap3A_1960 = arith.constant 0 : index
        %swap3A_1961 = tpu.vector_load %arg9[%swap3A_1958, %swap3A_1959, %swap3A_1960] {strides = array<i32>} : memref<6x128x128xf32, #tpu.memory_space<vmem>>, vector<16xf32>,
        tpu.vector_store %arg9[%swap3A_1958, %swap3A_1959, %swap3A_1960], %add3A_1957 {strides = array<i32>} : memref<6x128x128xf32, #tpu.memory_space<vmem>>, vector<16xf32>,
        %mul3A_1962 = arith.constant 16 : i32
        %mul3A_1963 = arith.muli %scan3A_208, %mul3A_1962 : i32
        %add3A_1964 = arith.constant 6 : i32
        %add3A_1965 = arith.addi %mul3A_1963, %add3A_1964 : i32
        %get3A_1966 = arith.index_cast %select_n3A_123 : i32 to index
        %get3A_1967 = arith.index_cast %add3A_1965 : i32 to index
        %get3A_1968 = arith.constant 0 : index
        %get3A_1969 = tpu.vector_load %arg9[%get3A_1966, %get3A_1967, %get3A_1968] {strides = array<i32>} : memref<6x128x128xf32, #tpu.memory_space<vmem>>, vector<16xf32>,
        %sub3A_1970 = vector.broadcast %mul3A_888 : f32 to vector<16xf32>
        %sub3A_1971 = arith.subf %get3A_1969, %sub3A_1970 : vector<16xf32>
        %mul3A_1972 = vector.broadcast %mul3A_923 : f32 to vector<16xf32>
        %mul3A_1973 = arith.mulf %sub3A_1971, %mul3A_1972 : vector<16xf32>
        %mul3A_1974 = arith.mulf %mul3A_1973, %get3A_1852 : vector<16xf32>
        %add3A_1975 = arith.addf %mul3A_1974, %get3A_1854 : vector<16xf32>
        %swap3A_1976 = arith.index_cast %select_n3A_123 : i32 to index
        %swap3A_1977 = arith.index_cast %add3A_1965 : i32 to index
        %swap3A_1978 = arith.constant 0 : index
        %swap3A_1979 = tpu.vector_load %arg9[%swap3A_1976, %swap3A_1977, %swap3A_1978] {strides = array<i32>} : memref<6x128x128xf32, #tpu.memory_space<vmem>>, vector<16xf32>,
        tpu.vector_store %arg9[%swap3A_1976, %swap3A_1977, %swap3A_1978], %add3A_1975 {strides = array<i32>} : memref<6x128x128xf32, #tpu.memory_space<vmem>>, vector<16xf32>,
        %mul3A_1980 = arith.constant 16 : i32
        %mul3A_1981 = arith.muli %scan3A_208, %mul3A_1980 : i32
        %add3A_1982 = arith.constant 7 : i32
        %add3A_1983 = arith.addi %mul3A_1981, %add3A_1982 : i32
        %get3A_1984 = arith.index_cast %select_n3A_123 : i32 to index
        %get3A_1985 = arith.index_cast %add3A_1983 : i32 to index
        %get3A_1986 = arith.constant 0 : index
        %get3A_1987 = tpu.vector_load %arg9[%get3A_1984, %get3A_1985, %get3A_1986] {strides = array<i32>} : memref<6x128x128xf32, #tpu.memory_space<vmem>>, vector<16xf32>,
        %sub3A_1988 = vector.broadcast %mul3A_991 : f32 to vector<16xf32>
        %sub3A_1989 = arith.subf %get3A_1987, %sub3A_1988 : vector<16xf32>
        %mul3A_1990 = vector.broadcast %mul3A_1026 : f32 to vector<16xf32>
        %mul3A_1991 = arith.mulf %sub3A_1989, %mul3A_1990 : vector<16xf32>
        %mul3A_1992 = arith.mulf %mul3A_1991, %get3A_1852 : vector<16xf32>
        %add3A_1993 = arith.addf %mul3A_1992, %get3A_1854 : vector<16xf32>
        %swap3A_1994 = arith.index_cast %select_n3A_123 : i32 to index
        %swap3A_1995 = arith.index_cast %add3A_1983 : i32 to index
        %swap3A_1996 = arith.constant 0 : index
        %swap3A_1997 = tpu.vector_load %arg9[%swap3A_1994, %swap3A_1995, %swap3A_1996] {strides = array<i32>} : memref<6x128x128xf32, #tpu.memory_space<vmem>>, vector<16xf32>,
        tpu.vector_store %arg9[%swap3A_1994, %swap3A_1995, %swap3A_1996], %add3A_1993 {strides = array<i32>} : memref<6x128x128xf32, #tpu.memory_space<vmem>>, vector<16xf32>,
        %mul3A_1998 = arith.constant 16 : i32
        %mul3A_1999 = arith.muli %scan3A_208, %mul3A_1998 : i32
        %add3A_2000 = arith.constant 8 : i32
        %add3A_2001 = arith.addi %mul3A_1999, %add3A_2000 : i32
        %get3A_2002 = arith.index_cast %select_n3A_123 : i32 to index
        %get3A_2003 = arith.index_cast %add3A_2001 : i32 to index
        %get3A_2004 = arith.constant 0 : index
        %get3A_2005 = tpu.vector_load %arg9[%get3A_2002, %get3A_2003, %get3A_2004] {strides = array<i32>} : memref<6x128x128xf32, #tpu.memory_space<vmem>>, vector<16xf32>,
        %sub3A_2006 = vector.broadcast %mul3A_1094 : f32 to vector<16xf32>
        %sub3A_2007 = arith.subf %get3A_2005, %sub3A_2006 : vector<16xf32>
        %mul3A_2008 = vector.broadcast %mul3A_1129 : f32 to vector<16xf32>
        %mul3A_2009 = arith.mulf %sub3A_2007, %mul3A_2008 : vector<16xf32>
        %mul3A_2010 = arith.mulf %mul3A_2009, %get3A_1852 : vector<16xf32>
        %add3A_2011 = arith.addf %mul3A_2010, %get3A_1854 : vector<16xf32>
        %swap3A_2012 = arith.index_cast %select_n3A_123 : i32 to index
        %swap3A_2013 = arith.index_cast %add3A_2001 : i32 to index
        %swap3A_2014 = arith.constant 0 : index
        %swap3A_2015 = tpu.vector_load %arg9[%swap3A_2012, %swap3A_2013, %swap3A_2014] {strides = array<i32>} : memref<6x128x128xf32, #tpu.memory_space<vmem>>, vector<16xf32>,
        tpu.vector_store %arg9[%swap3A_2012, %swap3A_2013, %swap3A_2014], %add3A_2011 {strides = array<i32>} : memref<6x128x128xf32, #tpu.memory_space<vmem>>, vector<16xf32>,
        %mul3A_2016 = arith.constant 16 : i32
        %mul3A_2017 = arith.muli %scan3A_208, %mul3A_2016 : i32
        %add3A_2018 = arith.constant 9 : i32
        %add3A_2019 = arith.addi %mul3A_2017, %add3A_2018 : i32
        %get3A_2020 = arith.index_cast %select_n3A_123 : i32 to index
        %get3A_2021 = arith.index_cast %add3A_2019 : i32 to index
        %get3A_2022 = arith.constant 0 : index
        %get3A_2023 = tpu.vector_load %arg9[%get3A_2020, %get3A_2021, %get3A_2022] {strides = array<i32>} : memref<6x128x128xf32, #tpu.memory_space<vmem>>, vector<16xf32>,
        %sub3A_2024 = vector.broadcast %mul3A_1197 : f32 to vector<16xf32>
        %sub3A_2025 = arith.subf %get3A_2023, %sub3A_2024 : vector<16xf32>
        %mul3A_2026 = vector.broadcast %mul3A_1232 : f32 to vector<16xf32>
        %mul3A_2027 = arith.mulf %sub3A_2025, %mul3A_2026 : vector<16xf32>
        %mul3A_2028 = arith.mulf %mul3A_2027, %get3A_1852 : vector<16xf32>
        %add3A_2029 = arith.addf %mul3A_2028, %get3A_1854 : vector<16xf32>
        %swap3A_2030 = arith.index_cast %select_n3A_123 : i32 to index
        %swap3A_2031 = arith.index_cast %add3A_2019 : i32 to index
        %swap3A_2032 = arith.constant 0 : index
        %swap3A_2033 = tpu.vector_load %arg9[%swap3A_2030, %swap3A_2031, %swap3A_2032] {strides = array<i32>} : memref<6x128x128xf32, #tpu.memory_space<vmem>>, vector<16xf32>,
        tpu.vector_store %arg9[%swap3A_2030, %swap3A_2031, %swap3A_2032], %add3A_2029 {strides = array<i32>} : memref<6x128x128xf32, #tpu.memory_space<vmem>>, vector<16xf32>,
        %mul3A_2034 = arith.constant 16 : i32
        %mul3A_2035 = arith.muli %scan3A_208, %mul3A_2034 : i32
        %add3A_2036 = arith.constant 10 : i32
        %add3A_2037 = arith.addi %mul3A_2035, %add3A_2036 : i32
        %get3A_2038 = arith.index_cast %select_n3A_123 : i32 to index
        %get3A_2039 = arith.index_cast %add3A_2037 : i32 to index
        %get3A_2040 = arith.constant 0 : index
        %get3A_2041 = tpu.vector_load %arg9[%get3A_2038, %get3A_2039, %get3A_2040] {strides = array<i32>} : memref<6x128x128xf32, #tpu.memory_space<vmem>>, vector<16xf32>,
        %sub3A_2042 = vector.broadcast %mul3A_1300 : f32 to vector<16xf32>
        %sub3A_2043 = arith.subf %get3A_2041, %sub3A_2042 : vector<16xf32>
        %mul3A_2044 = vector.broadcast %mul3A_1335 : f32 to vector<16xf32>
        %mul3A_2045 = arith.mulf %sub3A_2043, %mul3A_2044 : vector<16xf32>
        %mul3A_2046 = arith.mulf %mul3A_2045, %get3A_1852 : vector<16xf32>
        %add3A_2047 = arith.addf %mul3A_2046, %get3A_1854 : vector<16xf32>
        %swap3A_2048 = arith.index_cast %select_n3A_123 : i32 to index
        %swap3A_2049 = arith.index_cast %add3A_2037 : i32 to index
        %swap3A_2050 = arith.constant 0 : index
        %swap3A_2051 = tpu.vector_load %arg9[%swap3A_2048, %swap3A_2049, %swap3A_2050] {strides = array<i32>} : memref<6x128x128xf32, #tpu.memory_space<vmem>>, vector<16xf32>,
        tpu.vector_store %arg9[%swap3A_2048, %swap3A_2049, %swap3A_2050], %add3A_2047 {strides = array<i32>} : memref<6x128x128xf32, #tpu.memory_space<vmem>>, vector<16xf32>,
        %mul3A_2052 = arith.constant 16 : i32
        %mul3A_2053 = arith.muli %scan3A_208, %mul3A_2052 : i32
        %add3A_2054 = arith.constant 11 : i32
        %add3A_2055 = arith.addi %mul3A_2053, %add3A_2054 : i32
        %get3A_2056 = arith.index_cast %select_n3A_123 : i32 to index
        %get3A_2057 = arith.index_cast %add3A_2055 : i32 to index
        %get3A_2058 = arith.constant 0 : index
        %get3A_2059 = tpu.vector_load %arg9[%get3A_2056, %get3A_2057, %get3A_2058] {strides = array<i32>} : memref<6x128x128xf32, #tpu.memory_space<vmem>>, vector<16xf32>,
        %sub3A_2060 = vector.broadcast %mul3A_1403 : f32 to vector<16xf32>
        %sub3A_2061 = arith.subf %get3A_2059, %sub3A_2060 : vector<16xf32>
        %mul3A_2062 = vector.broadcast %mul3A_1438 : f32 to vector<16xf32>
        %mul3A_2063 = arith.mulf %sub3A_2061, %mul3A_2062 : vector<16xf32>
        %mul3A_2064 = arith.mulf %mul3A_2063, %get3A_1852 : vector<16xf32>
        %add3A_2065 = arith.addf %mul3A_2064, %get3A_1854 : vector<16xf32>
        %swap3A_2066 = arith.index_cast %select_n3A_123 : i32 to index
        %swap3A_2067 = arith.index_cast %add3A_2055 : i32 to index
        %swap3A_2068 = arith.constant 0 : index
        %swap3A_2069 = tpu.vector_load %arg9[%swap3A_2066, %swap3A_2067, %swap3A_2068] {strides = array<i32>} : memref<6x128x128xf32, #tpu.memory_space<vmem>>, vector<16xf32>,
        tpu.vector_store %arg9[%swap3A_2066, %swap3A_2067, %swap3A_2068], %add3A_2065 {strides = array<i32>} : memref<6x128x128xf32, #tpu.memory_space<vmem>>, vector<16xf32>,
        %mul3A_2070 = arith.constant 16 : i32
        %mul3A_2071 = arith.muli %scan3A_208, %mul3A_2070 : i32
        %add3A_2072 = arith.constant 12 : i32
        %add3A_2073 = arith.addi %mul3A_2071, %add3A_2072 : i32
        %get3A_2074 = arith.index_cast %select_n3A_123 : i32 to index
        %get3A_2075 = arith.index_cast %add3A_2073 : i32 to index
        %get3A_2076 = arith.constant 0 : index
        %get3A_2077 = tpu.vector_load %arg9[%get3A_2074, %get3A_2075, %get3A_2076] {strides = array<i32>} : memref<6x128x128xf32, #tpu.memory_space<vmem>>, vector<16xf32>,
        %sub3A_2078 = vector.broadcast %mul3A_1506 : f32 to vector<16xf32>
        %sub3A_2079 = arith.subf %get3A_2077, %sub3A_2078 : vector<16xf32>
        %mul3A_2080 = vector.broadcast %mul3A_1541 : f32 to vector<16xf32>
        %mul3A_2081 = arith.mulf %sub3A_2079, %mul3A_2080 : vector<16xf32>
        %mul3A_2082 = arith.mulf %mul3A_2081, %get3A_1852 : vector<16xf32>
        %add3A_2083 = arith.addf %mul3A_2082, %get3A_1854 : vector<16xf32>
        %swap3A_2084 = arith.index_cast %select_n3A_123 : i32 to index
        %swap3A_2085 = arith.index_cast %add3A_2073 : i32 to index
        %swap3A_2086 = arith.constant 0 : index
        %swap3A_2087 = tpu.vector_load %arg9[%swap3A_2084, %swap3A_2085, %swap3A_2086] {strides = array<i32>} : memref<6x128x128xf32, #tpu.memory_space<vmem>>, vector<16xf32>,
        tpu.vector_store %arg9[%swap3A_2084, %swap3A_2085, %swap3A_2086], %add3A_2083 {strides = array<i32>} : memref<6x128x128xf32, #tpu.memory_space<vmem>>, vector<16xf32>,
        %mul3A_2088 = arith.constant 16 : i32
        %mul3A_2089 = arith.muli %scan3A_208, %mul3A_2088 : i32
        %add3A_2090 = arith.constant 13 : i32
        %add3A_2091 = arith.addi %mul3A_2089, %add3A_2090 : i32
        %get3A_2092 = arith.index_cast %select_n3A_123 : i32 to index
        %get3A_2093 = arith.index_cast %add3A_2091 : i32 to index
        %get3A_2094 = arith.constant 0 : index
        %get3A_2095 = tpu.vector_load %arg9[%get3A_2092, %get3A_2093, %get3A_2094] {strides = array<i32>} : memref<6x128x128xf32, #tpu.memory_space<vmem>>, vector<16xf32>,
        %sub3A_2096 = vector.broadcast %mul3A_1609 : f32 to vector<16xf32>
        %sub3A_2097 = arith.subf %get3A_2095, %sub3A_2096 : vector<16xf32>
        %mul3A_2098 = vector.broadcast %mul3A_1644 : f32 to vector<16xf32>
        %mul3A_2099 = arith.mulf %sub3A_2097, %mul3A_2098 : vector<16xf32>
        %mul3A_2100 = arith.mulf %mul3A_2099, %get3A_1852 : vector<16xf32>
        %add3A_2101 = arith.addf %mul3A_2100, %get3A_1854 : vector<16xf32>
        %swap3A_2102 = arith.index_cast %select_n3A_123 : i32 to index
        %swap3A_2103 = arith.index_cast %add3A_2091 : i32 to index
        %swap3A_2104 = arith.constant 0 : index
        %swap3A_2105 = tpu.vector_load %arg9[%swap3A_2102, %swap3A_2103, %swap3A_2104] {strides = array<i32>} : memref<6x128x128xf32, #tpu.memory_space<vmem>>, vector<16xf32>,
        tpu.vector_store %arg9[%swap3A_2102, %swap3A_2103, %swap3A_2104], %add3A_2101 {strides = array<i32>} : memref<6x128x128xf32, #tpu.memory_space<vmem>>, vector<16xf32>,
        %mul3A_2106 = arith.constant 16 : i32
        %mul3A_2107 = arith.muli %scan3A_208, %mul3A_2106 : i32
        %add3A_2108 = arith.constant 14 : i32
        %add3A_2109 = arith.addi %mul3A_2107, %add3A_2108 : i32
        %get3A_2110 = arith.index_cast %select_n3A_123 : i32 to index
        %get3A_2111 = arith.index_cast %add3A_2109 : i32 to index
        %get3A_2112 = arith.constant 0 : index
        %get3A_2113 = tpu.vector_load %arg9[%get3A_2110, %get3A_2111, %get3A_2112] {strides = array<i32>} : memref<6x128x128xf32, #tpu.memory_space<vmem>>, vector<16xf32>,
        %sub3A_2114 = vector.broadcast %mul3A_1712 : f32 to vector<16xf32>
        %sub3A_2115 = arith.subf %get3A_2113, %sub3A_2114 : vector<16xf32>
        %mul3A_2116 = vector.broadcast %mul3A_1747 : f32 to vector<16xf32>
        %mul3A_2117 = arith.mulf %sub3A_2115, %mul3A_2116 : vector<16xf32>
        %mul3A_2118 = arith.mulf %mul3A_2117, %get3A_1852 : vector<16xf32>
        %add3A_2119 = arith.addf %mul3A_2118, %get3A_1854 : vector<16xf32>
        %swap3A_2120 = arith.index_cast %select_n3A_123 : i32 to index
        %swap3A_2121 = arith.index_cast %add3A_2109 : i32 to index
        %swap3A_2122 = arith.constant 0 : index
        %swap3A_2123 = tpu.vector_load %arg9[%swap3A_2120, %swap3A_2121, %swap3A_2122] {strides = array<i32>} : memref<6x128x128xf32, #tpu.memory_space<vmem>>, vector<16xf32>,
        tpu.vector_store %arg9[%swap3A_2120, %swap3A_2121, %swap3A_2122], %add3A_2119 {strides = array<i32>} : memref<6x128x128xf32, #tpu.memory_space<vmem>>, vector<16xf32>,
        %mul3A_2124 = arith.constant 16 : i32
        %mul3A_2125 = arith.muli %scan3A_208, %mul3A_2124 : i32
        %add3A_2126 = arith.constant 15 : i32
        %add3A_2127 = arith.addi %mul3A_2125, %add3A_2126 : i32
        %get3A_2128 = arith.index_cast %select_n3A_123 : i32 to index
        %get3A_2129 = arith.index_cast %add3A_2127 : i32 to index
        %get3A_2130 = arith.constant 0 : index
        %get3A_2131 = tpu.vector_load %arg9[%get3A_2128, %get3A_2129, %get3A_2130] {strides = array<i32>} : memref<6x128x128xf32, #tpu.memory_space<vmem>>, vector<16xf32>,
        %sub3A_2132 = vector.broadcast %mul3A_1815 : f32 to vector<16xf32>
        %sub3A_2133 = arith.subf %get3A_2131, %sub3A_2132 : vector<16xf32>
        %mul3A_2134 = vector.broadcast %mul3A_1850 : f32 to vector<16xf32>
        %mul3A_2135 = arith.mulf %sub3A_2133, %mul3A_2134 : vector<16xf32>
        %mul3A_2136 = arith.mulf %mul3A_2135, %get3A_1852 : vector<16xf32>
        %add3A_2137 = arith.addf %mul3A_2136, %get3A_1854 : vector<16xf32>
        %swap3A_2138 = arith.index_cast %select_n3A_123 : i32 to index
        %swap3A_2139 = arith.index_cast %add3A_2127 : i32 to index
        %swap3A_2140 = arith.constant 0 : index
        %swap3A_2141 = tpu.vector_load %arg9[%swap3A_2138, %swap3A_2139, %swap3A_2140] {strides = array<i32>} : memref<6x128x128xf32, #tpu.memory_space<vmem>>, vector<16xf32>,
        tpu.vector_store %arg9[%swap3A_2138, %swap3A_2139, %swap3A_2140], %add3A_2137 {strides = array<i32>} : memref<6x128x128xf32, #tpu.memory_space<vmem>>, vector<16xf32>,
        %get3A_2142 = arith.constant 16 : index
        %get3A_2143 = tpu.vector_load %arg10[%get3A_2142] {strides = array<i32>} : memref<128xf32, #tpu.memory_space<vmem>>, vector<16xf32>,
        %get3A_2144 = arith.constant 16 : index
        %get3A_2145 = tpu.vector_load %arg11[%get3A_2144] {strides = array<i32>} : memref<128xf32, #tpu.memory_space<vmem>>, vector<16xf32>,
        %mul3A_2146 = arith.constant 16 : i32
        %mul3A_2147 = arith.muli %scan3A_208, %mul3A_2146 : i32
        %add3A_2148 = arith.constant 0 : i32
        %add3A_2149 = arith.addi %mul3A_2147, %add3A_2148 : i32
        %get3A_2150 = arith.index_cast %select_n3A_123 : i32 to index
        %get3A_2151 = arith.index_cast %add3A_2149 : i32 to index
        %get3A_2152 = arith.constant 16 : index
        %get3A_2153 = tpu.vector_load %arg9[%get3A_2150, %get3A_2151, %get3A_2152] {strides = array<i32>} : memref<6x128x128xf32, #tpu.memory_space<vmem>>, vector<16xf32>,
        %sub3A_2154 = vector.broadcast %mul3A_274 : f32 to vector<16xf32>
        %sub3A_2155 = arith.subf %get3A_2153, %sub3A_2154 : vector<16xf32>
        %mul3A_2156 = vector.broadcast %mul3A_305 : f32 to vector<16xf32>
        %mul3A_2157 = arith.mulf %sub3A_2155, %mul3A_2156 : vector<16xf32>
        %mul3A_2158 = arith.mulf %mul3A_2157, %get3A_2143 : vector<16xf32>
        %add3A_2159 = arith.addf %mul3A_2158, %get3A_2145 : vector<16xf32>
        %swap3A_2160 = arith.index_cast %select_n3A_123 : i32 to index
        %swap3A_2161 = arith.index_cast %add3A_2149 : i32 to index
        %swap3A_2162 = arith.constant 16 : index
        %swap3A_2163 = tpu.vector_load %arg9[%swap3A_2160, %swap3A_2161, %swap3A_2162] {strides = array<i32>} : memref<6x128x128xf32, #tpu.memory_space<vmem>>, vector<16xf32>,
        tpu.vector_store %arg9[%swap3A_2160, %swap3A_2161, %swap3A_2162], %add3A_2159 {strides = array<i32>} : memref<6x128x128xf32, #tpu.memory_space<vmem>>, vector<16xf32>,
        %mul3A_2164 = arith.constant 16 : i32
        %mul3A_2165 = arith.muli %scan3A_208, %mul3A_2164 : i32
        %add3A_2166 = arith.constant 1 : i32
        %add3A_2167 = arith.addi %mul3A_2165, %add3A_2166 : i32
        %get3A_2168 = arith.index_cast %select_n3A_123 : i32 to index
        %get3A_2169 = arith.index_cast %add3A_2167 : i32 to index
        %get3A_2170 = arith.constant 16 : index
        %get3A_2171 = tpu.vector_load %arg9[%get3A_2168, %get3A_2169, %get3A_2170] {strides = array<i32>} : memref<6x128x128xf32, #tpu.memory_space<vmem>>, vector<16xf32>,
        %sub3A_2172 = vector.broadcast %mul3A_373 : f32 to vector<16xf32>
        %sub3A_2173 = arith.subf %get3A_2171, %sub3A_2172 : vector<16xf32>
        %mul3A_2174 = vector.broadcast %mul3A_408 : f32 to vector<16xf32>
        %mul3A_2175 = arith.mulf %sub3A_2173, %mul3A_2174 : vector<16xf32>
        %mul3A_2176 = arith.mulf %mul3A_2175, %get3A_2143 : vector<16xf32>
        %add3A_2177 = arith.addf %mul3A_2176, %get3A_2145 : vector<16xf32>
        %swap3A_2178 = arith.index_cast %select_n3A_123 : i32 to index
        %swap3A_2179 = arith.index_cast %add3A_2167 : i32 to index
        %swap3A_2180 = arith.constant 16 : index
        %swap3A_2181 = tpu.vector_load %arg9[%swap3A_2178, %swap3A_2179, %swap3A_2180] {strides = array<i32>} : memref<6x128x128xf32, #tpu.memory_space<vmem>>, vector<16xf32>,
        tpu.vector_store %arg9[%swap3A_2178, %swap3A_2179, %swap3A_2180], %add3A_2177 {strides = array<i32>} : memref<6x128x128xf32, #tpu.memory_space<vmem>>, vector<16xf32>,
        %mul3A_2182 = arith.constant 16 : i32
        %mul3A_2183 = arith.muli %scan3A_208, %mul3A_2182 : i32
        %add3A_2184 = arith.constant 2 : i32
        %add3A_2185 = arith.addi %mul3A_2183, %add3A_2184 : i32
        %get3A_2186 = arith.index_cast %select_n3A_123 : i32 to index
        %get3A_2187 = arith.index_cast %add3A_2185 : i32 to index
        %get3A_2188 = arith.constant 16 : index
        %get3A_2189 = tpu.vector_load %arg9[%get3A_2186, %get3A_2187, %get3A_2188] {strides = array<i32>} : memref<6x128x128xf32, #tpu.memory_space<vmem>>, vector<16xf32>,
        %sub3A_2190 = vector.broadcast %mul3A_476 : f32 to vector<16xf32>
        %sub3A_2191 = arith.subf %get3A_2189, %sub3A_2190 : vector<16xf32>
        %mul3A_2192 = vector.broadcast %mul3A_511 : f32 to vector<16xf32>
        %mul3A_2193 = arith.mulf %sub3A_2191, %mul3A_2192 : vector<16xf32>
        %mul3A_2194 = arith.mulf %mul3A_2193, %get3A_2143 : vector<16xf32>
        %add3A_2195 = arith.addf %mul3A_2194, %get3A_2145 : vector<16xf32>
        %swap3A_2196 = arith.index_cast %select_n3A_123 : i32 to index
        %swap3A_2197 = arith.index_cast %add3A_2185 : i32 to index
        %swap3A_2198 = arith.constant 16 : index
        %swap3A_2199 = tpu.vector_load %arg9[%swap3A_2196, %swap3A_2197, %swap3A_2198] {strides = array<i32>} : memref<6x128x128xf32, #tpu.memory_space<vmem>>, vector<16xf32>,
        tpu.vector_store %arg9[%swap3A_2196, %swap3A_2197, %swap3A_2198], %add3A_2195 {strides = array<i32>} : memref<6x128x128xf32, #tpu.memory_space<vmem>>, vector<16xf32>,
        %mul3A_2200 = arith.constant 16 : i32
        %mul3A_2201 = arith.muli %scan3A_208, %mul3A_2200 : i32
        %add3A_2202 = arith.constant 3 : i32
        %add3A_2203 = arith.addi %mul3A_2201, %add3A_2202 : i32
        %get3A_2204 = arith.index_cast %select_n3A_123 : i32 to index
        %get3A_2205 = arith.index_cast %add3A_2203 : i32 to index
        %get3A_2206 = arith.constant 16 : index
        %get3A_2207 = tpu.vector_load %arg9[%get3A_2204, %get3A_2205, %get3A_2206] {strides = array<i32>} : memref<6x128x128xf32, #tpu.memory_space<vmem>>, vector<16xf32>,
        %sub3A_2208 = vector.broadcast %mul3A_579 : f32 to vector<16xf32>
        %sub3A_2209 = arith.subf %get3A_2207, %sub3A_2208 : vector<16xf32>
        %mul3A_2210 = vector.broadcast %mul3A_614 : f32 to vector<16xf32>
        %mul3A_2211 = arith.mulf %sub3A_2209, %mul3A_2210 : vector<16xf32>
        %mul3A_2212 = arith.mulf %mul3A_2211, %get3A_2143 : vector<16xf32>
        %add3A_2213 = arith.addf %mul3A_2212, %get3A_2145 : vector<16xf32>
        %swap3A_2214 = arith.index_cast %select_n3A_123 : i32 to index
        %swap3A_2215 = arith.index_cast %add3A_2203 : i32 to index
        %swap3A_2216 = arith.constant 16 : index
        %swap3A_2217 = tpu.vector_load %arg9[%swap3A_2214, %swap3A_2215, %swap3A_2216] {strides = array<i32>} : memref<6x128x128xf32, #tpu.memory_space<vmem>>, vector<16xf32>,
        tpu.vector_store %arg9[%swap3A_2214, %swap3A_2215, %swap3A_2216], %add3A_2213 {strides = array<i32>} : memref<6x128x128xf32, #tpu.memory_space<vmem>>, vector<16xf32>,
        %mul3A_2218 = arith.constant 16 : i32
        %mul3A_2219 = arith.muli %scan3A_208, %mul3A_2218 : i32
        %add3A_2220 = arith.constant 4 : i32
        %add3A_2221 = arith.addi %mul3A_2219, %add3A_2220 : i32
        %get3A_2222 = arith.index_cast %select_n3A_123 : i32 to index
        %get3A_2223 = arith.index_cast %add3A_2221 : i32 to index
        %get3A_2224 = arith.constant 16 : index
        %get3A_2225 = tpu.vector_load %arg9[%get3A_2222, %get3A_2223, %get3A_2224] {strides = array<i32>} : memref<6x128x128xf32, #tpu.memory_space<vmem>>, vector<16xf32>,
        %sub3A_2226 = vector.broadcast %mul3A_682 : f32 to vector<16xf32>
        %sub3A_2227 = arith.subf %get3A_2225, %sub3A_2226 : vector<16xf32>
        %mul3A_2228 = vector.broadcast %mul3A_717 : f32 to vector<16xf32>
        %mul3A_2229 = arith.mulf %sub3A_2227, %mul3A_2228 : vector<16xf32>
        %mul3A_2230 = arith.mulf %mul3A_2229, %get3A_2143 : vector<16xf32>
        %add3A_2231 = arith.addf %mul3A_2230, %get3A_2145 : vector<16xf32>
        %swap3A_2232 = arith.index_cast %select_n3A_123 : i32 to index
        %swap3A_2233 = arith.index_cast %add3A_2221 : i32 to index
        %swap3A_2234 = arith.constant 16 : index
        %swap3A_2235 = tpu.vector_load %arg9[%swap3A_2232, %swap3A_2233, %swap3A_2234] {strides = array<i32>} : memref<6x128x128xf32, #tpu.memory_space<vmem>>, vector<16xf32>,
        tpu.vector_store %arg9[%swap3A_2232, %swap3A_2233, %swap3A_2234], %add3A_2231 {strides = array<i32>} : memref<6x128x128xf32, #tpu.memory_space<vmem>>, vector<16xf32>,
        %mul3A_2236 = arith.constant 16 : i32
        %mul3A_2237 = arith.muli %scan3A_208, %mul3A_2236 : i32
        %add3A_2238 = arith.constant 5 : i32
        %add3A_2239 = arith.addi %mul3A_2237, %add3A_2238 : i32
        %get3A_2240 = arith.index_cast %select_n3A_123 : i32 to index
        %get3A_2241 = arith.index_cast %add3A_2239 : i32 to index
        %get3A_2242 = arith.constant 16 : index
        %get3A_2243 = tpu.vector_load %arg9[%get3A_2240, %get3A_2241, %get3A_2242] {strides = array<i32>} : memref<6x128x128xf32, #tpu.memory_space<vmem>>, vector<16xf32>,
        %sub3A_2244 = vector.broadcast %mul3A_785 : f32 to vector<16xf32>
        %sub3A_2245 = arith.subf %get3A_2243, %sub3A_2244 : vector<16xf32>
        %mul3A_2246 = vector.broadcast %mul3A_820 : f32 to vector<16xf32>
        %mul3A_2247 = arith.mulf %sub3A_2245, %mul3A_2246 : vector<16xf32>
        %mul3A_2248 = arith.mulf %mul3A_2247, %get3A_2143 : vector<16xf32>
        %add3A_2249 = arith.addf %mul3A_2248, %get3A_2145 : vector<16xf32>
        %swap3A_2250 = arith.index_cast %select_n3A_123 : i32 to index
        %swap3A_2251 = arith.index_cast %add3A_2239 : i32 to index
        %swap3A_2252 = arith.constant 16 : index
        %swap3A_2253 = tpu.vector_load %arg9[%swap3A_2250, %swap3A_2251, %swap3A_2252] {strides = array<i32>} : memref<6x128x128xf32, #tpu.memory_space<vmem>>, vector<16xf32>,
        tpu.vector_store %arg9[%swap3A_2250, %swap3A_2251, %swap3A_2252], %add3A_2249 {strides = array<i32>} : memref<6x128x128xf32, #tpu.memory_space<vmem>>, vector<16xf32>,
        %mul3A_2254 = arith.constant 16 : i32
        %mul3A_2255 = arith.muli %scan3A_208, %mul3A_2254 : i32
        %add3A_2256 = arith.constant 6 : i32
        %add3A_2257 = arith.addi %mul3A_2255, %add3A_2256 : i32
        %get3A_2258 = arith.index_cast %select_n3A_123 : i32 to index
        %get3A_2259 = arith.index_cast %add3A_2257 : i32 to index
        %get3A_2260 = arith.constant 16 : index
        %get3A_2261 = tpu.vector_load %arg9[%get3A_2258, %get3A_2259, %get3A_2260] {strides = array<i32>} : memref<6x128x128xf32, #tpu.memory_space<vmem>>, vector<16xf32>,
        %sub3A_2262 = vector.broadcast %mul3A_888 : f32 to vector<16xf32>
        %sub3A_2263 = arith.subf %get3A_2261, %sub3A_2262 : vector<16xf32>
        %mul3A_2264 = vector.broadcast %mul3A_923 : f32 to vector<16xf32>
        %mul3A_2265 = arith.mulf %sub3A_2263, %mul3A_2264 : vector<16xf32>
        %mul3A_2266 = arith.mulf %mul3A_2265, %get3A_2143 : vector<16xf32>
        %add3A_2267 = arith.addf %mul3A_2266, %get3A_2145 : vector<16xf32>
        %swap3A_2268 = arith.index_cast %select_n3A_123 : i32 to index
        %swap3A_2269 = arith.index_cast %add3A_2257 : i32 to index
        %swap3A_2270 = arith.constant 16 : index
        %swap3A_2271 = tpu.vector_load %arg9[%swap3A_2268, %swap3A_2269, %swap3A_2270] {strides = array<i32>} : memref<6x128x128xf32, #tpu.memory_space<vmem>>, vector<16xf32>,
        tpu.vector_store %arg9[%swap3A_2268, %swap3A_2269, %swap3A_2270], %add3A_2267 {strides = array<i32>} : memref<6x128x128xf32, #tpu.memory_space<vmem>>, vector<16xf32>,
        %mul3A_2272 = arith.constant 16 : i32
        %mul3A_2273 = arith.muli %scan3A_208, %mul3A_2272 : i32
        %add3A_2274 = arith.constant 7 : i32
        %add3A_2275 = arith.addi %mul3A_2273, %add3A_2274 : i32
        %get3A_2276 = arith.index_cast %select_n3A_123 : i32 to index
        %get3A_2277 = arith.index_cast %add3A_2275 : i32 to index
        %get3A_2278 = arith.constant 16 : index
        %get3A_2279 = tpu.vector_load %arg9[%get3A_2276, %get3A_2277, %get3A_2278] {strides = array<i32>} : memref<6x128x128xf32, #tpu.memory_space<vmem>>, vector<16xf32>,
        %sub3A_2280 = vector.broadcast %mul3A_991 : f32 to vector<16xf32>
        %sub3A_2281 = arith.subf %get3A_2279, %sub3A_2280 : vector<16xf32>
        %mul3A_2282 = vector.broadcast %mul3A_1026 : f32 to vector<16xf32>
        %mul3A_2283 = arith.mulf %sub3A_2281, %mul3A_2282 : vector<16xf32>
        %mul3A_2284 = arith.mulf %mul3A_2283, %get3A_2143 : vector<16xf32>
        %add3A_2285 = arith.addf %mul3A_2284, %get3A_2145 : vector<16xf32>
        %swap3A_2286 = arith.index_cast %select_n3A_123 : i32 to index
        %swap3A_2287 = arith.index_cast %add3A_2275 : i32 to index
        %swap3A_2288 = arith.constant 16 : index
        %swap3A_2289 = tpu.vector_load %arg9[%swap3A_2286, %swap3A_2287, %swap3A_2288] {strides = array<i32>} : memref<6x128x128xf32, #tpu.memory_space<vmem>>, vector<16xf32>,
        tpu.vector_store %arg9[%swap3A_2286, %swap3A_2287, %swap3A_2288], %add3A_2285 {strides = array<i32>} : memref<6x128x128xf32, #tpu.memory_space<vmem>>, vector<16xf32>,
        %mul3A_2290 = arith.constant 16 : i32
        %mul3A_2291 = arith.muli %scan3A_208, %mul3A_2290 : i32
        %add3A_2292 = arith.constant 8 : i32
        %add3A_2293 = arith.addi %mul3A_2291, %add3A_2292 : i32
        %get3A_2294 = arith.index_cast %select_n3A_123 : i32 to index
        %get3A_2295 = arith.index_cast %add3A_2293 : i32 to index
        %get3A_2296 = arith.constant 16 : index
        %get3A_2297 = tpu.vector_load %arg9[%get3A_2294, %get3A_2295, %get3A_2296] {strides = array<i32>} : memref<6x128x128xf32, #tpu.memory_space<vmem>>, vector<16xf32>,
        %sub3A_2298 = vector.broadcast %mul3A_1094 : f32 to vector<16xf32>
        %sub3A_2299 = arith.subf %get3A_2297, %sub3A_2298 : vector<16xf32>
        %mul3A_2300 = vector.broadcast %mul3A_1129 : f32 to vector<16xf32>
        %mul3A_2301 = arith.mulf %sub3A_2299, %mul3A_2300 : vector<16xf32>
        %mul3A_2302 = arith.mulf %mul3A_2301, %get3A_2143 : vector<16xf32>
        %add3A_2303 = arith.addf %mul3A_2302, %get3A_2145 : vector<16xf32>
        %swap3A_2304 = arith.index_cast %select_n3A_123 : i32 to index
        %swap3A_2305 = arith.index_cast %add3A_2293 : i32 to index
        %swap3A_2306 = arith.constant 16 : index
        %swap3A_2307 = tpu.vector_load %arg9[%swap3A_2304, %swap3A_2305, %swap3A_2306] {strides = array<i32>} : memref<6x128x128xf32, #tpu.memory_space<vmem>>, vector<16xf32>,
        tpu.vector_store %arg9[%swap3A_2304, %swap3A_2305, %swap3A_2306], %add3A_2303 {strides = array<i32>} : memref<6x128x128xf32, #tpu.memory_space<vmem>>, vector<16xf32>,
        %mul3A_2308 = arith.constant 16 : i32
        %mul3A_2309 = arith.muli %scan3A_208, %mul3A_2308 : i32
        %add3A_2310 = arith.constant 9 : i32
        %add3A_2311 = arith.addi %mul3A_2309, %add3A_2310 : i32
        %get3A_2312 = arith.index_cast %select_n3A_123 : i32 to index
        %get3A_2313 = arith.index_cast %add3A_2311 : i32 to index
        %get3A_2314 = arith.constant 16 : index
        %get3A_2315 = tpu.vector_load %arg9[%get3A_2312, %get3A_2313, %get3A_2314] {strides = array<i32>} : memref<6x128x128xf32, #tpu.memory_space<vmem>>, vector<16xf32>,
        %sub3A_2316 = vector.broadcast %mul3A_1197 : f32 to vector<16xf32>
        %sub3A_2317 = arith.subf %get3A_2315, %sub3A_2316 : vector<16xf32>
        %mul3A_2318 = vector.broadcast %mul3A_1232 : f32 to vector<16xf32>
        %mul3A_2319 = arith.mulf %sub3A_2317, %mul3A_2318 : vector<16xf32>
        %mul3A_2320 = arith.mulf %mul3A_2319, %get3A_2143 : vector<16xf32>
        %add3A_2321 = arith.addf %mul3A_2320, %get3A_2145 : vector<16xf32>
        %swap3A_2322 = arith.index_cast %select_n3A_123 : i32 to index
        %swap3A_2323 = arith.index_cast %add3A_2311 : i32 to index
        %swap3A_2324 = arith.constant 16 : index
        %swap3A_2325 = tpu.vector_load %arg9[%swap3A_2322, %swap3A_2323, %swap3A_2324] {strides = array<i32>} : memref<6x128x128xf32, #tpu.memory_space<vmem>>, vector<16xf32>,
        tpu.vector_store %arg9[%swap3A_2322, %swap3A_2323, %swap3A_2324], %add3A_2321 {strides = array<i32>} : memref<6x128x128xf32, #tpu.memory_space<vmem>>, vector<16xf32>,
        %mul3A_2326 = arith.constant 16 : i32
        %mul3A_2327 = arith.muli %scan3A_208, %mul3A_2326 : i32
        %add3A_2328 = arith.constant 10 : i32
        %add3A_2329 = arith.addi %mul3A_2327, %add3A_2328 : i32
        %get3A_2330 = arith.index_cast %select_n3A_123 : i32 to index
        %get3A_2331 = arith.index_cast %add3A_2329 : i32 to index
        %get3A_2332 = arith.constant 16 : index
        %get3A_2333 = tpu.vector_load %arg9[%get3A_2330, %get3A_2331, %get3A_2332] {strides = array<i32>} : memref<6x128x128xf32, #tpu.memory_space<vmem>>, vector<16xf32>,
        %sub3A_2334 = vector.broadcast %mul3A_1300 : f32 to vector<16xf32>
        %sub3A_2335 = arith.subf %get3A_2333, %sub3A_2334 : vector<16xf32>
        %mul3A_2336 = vector.broadcast %mul3A_1335 : f32 to vector<16xf32>
        %mul3A_2337 = arith.mulf %sub3A_2335, %mul3A_2336 : vector<16xf32>
        %mul3A_2338 = arith.mulf %mul3A_2337, %get3A_2143 : vector<16xf32>
        %add3A_2339 = arith.addf %mul3A_2338, %get3A_2145 : vector<16xf32>
        %swap3A_2340 = arith.index_cast %select_n3A_123 : i32 to index
        %swap3A_2341 = arith.index_cast %add3A_2329 : i32 to index
        %swap3A_2342 = arith.constant 16 : index
        %swap3A_2343 = tpu.vector_load %arg9[%swap3A_2340, %swap3A_2341, %swap3A_2342] {strides = array<i32>} : memref<6x128x128xf32, #tpu.memory_space<vmem>>, vector<16xf32>,
        tpu.vector_store %arg9[%swap3A_2340, %swap3A_2341, %swap3A_2342], %add3A_2339 {strides = array<i32>} : memref<6x128x128xf32, #tpu.memory_space<vmem>>, vector<16xf32>,
        %mul3A_2344 = arith.constant 16 : i32
        %mul3A_2345 = arith.muli %scan3A_208, %mul3A_2344 : i32
        %add3A_2346 = arith.constant 11 : i32
        %add3A_2347 = arith.addi %mul3A_2345, %add3A_2346 : i32
        %get3A_2348 = arith.index_cast %select_n3A_123 : i32 to index
        %get3A_2349 = arith.index_cast %add3A_2347 : i32 to index
        %get3A_2350 = arith.constant 16 : index
        %get3A_2351 = tpu.vector_load %arg9[%get3A_2348, %get3A_2349, %get3A_2350] {strides = array<i32>} : memref<6x128x128xf32, #tpu.memory_space<vmem>>, vector<16xf32>,
        %sub3A_2352 = vector.broadcast %mul3A_1403 : f32 to vector<16xf32>
        %sub3A_2353 = arith.subf %get3A_2351, %sub3A_2352 : vector<16xf32>
        %mul3A_2354 = vector.broadcast %mul3A_1438 : f32 to vector<16xf32>
        %mul3A_2355 = arith.mulf %sub3A_2353, %mul3A_2354 : vector<16xf32>
        %mul3A_2356 = arith.mulf %mul3A_2355, %get3A_2143 : vector<16xf32>
        %add3A_2357 = arith.addf %mul3A_2356, %get3A_2145 : vector<16xf32>
        %swap3A_2358 = arith.index_cast %select_n3A_123 : i32 to index
        %swap3A_2359 = arith.index_cast %add3A_2347 : i32 to index
        %swap3A_2360 = arith.constant 16 : index
        %swap3A_2361 = tpu.vector_load %arg9[%swap3A_2358, %swap3A_2359, %swap3A_2360] {strides = array<i32>} : memref<6x128x128xf32, #tpu.memory_space<vmem>>, vector<16xf32>,
        tpu.vector_store %arg9[%swap3A_2358, %swap3A_2359, %swap3A_2360], %add3A_2357 {strides = array<i32>} : memref<6x128x128xf32, #tpu.memory_space<vmem>>, vector<16xf32>,
        %mul3A_2362 = arith.constant 16 : i32
        %mul3A_2363 = arith.muli %scan3A_208, %mul3A_2362 : i32
        %add3A_2364 = arith.constant 12 : i32
        %add3A_2365 = arith.addi %mul3A_2363, %add3A_2364 : i32
        %get3A_2366 = arith.index_cast %select_n3A_123 : i32 to index
        %get3A_2367 = arith.index_cast %add3A_2365 : i32 to index
        %get3A_2368 = arith.constant 16 : index
        %get3A_2369 = tpu.vector_load %arg9[%get3A_2366, %get3A_2367, %get3A_2368] {strides = array<i32>} : memref<6x128x128xf32, #tpu.memory_space<vmem>>, vector<16xf32>,
        %sub3A_2370 = vector.broadcast %mul3A_1506 : f32 to vector<16xf32>
        %sub3A_2371 = arith.subf %get3A_2369, %sub3A_2370 : vector<16xf32>
        %mul3A_2372 = vector.broadcast %mul3A_1541 : f32 to vector<16xf32>
        %mul3A_2373 = arith.mulf %sub3A_2371, %mul3A_2372 : vector<16xf32>
        %mul3A_2374 = arith.mulf %mul3A_2373, %get3A_2143 : vector<16xf32>
        %add3A_2375 = arith.addf %mul3A_2374, %get3A_2145 : vector<16xf32>
        %swap3A_2376 = arith.index_cast %select_n3A_123 : i32 to index
        %swap3A_2377 = arith.index_cast %add3A_2365 : i32 to index
        %swap3A_2378 = arith.constant 16 : index
        %swap3A_2379 = tpu.vector_load %arg9[%swap3A_2376, %swap3A_2377, %swap3A_2378] {strides = array<i32>} : memref<6x128x128xf32, #tpu.memory_space<vmem>>, vector<16xf32>,
        tpu.vector_store %arg9[%swap3A_2376, %swap3A_2377, %swap3A_2378], %add3A_2375 {strides = array<i32>} : memref<6x128x128xf32, #tpu.memory_space<vmem>>, vector<16xf32>,
        %mul3A_2380 = arith.constant 16 : i32
        %mul3A_2381 = arith.muli %scan3A_208, %mul3A_2380 : i32
        %add3A_2382 = arith.constant 13 : i32
        %add3A_2383 = arith.addi %mul3A_2381, %add3A_2382 : i32
        %get3A_2384 = arith.index_cast %select_n3A_123 : i32 to index
        %get3A_2385 = arith.index_cast %add3A_2383 : i32 to index
        %get3A_2386 = arith.constant 16 : index
        %get3A_2387 = tpu.vector_load %arg9[%get3A_2384, %get3A_2385, %get3A_2386] {strides = array<i32>} : memref<6x128x128xf32, #tpu.memory_space<vmem>>, vector<16xf32>,
        %sub3A_2388 = vector.broadcast %mul3A_1609 : f32 to vector<16xf32>
        %sub3A_2389 = arith.subf %get3A_2387, %sub3A_2388 : vector<16xf32>
        %mul3A_2390 = vector.broadcast %mul3A_1644 : f32 to vector<16xf32>
        %mul3A_2391 = arith.mulf %sub3A_2389, %mul3A_2390 : vector<16xf32>
        %mul3A_2392 = arith.mulf %mul3A_2391, %get3A_2143 : vector<16xf32>
        %add3A_2393 = arith.addf %mul3A_2392, %get3A_2145 : vector<16xf32>
        %swap3A_2394 = arith.index_cast %select_n3A_123 : i32 to index
        %swap3A_2395 = arith.index_cast %add3A_2383 : i32 to index
        %swap3A_2396 = arith.constant 16 : index
        %swap3A_2397 = tpu.vector_load %arg9[%swap3A_2394, %swap3A_2395, %swap3A_2396] {strides = array<i32>} : memref<6x128x128xf32, #tpu.memory_space<vmem>>, vector<16xf32>,
        tpu.vector_store %arg9[%swap3A_2394, %swap3A_2395, %swap3A_2396], %add3A_2393 {strides = array<i32>} : memref<6x128x128xf32, #tpu.memory_space<vmem>>, vector<16xf32>,
        %mul3A_2398 = arith.constant 16 : i32
        %mul3A_2399 = arith.muli %scan3A_208, %mul3A_2398 : i32
        %add3A_2400 = arith.constant 14 : i32
        %add3A_2401 = arith.addi %mul3A_2399, %add3A_2400 : i32
        %get3A_2402 = arith.index_cast %select_n3A_123 : i32 to index
        %get3A_2403 = arith.index_cast %add3A_2401 : i32 to index
        %get3A_2404 = arith.constant 16 : index
        %get3A_2405 = tpu.vector_load %arg9[%get3A_2402, %get3A_2403, %get3A_2404] {strides = array<i32>} : memref<6x128x128xf32, #tpu.memory_space<vmem>>, vector<16xf32>,
        %sub3A_2406 = vector.broadcast %mul3A_1712 : f32 to vector<16xf32>
        %sub3A_2407 = arith.subf %get3A_2405, %sub3A_2406 : vector<16xf32>
        %mul3A_2408 = vector.broadcast %mul3A_1747 : f32 to vector<16xf32>
        %mul3A_2409 = arith.mulf %sub3A_2407, %mul3A_2408 : vector<16xf32>
        %mul3A_2410 = arith.mulf %mul3A_2409, %get3A_2143 : vector<16xf32>
        %add3A_2411 = arith.addf %mul3A_2410, %get3A_2145 : vector<16xf32>
        %swap3A_2412 = arith.index_cast %select_n3A_123 : i32 to index
        %swap3A_2413 = arith.index_cast %add3A_2401 : i32 to index
        %swap3A_2414 = arith.constant 16 : index
        %swap3A_2415 = tpu.vector_load %arg9[%swap3A_2412, %swap3A_2413, %swap3A_2414] {strides = array<i32>} : memref<6x128x128xf32, #tpu.memory_space<vmem>>, vector<16xf32>,
        tpu.vector_store %arg9[%swap3A_2412, %swap3A_2413, %swap3A_2414], %add3A_2411 {strides = array<i32>} : memref<6x128x128xf32, #tpu.memory_space<vmem>>, vector<16xf32>,
        %mul3A_2416 = arith.constant 16 : i32
        %mul3A_2417 = arith.muli %scan3A_208, %mul3A_2416 : i32
        %add3A_2418 = arith.constant 15 : i32
        %add3A_2419 = arith.addi %mul3A_2417, %add3A_2418 : i32
        %get3A_2420 = arith.index_cast %select_n3A_123 : i32 to index
        %get3A_2421 = arith.index_cast %add3A_2419 : i32 to index
        %get3A_2422 = arith.constant 16 : index
        %get3A_2423 = tpu.vector_load %arg9[%get3A_2420, %get3A_2421, %get3A_2422] {strides = array<i32>} : memref<6x128x128xf32, #tpu.memory_space<vmem>>, vector<16xf32>,
        %sub3A_2424 = vector.broadcast %mul3A_1815 : f32 to vector<16xf32>
        %sub3A_2425 = arith.subf %get3A_2423, %sub3A_2424 : vector<16xf32>
        %mul3A_2426 = vector.broadcast %mul3A_1850 : f32 to vector<16xf32>
        %mul3A_2427 = arith.mulf %sub3A_2425, %mul3A_2426 : vector<16xf32>
        %mul3A_2428 = arith.mulf %mul3A_2427, %get3A_2143 : vector<16xf32>
        %add3A_2429 = arith.addf %mul3A_2428, %get3A_2145 : vector<16xf32>
        %swap3A_2430 = arith.index_cast %select_n3A_123 : i32 to index
        %swap3A_2431 = arith.index_cast %add3A_2419 : i32 to index
        %swap3A_2432 = arith.constant 16 : index
        %swap3A_2433 = tpu.vector_load %arg9[%swap3A_2430, %swap3A_2431, %swap3A_2432] {strides = array<i32>} : memref<6x128x128xf32, #tpu.memory_space<vmem>>, vector<16xf32>,
        tpu.vector_store %arg9[%swap3A_2430, %swap3A_2431, %swap3A_2432], %add3A_2429 {strides = array<i32>} : memref<6x128x128xf32, #tpu.memory_space<vmem>>, vector<16xf32>,
        %get3A_2434 = arith.constant 32 : index
        %get3A_2435 = tpu.vector_load %arg10[%get3A_2434] {strides = array<i32>} : memref<128xf32, #tpu.memory_space<vmem>>, vector<16xf32>,
        %get3A_2436 = arith.constant 32 : index
        %get3A_2437 = tpu.vector_load %arg11[%get3A_2436] {strides = array<i32>} : memref<128xf32, #tpu.memory_space<vmem>>, vector<16xf32>,
        %mul3A_2438 = arith.constant 16 : i32
        %mul3A_2439 = arith.muli %scan3A_208, %mul3A_2438 : i32
        %add3A_2440 = arith.constant 0 : i32
        %add3A_2441 = arith.addi %mul3A_2439, %add3A_2440 : i32
        %get3A_2442 = arith.index_cast %select_n3A_123 : i32 to index
        %get3A_2443 = arith.index_cast %add3A_2441 : i32 to index
        %get3A_2444 = arith.constant 32 : index
        %get3A_2445 = tpu.vector_load %arg9[%get3A_2442, %get3A_2443, %get3A_2444] {strides = array<i32>} : memref<6x128x128xf32, #tpu.memory_space<vmem>>, vector<16xf32>,
        %sub3A_2446 = vector.broadcast %mul3A_274 : f32 to vector<16xf32>
        %sub3A_2447 = arith.subf %get3A_2445, %sub3A_2446 : vector<16xf32>
        %mul3A_2448 = vector.broadcast %mul3A_305 : f32 to vector<16xf32>
        %mul3A_2449 = arith.mulf %sub3A_2447, %mul3A_2448 : vector<16xf32>
        %mul3A_2450 = arith.mulf %mul3A_2449, %get3A_2435 : vector<16xf32>
        %add3A_2451 = arith.addf %mul3A_2450, %get3A_2437 : vector<16xf32>
        %swap3A_2452 = arith.index_cast %select_n3A_123 : i32 to index
        %swap3A_2453 = arith.index_cast %add3A_2441 : i32 to index
        %swap3A_2454 = arith.constant 32 : index
        %swap3A_2455 = tpu.vector_load %arg9[%swap3A_2452, %swap3A_2453, %swap3A_2454] {strides = array<i32>} : memref<6x128x128xf32, #tpu.memory_space<vmem>>, vector<16xf32>,
        tpu.vector_store %arg9[%swap3A_2452, %swap3A_2453, %swap3A_2454], %add3A_2451 {strides = array<i32>} : memref<6x128x128xf32, #tpu.memory_space<vmem>>, vector<16xf32>,
        %mul3A_2456 = arith.constant 16 : i32
        %mul3A_2457 = arith.muli %scan3A_208, %mul3A_2456 : i32
        %add3A_2458 = arith.constant 1 : i32
        %add3A_2459 = arith.addi %mul3A_2457, %add3A_2458 : i32
        %get3A_2460 = arith.index_cast %select_n3A_123 : i32 to index
        %get3A_2461 = arith.index_cast %add3A_2459 : i32 to index
        %get3A_2462 = arith.constant 32 : index
        %get3A_2463 = tpu.vector_load %arg9[%get3A_2460, %get3A_2461, %get3A_2462] {strides = array<i32>} : memref<6x128x128xf32, #tpu.memory_space<vmem>>, vector<16xf32>,
        %sub3A_2464 = vector.broadcast %mul3A_373 : f32 to vector<16xf32>
        %sub3A_2465 = arith.subf %get3A_2463, %sub3A_2464 : vector<16xf32>
        %mul3A_2466 = vector.broadcast %mul3A_408 : f32 to vector<16xf32>
        %mul3A_2467 = arith.mulf %sub3A_2465, %mul3A_2466 : vector<16xf32>
        %mul3A_2468 = arith.mulf %mul3A_2467, %get3A_2435 : vector<16xf32>
        %add3A_2469 = arith.addf %mul3A_2468, %get3A_2437 : vector<16xf32>
        %swap3A_2470 = arith.index_cast %select_n3A_123 : i32 to index
        %swap3A_2471 = arith.index_cast %add3A_2459 : i32 to index
        %swap3A_2472 = arith.constant 32 : index
        %swap3A_2473 = tpu.vector_load %arg9[%swap3A_2470, %swap3A_2471, %swap3A_2472] {strides = array<i32>} : memref<6x128x128xf32, #tpu.memory_space<vmem>>, vector<16xf32>,
        tpu.vector_store %arg9[%swap3A_2470, %swap3A_2471, %swap3A_2472], %add3A_2469 {strides = array<i32>} : memref<6x128x128xf32, #tpu.memory_space<vmem>>, vector<16xf32>,
        %mul3A_2474 = arith.constant 16 : i32
        %mul3A_2475 = arith.muli %scan3A_208, %mul3A_2474 : i32
        %add3A_2476 = arith.constant 2 : i32
        %add3A_2477 = arith.addi %mul3A_2475, %add3A_2476 : i32
        %get3A_2478 = arith.index_cast %select_n3A_123 : i32 to index
        %get3A_2479 = arith.index_cast %add3A_2477 : i32 to index
        %get3A_2480 = arith.constant 32 : index
        %get3A_2481 = tpu.vector_load %arg9[%get3A_2478, %get3A_2479, %get3A_2480] {strides = array<i32>} : memref<6x128x128xf32, #tpu.memory_space<vmem>>, vector<16xf32>,
        %sub3A_2482 = vector.broadcast %mul3A_476 : f32 to vector<16xf32>
        %sub3A_2483 = arith.subf %get3A_2481, %sub3A_2482 : vector<16xf32>
        %mul3A_2484 = vector.broadcast %mul3A_511 : f32 to vector<16xf32>
        %mul3A_2485 = arith.mulf %sub3A_2483, %mul3A_2484 : vector<16xf32>
        %mul3A_2486 = arith.mulf %mul3A_2485, %get3A_2435 : vector<16xf32>
        %add3A_2487 = arith.addf %mul3A_2486, %get3A_2437 : vector<16xf32>
        %swap3A_2488 = arith.index_cast %select_n3A_123 : i32 to index
        %swap3A_2489 = arith.index_cast %add3A_2477 : i32 to index
        %swap3A_2490 = arith.constant 32 : index
        %swap3A_2491 = tpu.vector_load %arg9[%swap3A_2488, %swap3A_2489, %swap3A_2490] {strides = array<i32>} : memref<6x128x128xf32, #tpu.memory_space<vmem>>, vector<16xf32>,
        tpu.vector_store %arg9[%swap3A_2488, %swap3A_2489, %swap3A_2490], %add3A_2487 {strides = array<i32>} : memref<6x128x128xf32, #tpu.memory_space<vmem>>, vector<16xf32>,
        %mul3A_2492 = arith.constant 16 : i32
        %mul3A_2493 = arith.muli %scan3A_208, %mul3A_2492 : i32
        %add3A_2494 = arith.constant 3 : i32
        %add3A_2495 = arith.addi %mul3A_2493, %add3A_2494 : i32
        %get3A_2496 = arith.index_cast %select_n3A_123 : i32 to index
        %get3A_2497 = arith.index_cast %add3A_2495 : i32 to index
        %get3A_2498 = arith.constant 32 : index
        %get3A_2499 = tpu.vector_load %arg9[%get3A_2496, %get3A_2497, %get3A_2498] {strides = array<i32>} : memref<6x128x128xf32, #tpu.memory_space<vmem>>, vector<16xf32>,
        %sub3A_2500 = vector.broadcast %mul3A_579 : f32 to vector<16xf32>
        %sub3A_2501 = arith.subf %get3A_2499, %sub3A_2500 : vector<16xf32>
        %mul3A_2502 = vector.broadcast %mul3A_614 : f32 to vector<16xf32>
        %mul3A_2503 = arith.mulf %sub3A_2501, %mul3A_2502 : vector<16xf32>
        %mul3A_2504 = arith.mulf %mul3A_2503, %get3A_2435 : vector<16xf32>
        %add3A_2505 = arith.addf %mul3A_2504, %get3A_2437 : vector<16xf32>
        %swap3A_2506 = arith.index_cast %select_n3A_123 : i32 to index
        %swap3A_2507 = arith.index_cast %add3A_2495 : i32 to index
        %swap3A_2508 = arith.constant 32 : index
        %swap3A_2509 = tpu.vector_load %arg9[%swap3A_2506, %swap3A_2507, %swap3A_2508] {strides = array<i32>} : memref<6x128x128xf32, #tpu.memory_space<vmem>>, vector<16xf32>,
        tpu.vector_store %arg9[%swap3A_2506, %swap3A_2507, %swap3A_2508], %add3A_2505 {strides = array<i32>} : memref<6x128x128xf32, #tpu.memory_space<vmem>>, vector<16xf32>,
        %mul3A_2510 = arith.constant 16 : i32
        %mul3A_2511 = arith.muli %scan3A_208, %mul3A_2510 : i32
        %add3A_2512 = arith.constant 4 : i32
        %add3A_2513 = arith.addi %mul3A_2511, %add3A_2512 : i32
        %get3A_2514 = arith.index_cast %select_n3A_123 : i32 to index
        %get3A_2515 = arith.index_cast %add3A_2513 : i32 to index
        %get3A_2516 = arith.constant 32 : index
        %get3A_2517 = tpu.vector_load %arg9[%get3A_2514, %get3A_2515, %get3A_2516] {strides = array<i32>} : memref<6x128x128xf32, #tpu.memory_space<vmem>>, vector<16xf32>,
        %sub3A_2518 = vector.broadcast %mul3A_682 : f32 to vector<16xf32>
        %sub3A_2519 = arith.subf %get3A_2517, %sub3A_2518 : vector<16xf32>
        %mul3A_2520 = vector.broadcast %mul3A_717 : f32 to vector<16xf32>
        %mul3A_2521 = arith.mulf %sub3A_2519, %mul3A_2520 : vector<16xf32>
        %mul3A_2522 = arith.mulf %mul3A_2521, %get3A_2435 : vector<16xf32>
        %add3A_2523 = arith.addf %mul3A_2522, %get3A_2437 : vector<16xf32>
        %swap3A_2524 = arith.index_cast %select_n3A_123 : i32 to index
        %swap3A_2525 = arith.index_cast %add3A_2513 : i32 to index
        %swap3A_2526 = arith.constant 32 : index
        %swap3A_2527 = tpu.vector_load %arg9[%swap3A_2524, %swap3A_2525, %swap3A_2526] {strides = array<i32>} : memref<6x128x128xf32, #tpu.memory_space<vmem>>, vector<16xf32>,
        tpu.vector_store %arg9[%swap3A_2524, %swap3A_2525, %swap3A_2526], %add3A_2523 {strides = array<i32>} : memref<6x128x128xf32, #tpu.memory_space<vmem>>, vector<16xf32>,
        %mul3A_2528 = arith.constant 16 : i32
        %mul3A_2529 = arith.muli %scan3A_208, %mul3A_2528 : i32
        %add3A_2530 = arith.constant 5 : i32
        %add3A_2531 = arith.addi %mul3A_2529, %add3A_2530 : i32
        %get3A_2532 = arith.index_cast %select_n3A_123 : i32 to index
        %get3A_2533 = arith.index_cast %add3A_2531 : i32 to index
        %get3A_2534 = arith.constant 32 : index
        %get3A_2535 = tpu.vector_load %arg9[%get3A_2532, %get3A_2533, %get3A_2534] {strides = array<i32>} : memref<6x128x128xf32, #tpu.memory_space<vmem>>, vector<16xf32>,
        %sub3A_2536 = vector.broadcast %mul3A_785 : f32 to vector<16xf32>
        %sub3A_2537 = arith.subf %get3A_2535, %sub3A_2536 : vector<16xf32>
        %mul3A_2538 = vector.broadcast %mul3A_820 : f32 to vector<16xf32>
        %mul3A_2539 = arith.mulf %sub3A_2537, %mul3A_2538 : vector<16xf32>
        %mul3A_2540 = arith.mulf %mul3A_2539, %get3A_2435 : vector<16xf32>
        %add3A_2541 = arith.addf %mul3A_2540, %get3A_2437 : vector<16xf32>
        %swap3A_2542 = arith.index_cast %select_n3A_123 : i32 to index
        %swap3A_2543 = arith.index_cast %add3A_2531 : i32 to index
        %swap3A_2544 = arith.constant 32 : index
        %swap3A_2545 = tpu.vector_load %arg9[%swap3A_2542, %swap3A_2543, %swap3A_2544] {strides = array<i32>} : memref<6x128x128xf32, #tpu.memory_space<vmem>>, vector<16xf32>,
        tpu.vector_store %arg9[%swap3A_2542, %swap3A_2543, %swap3A_2544], %add3A_2541 {strides = array<i32>} : memref<6x128x128xf32, #tpu.memory_space<vmem>>, vector<16xf32>,
        %mul3A_2546 = arith.constant 16 : i32
        %mul3A_2547 = arith.muli %scan3A_208, %mul3A_2546 : i32
        %add3A_2548 = arith.constant 6 : i32
        %add3A_2549 = arith.addi %mul3A_2547, %add3A_2548 : i32
        %get3A_2550 = arith.index_cast %select_n3A_123 : i32 to index
        %get3A_2551 = arith.index_cast %add3A_2549 : i32 to index
        %get3A_2552 = arith.constant 32 : index
        %get3A_2553 = tpu.vector_load %arg9[%get3A_2550, %get3A_2551, %get3A_2552] {strides = array<i32>} : memref<6x128x128xf32, #tpu.memory_space<vmem>>, vector<16xf32>,
        %sub3A_2554 = vector.broadcast %mul3A_888 : f32 to vector<16xf32>
        %sub3A_2555 = arith.subf %get3A_2553, %sub3A_2554 : vector<16xf32>
        %mul3A_2556 = vector.broadcast %mul3A_923 : f32 to vector<16xf32>
        %mul3A_2557 = arith.mulf %sub3A_2555, %mul3A_2556 : vector<16xf32>
        %mul3A_2558 = arith.mulf %mul3A_2557, %get3A_2435 : vector<16xf32>
        %add3A_2559 = arith.addf %mul3A_2558, %get3A_2437 : vector<16xf32>
        %swap3A_2560 = arith.index_cast %select_n3A_123 : i32 to index
        %swap3A_2561 = arith.index_cast %add3A_2549 : i32 to index
        %swap3A_2562 = arith.constant 32 : index
        %swap3A_2563 = tpu.vector_load %arg9[%swap3A_2560, %swap3A_2561, %swap3A_2562] {strides = array<i32>} : memref<6x128x128xf32, #tpu.memory_space<vmem>>, vector<16xf32>,
        tpu.vector_store %arg9[%swap3A_2560, %swap3A_2561, %swap3A_2562], %add3A_2559 {strides = array<i32>} : memref<6x128x128xf32, #tpu.memory_space<vmem>>, vector<16xf32>,
        %mul3A_2564 = arith.constant 16 : i32
        %mul3A_2565 = arith.muli %scan3A_208, %mul3A_2564 : i32
        %add3A_2566 = arith.constant 7 : i32
        %add3A_2567 = arith.addi %mul3A_2565, %add3A_2566 : i32
        %get3A_2568 = arith.index_cast %select_n3A_123 : i32 to index
        %get3A_2569 = arith.index_cast %add3A_2567 : i32 to index
        %get3A_2570 = arith.constant 32 : index
        %get3A_2571 = tpu.vector_load %arg9[%get3A_2568, %get3A_2569, %get3A_2570] {strides = array<i32>} : memref<6x128x128xf32, #tpu.memory_space<vmem>>, vector<16xf32>,
        %sub3A_2572 = vector.broadcast %mul3A_991 : f32 to vector<16xf32>
        %sub3A_2573 = arith.subf %get3A_2571, %sub3A_2572 : vector<16xf32>
        %mul3A_2574 = vector.broadcast %mul3A_1026 : f32 to vector<16xf32>
        %mul3A_2575 = arith.mulf %sub3A_2573, %mul3A_2574 : vector<16xf32>
        %mul3A_2576 = arith.mulf %mul3A_2575, %get3A_2435 : vector<16xf32>
        %add3A_2577 = arith.addf %mul3A_2576, %get3A_2437 : vector<16xf32>
        %swap3A_2578 = arith.index_cast %select_n3A_123 : i32 to index
        %swap3A_2579 = arith.index_cast %add3A_2567 : i32 to index
        %swap3A_2580 = arith.constant 32 : index
        %swap3A_2581 = tpu.vector_load %arg9[%swap3A_2578, %swap3A_2579, %swap3A_2580] {strides = array<i32>} : memref<6x128x128xf32, #tpu.memory_space<vmem>>, vector<16xf32>,
        tpu.vector_store %arg9[%swap3A_2578, %swap3A_2579, %swap3A_2580], %add3A_2577 {strides = array<i32>} : memref<6x128x128xf32, #tpu.memory_space<vmem>>, vector<16xf32>,
        %mul3A_2582 = arith.constant 16 : i32
        %mul3A_2583 = arith.muli %scan3A_208, %mul3A_2582 : i32
        %add3A_2584 = arith.constant 8 : i32
        %add3A_2585 = arith.addi %mul3A_2583, %add3A_2584 : i32
        %get3A_2586 = arith.index_cast %select_n3A_123 : i32 to index
        %get3A_2587 = arith.index_cast %add3A_2585 : i32 to index
        %get3A_2588 = arith.constant 32 : index
        %get3A_2589 = tpu.vector_load %arg9[%get3A_2586, %get3A_2587, %get3A_2588] {strides = array<i32>} : memref<6x128x128xf32, #tpu.memory_space<vmem>>, vector<16xf32>,
        %sub3A_2590 = vector.broadcast %mul3A_1094 : f32 to vector<16xf32>
        %sub3A_2591 = arith.subf %get3A_2589, %sub3A_2590 : vector<16xf32>
        %mul3A_2592 = vector.broadcast %mul3A_1129 : f32 to vector<16xf32>
        %mul3A_2593 = arith.mulf %sub3A_2591, %mul3A_2592 : vector<16xf32>
        %mul3A_2594 = arith.mulf %mul3A_2593, %get3A_2435 : vector<16xf32>
        %add3A_2595 = arith.addf %mul3A_2594, %get3A_2437 : vector<16xf32>
        %swap3A_2596 = arith.index_cast %select_n3A_123 : i32 to index
        %swap3A_2597 = arith.index_cast %add3A_2585 : i32 to index
        %swap3A_2598 = arith.constant 32 : index
        %swap3A_2599 = tpu.vector_load %arg9[%swap3A_2596, %swap3A_2597, %swap3A_2598] {strides = array<i32>} : memref<6x128x128xf32, #tpu.memory_space<vmem>>, vector<16xf32>,
        tpu.vector_store %arg9[%swap3A_2596, %swap3A_2597, %swap3A_2598], %add3A_2595 {strides = array<i32>} : memref<6x128x128xf32, #tpu.memory_space<vmem>>, vector<16xf32>,
        %mul3A_2600 = arith.constant 16 : i32
        %mul3A_2601 = arith.muli %scan3A_208, %mul3A_2600 : i32
        %add3A_2602 = arith.constant 9 : i32
        %add3A_2603 = arith.addi %mul3A_2601, %add3A_2602 : i32
        %get3A_2604 = arith.index_cast %select_n3A_123 : i32 to index
        %get3A_2605 = arith.index_cast %add3A_2603 : i32 to index
        %get3A_2606 = arith.constant 32 : index
        %get3A_2607 = tpu.vector_load %arg9[%get3A_2604, %get3A_2605, %get3A_2606] {strides = array<i32>} : memref<6x128x128xf32, #tpu.memory_space<vmem>>, vector<16xf32>,
        %sub3A_2608 = vector.broadcast %mul3A_1197 : f32 to vector<16xf32>
        %sub3A_2609 = arith.subf %get3A_2607, %sub3A_2608 : vector<16xf32>
        %mul3A_2610 = vector.broadcast %mul3A_1232 : f32 to vector<16xf32>
        %mul3A_2611 = arith.mulf %sub3A_2609, %mul3A_2610 : vector<16xf32>
        %mul3A_2612 = arith.mulf %mul3A_2611, %get3A_2435 : vector<16xf32>
        %add3A_2613 = arith.addf %mul3A_2612, %get3A_2437 : vector<16xf32>
        %swap3A_2614 = arith.index_cast %select_n3A_123 : i32 to index
        %swap3A_2615 = arith.index_cast %add3A_2603 : i32 to index
        %swap3A_2616 = arith.constant 32 : index
        %swap3A_2617 = tpu.vector_load %arg9[%swap3A_2614, %swap3A_2615, %swap3A_2616] {strides = array<i32>} : memref<6x128x128xf32, #tpu.memory_space<vmem>>, vector<16xf32>,
        tpu.vector_store %arg9[%swap3A_2614, %swap3A_2615, %swap3A_2616], %add3A_2613 {strides = array<i32>} : memref<6x128x128xf32, #tpu.memory_space<vmem>>, vector<16xf32>,
        %mul3A_2618 = arith.constant 16 : i32
        %mul3A_2619 = arith.muli %scan3A_208, %mul3A_2618 : i32
        %add3A_2620 = arith.constant 10 : i32
        %add3A_2621 = arith.addi %mul3A_2619, %add3A_2620 : i32
        %get3A_2622 = arith.index_cast %select_n3A_123 : i32 to index
        %get3A_2623 = arith.index_cast %add3A_2621 : i32 to index
        %get3A_2624 = arith.constant 32 : index
        %get3A_2625 = tpu.vector_load %arg9[%get3A_2622, %get3A_2623, %get3A_2624] {strides = array<i32>} : memref<6x128x128xf32, #tpu.memory_space<vmem>>, vector<16xf32>,
        %sub3A_2626 = vector.broadcast %mul3A_1300 : f32 to vector<16xf32>
        %sub3A_2627 = arith.subf %get3A_2625, %sub3A_2626 : vector<16xf32>
        %mul3A_2628 = vector.broadcast %mul3A_1335 : f32 to vector<16xf32>
        %mul3A_2629 = arith.mulf %sub3A_2627, %mul3A_2628 : vector<16xf32>
        %mul3A_2630 = arith.mulf %mul3A_2629, %get3A_2435 : vector<16xf32>
        %add3A_2631 = arith.addf %mul3A_2630, %get3A_2437 : vector<16xf32>
        %swap3A_2632 = arith.index_cast %select_n3A_123 : i32 to index
        %swap3A_2633 = arith.index_cast %add3A_2621 : i32 to index
        %swap3A_2634 = arith.constant 32 : index
        %swap3A_2635 = tpu.vector_load %arg9[%swap3A_2632, %swap3A_2633, %swap3A_2634] {strides = array<i32>} : memref<6x128x128xf32, #tpu.memory_space<vmem>>, vector<16xf32>,
        tpu.vector_store %arg9[%swap3A_2632, %swap3A_2633, %swap3A_2634], %add3A_2631 {strides = array<i32>} : memref<6x128x128xf32, #tpu.memory_space<vmem>>, vector<16xf32>,
        %mul3A_2636 = arith.constant 16 : i32
        %mul3A_2637 = arith.muli %scan3A_208, %mul3A_2636 : i32
        %add3A_2638 = arith.constant 11 : i32
        %add3A_2639 = arith.addi %mul3A_2637, %add3A_2638 : i32
        %get3A_2640 = arith.index_cast %select_n3A_123 : i32 to index
        %get3A_2641 = arith.index_cast %add3A_2639 : i32 to index
        %get3A_2642 = arith.constant 32 : index
        %get3A_2643 = tpu.vector_load %arg9[%get3A_2640, %get3A_2641, %get3A_2642] {strides = array<i32>} : memref<6x128x128xf32, #tpu.memory_space<vmem>>, vector<16xf32>,
        %sub3A_2644 = vector.broadcast %mul3A_1403 : f32 to vector<16xf32>
        %sub3A_2645 = arith.subf %get3A_2643, %sub3A_2644 : vector<16xf32>
        %mul3A_2646 = vector.broadcast %mul3A_1438 : f32 to vector<16xf32>
        %mul3A_2647 = arith.mulf %sub3A_2645, %mul3A_2646 : vector<16xf32>
        %mul3A_2648 = arith.mulf %mul3A_2647, %get3A_2435 : vector<16xf32>
        %add3A_2649 = arith.addf %mul3A_2648, %get3A_2437 : vector<16xf32>
        %swap3A_2650 = arith.index_cast %select_n3A_123 : i32 to index
        %swap3A_2651 = arith.index_cast %add3A_2639 : i32 to index
        %swap3A_2652 = arith.constant 32 : index
        %swap3A_2653 = tpu.vector_load %arg9[%swap3A_2650, %swap3A_2651, %swap3A_2652] {strides = array<i32>} : memref<6x128x128xf32, #tpu.memory_space<vmem>>, vector<16xf32>,
        tpu.vector_store %arg9[%swap3A_2650, %swap3A_2651, %swap3A_2652], %add3A_2649 {strides = array<i32>} : memref<6x128x128xf32, #tpu.memory_space<vmem>>, vector<16xf32>,
        %mul3A_2654 = arith.constant 16 : i32
        %mul3A_2655 = arith.muli %scan3A_208, %mul3A_2654 : i32
        %add3A_2656 = arith.constant 12 : i32
        %add3A_2657 = arith.addi %mul3A_2655, %add3A_2656 : i32
        %get3A_2658 = arith.index_cast %select_n3A_123 : i32 to index
        %get3A_2659 = arith.index_cast %add3A_2657 : i32 to index
        %get3A_2660 = arith.constant 32 : index
        %get3A_2661 = tpu.vector_load %arg9[%get3A_2658, %get3A_2659, %get3A_2660] {strides = array<i32>} : memref<6x128x128xf32, #tpu.memory_space<vmem>>, vector<16xf32>,
        %sub3A_2662 = vector.broadcast %mul3A_1506 : f32 to vector<16xf32>
        %sub3A_2663 = arith.subf %get3A_2661, %sub3A_2662 : vector<16xf32>
        %mul3A_2664 = vector.broadcast %mul3A_1541 : f32 to vector<16xf32>
        %mul3A_2665 = arith.mulf %sub3A_2663, %mul3A_2664 : vector<16xf32>
        %mul3A_2666 = arith.mulf %mul3A_2665, %get3A_2435 : vector<16xf32>
        %add3A_2667 = arith.addf %mul3A_2666, %get3A_2437 : vector<16xf32>
        %swap3A_2668 = arith.index_cast %select_n3A_123 : i32 to index
        %swap3A_2669 = arith.index_cast %add3A_2657 : i32 to index
        %swap3A_2670 = arith.constant 32 : index
        %swap3A_2671 = tpu.vector_load %arg9[%swap3A_2668, %swap3A_2669, %swap3A_2670] {strides = array<i32>} : memref<6x128x128xf32, #tpu.memory_space<vmem>>, vector<16xf32>,
        tpu.vector_store %arg9[%swap3A_2668, %swap3A_2669, %swap3A_2670], %add3A_2667 {strides = array<i32>} : memref<6x128x128xf32, #tpu.memory_space<vmem>>, vector<16xf32>,
        %mul3A_2672 = arith.constant 16 : i32
        %mul3A_2673 = arith.muli %scan3A_208, %mul3A_2672 : i32
        %add3A_2674 = arith.constant 13 : i32
        %add3A_2675 = arith.addi %mul3A_2673, %add3A_2674 : i32
        %get3A_2676 = arith.index_cast %select_n3A_123 : i32 to index
        %get3A_2677 = arith.index_cast %add3A_2675 : i32 to index
        %get3A_2678 = arith.constant 32 : index
        %get3A_2679 = tpu.vector_load %arg9[%get3A_2676, %get3A_2677, %get3A_2678] {strides = array<i32>} : memref<6x128x128xf32, #tpu.memory_space<vmem>>, vector<16xf32>,
        %sub3A_2680 = vector.broadcast %mul3A_1609 : f32 to vector<16xf32>
        %sub3A_2681 = arith.subf %get3A_2679, %sub3A_2680 : vector<16xf32>
        %mul3A_2682 = vector.broadcast %mul3A_1644 : f32 to vector<16xf32>
        %mul3A_2683 = arith.mulf %sub3A_2681, %mul3A_2682 : vector<16xf32>
        %mul3A_2684 = arith.mulf %mul3A_2683, %get3A_2435 : vector<16xf32>
        %add3A_2685 = arith.addf %mul3A_2684, %get3A_2437 : vector<16xf32>
        %swap3A_2686 = arith.index_cast %select_n3A_123 : i32 to index
        %swap3A_2687 = arith.index_cast %add3A_2675 : i32 to index
        %swap3A_2688 = arith.constant 32 : index
        %swap3A_2689 = tpu.vector_load %arg9[%swap3A_2686, %swap3A_2687, %swap3A_2688] {strides = array<i32>} : memref<6x128x128xf32, #tpu.memory_space<vmem>>, vector<16xf32>,
        tpu.vector_store %arg9[%swap3A_2686, %swap3A_2687, %swap3A_2688], %add3A_2685 {strides = array<i32>} : memref<6x128x128xf32, #tpu.memory_space<vmem>>, vector<16xf32>,
        %mul3A_2690 = arith.constant 16 : i32
        %mul3A_2691 = arith.muli %scan3A_208, %mul3A_2690 : i32
        %add3A_2692 = arith.constant 14 : i32
        %add3A_2693 = arith.addi %mul3A_2691, %add3A_2692 : i32
        %get3A_2694 = arith.index_cast %select_n3A_123 : i32 to index
        %get3A_2695 = arith.index_cast %add3A_2693 : i32 to index
        %get3A_2696 = arith.constant 32 : index
        %get3A_2697 = tpu.vector_load %arg9[%get3A_2694, %get3A_2695, %get3A_2696] {strides = array<i32>} : memref<6x128x128xf32, #tpu.memory_space<vmem>>, vector<16xf32>,
        %sub3A_2698 = vector.broadcast %mul3A_1712 : f32 to vector<16xf32>
        %sub3A_2699 = arith.subf %get3A_2697, %sub3A_2698 : vector<16xf32>
        %mul3A_2700 = vector.broadcast %mul3A_1747 : f32 to vector<16xf32>
        %mul3A_2701 = arith.mulf %sub3A_2699, %mul3A_2700 : vector<16xf32>
        %mul3A_2702 = arith.mulf %mul3A_2701, %get3A_2435 : vector<16xf32>
        %add3A_2703 = arith.addf %mul3A_2702, %get3A_2437 : vector<16xf32>
        %swap3A_2704 = arith.index_cast %select_n3A_123 : i32 to index
        %swap3A_2705 = arith.index_cast %add3A_2693 : i32 to index
        %swap3A_2706 = arith.constant 32 : index
        %swap3A_2707 = tpu.vector_load %arg9[%swap3A_2704, %swap3A_2705, %swap3A_2706] {strides = array<i32>} : memref<6x128x128xf32, #tpu.memory_space<vmem>>, vector<16xf32>,
        tpu.vector_store %arg9[%swap3A_2704, %swap3A_2705, %swap3A_2706], %add3A_2703 {strides = array<i32>} : memref<6x128x128xf32, #tpu.memory_space<vmem>>, vector<16xf32>,
        %mul3A_2708 = arith.constant 16 : i32
        %mul3A_2709 = arith.muli %scan3A_208, %mul3A_2708 : i32
        %add3A_2710 = arith.constant 15 : i32
        %add3A_2711 = arith.addi %mul3A_2709, %add3A_2710 : i32
        %get3A_2712 = arith.index_cast %select_n3A_123 : i32 to index
        %get3A_2713 = arith.index_cast %add3A_2711 : i32 to index
        %get3A_2714 = arith.constant 32 : index
        %get3A_2715 = tpu.vector_load %arg9[%get3A_2712, %get3A_2713, %get3A_2714] {strides = array<i32>} : memref<6x128x128xf32, #tpu.memory_space<vmem>>, vector<16xf32>,
        %sub3A_2716 = vector.broadcast %mul3A_1815 : f32 to vector<16xf32>
        %sub3A_2717 = arith.subf %get3A_2715, %sub3A_2716 : vector<16xf32>
        %mul3A_2718 = vector.broadcast %mul3A_1850 : f32 to vector<16xf32>
        %mul3A_2719 = arith.mulf %sub3A_2717, %mul3A_2718 : vector<16xf32>
        %mul3A_2720 = arith.mulf %mul3A_2719, %get3A_2435 : vector<16xf32>
        %add3A_2721 = arith.addf %mul3A_2720, %get3A_2437 : vector<16xf32>
        %swap3A_2722 = arith.index_cast %select_n3A_123 : i32 to index
        %swap3A_2723 = arith.index_cast %add3A_2711 : i32 to index
        %swap3A_2724 = arith.constant 32 : index
        %swap3A_2725 = tpu.vector_load %arg9[%swap3A_2722, %swap3A_2723, %swap3A_2724] {strides = array<i32>} : memref<6x128x128xf32, #tpu.memory_space<vmem>>, vector<16xf32>,
        tpu.vector_store %arg9[%swap3A_2722, %swap3A_2723, %swap3A_2724], %add3A_2721 {strides = array<i32>} : memref<6x128x128xf32, #tpu.memory_space<vmem>>, vector<16xf32>,
        %get3A_2726 = arith.constant 48 : index
        %get3A_2727 = tpu.vector_load %arg10[%get3A_2726] {strides = array<i32>} : memref<128xf32, #tpu.memory_space<vmem>>, vector<16xf32>,
        %get3A_2728 = arith.constant 48 : index
        %get3A_2729 = tpu.vector_load %arg11[%get3A_2728] {strides = array<i32>} : memref<128xf32, #tpu.memory_space<vmem>>, vector<16xf32>,
        %mul3A_2730 = arith.constant 16 : i32
        %mul3A_2731 = arith.muli %scan3A_208, %mul3A_2730 : i32
        %add3A_2732 = arith.constant 0 : i32
        %add3A_2733 = arith.addi %mul3A_2731, %add3A_2732 : i32
        %get3A_2734 = arith.index_cast %select_n3A_123 : i32 to index
        %get3A_2735 = arith.index_cast %add3A_2733 : i32 to index
        %get3A_2736 = arith.constant 48 : index
        %get3A_2737 = tpu.vector_load %arg9[%get3A_2734, %get3A_2735, %get3A_2736] {strides = array<i32>} : memref<6x128x128xf32, #tpu.memory_space<vmem>>, vector<16xf32>,
        %sub3A_2738 = vector.broadcast %mul3A_274 : f32 to vector<16xf32>
        %sub3A_2739 = arith.subf %get3A_2737, %sub3A_2738 : vector<16xf32>
        %mul3A_2740 = vector.broadcast %mul3A_305 : f32 to vector<16xf32>
        %mul3A_2741 = arith.mulf %sub3A_2739, %mul3A_2740 : vector<16xf32>
        %mul3A_2742 = arith.mulf %mul3A_2741, %get3A_2727 : vector<16xf32>
        %add3A_2743 = arith.addf %mul3A_2742, %get3A_2729 : vector<16xf32>
        %swap3A_2744 = arith.index_cast %select_n3A_123 : i32 to index
        %swap3A_2745 = arith.index_cast %add3A_2733 : i32 to index
        %swap3A_2746 = arith.constant 48 : index
        %swap3A_2747 = tpu.vector_load %arg9[%swap3A_2744, %swap3A_2745, %swap3A_2746] {strides = array<i32>} : memref<6x128x128xf32, #tpu.memory_space<vmem>>, vector<16xf32>,
        tpu.vector_store %arg9[%swap3A_2744, %swap3A_2745, %swap3A_2746], %add3A_2743 {strides = array<i32>} : memref<6x128x128xf32, #tpu.memory_space<vmem>>, vector<16xf32>,
        %mul3A_2748 = arith.constant 16 : i32
        %mul3A_2749 = arith.muli %scan3A_208, %mul3A_2748 : i32
        %add3A_2750 = arith.constant 1 : i32
        %add3A_2751 = arith.addi %mul3A_2749, %add3A_2750 : i32
        %get3A_2752 = arith.index_cast %select_n3A_123 : i32 to index
        %get3A_2753 = arith.index_cast %add3A_2751 : i32 to index
        %get3A_2754 = arith.constant 48 : index
        %get3A_2755 = tpu.vector_load %arg9[%get3A_2752, %get3A_2753, %get3A_2754] {strides = array<i32>} : memref<6x128x128xf32, #tpu.memory_space<vmem>>, vector<16xf32>,
        %sub3A_2756 = vector.broadcast %mul3A_373 : f32 to vector<16xf32>
        %sub3A_2757 = arith.subf %get3A_2755, %sub3A_2756 : vector<16xf32>
        %mul3A_2758 = vector.broadcast %mul3A_408 : f32 to vector<16xf32>
        %mul3A_2759 = arith.mulf %sub3A_2757, %mul3A_2758 : vector<16xf32>
        %mul3A_2760 = arith.mulf %mul3A_2759, %get3A_2727 : vector<16xf32>
        %add3A_2761 = arith.addf %mul3A_2760, %get3A_2729 : vector<16xf32>
        %swap3A_2762 = arith.index_cast %select_n3A_123 : i32 to index
        %swap3A_2763 = arith.index_cast %add3A_2751 : i32 to index
        %swap3A_2764 = arith.constant 48 : index
        %swap3A_2765 = tpu.vector_load %arg9[%swap3A_2762, %swap3A_2763, %swap3A_2764] {strides = array<i32>} : memref<6x128x128xf32, #tpu.memory_space<vmem>>, vector<16xf32>,
        tpu.vector_store %arg9[%swap3A_2762, %swap3A_2763, %swap3A_2764], %add3A_2761 {strides = array<i32>} : memref<6x128x128xf32, #tpu.memory_space<vmem>>, vector<16xf32>,
        %mul3A_2766 = arith.constant 16 : i32
        %mul3A_2767 = arith.muli %scan3A_208, %mul3A_2766 : i32
        %add3A_2768 = arith.constant 2 : i32
        %add3A_2769 = arith.addi %mul3A_2767, %add3A_2768 : i32
        %get3A_2770 = arith.index_cast %select_n3A_123 : i32 to index
        %get3A_2771 = arith.index_cast %add3A_2769 : i32 to index
        %get3A_2772 = arith.constant 48 : index
        %get3A_2773 = tpu.vector_load %arg9[%get3A_2770, %get3A_2771, %get3A_2772] {strides = array<i32>} : memref<6x128x128xf32, #tpu.memory_space<vmem>>, vector<16xf32>,
        %sub3A_2774 = vector.broadcast %mul3A_476 : f32 to vector<16xf32>
        %sub3A_2775 = arith.subf %get3A_2773, %sub3A_2774 : vector<16xf32>
        %mul3A_2776 = vector.broadcast %mul3A_511 : f32 to vector<16xf32>
        %mul3A_2777 = arith.mulf %sub3A_2775, %mul3A_2776 : vector<16xf32>
        %mul3A_2778 = arith.mulf %mul3A_2777, %get3A_2727 : vector<16xf32>
        %add3A_2779 = arith.addf %mul3A_2778, %get3A_2729 : vector<16xf32>
        %swap3A_2780 = arith.index_cast %select_n3A_123 : i32 to index
        %swap3A_2781 = arith.index_cast %add3A_2769 : i32 to index
        %swap3A_2782 = arith.constant 48 : index
        %swap3A_2783 = tpu.vector_load %arg9[%swap3A_2780, %swap3A_2781, %swap3A_2782] {strides = array<i32>} : memref<6x128x128xf32, #tpu.memory_space<vmem>>, vector<16xf32>,
        tpu.vector_store %arg9[%swap3A_2780, %swap3A_2781, %swap3A_2782], %add3A_2779 {strides = array<i32>} : memref<6x128x128xf32, #tpu.memory_space<vmem>>, vector<16xf32>,
        %mul3A_2784 = arith.constant 16 : i32
        %mul3A_2785 = arith.muli %scan3A_208, %mul3A_2784 : i32
        %add3A_2786 = arith.constant 3 : i32
        %add3A_2787 = arith.addi %mul3A_2785, %add3A_2786 : i32
        %get3A_2788 = arith.index_cast %select_n3A_123 : i32 to index
        %get3A_2789 = arith.index_cast %add3A_2787 : i32 to index
        %get3A_2790 = arith.constant 48 : index
        %get3A_2791 = tpu.vector_load %arg9[%get3A_2788, %get3A_2789, %get3A_2790] {strides = array<i32>} : memref<6x128x128xf32, #tpu.memory_space<vmem>>, vector<16xf32>,
        %sub3A_2792 = vector.broadcast %mul3A_579 : f32 to vector<16xf32>
        %sub3A_2793 = arith.subf %get3A_2791, %sub3A_2792 : vector<16xf32>
        %mul3A_2794 = vector.broadcast %mul3A_614 : f32 to vector<16xf32>
        %mul3A_2795 = arith.mulf %sub3A_2793, %mul3A_2794 : vector<16xf32>
        %mul3A_2796 = arith.mulf %mul3A_2795, %get3A_2727 : vector<16xf32>
        %add3A_2797 = arith.addf %mul3A_2796, %get3A_2729 : vector<16xf32>
        %swap3A_2798 = arith.index_cast %select_n3A_123 : i32 to index
        %swap3A_2799 = arith.index_cast %add3A_2787 : i32 to index
        %swap3A_2800 = arith.constant 48 : index
        %swap3A_2801 = tpu.vector_load %arg9[%swap3A_2798, %swap3A_2799, %swap3A_2800] {strides = array<i32>} : memref<6x128x128xf32, #tpu.memory_space<vmem>>, vector<16xf32>,
        tpu.vector_store %arg9[%swap3A_2798, %swap3A_2799, %swap3A_2800], %add3A_2797 {strides = array<i32>} : memref<6x128x128xf32, #tpu.memory_space<vmem>>, vector<16xf32>,
        %mul3A_2802 = arith.constant 16 : i32
        %mul3A_2803 = arith.muli %scan3A_208, %mul3A_2802 : i32
        %add3A_2804 = arith.constant 4 : i32
        %add3A_2805 = arith.addi %mul3A_2803, %add3A_2804 : i32
        %get3A_2806 = arith.index_cast %select_n3A_123 : i32 to index
        %get3A_2807 = arith.index_cast %add3A_2805 : i32 to index
        %get3A_2808 = arith.constant 48 : index
        %get3A_2809 = tpu.vector_load %arg9[%get3A_2806, %get3A_2807, %get3A_2808] {strides = array<i32>} : memref<6x128x128xf32, #tpu.memory_space<vmem>>, vector<16xf32>,
        %sub3A_2810 = vector.broadcast %mul3A_682 : f32 to vector<16xf32>
        %sub3A_2811 = arith.subf %get3A_2809, %sub3A_2810 : vector<16xf32>
        %mul3A_2812 = vector.broadcast %mul3A_717 : f32 to vector<16xf32>
        %mul3A_2813 = arith.mulf %sub3A_2811, %mul3A_2812 : vector<16xf32>
        %mul3A_2814 = arith.mulf %mul3A_2813, %get3A_2727 : vector<16xf32>
        %add3A_2815 = arith.addf %mul3A_2814, %get3A_2729 : vector<16xf32>
        %swap3A_2816 = arith.index_cast %select_n3A_123 : i32 to index
        %swap3A_2817 = arith.index_cast %add3A_2805 : i32 to index
        %swap3A_2818 = arith.constant 48 : index
        %swap3A_2819 = tpu.vector_load %arg9[%swap3A_2816, %swap3A_2817, %swap3A_2818] {strides = array<i32>} : memref<6x128x128xf32, #tpu.memory_space<vmem>>, vector<16xf32>,
        tpu.vector_store %arg9[%swap3A_2816, %swap3A_2817, %swap3A_2818], %add3A_2815 {strides = array<i32>} : memref<6x128x128xf32, #tpu.memory_space<vmem>>, vector<16xf32>,
        %mul3A_2820 = arith.constant 16 : i32
        %mul3A_2821 = arith.muli %scan3A_208, %mul3A_2820 : i32
        %add3A_2822 = arith.constant 5 : i32
        %add3A_2823 = arith.addi %mul3A_2821, %add3A_2822 : i32
        %get3A_2824 = arith.index_cast %select_n3A_123 : i32 to index
        %get3A_2825 = arith.index_cast %add3A_2823 : i32 to index
        %get3A_2826 = arith.constant 48 : index
        %get3A_2827 = tpu.vector_load %arg9[%get3A_2824, %get3A_2825, %get3A_2826] {strides = array<i32>} : memref<6x128x128xf32, #tpu.memory_space<vmem>>, vector<16xf32>,
        %sub3A_2828 = vector.broadcast %mul3A_785 : f32 to vector<16xf32>
        %sub3A_2829 = arith.subf %get3A_2827, %sub3A_2828 : vector<16xf32>
        %mul3A_2830 = vector.broadcast %mul3A_820 : f32 to vector<16xf32>
        %mul3A_2831 = arith.mulf %sub3A_2829, %mul3A_2830 : vector<16xf32>
        %mul3A_2832 = arith.mulf %mul3A_2831, %get3A_2727 : vector<16xf32>
        %add3A_2833 = arith.addf %mul3A_2832, %get3A_2729 : vector<16xf32>
        %swap3A_2834 = arith.index_cast %select_n3A_123 : i32 to index
        %swap3A_2835 = arith.index_cast %add3A_2823 : i32 to index
        %swap3A_2836 = arith.constant 48 : index
        %swap3A_2837 = tpu.vector_load %arg9[%swap3A_2834, %swap3A_2835, %swap3A_2836] {strides = array<i32>} : memref<6x128x128xf32, #tpu.memory_space<vmem>>, vector<16xf32>,
        tpu.vector_store %arg9[%swap3A_2834, %swap3A_2835, %swap3A_2836], %add3A_2833 {strides = array<i32>} : memref<6x128x128xf32, #tpu.memory_space<vmem>>, vector<16xf32>,
        %mul3A_2838 = arith.constant 16 : i32
        %mul3A_2839 = arith.muli %scan3A_208, %mul3A_2838 : i32
        %add3A_2840 = arith.constant 6 : i32
        %add3A_2841 = arith.addi %mul3A_2839, %add3A_2840 : i32
        %get3A_2842 = arith.index_cast %select_n3A_123 : i32 to index
        %get3A_2843 = arith.index_cast %add3A_2841 : i32 to index
        %get3A_2844 = arith.constant 48 : index
        %get3A_2845 = tpu.vector_load %arg9[%get3A_2842, %get3A_2843, %get3A_2844] {strides = array<i32>} : memref<6x128x128xf32, #tpu.memory_space<vmem>>, vector<16xf32>,
        %sub3A_2846 = vector.broadcast %mul3A_888 : f32 to vector<16xf32>
        %sub3A_2847 = arith.subf %get3A_2845, %sub3A_2846 : vector<16xf32>
        %mul3A_2848 = vector.broadcast %mul3A_923 : f32 to vector<16xf32>
        %mul3A_2849 = arith.mulf %sub3A_2847, %mul3A_2848 : vector<16xf32>
        %mul3A_2850 = arith.mulf %mul3A_2849, %get3A_2727 : vector<16xf32>
        %add3A_2851 = arith.addf %mul3A_2850, %get3A_2729 : vector<16xf32>
        %swap3A_2852 = arith.index_cast %select_n3A_123 : i32 to index
        %swap3A_2853 = arith.index_cast %add3A_2841 : i32 to index
        %swap3A_2854 = arith.constant 48 : index
        %swap3A_2855 = tpu.vector_load %arg9[%swap3A_2852, %swap3A_2853, %swap3A_2854] {strides = array<i32>} : memref<6x128x128xf32, #tpu.memory_space<vmem>>, vector<16xf32>,
        tpu.vector_store %arg9[%swap3A_2852, %swap3A_2853, %swap3A_2854], %add3A_2851 {strides = array<i32>} : memref<6x128x128xf32, #tpu.memory_space<vmem>>, vector<16xf32>,
        %mul3A_2856 = arith.constant 16 : i32
        %mul3A_2857 = arith.muli %scan3A_208, %mul3A_2856 : i32
        %add3A_2858 = arith.constant 7 : i32
        %add3A_2859 = arith.addi %mul3A_2857, %add3A_2858 : i32
        %get3A_2860 = arith.index_cast %select_n3A_123 : i32 to index
        %get3A_2861 = arith.index_cast %add3A_2859 : i32 to index
        %get3A_2862 = arith.constant 48 : index
        %get3A_2863 = tpu.vector_load %arg9[%get3A_2860, %get3A_2861, %get3A_2862] {strides = array<i32>} : memref<6x128x128xf32, #tpu.memory_space<vmem>>, vector<16xf32>,
        %sub3A_2864 = vector.broadcast %mul3A_991 : f32 to vector<16xf32>
        %sub3A_2865 = arith.subf %get3A_2863, %sub3A_2864 : vector<16xf32>
        %mul3A_2866 = vector.broadcast %mul3A_1026 : f32 to vector<16xf32>
        %mul3A_2867 = arith.mulf %sub3A_2865, %mul3A_2866 : vector<16xf32>
        %mul3A_2868 = arith.mulf %mul3A_2867, %get3A_2727 : vector<16xf32>
        %add3A_2869 = arith.addf %mul3A_2868, %get3A_2729 : vector<16xf32>
        %swap3A_2870 = arith.index_cast %select_n3A_123 : i32 to index
        %swap3A_2871 = arith.index_cast %add3A_2859 : i32 to index
        %swap3A_2872 = arith.constant 48 : index
        %swap3A_2873 = tpu.vector_load %arg9[%swap3A_2870, %swap3A_2871, %swap3A_2872] {strides = array<i32>} : memref<6x128x128xf32, #tpu.memory_space<vmem>>, vector<16xf32>,
        tpu.vector_store %arg9[%swap3A_2870, %swap3A_2871, %swap3A_2872], %add3A_2869 {strides = array<i32>} : memref<6x128x128xf32, #tpu.memory_space<vmem>>, vector<16xf32>,
        %mul3A_2874 = arith.constant 16 : i32
        %mul3A_2875 = arith.muli %scan3A_208, %mul3A_2874 : i32
        %add3A_2876 = arith.constant 8 : i32
        %add3A_2877 = arith.addi %mul3A_2875, %add3A_2876 : i32
        %get3A_2878 = arith.index_cast %select_n3A_123 : i32 to index
        %get3A_2879 = arith.index_cast %add3A_2877 : i32 to index
        %get3A_2880 = arith.constant 48 : index
        %get3A_2881 = tpu.vector_load %arg9[%get3A_2878, %get3A_2879, %get3A_2880] {strides = array<i32>} : memref<6x128x128xf32, #tpu.memory_space<vmem>>, vector<16xf32>,
        %sub3A_2882 = vector.broadcast %mul3A_1094 : f32 to vector<16xf32>
        %sub3A_2883 = arith.subf %get3A_2881, %sub3A_2882 : vector<16xf32>
        %mul3A_2884 = vector.broadcast %mul3A_1129 : f32 to vector<16xf32>
        %mul3A_2885 = arith.mulf %sub3A_2883, %mul3A_2884 : vector<16xf32>
        %mul3A_2886 = arith.mulf %mul3A_2885, %get3A_2727 : vector<16xf32>
        %add3A_2887 = arith.addf %mul3A_2886, %get3A_2729 : vector<16xf32>
        %swap3A_2888 = arith.index_cast %select_n3A_123 : i32 to index
        %swap3A_2889 = arith.index_cast %add3A_2877 : i32 to index
        %swap3A_2890 = arith.constant 48 : index
        %swap3A_2891 = tpu.vector_load %arg9[%swap3A_2888, %swap3A_2889, %swap3A_2890] {strides = array<i32>} : memref<6x128x128xf32, #tpu.memory_space<vmem>>, vector<16xf32>,
        tpu.vector_store %arg9[%swap3A_2888, %swap3A_2889, %swap3A_2890], %add3A_2887 {strides = array<i32>} : memref<6x128x128xf32, #tpu.memory_space<vmem>>, vector<16xf32>,
        %mul3A_2892 = arith.constant 16 : i32
        %mul3A_2893 = arith.muli %scan3A_208, %mul3A_2892 : i32
        %add3A_2894 = arith.constant 9 : i32
        %add3A_2895 = arith.addi %mul3A_2893, %add3A_2894 : i32
        %get3A_2896 = arith.index_cast %select_n3A_123 : i32 to index
        %get3A_2897 = arith.index_cast %add3A_2895 : i32 to index
        %get3A_2898 = arith.constant 48 : index
        %get3A_2899 = tpu.vector_load %arg9[%get3A_2896, %get3A_2897, %get3A_2898] {strides = array<i32>} : memref<6x128x128xf32, #tpu.memory_space<vmem>>, vector<16xf32>,
        %sub3A_2900 = vector.broadcast %mul3A_1197 : f32 to vector<16xf32>
        %sub3A_2901 = arith.subf %get3A_2899, %sub3A_2900 : vector<16xf32>
        %mul3A_2902 = vector.broadcast %mul3A_1232 : f32 to vector<16xf32>
        %mul3A_2903 = arith.mulf %sub3A_2901, %mul3A_2902 : vector<16xf32>
        %mul3A_2904 = arith.mulf %mul3A_2903, %get3A_2727 : vector<16xf32>
        %add3A_2905 = arith.addf %mul3A_2904, %get3A_2729 : vector<16xf32>
        %swap3A_2906 = arith.index_cast %select_n3A_123 : i32 to index
        %swap3A_2907 = arith.index_cast %add3A_2895 : i32 to index
        %swap3A_2908 = arith.constant 48 : index
        %swap3A_2909 = tpu.vector_load %arg9[%swap3A_2906, %swap3A_2907, %swap3A_2908] {strides = array<i32>} : memref<6x128x128xf32, #tpu.memory_space<vmem>>, vector<16xf32>,
        tpu.vector_store %arg9[%swap3A_2906, %swap3A_2907, %swap3A_2908], %add3A_2905 {strides = array<i32>} : memref<6x128x128xf32, #tpu.memory_space<vmem>>, vector<16xf32>,
        %mul3A_2910 = arith.constant 16 : i32
        %mul3A_2911 = arith.muli %scan3A_208, %mul3A_2910 : i32
        %add3A_2912 = arith.constant 10 : i32
        %add3A_2913 = arith.addi %mul3A_2911, %add3A_2912 : i32
        %get3A_2914 = arith.index_cast %select_n3A_123 : i32 to index
        %get3A_2915 = arith.index_cast %add3A_2913 : i32 to index
        %get3A_2916 = arith.constant 48 : index
        %get3A_2917 = tpu.vector_load %arg9[%get3A_2914, %get3A_2915, %get3A_2916] {strides = array<i32>} : memref<6x128x128xf32, #tpu.memory_space<vmem>>, vector<16xf32>,
        %sub3A_2918 = vector.broadcast %mul3A_1300 : f32 to vector<16xf32>
        %sub3A_2919 = arith.subf %get3A_2917, %sub3A_2918 : vector<16xf32>
        %mul3A_2920 = vector.broadcast %mul3A_1335 : f32 to vector<16xf32>
        %mul3A_2921 = arith.mulf %sub3A_2919, %mul3A_2920 : vector<16xf32>
        %mul3A_2922 = arith.mulf %mul3A_2921, %get3A_2727 : vector<16xf32>
        %add3A_2923 = arith.addf %mul3A_2922, %get3A_2729 : vector<16xf32>
        %swap3A_2924 = arith.index_cast %select_n3A_123 : i32 to index
        %swap3A_2925 = arith.index_cast %add3A_2913 : i32 to index
        %swap3A_2926 = arith.constant 48 : index
        %swap3A_2927 = tpu.vector_load %arg9[%swap3A_2924, %swap3A_2925, %swap3A_2926] {strides = array<i32>} : memref<6x128x128xf32, #tpu.memory_space<vmem>>, vector<16xf32>,
        tpu.vector_store %arg9[%swap3A_2924, %swap3A_2925, %swap3A_2926], %add3A_2923 {strides = array<i32>} : memref<6x128x128xf32, #tpu.memory_space<vmem>>, vector<16xf32>,
        %mul3A_2928 = arith.constant 16 : i32
        %mul3A_2929 = arith.muli %scan3A_208, %mul3A_2928 : i32
        %add3A_2930 = arith.constant 11 : i32
        %add3A_2931 = arith.addi %mul3A_2929, %add3A_2930 : i32
        %get3A_2932 = arith.index_cast %select_n3A_123 : i32 to index
        %get3A_2933 = arith.index_cast %add3A_2931 : i32 to index
        %get3A_2934 = arith.constant 48 : index
        %get3A_2935 = tpu.vector_load %arg9[%get3A_2932, %get3A_2933, %get3A_2934] {strides = array<i32>} : memref<6x128x128xf32, #tpu.memory_space<vmem>>, vector<16xf32>,
        %sub3A_2936 = vector.broadcast %mul3A_1403 : f32 to vector<16xf32>
        %sub3A_2937 = arith.subf %get3A_2935, %sub3A_2936 : vector<16xf32>
        %mul3A_2938 = vector.broadcast %mul3A_1438 : f32 to vector<16xf32>
        %mul3A_2939 = arith.mulf %sub3A_2937, %mul3A_2938 : vector<16xf32>
        %mul3A_2940 = arith.mulf %mul3A_2939, %get3A_2727 : vector<16xf32>
        %add3A_2941 = arith.addf %mul3A_2940, %get3A_2729 : vector<16xf32>
        %swap3A_2942 = arith.index_cast %select_n3A_123 : i32 to index
        %swap3A_2943 = arith.index_cast %add3A_2931 : i32 to index
        %swap3A_2944 = arith.constant 48 : index
        %swap3A_2945 = tpu.vector_load %arg9[%swap3A_2942, %swap3A_2943, %swap3A_2944] {strides = array<i32>} : memref<6x128x128xf32, #tpu.memory_space<vmem>>, vector<16xf32>,
        tpu.vector_store %arg9[%swap3A_2942, %swap3A_2943, %swap3A_2944], %add3A_2941 {strides = array<i32>} : memref<6x128x128xf32, #tpu.memory_space<vmem>>, vector<16xf32>,
        %mul3A_2946 = arith.constant 16 : i32
        %mul3A_2947 = arith.muli %scan3A_208, %mul3A_2946 : i32
        %add3A_2948 = arith.constant 12 : i32
        %add3A_2949 = arith.addi %mul3A_2947, %add3A_2948 : i32
        %get3A_2950 = arith.index_cast %select_n3A_123 : i32 to index
        %get3A_2951 = arith.index_cast %add3A_2949 : i32 to index
        %get3A_2952 = arith.constant 48 : index
        %get3A_2953 = tpu.vector_load %arg9[%get3A_2950, %get3A_2951, %get3A_2952] {strides = array<i32>} : memref<6x128x128xf32, #tpu.memory_space<vmem>>, vector<16xf32>,
        %sub3A_2954 = vector.broadcast %mul3A_1506 : f32 to vector<16xf32>
        %sub3A_2955 = arith.subf %get3A_2953, %sub3A_2954 : vector<16xf32>
        %mul3A_2956 = vector.broadcast %mul3A_1541 : f32 to vector<16xf32>
        %mul3A_2957 = arith.mulf %sub3A_2955, %mul3A_2956 : vector<16xf32>
        %mul3A_2958 = arith.mulf %mul3A_2957, %get3A_2727 : vector<16xf32>
        %add3A_2959 = arith.addf %mul3A_2958, %get3A_2729 : vector<16xf32>
        %swap3A_2960 = arith.index_cast %select_n3A_123 : i32 to index
        %swap3A_2961 = arith.index_cast %add3A_2949 : i32 to index
        %swap3A_2962 = arith.constant 48 : index
        %swap3A_2963 = tpu.vector_load %arg9[%swap3A_2960, %swap3A_2961, %swap3A_2962] {strides = array<i32>} : memref<6x128x128xf32, #tpu.memory_space<vmem>>, vector<16xf32>,
        tpu.vector_store %arg9[%swap3A_2960, %swap3A_2961, %swap3A_2962], %add3A_2959 {strides = array<i32>} : memref<6x128x128xf32, #tpu.memory_space<vmem>>, vector<16xf32>,
        %mul3A_2964 = arith.constant 16 : i32
        %mul3A_2965 = arith.muli %scan3A_208, %mul3A_2964 : i32
        %add3A_2966 = arith.constant 13 : i32
        %add3A_2967 = arith.addi %mul3A_2965, %add3A_2966 : i32
        %get3A_2968 = arith.index_cast %select_n3A_123 : i32 to index
        %get3A_2969 = arith.index_cast %add3A_2967 : i32 to index
        %get3A_2970 = arith.constant 48 : index
        %get3A_2971 = tpu.vector_load %arg9[%get3A_2968, %get3A_2969, %get3A_2970] {strides = array<i32>} : memref<6x128x128xf32, #tpu.memory_space<vmem>>, vector<16xf32>,
        %sub3A_2972 = vector.broadcast %mul3A_1609 : f32 to vector<16xf32>
        %sub3A_2973 = arith.subf %get3A_2971, %sub3A_2972 : vector<16xf32>
        %mul3A_2974 = vector.broadcast %mul3A_1644 : f32 to vector<16xf32>
        %mul3A_2975 = arith.mulf %sub3A_2973, %mul3A_2974 : vector<16xf32>
        %mul3A_2976 = arith.mulf %mul3A_2975, %get3A_2727 : vector<16xf32>
        %add3A_2977 = arith.addf %mul3A_2976, %get3A_2729 : vector<16xf32>
        %swap3A_2978 = arith.index_cast %select_n3A_123 : i32 to index
        %swap3A_2979 = arith.index_cast %add3A_2967 : i32 to index
        %swap3A_2980 = arith.constant 48 : index
        %swap3A_2981 = tpu.vector_load %arg9[%swap3A_2978, %swap3A_2979, %swap3A_2980] {strides = array<i32>} : memref<6x128x128xf32, #tpu.memory_space<vmem>>, vector<16xf32>,
        tpu.vector_store %arg9[%swap3A_2978, %swap3A_2979, %swap3A_2980], %add3A_2977 {strides = array<i32>} : memref<6x128x128xf32, #tpu.memory_space<vmem>>, vector<16xf32>,
        %mul3A_2982 = arith.constant 16 : i32
        %mul3A_2983 = arith.muli %scan3A_208, %mul3A_2982 : i32
        %add3A_2984 = arith.constant 14 : i32
        %add3A_2985 = arith.addi %mul3A_2983, %add3A_2984 : i32
        %get3A_2986 = arith.index_cast %select_n3A_123 : i32 to index
        %get3A_2987 = arith.index_cast %add3A_2985 : i32 to index
        %get3A_2988 = arith.constant 48 : index
        %get3A_2989 = tpu.vector_load %arg9[%get3A_2986, %get3A_2987, %get3A_2988] {strides = array<i32>} : memref<6x128x128xf32, #tpu.memory_space<vmem>>, vector<16xf32>,
        %sub3A_2990 = vector.broadcast %mul3A_1712 : f32 to vector<16xf32>
        %sub3A_2991 = arith.subf %get3A_2989, %sub3A_2990 : vector<16xf32>
        %mul3A_2992 = vector.broadcast %mul3A_1747 : f32 to vector<16xf32>
        %mul3A_2993 = arith.mulf %sub3A_2991, %mul3A_2992 : vector<16xf32>
        %mul3A_2994 = arith.mulf %mul3A_2993, %get3A_2727 : vector<16xf32>
        %add3A_2995 = arith.addf %mul3A_2994, %get3A_2729 : vector<16xf32>
        %swap3A_2996 = arith.index_cast %select_n3A_123 : i32 to index
        %swap3A_2997 = arith.index_cast %add3A_2985 : i32 to index
        %swap3A_2998 = arith.constant 48 : index
        %swap3A_2999 = tpu.vector_load %arg9[%swap3A_2996, %swap3A_2997, %swap3A_2998] {strides = array<i32>} : memref<6x128x128xf32, #tpu.memory_space<vmem>>, vector<16xf32>,
        tpu.vector_store %arg9[%swap3A_2996, %swap3A_2997, %swap3A_2998], %add3A_2995 {strides = array<i32>} : memref<6x128x128xf32, #tpu.memory_space<vmem>>, vector<16xf32>,
        %mul3A_3000 = arith.constant 16 : i32
        %mul3A_3001 = arith.muli %scan3A_208, %mul3A_3000 : i32
        %add3A_3002 = arith.constant 15 : i32
        %add3A_3003 = arith.addi %mul3A_3001, %add3A_3002 : i32
        %get3A_3004 = arith.index_cast %select_n3A_123 : i32 to index
        %get3A_3005 = arith.index_cast %add3A_3003 : i32 to index
        %get3A_3006 = arith.constant 48 : index
        %get3A_3007 = tpu.vector_load %arg9[%get3A_3004, %get3A_3005, %get3A_3006] {strides = array<i32>} : memref<6x128x128xf32, #tpu.memory_space<vmem>>, vector<16xf32>,
        %sub3A_3008 = vector.broadcast %mul3A_1815 : f32 to vector<16xf32>
        %sub3A_3009 = arith.subf %get3A_3007, %sub3A_3008 : vector<16xf32>
        %mul3A_3010 = vector.broadcast %mul3A_1850 : f32 to vector<16xf32>
        %mul3A_3011 = arith.mulf %sub3A_3009, %mul3A_3010 : vector<16xf32>
        %mul3A_3012 = arith.mulf %mul3A_3011, %get3A_2727 : vector<16xf32>
        %add3A_3013 = arith.addf %mul3A_3012, %get3A_2729 : vector<16xf32>
        %swap3A_3014 = arith.index_cast %select_n3A_123 : i32 to index
        %swap3A_3015 = arith.index_cast %add3A_3003 : i32 to index
        %swap3A_3016 = arith.constant 48 : index
        %swap3A_3017 = tpu.vector_load %arg9[%swap3A_3014, %swap3A_3015, %swap3A_3016] {strides = array<i32>} : memref<6x128x128xf32, #tpu.memory_space<vmem>>, vector<16xf32>,
        tpu.vector_store %arg9[%swap3A_3014, %swap3A_3015, %swap3A_3016], %add3A_3013 {strides = array<i32>} : memref<6x128x128xf32, #tpu.memory_space<vmem>>, vector<16xf32>,
        %get3A_3018 = arith.constant 64 : index
        %get3A_3019 = tpu.vector_load %arg10[%get3A_3018] {strides = array<i32>} : memref<128xf32, #tpu.memory_space<vmem>>, vector<16xf32>,
        %get3A_3020 = arith.constant 64 : index
        %get3A_3021 = tpu.vector_load %arg11[%get3A_3020] {strides = array<i32>} : memref<128xf32, #tpu.memory_space<vmem>>, vector<16xf32>,
        %mul3A_3022 = arith.constant 16 : i32
        %mul3A_3023 = arith.muli %scan3A_208, %mul3A_3022 : i32
        %add3A_3024 = arith.constant 0 : i32
        %add3A_3025 = arith.addi %mul3A_3023, %add3A_3024 : i32
        %get3A_3026 = arith.index_cast %select_n3A_123 : i32 to index
        %get3A_3027 = arith.index_cast %add3A_3025 : i32 to index
        %get3A_3028 = arith.constant 64 : index
        %get3A_3029 = tpu.vector_load %arg9[%get3A_3026, %get3A_3027, %get3A_3028] {strides = array<i32>} : memref<6x128x128xf32, #tpu.memory_space<vmem>>, vector<16xf32>,
        %sub3A_3030 = vector.broadcast %mul3A_274 : f32 to vector<16xf32>
        %sub3A_3031 = arith.subf %get3A_3029, %sub3A_3030 : vector<16xf32>
        %mul3A_3032 = vector.broadcast %mul3A_305 : f32 to vector<16xf32>
        %mul3A_3033 = arith.mulf %sub3A_3031, %mul3A_3032 : vector<16xf32>
        %mul3A_3034 = arith.mulf %mul3A_3033, %get3A_3019 : vector<16xf32>
        %add3A_3035 = arith.addf %mul3A_3034, %get3A_3021 : vector<16xf32>
        %swap3A_3036 = arith.index_cast %select_n3A_123 : i32 to index
        %swap3A_3037 = arith.index_cast %add3A_3025 : i32 to index
        %swap3A_3038 = arith.constant 64 : index
        %swap3A_3039 = tpu.vector_load %arg9[%swap3A_3036, %swap3A_3037, %swap3A_3038] {strides = array<i32>} : memref<6x128x128xf32, #tpu.memory_space<vmem>>, vector<16xf32>,
        tpu.vector_store %arg9[%swap3A_3036, %swap3A_3037, %swap3A_3038], %add3A_3035 {strides = array<i32>} : memref<6x128x128xf32, #tpu.memory_space<vmem>>, vector<16xf32>,
        %mul3A_3040 = arith.constant 16 : i32
        %mul3A_3041 = arith.muli %scan3A_208, %mul3A_3040 : i32
        %add3A_3042 = arith.constant 1 : i32
        %add3A_3043 = arith.addi %mul3A_3041, %add3A_3042 : i32
        %get3A_3044 = arith.index_cast %select_n3A_123 : i32 to index
        %get3A_3045 = arith.index_cast %add3A_3043 : i32 to index
        %get3A_3046 = arith.constant 64 : index
        %get3A_3047 = tpu.vector_load %arg9[%get3A_3044, %get3A_3045, %get3A_3046] {strides = array<i32>} : memref<6x128x128xf32, #tpu.memory_space<vmem>>, vector<16xf32>,
        %sub3A_3048 = vector.broadcast %mul3A_373 : f32 to vector<16xf32>
        %sub3A_3049 = arith.subf %get3A_3047, %sub3A_3048 : vector<16xf32>
        %mul3A_3050 = vector.broadcast %mul3A_408 : f32 to vector<16xf32>
        %mul3A_3051 = arith.mulf %sub3A_3049, %mul3A_3050 : vector<16xf32>
        %mul3A_3052 = arith.mulf %mul3A_3051, %get3A_3019 : vector<16xf32>
        %add3A_3053 = arith.addf %mul3A_3052, %get3A_3021 : vector<16xf32>
        %swap3A_3054 = arith.index_cast %select_n3A_123 : i32 to index
        %swap3A_3055 = arith.index_cast %add3A_3043 : i32 to index
        %swap3A_3056 = arith.constant 64 : index
        %swap3A_3057 = tpu.vector_load %arg9[%swap3A_3054, %swap3A_3055, %swap3A_3056] {strides = array<i32>} : memref<6x128x128xf32, #tpu.memory_space<vmem>>, vector<16xf32>,
        tpu.vector_store %arg9[%swap3A_3054, %swap3A_3055, %swap3A_3056], %add3A_3053 {strides = array<i32>} : memref<6x128x128xf32, #tpu.memory_space<vmem>>, vector<16xf32>,
        %mul3A_3058 = arith.constant 16 : i32
        %mul3A_3059 = arith.muli %scan3A_208, %mul3A_3058 : i32
        %add3A_3060 = arith.constant 2 : i32
        %add3A_3061 = arith.addi %mul3A_3059, %add3A_3060 : i32
        %get3A_3062 = arith.index_cast %select_n3A_123 : i32 to index
        %get3A_3063 = arith.index_cast %add3A_3061 : i32 to index
        %get3A_3064 = arith.constant 64 : index
        %get3A_3065 = tpu.vector_load %arg9[%get3A_3062, %get3A_3063, %get3A_3064] {strides = array<i32>} : memref<6x128x128xf32, #tpu.memory_space<vmem>>, vector<16xf32>,
        %sub3A_3066 = vector.broadcast %mul3A_476 : f32 to vector<16xf32>
        %sub3A_3067 = arith.subf %get3A_3065, %sub3A_3066 : vector<16xf32>
        %mul3A_3068 = vector.broadcast %mul3A_511 : f32 to vector<16xf32>
        %mul3A_3069 = arith.mulf %sub3A_3067, %mul3A_3068 : vector<16xf32>
        %mul3A_3070 = arith.mulf %mul3A_3069, %get3A_3019 : vector<16xf32>
        %add3A_3071 = arith.addf %mul3A_3070, %get3A_3021 : vector<16xf32>
        %swap3A_3072 = arith.index_cast %select_n3A_123 : i32 to index
        %swap3A_3073 = arith.index_cast %add3A_3061 : i32 to index
        %swap3A_3074 = arith.constant 64 : index
        %swap3A_3075 = tpu.vector_load %arg9[%swap3A_3072, %swap3A_3073, %swap3A_3074] {strides = array<i32>} : memref<6x128x128xf32, #tpu.memory_space<vmem>>, vector<16xf32>,
        tpu.vector_store %arg9[%swap3A_3072, %swap3A_3073, %swap3A_3074], %add3A_3071 {strides = array<i32>} : memref<6x128x128xf32, #tpu.memory_space<vmem>>, vector<16xf32>,
        %mul3A_3076 = arith.constant 16 : i32
        %mul3A_3077 = arith.muli %scan3A_208, %mul3A_3076 : i32
        %add3A_3078 = arith.constant 3 : i32
        %add3A_3079 = arith.addi %mul3A_3077, %add3A_3078 : i32
        %get3A_3080 = arith.index_cast %select_n3A_123 : i32 to index
        %get3A_3081 = arith.index_cast %add3A_3079 : i32 to index
        %get3A_3082 = arith.constant 64 : index
        %get3A_3083 = tpu.vector_load %arg9[%get3A_3080, %get3A_3081, %get3A_3082] {strides = array<i32>} : memref<6x128x128xf32, #tpu.memory_space<vmem>>, vector<16xf32>,
        %sub3A_3084 = vector.broadcast %mul3A_579 : f32 to vector<16xf32>
        %sub3A_3085 = arith.subf %get3A_3083, %sub3A_3084 : vector<16xf32>
        %mul3A_3086 = vector.broadcast %mul3A_614 : f32 to vector<16xf32>
        %mul3A_3087 = arith.mulf %sub3A_3085, %mul3A_3086 : vector<16xf32>
        %mul3A_3088 = arith.mulf %mul3A_3087, %get3A_3019 : vector<16xf32>
        %add3A_3089 = arith.addf %mul3A_3088, %get3A_3021 : vector<16xf32>
        %swap3A_3090 = arith.index_cast %select_n3A_123 : i32 to index
        %swap3A_3091 = arith.index_cast %add3A_3079 : i32 to index
        %swap3A_3092 = arith.constant 64 : index
        %swap3A_3093 = tpu.vector_load %arg9[%swap3A_3090, %swap3A_3091, %swap3A_3092] {strides = array<i32>} : memref<6x128x128xf32, #tpu.memory_space<vmem>>, vector<16xf32>,
        tpu.vector_store %arg9[%swap3A_3090, %swap3A_3091, %swap3A_3092], %add3A_3089 {strides = array<i32>} : memref<6x128x128xf32, #tpu.memory_space<vmem>>, vector<16xf32>,
        %mul3A_3094 = arith.constant 16 : i32
        %mul3A_3095 = arith.muli %scan3A_208, %mul3A_3094 : i32
        %add3A_3096 = arith.constant 4 : i32
        %add3A_3097 = arith.addi %mul3A_3095, %add3A_3096 : i32
        %get3A_3098 = arith.index_cast %select_n3A_123 : i32 to index
        %get3A_3099 = arith.index_cast %add3A_3097 : i32 to index
        %get3A_3100 = arith.constant 64 : index
        %get3A_3101 = tpu.vector_load %arg9[%get3A_3098, %get3A_3099, %get3A_3100] {strides = array<i32>} : memref<6x128x128xf32, #tpu.memory_space<vmem>>, vector<16xf32>,
        %sub3A_3102 = vector.broadcast %mul3A_682 : f32 to vector<16xf32>
        %sub3A_3103 = arith.subf %get3A_3101, %sub3A_3102 : vector<16xf32>
        %mul3A_3104 = vector.broadcast %mul3A_717 : f32 to vector<16xf32>
        %mul3A_3105 = arith.mulf %sub3A_3103, %mul3A_3104 : vector<16xf32>
        %mul3A_3106 = arith.mulf %mul3A_3105, %get3A_3019 : vector<16xf32>
        %add3A_3107 = arith.addf %mul3A_3106, %get3A_3021 : vector<16xf32>
        %swap3A_3108 = arith.index_cast %select_n3A_123 : i32 to index
        %swap3A_3109 = arith.index_cast %add3A_3097 : i32 to index
        %swap3A_3110 = arith.constant 64 : index
        %swap3A_3111 = tpu.vector_load %arg9[%swap3A_3108, %swap3A_3109, %swap3A_3110] {strides = array<i32>} : memref<6x128x128xf32, #tpu.memory_space<vmem>>, vector<16xf32>,
        tpu.vector_store %arg9[%swap3A_3108, %swap3A_3109, %swap3A_3110], %add3A_3107 {strides = array<i32>} : memref<6x128x128xf32, #tpu.memory_space<vmem>>, vector<16xf32>,
        %mul3A_3112 = arith.constant 16 : i32
        %mul3A_3113 = arith.muli %scan3A_208, %mul3A_3112 : i32
        %add3A_3114 = arith.constant 5 : i32
        %add3A_3115 = arith.addi %mul3A_3113, %add3A_3114 : i32
        %get3A_3116 = arith.index_cast %select_n3A_123 : i32 to index
        %get3A_3117 = arith.index_cast %add3A_3115 : i32 to index
        %get3A_3118 = arith.constant 64 : index
        %get3A_3119 = tpu.vector_load %arg9[%get3A_3116, %get3A_3117, %get3A_3118] {strides = array<i32>} : memref<6x128x128xf32, #tpu.memory_space<vmem>>, vector<16xf32>,
        %sub3A_3120 = vector.broadcast %mul3A_785 : f32 to vector<16xf32>
        %sub3A_3121 = arith.subf %get3A_3119, %sub3A_3120 : vector<16xf32>
        %mul3A_3122 = vector.broadcast %mul3A_820 : f32 to vector<16xf32>
        %mul3A_3123 = arith.mulf %sub3A_3121, %mul3A_3122 : vector<16xf32>
        %mul3A_3124 = arith.mulf %mul3A_3123, %get3A_3019 : vector<16xf32>
        %add3A_3125 = arith.addf %mul3A_3124, %get3A_3021 : vector<16xf32>
        %swap3A_3126 = arith.index_cast %select_n3A_123 : i32 to index
        %swap3A_3127 = arith.index_cast %add3A_3115 : i32 to index
        %swap3A_3128 = arith.constant 64 : index
        %swap3A_3129 = tpu.vector_load %arg9[%swap3A_3126, %swap3A_3127, %swap3A_3128] {strides = array<i32>} : memref<6x128x128xf32, #tpu.memory_space<vmem>>, vector<16xf32>,
        tpu.vector_store %arg9[%swap3A_3126, %swap3A_3127, %swap3A_3128], %add3A_3125 {strides = array<i32>} : memref<6x128x128xf32, #tpu.memory_space<vmem>>, vector<16xf32>,
        %mul3A_3130 = arith.constant 16 : i32
        %mul3A_3131 = arith.muli %scan3A_208, %mul3A_3130 : i32
        %add3A_3132 = arith.constant 6 : i32
        %add3A_3133 = arith.addi %mul3A_3131, %add3A_3132 : i32
        %get3A_3134 = arith.index_cast %select_n3A_123 : i32 to index
        %get3A_3135 = arith.index_cast %add3A_3133 : i32 to index
        %get3A_3136 = arith.constant 64 : index
        %get3A_3137 = tpu.vector_load %arg9[%get3A_3134, %get3A_3135, %get3A_3136] {strides = array<i32>} : memref<6x128x128xf32, #tpu.memory_space<vmem>>, vector<16xf32>,
        %sub3A_3138 = vector.broadcast %mul3A_888 : f32 to vector<16xf32>
        %sub3A_3139 = arith.subf %get3A_3137, %sub3A_3138 : vector<16xf32>
        %mul3A_3140 = vector.broadcast %mul3A_923 : f32 to vector<16xf32>
        %mul3A_3141 = arith.mulf %sub3A_3139, %mul3A_3140 : vector<16xf32>
        %mul3A_3142 = arith.mulf %mul3A_3141, %get3A_3019 : vector<16xf32>
        %add3A_3143 = arith.addf %mul3A_3142, %get3A_3021 : vector<16xf32>
        %swap3A_3144 = arith.index_cast %select_n3A_123 : i32 to index
        %swap3A_3145 = arith.index_cast %add3A_3133 : i32 to index
        %swap3A_3146 = arith.constant 64 : index
        %swap3A_3147 = tpu.vector_load %arg9[%swap3A_3144, %swap3A_3145, %swap3A_3146] {strides = array<i32>} : memref<6x128x128xf32, #tpu.memory_space<vmem>>, vector<16xf32>,
        tpu.vector_store %arg9[%swap3A_3144, %swap3A_3145, %swap3A_3146], %add3A_3143 {strides = array<i32>} : memref<6x128x128xf32, #tpu.memory_space<vmem>>, vector<16xf32>,
        %mul3A_3148 = arith.constant 16 : i32
        %mul3A_3149 = arith.muli %scan3A_208, %mul3A_3148 : i32
        %add3A_3150 = arith.constant 7 : i32
        %add3A_3151 = arith.addi %mul3A_3149, %add3A_3150 : i32
        %get3A_3152 = arith.index_cast %select_n3A_123 : i32 to index
        %get3A_3153 = arith.index_cast %add3A_3151 : i32 to index
        %get3A_3154 = arith.constant 64 : index
        %get3A_3155 = tpu.vector_load %arg9[%get3A_3152, %get3A_3153, %get3A_3154] {strides = array<i32>} : memref<6x128x128xf32, #tpu.memory_space<vmem>>, vector<16xf32>,
        %sub3A_3156 = vector.broadcast %mul3A_991 : f32 to vector<16xf32>
        %sub3A_3157 = arith.subf %get3A_3155, %sub3A_3156 : vector<16xf32>
        %mul3A_3158 = vector.broadcast %mul3A_1026 : f32 to vector<16xf32>
        %mul3A_3159 = arith.mulf %sub3A_3157, %mul3A_3158 : vector<16xf32>
        %mul3A_3160 = arith.mulf %mul3A_3159, %get3A_3019 : vector<16xf32>
        %add3A_3161 = arith.addf %mul3A_3160, %get3A_3021 : vector<16xf32>
        %swap3A_3162 = arith.index_cast %select_n3A_123 : i32 to index
        %swap3A_3163 = arith.index_cast %add3A_3151 : i32 to index
        %swap3A_3164 = arith.constant 64 : index
        %swap3A_3165 = tpu.vector_load %arg9[%swap3A_3162, %swap3A_3163, %swap3A_3164] {strides = array<i32>} : memref<6x128x128xf32, #tpu.memory_space<vmem>>, vector<16xf32>,
        tpu.vector_store %arg9[%swap3A_3162, %swap3A_3163, %swap3A_3164], %add3A_3161 {strides = array<i32>} : memref<6x128x128xf32, #tpu.memory_space<vmem>>, vector<16xf32>,
        %mul3A_3166 = arith.constant 16 : i32
        %mul3A_3167 = arith.muli %scan3A_208, %mul3A_3166 : i32
        %add3A_3168 = arith.constant 8 : i32
        %add3A_3169 = arith.addi %mul3A_3167, %add3A_3168 : i32
        %get3A_3170 = arith.index_cast %select_n3A_123 : i32 to index
        %get3A_3171 = arith.index_cast %add3A_3169 : i32 to index
        %get3A_3172 = arith.constant 64 : index
        %get3A_3173 = tpu.vector_load %arg9[%get3A_3170, %get3A_3171, %get3A_3172] {strides = array<i32>} : memref<6x128x128xf32, #tpu.memory_space<vmem>>, vector<16xf32>,
        %sub3A_3174 = vector.broadcast %mul3A_1094 : f32 to vector<16xf32>
        %sub3A_3175 = arith.subf %get3A_3173, %sub3A_3174 : vector<16xf32>
        %mul3A_3176 = vector.broadcast %mul3A_1129 : f32 to vector<16xf32>
        %mul3A_3177 = arith.mulf %sub3A_3175, %mul3A_3176 : vector<16xf32>
        %mul3A_3178 = arith.mulf %mul3A_3177, %get3A_3019 : vector<16xf32>
        %add3A_3179 = arith.addf %mul3A_3178, %get3A_3021 : vector<16xf32>
        %swap3A_3180 = arith.index_cast %select_n3A_123 : i32 to index
        %swap3A_3181 = arith.index_cast %add3A_3169 : i32 to index
        %swap3A_3182 = arith.constant 64 : index
        %swap3A_3183 = tpu.vector_load %arg9[%swap3A_3180, %swap3A_3181, %swap3A_3182] {strides = array<i32>} : memref<6x128x128xf32, #tpu.memory_space<vmem>>, vector<16xf32>,
        tpu.vector_store %arg9[%swap3A_3180, %swap3A_3181, %swap3A_3182], %add3A_3179 {strides = array<i32>} : memref<6x128x128xf32, #tpu.memory_space<vmem>>, vector<16xf32>,
        %mul3A_3184 = arith.constant 16 : i32
        %mul3A_3185 = arith.muli %scan3A_208, %mul3A_3184 : i32
        %add3A_3186 = arith.constant 9 : i32
        %add3A_3187 = arith.addi %mul3A_3185, %add3A_3186 : i32
        %get3A_3188 = arith.index_cast %select_n3A_123 : i32 to index
        %get3A_3189 = arith.index_cast %add3A_3187 : i32 to index
        %get3A_3190 = arith.constant 64 : index
        %get3A_3191 = tpu.vector_load %arg9[%get3A_3188, %get3A_3189, %get3A_3190] {strides = array<i32>} : memref<6x128x128xf32, #tpu.memory_space<vmem>>, vector<16xf32>,
        %sub3A_3192 = vector.broadcast %mul3A_1197 : f32 to vector<16xf32>
        %sub3A_3193 = arith.subf %get3A_3191, %sub3A_3192 : vector<16xf32>
        %mul3A_3194 = vector.broadcast %mul3A_1232 : f32 to vector<16xf32>
        %mul3A_3195 = arith.mulf %sub3A_3193, %mul3A_3194 : vector<16xf32>
        %mul3A_3196 = arith.mulf %mul3A_3195, %get3A_3019 : vector<16xf32>
        %add3A_3197 = arith.addf %mul3A_3196, %get3A_3021 : vector<16xf32>
        %swap3A_3198 = arith.index_cast %select_n3A_123 : i32 to index
        %swap3A_3199 = arith.index_cast %add3A_3187 : i32 to index
        %swap3A_3200 = arith.constant 64 : index
        %swap3A_3201 = tpu.vector_load %arg9[%swap3A_3198, %swap3A_3199, %swap3A_3200] {strides = array<i32>} : memref<6x128x128xf32, #tpu.memory_space<vmem>>, vector<16xf32>,
        tpu.vector_store %arg9[%swap3A_3198, %swap3A_3199, %swap3A_3200], %add3A_3197 {strides = array<i32>} : memref<6x128x128xf32, #tpu.memory_space<vmem>>, vector<16xf32>,
        %mul3A_3202 = arith.constant 16 : i32
        %mul3A_3203 = arith.muli %scan3A_208, %mul3A_3202 : i32
        %add3A_3204 = arith.constant 10 : i32
        %add3A_3205 = arith.addi %mul3A_3203, %add3A_3204 : i32
        %get3A_3206 = arith.index_cast %select_n3A_123 : i32 to index
        %get3A_3207 = arith.index_cast %add3A_3205 : i32 to index
        %get3A_3208 = arith.constant 64 : index
        %get3A_3209 = tpu.vector_load %arg9[%get3A_3206, %get3A_3207, %get3A_3208] {strides = array<i32>} : memref<6x128x128xf32, #tpu.memory_space<vmem>>, vector<16xf32>,
        %sub3A_3210 = vector.broadcast %mul3A_1300 : f32 to vector<16xf32>
        %sub3A_3211 = arith.subf %get3A_3209, %sub3A_3210 : vector<16xf32>
        %mul3A_3212 = vector.broadcast %mul3A_1335 : f32 to vector<16xf32>
        %mul3A_3213 = arith.mulf %sub3A_3211, %mul3A_3212 : vector<16xf32>
        %mul3A_3214 = arith.mulf %mul3A_3213, %get3A_3019 : vector<16xf32>
        %add3A_3215 = arith.addf %mul3A_3214, %get3A_3021 : vector<16xf32>
        %swap3A_3216 = arith.index_cast %select_n3A_123 : i32 to index
        %swap3A_3217 = arith.index_cast %add3A_3205 : i32 to index
        %swap3A_3218 = arith.constant 64 : index
        %swap3A_3219 = tpu.vector_load %arg9[%swap3A_3216, %swap3A_3217, %swap3A_3218] {strides = array<i32>} : memref<6x128x128xf32, #tpu.memory_space<vmem>>, vector<16xf32>,
        tpu.vector_store %arg9[%swap3A_3216, %swap3A_3217, %swap3A_3218], %add3A_3215 {strides = array<i32>} : memref<6x128x128xf32, #tpu.memory_space<vmem>>, vector<16xf32>,
        %mul3A_3220 = arith.constant 16 : i32
        %mul3A_3221 = arith.muli %scan3A_208, %mul3A_3220 : i32
        %add3A_3222 = arith.constant 11 : i32
        %add3A_3223 = arith.addi %mul3A_3221, %add3A_3222 : i32
        %get3A_3224 = arith.index_cast %select_n3A_123 : i32 to index
        %get3A_3225 = arith.index_cast %add3A_3223 : i32 to index
        %get3A_3226 = arith.constant 64 : index
        %get3A_3227 = tpu.vector_load %arg9[%get3A_3224, %get3A_3225, %get3A_3226] {strides = array<i32>} : memref<6x128x128xf32, #tpu.memory_space<vmem>>, vector<16xf32>,
        %sub3A_3228 = vector.broadcast %mul3A_1403 : f32 to vector<16xf32>
        %sub3A_3229 = arith.subf %get3A_3227, %sub3A_3228 : vector<16xf32>
        %mul3A_3230 = vector.broadcast %mul3A_1438 : f32 to vector<16xf32>
        %mul3A_3231 = arith.mulf %sub3A_3229, %mul3A_3230 : vector<16xf32>
        %mul3A_3232 = arith.mulf %mul3A_3231, %get3A_3019 : vector<16xf32>
        %add3A_3233 = arith.addf %mul3A_3232, %get3A_3021 : vector<16xf32>
        %swap3A_3234 = arith.index_cast %select_n3A_123 : i32 to index
        %swap3A_3235 = arith.index_cast %add3A_3223 : i32 to index
        %swap3A_3236 = arith.constant 64 : index
        %swap3A_3237 = tpu.vector_load %arg9[%swap3A_3234, %swap3A_3235, %swap3A_3236] {strides = array<i32>} : memref<6x128x128xf32, #tpu.memory_space<vmem>>, vector<16xf32>,
        tpu.vector_store %arg9[%swap3A_3234, %swap3A_3235, %swap3A_3236], %add3A_3233 {strides = array<i32>} : memref<6x128x128xf32, #tpu.memory_space<vmem>>, vector<16xf32>,
        %mul3A_3238 = arith.constant 16 : i32
        %mul3A_3239 = arith.muli %scan3A_208, %mul3A_3238 : i32
        %add3A_3240 = arith.constant 12 : i32
        %add3A_3241 = arith.addi %mul3A_3239, %add3A_3240 : i32
        %get3A_3242 = arith.index_cast %select_n3A_123 : i32 to index
        %get3A_3243 = arith.index_cast %add3A_3241 : i32 to index
        %get3A_3244 = arith.constant 64 : index
        %get3A_3245 = tpu.vector_load %arg9[%get3A_3242, %get3A_3243, %get3A_3244] {strides = array<i32>} : memref<6x128x128xf32, #tpu.memory_space<vmem>>, vector<16xf32>,
        %sub3A_3246 = vector.broadcast %mul3A_1506 : f32 to vector<16xf32>
        %sub3A_3247 = arith.subf %get3A_3245, %sub3A_3246 : vector<16xf32>
        %mul3A_3248 = vector.broadcast %mul3A_1541 : f32 to vector<16xf32>
        %mul3A_3249 = arith.mulf %sub3A_3247, %mul3A_3248 : vector<16xf32>
        %mul3A_3250 = arith.mulf %mul3A_3249, %get3A_3019 : vector<16xf32>
        %add3A_3251 = arith.addf %mul3A_3250, %get3A_3021 : vector<16xf32>
        %swap3A_3252 = arith.index_cast %select_n3A_123 : i32 to index
        %swap3A_3253 = arith.index_cast %add3A_3241 : i32 to index
        %swap3A_3254 = arith.constant 64 : index
        %swap3A_3255 = tpu.vector_load %arg9[%swap3A_3252, %swap3A_3253, %swap3A_3254] {strides = array<i32>} : memref<6x128x128xf32, #tpu.memory_space<vmem>>, vector<16xf32>,
        tpu.vector_store %arg9[%swap3A_3252, %swap3A_3253, %swap3A_3254], %add3A_3251 {strides = array<i32>} : memref<6x128x128xf32, #tpu.memory_space<vmem>>, vector<16xf32>,
        %mul3A_3256 = arith.constant 16 : i32
        %mul3A_3257 = arith.muli %scan3A_208, %mul3A_3256 : i32
        %add3A_3258 = arith.constant 13 : i32
        %add3A_3259 = arith.addi %mul3A_3257, %add3A_3258 : i32
        %get3A_3260 = arith.index_cast %select_n3A_123 : i32 to index
        %get3A_3261 = arith.index_cast %add3A_3259 : i32 to index
        %get3A_3262 = arith.constant 64 : index
        %get3A_3263 = tpu.vector_load %arg9[%get3A_3260, %get3A_3261, %get3A_3262] {strides = array<i32>} : memref<6x128x128xf32, #tpu.memory_space<vmem>>, vector<16xf32>,
        %sub3A_3264 = vector.broadcast %mul3A_1609 : f32 to vector<16xf32>
        %sub3A_3265 = arith.subf %get3A_3263, %sub3A_3264 : vector<16xf32>
        %mul3A_3266 = vector.broadcast %mul3A_1644 : f32 to vector<16xf32>
        %mul3A_3267 = arith.mulf %sub3A_3265, %mul3A_3266 : vector<16xf32>
        %mul3A_3268 = arith.mulf %mul3A_3267, %get3A_3019 : vector<16xf32>
        %add3A_3269 = arith.addf %mul3A_3268, %get3A_3021 : vector<16xf32>
        %swap3A_3270 = arith.index_cast %select_n3A_123 : i32 to index
        %swap3A_3271 = arith.index_cast %add3A_3259 : i32 to index
        %swap3A_3272 = arith.constant 64 : index
        %swap3A_3273 = tpu.vector_load %arg9[%swap3A_3270, %swap3A_3271, %swap3A_3272] {strides = array<i32>} : memref<6x128x128xf32, #tpu.memory_space<vmem>>, vector<16xf32>,
        tpu.vector_store %arg9[%swap3A_3270, %swap3A_3271, %swap3A_3272], %add3A_3269 {strides = array<i32>} : memref<6x128x128xf32, #tpu.memory_space<vmem>>, vector<16xf32>,
        %mul3A_3274 = arith.constant 16 : i32
        %mul3A_3275 = arith.muli %scan3A_208, %mul3A_3274 : i32
        %add3A_3276 = arith.constant 14 : i32
        %add3A_3277 = arith.addi %mul3A_3275, %add3A_3276 : i32
        %get3A_3278 = arith.index_cast %select_n3A_123 : i32 to index
        %get3A_3279 = arith.index_cast %add3A_3277 : i32 to index
        %get3A_3280 = arith.constant 64 : index
        %get3A_3281 = tpu.vector_load %arg9[%get3A_3278, %get3A_3279, %get3A_3280] {strides = array<i32>} : memref<6x128x128xf32, #tpu.memory_space<vmem>>, vector<16xf32>,
        %sub3A_3282 = vector.broadcast %mul3A_1712 : f32 to vector<16xf32>
        %sub3A_3283 = arith.subf %get3A_3281, %sub3A_3282 : vector<16xf32>
        %mul3A_3284 = vector.broadcast %mul3A_1747 : f32 to vector<16xf32>
        %mul3A_3285 = arith.mulf %sub3A_3283, %mul3A_3284 : vector<16xf32>
        %mul3A_3286 = arith.mulf %mul3A_3285, %get3A_3019 : vector<16xf32>
        %add3A_3287 = arith.addf %mul3A_3286, %get3A_3021 : vector<16xf32>
        %swap3A_3288 = arith.index_cast %select_n3A_123 : i32 to index
        %swap3A_3289 = arith.index_cast %add3A_3277 : i32 to index
        %swap3A_3290 = arith.constant 64 : index
        %swap3A_3291 = tpu.vector_load %arg9[%swap3A_3288, %swap3A_3289, %swap3A_3290] {strides = array<i32>} : memref<6x128x128xf32, #tpu.memory_space<vmem>>, vector<16xf32>,
        tpu.vector_store %arg9[%swap3A_3288, %swap3A_3289, %swap3A_3290], %add3A_3287 {strides = array<i32>} : memref<6x128x128xf32, #tpu.memory_space<vmem>>, vector<16xf32>,
        %mul3A_3292 = arith.constant 16 : i32
        %mul3A_3293 = arith.muli %scan3A_208, %mul3A_3292 : i32
        %add3A_3294 = arith.constant 15 : i32
        %add3A_3295 = arith.addi %mul3A_3293, %add3A_3294 : i32
        %get3A_3296 = arith.index_cast %select_n3A_123 : i32 to index
        %get3A_3297 = arith.index_cast %add3A_3295 : i32 to index
        %get3A_3298 = arith.constant 64 : index
        %get3A_3299 = tpu.vector_load %arg9[%get3A_3296, %get3A_3297, %get3A_3298] {strides = array<i32>} : memref<6x128x128xf32, #tpu.memory_space<vmem>>, vector<16xf32>,
        %sub3A_3300 = vector.broadcast %mul3A_1815 : f32 to vector<16xf32>
        %sub3A_3301 = arith.subf %get3A_3299, %sub3A_3300 : vector<16xf32>
        %mul3A_3302 = vector.broadcast %mul3A_1850 : f32 to vector<16xf32>
        %mul3A_3303 = arith.mulf %sub3A_3301, %mul3A_3302 : vector<16xf32>
        %mul3A_3304 = arith.mulf %mul3A_3303, %get3A_3019 : vector<16xf32>
        %add3A_3305 = arith.addf %mul3A_3304, %get3A_3021 : vector<16xf32>
        %swap3A_3306 = arith.index_cast %select_n3A_123 : i32 to index
        %swap3A_3307 = arith.index_cast %add3A_3295 : i32 to index
        %swap3A_3308 = arith.constant 64 : index
        %swap3A_3309 = tpu.vector_load %arg9[%swap3A_3306, %swap3A_3307, %swap3A_3308] {strides = array<i32>} : memref<6x128x128xf32, #tpu.memory_space<vmem>>, vector<16xf32>,
        tpu.vector_store %arg9[%swap3A_3306, %swap3A_3307, %swap3A_3308], %add3A_3305 {strides = array<i32>} : memref<6x128x128xf32, #tpu.memory_space<vmem>>, vector<16xf32>,
        %get3A_3310 = arith.constant 80 : index
        %get3A_3311 = tpu.vector_load %arg10[%get3A_3310] {strides = array<i32>} : memref<128xf32, #tpu.memory_space<vmem>>, vector<16xf32>,
        %get3A_3312 = arith.constant 80 : index
        %get3A_3313 = tpu.vector_load %arg11[%get3A_3312] {strides = array<i32>} : memref<128xf32, #tpu.memory_space<vmem>>, vector<16xf32>,
        %mul3A_3314 = arith.constant 16 : i32
        %mul3A_3315 = arith.muli %scan3A_208, %mul3A_3314 : i32
        %add3A_3316 = arith.constant 0 : i32
        %add3A_3317 = arith.addi %mul3A_3315, %add3A_3316 : i32
        %get3A_3318 = arith.index_cast %select_n3A_123 : i32 to index
        %get3A_3319 = arith.index_cast %add3A_3317 : i32 to index
        %get3A_3320 = arith.constant 80 : index
        %get3A_3321 = tpu.vector_load %arg9[%get3A_3318, %get3A_3319, %get3A_3320] {strides = array<i32>} : memref<6x128x128xf32, #tpu.memory_space<vmem>>, vector<16xf32>,
        %sub3A_3322 = vector.broadcast %mul3A_274 : f32 to vector<16xf32>
        %sub3A_3323 = arith.subf %get3A_3321, %sub3A_3322 : vector<16xf32>
        %mul3A_3324 = vector.broadcast %mul3A_305 : f32 to vector<16xf32>
        %mul3A_3325 = arith.mulf %sub3A_3323, %mul3A_3324 : vector<16xf32>
        %mul3A_3326 = arith.mulf %mul3A_3325, %get3A_3311 : vector<16xf32>
        %add3A_3327 = arith.addf %mul3A_3326, %get3A_3313 : vector<16xf32>
        %swap3A_3328 = arith.index_cast %select_n3A_123 : i32 to index
        %swap3A_3329 = arith.index_cast %add3A_3317 : i32 to index
        %swap3A_3330 = arith.constant 80 : index
        %swap3A_3331 = tpu.vector_load %arg9[%swap3A_3328, %swap3A_3329, %swap3A_3330] {strides = array<i32>} : memref<6x128x128xf32, #tpu.memory_space<vmem>>, vector<16xf32>,
        tpu.vector_store %arg9[%swap3A_3328, %swap3A_3329, %swap3A_3330], %add3A_3327 {strides = array<i32>} : memref<6x128x128xf32, #tpu.memory_space<vmem>>, vector<16xf32>,
        %mul3A_3332 = arith.constant 16 : i32
        %mul3A_3333 = arith.muli %scan3A_208, %mul3A_3332 : i32
        %add3A_3334 = arith.constant 1 : i32
        %add3A_3335 = arith.addi %mul3A_3333, %add3A_3334 : i32
        %get3A_3336 = arith.index_cast %select_n3A_123 : i32 to index
        %get3A_3337 = arith.index_cast %add3A_3335 : i32 to index
        %get3A_3338 = arith.constant 80 : index
        %get3A_3339 = tpu.vector_load %arg9[%get3A_3336, %get3A_3337, %get3A_3338] {strides = array<i32>} : memref<6x128x128xf32, #tpu.memory_space<vmem>>, vector<16xf32>,
        %sub3A_3340 = vector.broadcast %mul3A_373 : f32 to vector<16xf32>
        %sub3A_3341 = arith.subf %get3A_3339, %sub3A_3340 : vector<16xf32>
        %mul3A_3342 = vector.broadcast %mul3A_408 : f32 to vector<16xf32>
        %mul3A_3343 = arith.mulf %sub3A_3341, %mul3A_3342 : vector<16xf32>
        %mul3A_3344 = arith.mulf %mul3A_3343, %get3A_3311 : vector<16xf32>
        %add3A_3345 = arith.addf %mul3A_3344, %get3A_3313 : vector<16xf32>
        %swap3A_3346 = arith.index_cast %select_n3A_123 : i32 to index
        %swap3A_3347 = arith.index_cast %add3A_3335 : i32 to index
        %swap3A_3348 = arith.constant 80 : index
        %swap3A_3349 = tpu.vector_load %arg9[%swap3A_3346, %swap3A_3347, %swap3A_3348] {strides = array<i32>} : memref<6x128x128xf32, #tpu.memory_space<vmem>>, vector<16xf32>,
        tpu.vector_store %arg9[%swap3A_3346, %swap3A_3347, %swap3A_3348], %add3A_3345 {strides = array<i32>} : memref<6x128x128xf32, #tpu.memory_space<vmem>>, vector<16xf32>,
        %mul3A_3350 = arith.constant 16 : i32
        %mul3A_3351 = arith.muli %scan3A_208, %mul3A_3350 : i32
        %add3A_3352 = arith.constant 2 : i32
        %add3A_3353 = arith.addi %mul3A_3351, %add3A_3352 : i32
        %get3A_3354 = arith.index_cast %select_n3A_123 : i32 to index
        %get3A_3355 = arith.index_cast %add3A_3353 : i32 to index
        %get3A_3356 = arith.constant 80 : index
        %get3A_3357 = tpu.vector_load %arg9[%get3A_3354, %get3A_3355, %get3A_3356] {strides = array<i32>} : memref<6x128x128xf32, #tpu.memory_space<vmem>>, vector<16xf32>,
        %sub3A_3358 = vector.broadcast %mul3A_476 : f32 to vector<16xf32>
        %sub3A_3359 = arith.subf %get3A_3357, %sub3A_3358 : vector<16xf32>
        %mul3A_3360 = vector.broadcast %mul3A_511 : f32 to vector<16xf32>
        %mul3A_3361 = arith.mulf %sub3A_3359, %mul3A_3360 : vector<16xf32>
        %mul3A_3362 = arith.mulf %mul3A_3361, %get3A_3311 : vector<16xf32>
        %add3A_3363 = arith.addf %mul3A_3362, %get3A_3313 : vector<16xf32>
        %swap3A_3364 = arith.index_cast %select_n3A_123 : i32 to index
        %swap3A_3365 = arith.index_cast %add3A_3353 : i32 to index
        %swap3A_3366 = arith.constant 80 : index
        %swap3A_3367 = tpu.vector_load %arg9[%swap3A_3364, %swap3A_3365, %swap3A_3366] {strides = array<i32>} : memref<6x128x128xf32, #tpu.memory_space<vmem>>, vector<16xf32>,
        tpu.vector_store %arg9[%swap3A_3364, %swap3A_3365, %swap3A_3366], %add3A_3363 {strides = array<i32>} : memref<6x128x128xf32, #tpu.memory_space<vmem>>, vector<16xf32>,
        %mul3A_3368 = arith.constant 16 : i32
        %mul3A_3369 = arith.muli %scan3A_208, %mul3A_3368 : i32
        %add3A_3370 = arith.constant 3 : i32
        %add3A_3371 = arith.addi %mul3A_3369, %add3A_3370 : i32
        %get3A_3372 = arith.index_cast %select_n3A_123 : i32 to index
        %get3A_3373 = arith.index_cast %add3A_3371 : i32 to index
        %get3A_3374 = arith.constant 80 : index
        %get3A_3375 = tpu.vector_load %arg9[%get3A_3372, %get3A_3373, %get3A_3374] {strides = array<i32>} : memref<6x128x128xf32, #tpu.memory_space<vmem>>, vector<16xf32>,
        %sub3A_3376 = vector.broadcast %mul3A_579 : f32 to vector<16xf32>
        %sub3A_3377 = arith.subf %get3A_3375, %sub3A_3376 : vector<16xf32>
        %mul3A_3378 = vector.broadcast %mul3A_614 : f32 to vector<16xf32>
        %mul3A_3379 = arith.mulf %sub3A_3377, %mul3A_3378 : vector<16xf32>
        %mul3A_3380 = arith.mulf %mul3A_3379, %get3A_3311 : vector<16xf32>
        %add3A_3381 = arith.addf %mul3A_3380, %get3A_3313 : vector<16xf32>
        %swap3A_3382 = arith.index_cast %select_n3A_123 : i32 to index
        %swap3A_3383 = arith.index_cast %add3A_3371 : i32 to index
        %swap3A_3384 = arith.constant 80 : index
        %swap3A_3385 = tpu.vector_load %arg9[%swap3A_3382, %swap3A_3383, %swap3A_3384] {strides = array<i32>} : memref<6x128x128xf32, #tpu.memory_space<vmem>>, vector<16xf32>,
        tpu.vector_store %arg9[%swap3A_3382, %swap3A_3383, %swap3A_3384], %add3A_3381 {strides = array<i32>} : memref<6x128x128xf32, #tpu.memory_space<vmem>>, vector<16xf32>,
        %mul3A_3386 = arith.constant 16 : i32
        %mul3A_3387 = arith.muli %scan3A_208, %mul3A_3386 : i32
        %add3A_3388 = arith.constant 4 : i32
        %add3A_3389 = arith.addi %mul3A_3387, %add3A_3388 : i32
        %get3A_3390 = arith.index_cast %select_n3A_123 : i32 to index
        %get3A_3391 = arith.index_cast %add3A_3389 : i32 to index
        %get3A_3392 = arith.constant 80 : index
        %get3A_3393 = tpu.vector_load %arg9[%get3A_3390, %get3A_3391, %get3A_3392] {strides = array<i32>} : memref<6x128x128xf32, #tpu.memory_space<vmem>>, vector<16xf32>,
        %sub3A_3394 = vector.broadcast %mul3A_682 : f32 to vector<16xf32>
        %sub3A_3395 = arith.subf %get3A_3393, %sub3A_3394 : vector<16xf32>
        %mul3A_3396 = vector.broadcast %mul3A_717 : f32 to vector<16xf32>
        %mul3A_3397 = arith.mulf %sub3A_3395, %mul3A_3396 : vector<16xf32>
        %mul3A_3398 = arith.mulf %mul3A_3397, %get3A_3311 : vector<16xf32>
        %add3A_3399 = arith.addf %mul3A_3398, %get3A_3313 : vector<16xf32>
        %swap3A_3400 = arith.index_cast %select_n3A_123 : i32 to index
        %swap3A_3401 = arith.index_cast %add3A_3389 : i32 to index
        %swap3A_3402 = arith.constant 80 : index
        %swap3A_3403 = tpu.vector_load %arg9[%swap3A_3400, %swap3A_3401, %swap3A_3402] {strides = array<i32>} : memref<6x128x128xf32, #tpu.memory_space<vmem>>, vector<16xf32>,
        tpu.vector_store %arg9[%swap3A_3400, %swap3A_3401, %swap3A_3402], %add3A_3399 {strides = array<i32>} : memref<6x128x128xf32, #tpu.memory_space<vmem>>, vector<16xf32>,
        %mul3A_3404 = arith.constant 16 : i32
        %mul3A_3405 = arith.muli %scan3A_208, %mul3A_3404 : i32
        %add3A_3406 = arith.constant 5 : i32
        %add3A_3407 = arith.addi %mul3A_3405, %add3A_3406 : i32
        %get3A_3408 = arith.index_cast %select_n3A_123 : i32 to index
        %get3A_3409 = arith.index_cast %add3A_3407 : i32 to index
        %get3A_3410 = arith.constant 80 : index
        %get3A_3411 = tpu.vector_load %arg9[%get3A_3408, %get3A_3409, %get3A_3410] {strides = array<i32>} : memref<6x128x128xf32, #tpu.memory_space<vmem>>, vector<16xf32>,
        %sub3A_3412 = vector.broadcast %mul3A_785 : f32 to vector<16xf32>
        %sub3A_3413 = arith.subf %get3A_3411, %sub3A_3412 : vector<16xf32>
        %mul3A_3414 = vector.broadcast %mul3A_820 : f32 to vector<16xf32>
        %mul3A_3415 = arith.mulf %sub3A_3413, %mul3A_3414 : vector<16xf32>
        %mul3A_3416 = arith.mulf %mul3A_3415, %get3A_3311 : vector<16xf32>
        %add3A_3417 = arith.addf %mul3A_3416, %get3A_3313 : vector<16xf32>
        %swap3A_3418 = arith.index_cast %select_n3A_123 : i32 to index
        %swap3A_3419 = arith.index_cast %add3A_3407 : i32 to index
        %swap3A_3420 = arith.constant 80 : index
        %swap3A_3421 = tpu.vector_load %arg9[%swap3A_3418, %swap3A_3419, %swap3A_3420] {strides = array<i32>} : memref<6x128x128xf32, #tpu.memory_space<vmem>>, vector<16xf32>,
        tpu.vector_store %arg9[%swap3A_3418, %swap3A_3419, %swap3A_3420], %add3A_3417 {strides = array<i32>} : memref<6x128x128xf32, #tpu.memory_space<vmem>>, vector<16xf32>,
        %mul3A_3422 = arith.constant 16 : i32
        %mul3A_3423 = arith.muli %scan3A_208, %mul3A_3422 : i32
        %add3A_3424 = arith.constant 6 : i32
        %add3A_3425 = arith.addi %mul3A_3423, %add3A_3424 : i32
        %get3A_3426 = arith.index_cast %select_n3A_123 : i32 to index
        %get3A_3427 = arith.index_cast %add3A_3425 : i32 to index
        %get3A_3428 = arith.constant 80 : index
        %get3A_3429 = tpu.vector_load %arg9[%get3A_3426, %get3A_3427, %get3A_3428] {strides = array<i32>} : memref<6x128x128xf32, #tpu.memory_space<vmem>>, vector<16xf32>,
        %sub3A_3430 = vector.broadcast %mul3A_888 : f32 to vector<16xf32>
        %sub3A_3431 = arith.subf %get3A_3429, %sub3A_3430 : vector<16xf32>
        %mul3A_3432 = vector.broadcast %mul3A_923 : f32 to vector<16xf32>
        %mul3A_3433 = arith.mulf %sub3A_3431, %mul3A_3432 : vector<16xf32>
        %mul3A_3434 = arith.mulf %mul3A_3433, %get3A_3311 : vector<16xf32>
        %add3A_3435 = arith.addf %mul3A_3434, %get3A_3313 : vector<16xf32>
        %swap3A_3436 = arith.index_cast %select_n3A_123 : i32 to index
        %swap3A_3437 = arith.index_cast %add3A_3425 : i32 to index
        %swap3A_3438 = arith.constant 80 : index
        %swap3A_3439 = tpu.vector_load %arg9[%swap3A_3436, %swap3A_3437, %swap3A_3438] {strides = array<i32>} : memref<6x128x128xf32, #tpu.memory_space<vmem>>, vector<16xf32>,
        tpu.vector_store %arg9[%swap3A_3436, %swap3A_3437, %swap3A_3438], %add3A_3435 {strides = array<i32>} : memref<6x128x128xf32, #tpu.memory_space<vmem>>, vector<16xf32>,
        %mul3A_3440 = arith.constant 16 : i32
        %mul3A_3441 = arith.muli %scan3A_208, %mul3A_3440 : i32
        %add3A_3442 = arith.constant 7 : i32
        %add3A_3443 = arith.addi %mul3A_3441, %add3A_3442 : i32
        %get3A_3444 = arith.index_cast %select_n3A_123 : i32 to index
        %get3A_3445 = arith.index_cast %add3A_3443 : i32 to index
        %get3A_3446 = arith.constant 80 : index
        %get3A_3447 = tpu.vector_load %arg9[%get3A_3444, %get3A_3445, %get3A_3446] {strides = array<i32>} : memref<6x128x128xf32, #tpu.memory_space<vmem>>, vector<16xf32>,
        %sub3A_3448 = vector.broadcast %mul3A_991 : f32 to vector<16xf32>
        %sub3A_3449 = arith.subf %get3A_3447, %sub3A_3448 : vector<16xf32>
        %mul3A_3450 = vector.broadcast %mul3A_1026 : f32 to vector<16xf32>
        %mul3A_3451 = arith.mulf %sub3A_3449, %mul3A_3450 : vector<16xf32>
        %mul3A_3452 = arith.mulf %mul3A_3451, %get3A_3311 : vector<16xf32>
        %add3A_3453 = arith.addf %mul3A_3452, %get3A_3313 : vector<16xf32>
        %swap3A_3454 = arith.index_cast %select_n3A_123 : i32 to index
        %swap3A_3455 = arith.index_cast %add3A_3443 : i32 to index
        %swap3A_3456 = arith.constant 80 : index
        %swap3A_3457 = tpu.vector_load %arg9[%swap3A_3454, %swap3A_3455, %swap3A_3456] {strides = array<i32>} : memref<6x128x128xf32, #tpu.memory_space<vmem>>, vector<16xf32>,
        tpu.vector_store %arg9[%swap3A_3454, %swap3A_3455, %swap3A_3456], %add3A_3453 {strides = array<i32>} : memref<6x128x128xf32, #tpu.memory_space<vmem>>, vector<16xf32>,
        %mul3A_3458 = arith.constant 16 : i32
        %mul3A_3459 = arith.muli %scan3A_208, %mul3A_3458 : i32
        %add3A_3460 = arith.constant 8 : i32
        %add3A_3461 = arith.addi %mul3A_3459, %add3A_3460 : i32
        %get3A_3462 = arith.index_cast %select_n3A_123 : i32 to index
        %get3A_3463 = arith.index_cast %add3A_3461 : i32 to index
        %get3A_3464 = arith.constant 80 : index
        %get3A_3465 = tpu.vector_load %arg9[%get3A_3462, %get3A_3463, %get3A_3464] {strides = array<i32>} : memref<6x128x128xf32, #tpu.memory_space<vmem>>, vector<16xf32>,
        %sub3A_3466 = vector.broadcast %mul3A_1094 : f32 to vector<16xf32>
        %sub3A_3467 = arith.subf %get3A_3465, %sub3A_3466 : vector<16xf32>
        %mul3A_3468 = vector.broadcast %mul3A_1129 : f32 to vector<16xf32>
        %mul3A_3469 = arith.mulf %sub3A_3467, %mul3A_3468 : vector<16xf32>
        %mul3A_3470 = arith.mulf %mul3A_3469, %get3A_3311 : vector<16xf32>
        %add3A_3471 = arith.addf %mul3A_3470, %get3A_3313 : vector<16xf32>
        %swap3A_3472 = arith.index_cast %select_n3A_123 : i32 to index
        %swap3A_3473 = arith.index_cast %add3A_3461 : i32 to index
        %swap3A_3474 = arith.constant 80 : index
        %swap3A_3475 = tpu.vector_load %arg9[%swap3A_3472, %swap3A_3473, %swap3A_3474] {strides = array<i32>} : memref<6x128x128xf32, #tpu.memory_space<vmem>>, vector<16xf32>,
        tpu.vector_store %arg9[%swap3A_3472, %swap3A_3473, %swap3A_3474], %add3A_3471 {strides = array<i32>} : memref<6x128x128xf32, #tpu.memory_space<vmem>>, vector<16xf32>,
        %mul3A_3476 = arith.constant 16 : i32
        %mul3A_3477 = arith.muli %scan3A_208, %mul3A_3476 : i32
        %add3A_3478 = arith.constant 9 : i32
        %add3A_3479 = arith.addi %mul3A_3477, %add3A_3478 : i32
        %get3A_3480 = arith.index_cast %select_n3A_123 : i32 to index
        %get3A_3481 = arith.index_cast %add3A_3479 : i32 to index
        %get3A_3482 = arith.constant 80 : index
        %get3A_3483 = tpu.vector_load %arg9[%get3A_3480, %get3A_3481, %get3A_3482] {strides = array<i32>} : memref<6x128x128xf32, #tpu.memory_space<vmem>>, vector<16xf32>,
        %sub3A_3484 = vector.broadcast %mul3A_1197 : f32 to vector<16xf32>
        %sub3A_3485 = arith.subf %get3A_3483, %sub3A_3484 : vector<16xf32>
        %mul3A_3486 = vector.broadcast %mul3A_1232 : f32 to vector<16xf32>
        %mul3A_3487 = arith.mulf %sub3A_3485, %mul3A_3486 : vector<16xf32>
        %mul3A_3488 = arith.mulf %mul3A_3487, %get3A_3311 : vector<16xf32>
        %add3A_3489 = arith.addf %mul3A_3488, %get3A_3313 : vector<16xf32>
        %swap3A_3490 = arith.index_cast %select_n3A_123 : i32 to index
        %swap3A_3491 = arith.index_cast %add3A_3479 : i32 to index
        %swap3A_3492 = arith.constant 80 : index
        %swap3A_3493 = tpu.vector_load %arg9[%swap3A_3490, %swap3A_3491, %swap3A_3492] {strides = array<i32>} : memref<6x128x128xf32, #tpu.memory_space<vmem>>, vector<16xf32>,
        tpu.vector_store %arg9[%swap3A_3490, %swap3A_3491, %swap3A_3492], %add3A_3489 {strides = array<i32>} : memref<6x128x128xf32, #tpu.memory_space<vmem>>, vector<16xf32>,
        %mul3A_3494 = arith.constant 16 : i32
        %mul3A_3495 = arith.muli %scan3A_208, %mul3A_3494 : i32
        %add3A_3496 = arith.constant 10 : i32
        %add3A_3497 = arith.addi %mul3A_3495, %add3A_3496 : i32
        %get3A_3498 = arith.index_cast %select_n3A_123 : i32 to index
        %get3A_3499 = arith.index_cast %add3A_3497 : i32 to index
        %get3A_3500 = arith.constant 80 : index
        %get3A_3501 = tpu.vector_load %arg9[%get3A_3498, %get3A_3499, %get3A_3500] {strides = array<i32>} : memref<6x128x128xf32, #tpu.memory_space<vmem>>, vector<16xf32>,
        %sub3A_3502 = vector.broadcast %mul3A_1300 : f32 to vector<16xf32>
        %sub3A_3503 = arith.subf %get3A_3501, %sub3A_3502 : vector<16xf32>
        %mul3A_3504 = vector.broadcast %mul3A_1335 : f32 to vector<16xf32>
        %mul3A_3505 = arith.mulf %sub3A_3503, %mul3A_3504 : vector<16xf32>
        %mul3A_3506 = arith.mulf %mul3A_3505, %get3A_3311 : vector<16xf32>
        %add3A_3507 = arith.addf %mul3A_3506, %get3A_3313 : vector<16xf32>
        %swap3A_3508 = arith.index_cast %select_n3A_123 : i32 to index
        %swap3A_3509 = arith.index_cast %add3A_3497 : i32 to index
        %swap3A_3510 = arith.constant 80 : index
        %swap3A_3511 = tpu.vector_load %arg9[%swap3A_3508, %swap3A_3509, %swap3A_3510] {strides = array<i32>} : memref<6x128x128xf32, #tpu.memory_space<vmem>>, vector<16xf32>,
        tpu.vector_store %arg9[%swap3A_3508, %swap3A_3509, %swap3A_3510], %add3A_3507 {strides = array<i32>} : memref<6x128x128xf32, #tpu.memory_space<vmem>>, vector<16xf32>,
        %mul3A_3512 = arith.constant 16 : i32
        %mul3A_3513 = arith.muli %scan3A_208, %mul3A_3512 : i32
        %add3A_3514 = arith.constant 11 : i32
        %add3A_3515 = arith.addi %mul3A_3513, %add3A_3514 : i32
        %get3A_3516 = arith.index_cast %select_n3A_123 : i32 to index
        %get3A_3517 = arith.index_cast %add3A_3515 : i32 to index
        %get3A_3518 = arith.constant 80 : index
        %get3A_3519 = tpu.vector_load %arg9[%get3A_3516, %get3A_3517, %get3A_3518] {strides = array<i32>} : memref<6x128x128xf32, #tpu.memory_space<vmem>>, vector<16xf32>,
        %sub3A_3520 = vector.broadcast %mul3A_1403 : f32 to vector<16xf32>
        %sub3A_3521 = arith.subf %get3A_3519, %sub3A_3520 : vector<16xf32>
        %mul3A_3522 = vector.broadcast %mul3A_1438 : f32 to vector<16xf32>
        %mul3A_3523 = arith.mulf %sub3A_3521, %mul3A_3522 : vector<16xf32>
        %mul3A_3524 = arith.mulf %mul3A_3523, %get3A_3311 : vector<16xf32>
        %add3A_3525 = arith.addf %mul3A_3524, %get3A_3313 : vector<16xf32>
        %swap3A_3526 = arith.index_cast %select_n3A_123 : i32 to index
        %swap3A_3527 = arith.index_cast %add3A_3515 : i32 to index
        %swap3A_3528 = arith.constant 80 : index
        %swap3A_3529 = tpu.vector_load %arg9[%swap3A_3526, %swap3A_3527, %swap3A_3528] {strides = array<i32>} : memref<6x128x128xf32, #tpu.memory_space<vmem>>, vector<16xf32>,
        tpu.vector_store %arg9[%swap3A_3526, %swap3A_3527, %swap3A_3528], %add3A_3525 {strides = array<i32>} : memref<6x128x128xf32, #tpu.memory_space<vmem>>, vector<16xf32>,
        %mul3A_3530 = arith.constant 16 : i32
        %mul3A_3531 = arith.muli %scan3A_208, %mul3A_3530 : i32
        %add3A_3532 = arith.constant 12 : i32
        %add3A_3533 = arith.addi %mul3A_3531, %add3A_3532 : i32
        %get3A_3534 = arith.index_cast %select_n3A_123 : i32 to index
        %get3A_3535 = arith.index_cast %add3A_3533 : i32 to index
        %get3A_3536 = arith.constant 80 : index
        %get3A_3537 = tpu.vector_load %arg9[%get3A_3534, %get3A_3535, %get3A_3536] {strides = array<i32>} : memref<6x128x128xf32, #tpu.memory_space<vmem>>, vector<16xf32>,
        %sub3A_3538 = vector.broadcast %mul3A_1506 : f32 to vector<16xf32>
        %sub3A_3539 = arith.subf %get3A_3537, %sub3A_3538 : vector<16xf32>
        %mul3A_3540 = vector.broadcast %mul3A_1541 : f32 to vector<16xf32>
        %mul3A_3541 = arith.mulf %sub3A_3539, %mul3A_3540 : vector<16xf32>
        %mul3A_3542 = arith.mulf %mul3A_3541, %get3A_3311 : vector<16xf32>
        %add3A_3543 = arith.addf %mul3A_3542, %get3A_3313 : vector<16xf32>
        %swap3A_3544 = arith.index_cast %select_n3A_123 : i32 to index
        %swap3A_3545 = arith.index_cast %add3A_3533 : i32 to index
        %swap3A_3546 = arith.constant 80 : index
        %swap3A_3547 = tpu.vector_load %arg9[%swap3A_3544, %swap3A_3545, %swap3A_3546] {strides = array<i32>} : memref<6x128x128xf32, #tpu.memory_space<vmem>>, vector<16xf32>,
        tpu.vector_store %arg9[%swap3A_3544, %swap3A_3545, %swap3A_3546], %add3A_3543 {strides = array<i32>} : memref<6x128x128xf32, #tpu.memory_space<vmem>>, vector<16xf32>,
        %mul3A_3548 = arith.constant 16 : i32
        %mul3A_3549 = arith.muli %scan3A_208, %mul3A_3548 : i32
        %add3A_3550 = arith.constant 13 : i32
        %add3A_3551 = arith.addi %mul3A_3549, %add3A_3550 : i32
        %get3A_3552 = arith.index_cast %select_n3A_123 : i32 to index
        %get3A_3553 = arith.index_cast %add3A_3551 : i32 to index
        %get3A_3554 = arith.constant 80 : index
        %get3A_3555 = tpu.vector_load %arg9[%get3A_3552, %get3A_3553, %get3A_3554] {strides = array<i32>} : memref<6x128x128xf32, #tpu.memory_space<vmem>>, vector<16xf32>,
        %sub3A_3556 = vector.broadcast %mul3A_1609 : f32 to vector<16xf32>
        %sub3A_3557 = arith.subf %get3A_3555, %sub3A_3556 : vector<16xf32>
        %mul3A_3558 = vector.broadcast %mul3A_1644 : f32 to vector<16xf32>
        %mul3A_3559 = arith.mulf %sub3A_3557, %mul3A_3558 : vector<16xf32>
        %mul3A_3560 = arith.mulf %mul3A_3559, %get3A_3311 : vector<16xf32>
        %add3A_3561 = arith.addf %mul3A_3560, %get3A_3313 : vector<16xf32>
        %swap3A_3562 = arith.index_cast %select_n3A_123 : i32 to index
        %swap3A_3563 = arith.index_cast %add3A_3551 : i32 to index
        %swap3A_3564 = arith.constant 80 : index
        %swap3A_3565 = tpu.vector_load %arg9[%swap3A_3562, %swap3A_3563, %swap3A_3564] {strides = array<i32>} : memref<6x128x128xf32, #tpu.memory_space<vmem>>, vector<16xf32>,
        tpu.vector_store %arg9[%swap3A_3562, %swap3A_3563, %swap3A_3564], %add3A_3561 {strides = array<i32>} : memref<6x128x128xf32, #tpu.memory_space<vmem>>, vector<16xf32>,
        %mul3A_3566 = arith.constant 16 : i32
        %mul3A_3567 = arith.muli %scan3A_208, %mul3A_3566 : i32
        %add3A_3568 = arith.constant 14 : i32
        %add3A_3569 = arith.addi %mul3A_3567, %add3A_3568 : i32
        %get3A_3570 = arith.index_cast %select_n3A_123 : i32 to index
        %get3A_3571 = arith.index_cast %add3A_3569 : i32 to index
        %get3A_3572 = arith.constant 80 : index
        %get3A_3573 = tpu.vector_load %arg9[%get3A_3570, %get3A_3571, %get3A_3572] {strides = array<i32>} : memref<6x128x128xf32, #tpu.memory_space<vmem>>, vector<16xf32>,
        %sub3A_3574 = vector.broadcast %mul3A_1712 : f32 to vector<16xf32>
        %sub3A_3575 = arith.subf %get3A_3573, %sub3A_3574 : vector<16xf32>
        %mul3A_3576 = vector.broadcast %mul3A_1747 : f32 to vector<16xf32>
        %mul3A_3577 = arith.mulf %sub3A_3575, %mul3A_3576 : vector<16xf32>
        %mul3A_3578 = arith.mulf %mul3A_3577, %get3A_3311 : vector<16xf32>
        %add3A_3579 = arith.addf %mul3A_3578, %get3A_3313 : vector<16xf32>
        %swap3A_3580 = arith.index_cast %select_n3A_123 : i32 to index
        %swap3A_3581 = arith.index_cast %add3A_3569 : i32 to index
        %swap3A_3582 = arith.constant 80 : index
        %swap3A_3583 = tpu.vector_load %arg9[%swap3A_3580, %swap3A_3581, %swap3A_3582] {strides = array<i32>} : memref<6x128x128xf32, #tpu.memory_space<vmem>>, vector<16xf32>,
        tpu.vector_store %arg9[%swap3A_3580, %swap3A_3581, %swap3A_3582], %add3A_3579 {strides = array<i32>} : memref<6x128x128xf32, #tpu.memory_space<vmem>>, vector<16xf32>,
        %mul3A_3584 = arith.constant 16 : i32
        %mul3A_3585 = arith.muli %scan3A_208, %mul3A_3584 : i32
        %add3A_3586 = arith.constant 15 : i32
        %add3A_3587 = arith.addi %mul3A_3585, %add3A_3586 : i32
        %get3A_3588 = arith.index_cast %select_n3A_123 : i32 to index
        %get3A_3589 = arith.index_cast %add3A_3587 : i32 to index
        %get3A_3590 = arith.constant 80 : index
        %get3A_3591 = tpu.vector_load %arg9[%get3A_3588, %get3A_3589, %get3A_3590] {strides = array<i32>} : memref<6x128x128xf32, #tpu.memory_space<vmem>>, vector<16xf32>,
        %sub3A_3592 = vector.broadcast %mul3A_1815 : f32 to vector<16xf32>
        %sub3A_3593 = arith.subf %get3A_3591, %sub3A_3592 : vector<16xf32>
        %mul3A_3594 = vector.broadcast %mul3A_1850 : f32 to vector<16xf32>
        %mul3A_3595 = arith.mulf %sub3A_3593, %mul3A_3594 : vector<16xf32>
        %mul3A_3596 = arith.mulf %mul3A_3595, %get3A_3311 : vector<16xf32>
        %add3A_3597 = arith.addf %mul3A_3596, %get3A_3313 : vector<16xf32>
        %swap3A_3598 = arith.index_cast %select_n3A_123 : i32 to index
        %swap3A_3599 = arith.index_cast %add3A_3587 : i32 to index
        %swap3A_3600 = arith.constant 80 : index
        %swap3A_3601 = tpu.vector_load %arg9[%swap3A_3598, %swap3A_3599, %swap3A_3600] {strides = array<i32>} : memref<6x128x128xf32, #tpu.memory_space<vmem>>, vector<16xf32>,
        tpu.vector_store %arg9[%swap3A_3598, %swap3A_3599, %swap3A_3600], %add3A_3597 {strides = array<i32>} : memref<6x128x128xf32, #tpu.memory_space<vmem>>, vector<16xf32>,
        %get3A_3602 = arith.constant 96 : index
        %get3A_3603 = tpu.vector_load %arg10[%get3A_3602] {strides = array<i32>} : memref<128xf32, #tpu.memory_space<vmem>>, vector<16xf32>,
        %get3A_3604 = arith.constant 96 : index
        %get3A_3605 = tpu.vector_load %arg11[%get3A_3604] {strides = array<i32>} : memref<128xf32, #tpu.memory_space<vmem>>, vector<16xf32>,
        %mul3A_3606 = arith.constant 16 : i32
        %mul3A_3607 = arith.muli %scan3A_208, %mul3A_3606 : i32
        %add3A_3608 = arith.constant 0 : i32
        %add3A_3609 = arith.addi %mul3A_3607, %add3A_3608 : i32
        %get3A_3610 = arith.index_cast %select_n3A_123 : i32 to index
        %get3A_3611 = arith.index_cast %add3A_3609 : i32 to index
        %get3A_3612 = arith.constant 96 : index
        %get3A_3613 = tpu.vector_load %arg9[%get3A_3610, %get3A_3611, %get3A_3612] {strides = array<i32>} : memref<6x128x128xf32, #tpu.memory_space<vmem>>, vector<16xf32>,
        %sub3A_3614 = vector.broadcast %mul3A_274 : f32 to vector<16xf32>
        %sub3A_3615 = arith.subf %get3A_3613, %sub3A_3614 : vector<16xf32>
        %mul3A_3616 = vector.broadcast %mul3A_305 : f32 to vector<16xf32>
        %mul3A_3617 = arith.mulf %sub3A_3615, %mul3A_3616 : vector<16xf32>
        %mul3A_3618 = arith.mulf %mul3A_3617, %get3A_3603 : vector<16xf32>
        %add3A_3619 = arith.addf %mul3A_3618, %get3A_3605 : vector<16xf32>
        %swap3A_3620 = arith.index_cast %select_n3A_123 : i32 to index
        %swap3A_3621 = arith.index_cast %add3A_3609 : i32 to index
        %swap3A_3622 = arith.constant 96 : index
        %swap3A_3623 = tpu.vector_load %arg9[%swap3A_3620, %swap3A_3621, %swap3A_3622] {strides = array<i32>} : memref<6x128x128xf32, #tpu.memory_space<vmem>>, vector<16xf32>,
        tpu.vector_store %arg9[%swap3A_3620, %swap3A_3621, %swap3A_3622], %add3A_3619 {strides = array<i32>} : memref<6x128x128xf32, #tpu.memory_space<vmem>>, vector<16xf32>,
        %mul3A_3624 = arith.constant 16 : i32
        %mul3A_3625 = arith.muli %scan3A_208, %mul3A_3624 : i32
        %add3A_3626 = arith.constant 1 : i32
        %add3A_3627 = arith.addi %mul3A_3625, %add3A_3626 : i32
        %get3A_3628 = arith.index_cast %select_n3A_123 : i32 to index
        %get3A_3629 = arith.index_cast %add3A_3627 : i32 to index
        %get3A_3630 = arith.constant 96 : index
        %get3A_3631 = tpu.vector_load %arg9[%get3A_3628, %get3A_3629, %get3A_3630] {strides = array<i32>} : memref<6x128x128xf32, #tpu.memory_space<vmem>>, vector<16xf32>,
        %sub3A_3632 = vector.broadcast %mul3A_373 : f32 to vector<16xf32>
        %sub3A_3633 = arith.subf %get3A_3631, %sub3A_3632 : vector<16xf32>
        %mul3A_3634 = vector.broadcast %mul3A_408 : f32 to vector<16xf32>
        %mul3A_3635 = arith.mulf %sub3A_3633, %mul3A_3634 : vector<16xf32>
        %mul3A_3636 = arith.mulf %mul3A_3635, %get3A_3603 : vector<16xf32>
        %add3A_3637 = arith.addf %mul3A_3636, %get3A_3605 : vector<16xf32>
        %swap3A_3638 = arith.index_cast %select_n3A_123 : i32 to index
        %swap3A_3639 = arith.index_cast %add3A_3627 : i32 to index
        %swap3A_3640 = arith.constant 96 : index
        %swap3A_3641 = tpu.vector_load %arg9[%swap3A_3638, %swap3A_3639, %swap3A_3640] {strides = array<i32>} : memref<6x128x128xf32, #tpu.memory_space<vmem>>, vector<16xf32>,
        tpu.vector_store %arg9[%swap3A_3638, %swap3A_3639, %swap3A_3640], %add3A_3637 {strides = array<i32>} : memref<6x128x128xf32, #tpu.memory_space<vmem>>, vector<16xf32>,
        %mul3A_3642 = arith.constant 16 : i32
        %mul3A_3643 = arith.muli %scan3A_208, %mul3A_3642 : i32
        %add3A_3644 = arith.constant 2 : i32
        %add3A_3645 = arith.addi %mul3A_3643, %add3A_3644 : i32
        %get3A_3646 = arith.index_cast %select_n3A_123 : i32 to index
        %get3A_3647 = arith.index_cast %add3A_3645 : i32 to index
        %get3A_3648 = arith.constant 96 : index
        %get3A_3649 = tpu.vector_load %arg9[%get3A_3646, %get3A_3647, %get3A_3648] {strides = array<i32>} : memref<6x128x128xf32, #tpu.memory_space<vmem>>, vector<16xf32>,
        %sub3A_3650 = vector.broadcast %mul3A_476 : f32 to vector<16xf32>
        %sub3A_3651 = arith.subf %get3A_3649, %sub3A_3650 : vector<16xf32>
        %mul3A_3652 = vector.broadcast %mul3A_511 : f32 to vector<16xf32>
        %mul3A_3653 = arith.mulf %sub3A_3651, %mul3A_3652 : vector<16xf32>
        %mul3A_3654 = arith.mulf %mul3A_3653, %get3A_3603 : vector<16xf32>
        %add3A_3655 = arith.addf %mul3A_3654, %get3A_3605 : vector<16xf32>
        %swap3A_3656 = arith.index_cast %select_n3A_123 : i32 to index
        %swap3A_3657 = arith.index_cast %add3A_3645 : i32 to index
        %swap3A_3658 = arith.constant 96 : index
        %swap3A_3659 = tpu.vector_load %arg9[%swap3A_3656, %swap3A_3657, %swap3A_3658] {strides = array<i32>} : memref<6x128x128xf32, #tpu.memory_space<vmem>>, vector<16xf32>,
        tpu.vector_store %arg9[%swap3A_3656, %swap3A_3657, %swap3A_3658], %add3A_3655 {strides = array<i32>} : memref<6x128x128xf32, #tpu.memory_space<vmem>>, vector<16xf32>,
        %mul3A_3660 = arith.constant 16 : i32
        %mul3A_3661 = arith.muli %scan3A_208, %mul3A_3660 : i32
        %add3A_3662 = arith.constant 3 : i32
        %add3A_3663 = arith.addi %mul3A_3661, %add3A_3662 : i32
        %get3A_3664 = arith.index_cast %select_n3A_123 : i32 to index
        %get3A_3665 = arith.index_cast %add3A_3663 : i32 to index
        %get3A_3666 = arith.constant 96 : index
        %get3A_3667 = tpu.vector_load %arg9[%get3A_3664, %get3A_3665, %get3A_3666] {strides = array<i32>} : memref<6x128x128xf32, #tpu.memory_space<vmem>>, vector<16xf32>,
        %sub3A_3668 = vector.broadcast %mul3A_579 : f32 to vector<16xf32>
        %sub3A_3669 = arith.subf %get3A_3667, %sub3A_3668 : vector<16xf32>
        %mul3A_3670 = vector.broadcast %mul3A_614 : f32 to vector<16xf32>
        %mul3A_3671 = arith.mulf %sub3A_3669, %mul3A_3670 : vector<16xf32>
        %mul3A_3672 = arith.mulf %mul3A_3671, %get3A_3603 : vector<16xf32>
        %add3A_3673 = arith.addf %mul3A_3672, %get3A_3605 : vector<16xf32>
        %swap3A_3674 = arith.index_cast %select_n3A_123 : i32 to index
        %swap3A_3675 = arith.index_cast %add3A_3663 : i32 to index
        %swap3A_3676 = arith.constant 96 : index
        %swap3A_3677 = tpu.vector_load %arg9[%swap3A_3674, %swap3A_3675, %swap3A_3676] {strides = array<i32>} : memref<6x128x128xf32, #tpu.memory_space<vmem>>, vector<16xf32>,
        tpu.vector_store %arg9[%swap3A_3674, %swap3A_3675, %swap3A_3676], %add3A_3673 {strides = array<i32>} : memref<6x128x128xf32, #tpu.memory_space<vmem>>, vector<16xf32>,
        %mul3A_3678 = arith.constant 16 : i32
        %mul3A_3679 = arith.muli %scan3A_208, %mul3A_3678 : i32
        %add3A_3680 = arith.constant 4 : i32
        %add3A_3681 = arith.addi %mul3A_3679, %add3A_3680 : i32
        %get3A_3682 = arith.index_cast %select_n3A_123 : i32 to index
        %get3A_3683 = arith.index_cast %add3A_3681 : i32 to index
        %get3A_3684 = arith.constant 96 : index
        %get3A_3685 = tpu.vector_load %arg9[%get3A_3682, %get3A_3683, %get3A_3684] {strides = array<i32>} : memref<6x128x128xf32, #tpu.memory_space<vmem>>, vector<16xf32>,
        %sub3A_3686 = vector.broadcast %mul3A_682 : f32 to vector<16xf32>
        %sub3A_3687 = arith.subf %get3A_3685, %sub3A_3686 : vector<16xf32>
        %mul3A_3688 = vector.broadcast %mul3A_717 : f32 to vector<16xf32>
        %mul3A_3689 = arith.mulf %sub3A_3687, %mul3A_3688 : vector<16xf32>
        %mul3A_3690 = arith.mulf %mul3A_3689, %get3A_3603 : vector<16xf32>
        %add3A_3691 = arith.addf %mul3A_3690, %get3A_3605 : vector<16xf32>
        %swap3A_3692 = arith.index_cast %select_n3A_123 : i32 to index
        %swap3A_3693 = arith.index_cast %add3A_3681 : i32 to index
        %swap3A_3694 = arith.constant 96 : index
        %swap3A_3695 = tpu.vector_load %arg9[%swap3A_3692, %swap3A_3693, %swap3A_3694] {strides = array<i32>} : memref<6x128x128xf32, #tpu.memory_space<vmem>>, vector<16xf32>,
        tpu.vector_store %arg9[%swap3A_3692, %swap3A_3693, %swap3A_3694], %add3A_3691 {strides = array<i32>} : memref<6x128x128xf32, #tpu.memory_space<vmem>>, vector<16xf32>,
        %mul3A_3696 = arith.constant 16 : i32
        %mul3A_3697 = arith.muli %scan3A_208, %mul3A_3696 : i32
        %add3A_3698 = arith.constant 5 : i32
        %add3A_3699 = arith.addi %mul3A_3697, %add3A_3698 : i32
        %get3A_3700 = arith.index_cast %select_n3A_123 : i32 to index
        %get3A_3701 = arith.index_cast %add3A_3699 : i32 to index
        %get3A_3702 = arith.constant 96 : index
        %get3A_3703 = tpu.vector_load %arg9[%get3A_3700, %get3A_3701, %get3A_3702] {strides = array<i32>} : memref<6x128x128xf32, #tpu.memory_space<vmem>>, vector<16xf32>,
        %sub3A_3704 = vector.broadcast %mul3A_785 : f32 to vector<16xf32>
        %sub3A_3705 = arith.subf %get3A_3703, %sub3A_3704 : vector<16xf32>
        %mul3A_3706 = vector.broadcast %mul3A_820 : f32 to vector<16xf32>
        %mul3A_3707 = arith.mulf %sub3A_3705, %mul3A_3706 : vector<16xf32>
        %mul3A_3708 = arith.mulf %mul3A_3707, %get3A_3603 : vector<16xf32>
        %add3A_3709 = arith.addf %mul3A_3708, %get3A_3605 : vector<16xf32>
        %swap3A_3710 = arith.index_cast %select_n3A_123 : i32 to index
        %swap3A_3711 = arith.index_cast %add3A_3699 : i32 to index
        %swap3A_3712 = arith.constant 96 : index
        %swap3A_3713 = tpu.vector_load %arg9[%swap3A_3710, %swap3A_3711, %swap3A_3712] {strides = array<i32>} : memref<6x128x128xf32, #tpu.memory_space<vmem>>, vector<16xf32>,
        tpu.vector_store %arg9[%swap3A_3710, %swap3A_3711, %swap3A_3712], %add3A_3709 {strides = array<i32>} : memref<6x128x128xf32, #tpu.memory_space<vmem>>, vector<16xf32>,
        %mul3A_3714 = arith.constant 16 : i32
        %mul3A_3715 = arith.muli %scan3A_208, %mul3A_3714 : i32
        %add3A_3716 = arith.constant 6 : i32
        %add3A_3717 = arith.addi %mul3A_3715, %add3A_3716 : i32
        %get3A_3718 = arith.index_cast %select_n3A_123 : i32 to index
        %get3A_3719 = arith.index_cast %add3A_3717 : i32 to index
        %get3A_3720 = arith.constant 96 : index
        %get3A_3721 = tpu.vector_load %arg9[%get3A_3718, %get3A_3719, %get3A_3720] {strides = array<i32>} : memref<6x128x128xf32, #tpu.memory_space<vmem>>, vector<16xf32>,
        %sub3A_3722 = vector.broadcast %mul3A_888 : f32 to vector<16xf32>
        %sub3A_3723 = arith.subf %get3A_3721, %sub3A_3722 : vector<16xf32>
        %mul3A_3724 = vector.broadcast %mul3A_923 : f32 to vector<16xf32>
        %mul3A_3725 = arith.mulf %sub3A_3723, %mul3A_3724 : vector<16xf32>
        %mul3A_3726 = arith.mulf %mul3A_3725, %get3A_3603 : vector<16xf32>
        %add3A_3727 = arith.addf %mul3A_3726, %get3A_3605 : vector<16xf32>
        %swap3A_3728 = arith.index_cast %select_n3A_123 : i32 to index
        %swap3A_3729 = arith.index_cast %add3A_3717 : i32 to index
        %swap3A_3730 = arith.constant 96 : index
        %swap3A_3731 = tpu.vector_load %arg9[%swap3A_3728, %swap3A_3729, %swap3A_3730] {strides = array<i32>} : memref<6x128x128xf32, #tpu.memory_space<vmem>>, vector<16xf32>,
        tpu.vector_store %arg9[%swap3A_3728, %swap3A_3729, %swap3A_3730], %add3A_3727 {strides = array<i32>} : memref<6x128x128xf32, #tpu.memory_space<vmem>>, vector<16xf32>,
        %mul3A_3732 = arith.constant 16 : i32
        %mul3A_3733 = arith.muli %scan3A_208, %mul3A_3732 : i32
        %add3A_3734 = arith.constant 7 : i32
        %add3A_3735 = arith.addi %mul3A_3733, %add3A_3734 : i32
        %get3A_3736 = arith.index_cast %select_n3A_123 : i32 to index
        %get3A_3737 = arith.index_cast %add3A_3735 : i32 to index
        %get3A_3738 = arith.constant 96 : index
        %get3A_3739 = tpu.vector_load %arg9[%get3A_3736, %get3A_3737, %get3A_3738] {strides = array<i32>} : memref<6x128x128xf32, #tpu.memory_space<vmem>>, vector<16xf32>,
        %sub3A_3740 = vector.broadcast %mul3A_991 : f32 to vector<16xf32>
        %sub3A_3741 = arith.subf %get3A_3739, %sub3A_3740 : vector<16xf32>
        %mul3A_3742 = vector.broadcast %mul3A_1026 : f32 to vector<16xf32>
        %mul3A_3743 = arith.mulf %sub3A_3741, %mul3A_3742 : vector<16xf32>
        %mul3A_3744 = arith.mulf %mul3A_3743, %get3A_3603 : vector<16xf32>
        %add3A_3745 = arith.addf %mul3A_3744, %get3A_3605 : vector<16xf32>
        %swap3A_3746 = arith.index_cast %select_n3A_123 : i32 to index
        %swap3A_3747 = arith.index_cast %add3A_3735 : i32 to index
        %swap3A_3748 = arith.constant 96 : index
        %swap3A_3749 = tpu.vector_load %arg9[%swap3A_3746, %swap3A_3747, %swap3A_3748] {strides = array<i32>} : memref<6x128x128xf32, #tpu.memory_space<vmem>>, vector<16xf32>,
        tpu.vector_store %arg9[%swap3A_3746, %swap3A_3747, %swap3A_3748], %add3A_3745 {strides = array<i32>} : memref<6x128x128xf32, #tpu.memory_space<vmem>>, vector<16xf32>,
        %mul3A_3750 = arith.constant 16 : i32
        %mul3A_3751 = arith.muli %scan3A_208, %mul3A_3750 : i32
        %add3A_3752 = arith.constant 8 : i32
        %add3A_3753 = arith.addi %mul3A_3751, %add3A_3752 : i32
        %get3A_3754 = arith.index_cast %select_n3A_123 : i32 to index
        %get3A_3755 = arith.index_cast %add3A_3753 : i32 to index
        %get3A_3756 = arith.constant 96 : index
        %get3A_3757 = tpu.vector_load %arg9[%get3A_3754, %get3A_3755, %get3A_3756] {strides = array<i32>} : memref<6x128x128xf32, #tpu.memory_space<vmem>>, vector<16xf32>,
        %sub3A_3758 = vector.broadcast %mul3A_1094 : f32 to vector<16xf32>
        %sub3A_3759 = arith.subf %get3A_3757, %sub3A_3758 : vector<16xf32>
        %mul3A_3760 = vector.broadcast %mul3A_1129 : f32 to vector<16xf32>
        %mul3A_3761 = arith.mulf %sub3A_3759, %mul3A_3760 : vector<16xf32>
        %mul3A_3762 = arith.mulf %mul3A_3761, %get3A_3603 : vector<16xf32>
        %add3A_3763 = arith.addf %mul3A_3762, %get3A_3605 : vector<16xf32>
        %swap3A_3764 = arith.index_cast %select_n3A_123 : i32 to index
        %swap3A_3765 = arith.index_cast %add3A_3753 : i32 to index
        %swap3A_3766 = arith.constant 96 : index
        %swap3A_3767 = tpu.vector_load %arg9[%swap3A_3764, %swap3A_3765, %swap3A_3766] {strides = array<i32>} : memref<6x128x128xf32, #tpu.memory_space<vmem>>, vector<16xf32>,
        tpu.vector_store %arg9[%swap3A_3764, %swap3A_3765, %swap3A_3766], %add3A_3763 {strides = array<i32>} : memref<6x128x128xf32, #tpu.memory_space<vmem>>, vector<16xf32>,
        %mul3A_3768 = arith.constant 16 : i32
        %mul3A_3769 = arith.muli %scan3A_208, %mul3A_3768 : i32
        %add3A_3770 = arith.constant 9 : i32
        %add3A_3771 = arith.addi %mul3A_3769, %add3A_3770 : i32
        %get3A_3772 = arith.index_cast %select_n3A_123 : i32 to index
        %get3A_3773 = arith.index_cast %add3A_3771 : i32 to index
        %get3A_3774 = arith.constant 96 : index
        %get3A_3775 = tpu.vector_load %arg9[%get3A_3772, %get3A_3773, %get3A_3774] {strides = array<i32>} : memref<6x128x128xf32, #tpu.memory_space<vmem>>, vector<16xf32>,
        %sub3A_3776 = vector.broadcast %mul3A_1197 : f32 to vector<16xf32>
        %sub3A_3777 = arith.subf %get3A_3775, %sub3A_3776 : vector<16xf32>
        %mul3A_3778 = vector.broadcast %mul3A_1232 : f32 to vector<16xf32>
        %mul3A_3779 = arith.mulf %sub3A_3777, %mul3A_3778 : vector<16xf32>
        %mul3A_3780 = arith.mulf %mul3A_3779, %get3A_3603 : vector<16xf32>
        %add3A_3781 = arith.addf %mul3A_3780, %get3A_3605 : vector<16xf32>
        %swap3A_3782 = arith.index_cast %select_n3A_123 : i32 to index
        %swap3A_3783 = arith.index_cast %add3A_3771 : i32 to index
        %swap3A_3784 = arith.constant 96 : index
        %swap3A_3785 = tpu.vector_load %arg9[%swap3A_3782, %swap3A_3783, %swap3A_3784] {strides = array<i32>} : memref<6x128x128xf32, #tpu.memory_space<vmem>>, vector<16xf32>,
        tpu.vector_store %arg9[%swap3A_3782, %swap3A_3783, %swap3A_3784], %add3A_3781 {strides = array<i32>} : memref<6x128x128xf32, #tpu.memory_space<vmem>>, vector<16xf32>,
        %mul3A_3786 = arith.constant 16 : i32
        %mul3A_3787 = arith.muli %scan3A_208, %mul3A_3786 : i32
        %add3A_3788 = arith.constant 10 : i32
        %add3A_3789 = arith.addi %mul3A_3787, %add3A_3788 : i32
        %get3A_3790 = arith.index_cast %select_n3A_123 : i32 to index
        %get3A_3791 = arith.index_cast %add3A_3789 : i32 to index
        %get3A_3792 = arith.constant 96 : index
        %get3A_3793 = tpu.vector_load %arg9[%get3A_3790, %get3A_3791, %get3A_3792] {strides = array<i32>} : memref<6x128x128xf32, #tpu.memory_space<vmem>>, vector<16xf32>,
        %sub3A_3794 = vector.broadcast %mul3A_1300 : f32 to vector<16xf32>
        %sub3A_3795 = arith.subf %get3A_3793, %sub3A_3794 : vector<16xf32>
        %mul3A_3796 = vector.broadcast %mul3A_1335 : f32 to vector<16xf32>
        %mul3A_3797 = arith.mulf %sub3A_3795, %mul3A_3796 : vector<16xf32>
        %mul3A_3798 = arith.mulf %mul3A_3797, %get3A_3603 : vector<16xf32>
        %add3A_3799 = arith.addf %mul3A_3798, %get3A_3605 : vector<16xf32>
        %swap3A_3800 = arith.index_cast %select_n3A_123 : i32 to index
        %swap3A_3801 = arith.index_cast %add3A_3789 : i32 to index
        %swap3A_3802 = arith.constant 96 : index
        %swap3A_3803 = tpu.vector_load %arg9[%swap3A_3800, %swap3A_3801, %swap3A_3802] {strides = array<i32>} : memref<6x128x128xf32, #tpu.memory_space<vmem>>, vector<16xf32>,
        tpu.vector_store %arg9[%swap3A_3800, %swap3A_3801, %swap3A_3802], %add3A_3799 {strides = array<i32>} : memref<6x128x128xf32, #tpu.memory_space<vmem>>, vector<16xf32>,
        %mul3A_3804 = arith.constant 16 : i32
        %mul3A_3805 = arith.muli %scan3A_208, %mul3A_3804 : i32
        %add3A_3806 = arith.constant 11 : i32
        %add3A_3807 = arith.addi %mul3A_3805, %add3A_3806 : i32
        %get3A_3808 = arith.index_cast %select_n3A_123 : i32 to index
        %get3A_3809 = arith.index_cast %add3A_3807 : i32 to index
        %get3A_3810 = arith.constant 96 : index
        %get3A_3811 = tpu.vector_load %arg9[%get3A_3808, %get3A_3809, %get3A_3810] {strides = array<i32>} : memref<6x128x128xf32, #tpu.memory_space<vmem>>, vector<16xf32>,
        %sub3A_3812 = vector.broadcast %mul3A_1403 : f32 to vector<16xf32>
        %sub3A_3813 = arith.subf %get3A_3811, %sub3A_3812 : vector<16xf32>
        %mul3A_3814 = vector.broadcast %mul3A_1438 : f32 to vector<16xf32>
        %mul3A_3815 = arith.mulf %sub3A_3813, %mul3A_3814 : vector<16xf32>
        %mul3A_3816 = arith.mulf %mul3A_3815, %get3A_3603 : vector<16xf32>
        %add3A_3817 = arith.addf %mul3A_3816, %get3A_3605 : vector<16xf32>
        %swap3A_3818 = arith.index_cast %select_n3A_123 : i32 to index
        %swap3A_3819 = arith.index_cast %add3A_3807 : i32 to index
        %swap3A_3820 = arith.constant 96 : index
        %swap3A_3821 = tpu.vector_load %arg9[%swap3A_3818, %swap3A_3819, %swap3A_3820] {strides = array<i32>} : memref<6x128x128xf32, #tpu.memory_space<vmem>>, vector<16xf32>,
        tpu.vector_store %arg9[%swap3A_3818, %swap3A_3819, %swap3A_3820], %add3A_3817 {strides = array<i32>} : memref<6x128x128xf32, #tpu.memory_space<vmem>>, vector<16xf32>,
        %mul3A_3822 = arith.constant 16 : i32
        %mul3A_3823 = arith.muli %scan3A_208, %mul3A_3822 : i32
        %add3A_3824 = arith.constant 12 : i32
        %add3A_3825 = arith.addi %mul3A_3823, %add3A_3824 : i32
        %get3A_3826 = arith.index_cast %select_n3A_123 : i32 to index
        %get3A_3827 = arith.index_cast %add3A_3825 : i32 to index
        %get3A_3828 = arith.constant 96 : index
        %get3A_3829 = tpu.vector_load %arg9[%get3A_3826, %get3A_3827, %get3A_3828] {strides = array<i32>} : memref<6x128x128xf32, #tpu.memory_space<vmem>>, vector<16xf32>,
        %sub3A_3830 = vector.broadcast %mul3A_1506 : f32 to vector<16xf32>
        %sub3A_3831 = arith.subf %get3A_3829, %sub3A_3830 : vector<16xf32>
        %mul3A_3832 = vector.broadcast %mul3A_1541 : f32 to vector<16xf32>
        %mul3A_3833 = arith.mulf %sub3A_3831, %mul3A_3832 : vector<16xf32>
        %mul3A_3834 = arith.mulf %mul3A_3833, %get3A_3603 : vector<16xf32>
        %add3A_3835 = arith.addf %mul3A_3834, %get3A_3605 : vector<16xf32>
        %swap3A_3836 = arith.index_cast %select_n3A_123 : i32 to index
        %swap3A_3837 = arith.index_cast %add3A_3825 : i32 to index
        %swap3A_3838 = arith.constant 96 : index
        %swap3A_3839 = tpu.vector_load %arg9[%swap3A_3836, %swap3A_3837, %swap3A_3838] {strides = array<i32>} : memref<6x128x128xf32, #tpu.memory_space<vmem>>, vector<16xf32>,
        tpu.vector_store %arg9[%swap3A_3836, %swap3A_3837, %swap3A_3838], %add3A_3835 {strides = array<i32>} : memref<6x128x128xf32, #tpu.memory_space<vmem>>, vector<16xf32>,
        %mul3A_3840 = arith.constant 16 : i32
        %mul3A_3841 = arith.muli %scan3A_208, %mul3A_3840 : i32
        %add3A_3842 = arith.constant 13 : i32
        %add3A_3843 = arith.addi %mul3A_3841, %add3A_3842 : i32
        %get3A_3844 = arith.index_cast %select_n3A_123 : i32 to index
        %get3A_3845 = arith.index_cast %add3A_3843 : i32 to index
        %get3A_3846 = arith.constant 96 : index
        %get3A_3847 = tpu.vector_load %arg9[%get3A_3844, %get3A_3845, %get3A_3846] {strides = array<i32>} : memref<6x128x128xf32, #tpu.memory_space<vmem>>, vector<16xf32>,
        %sub3A_3848 = vector.broadcast %mul3A_1609 : f32 to vector<16xf32>
        %sub3A_3849 = arith.subf %get3A_3847, %sub3A_3848 : vector<16xf32>
        %mul3A_3850 = vector.broadcast %mul3A_1644 : f32 to vector<16xf32>
        %mul3A_3851 = arith.mulf %sub3A_3849, %mul3A_3850 : vector<16xf32>
        %mul3A_3852 = arith.mulf %mul3A_3851, %get3A_3603 : vector<16xf32>
        %add3A_3853 = arith.addf %mul3A_3852, %get3A_3605 : vector<16xf32>
        %swap3A_3854 = arith.index_cast %select_n3A_123 : i32 to index
        %swap3A_3855 = arith.index_cast %add3A_3843 : i32 to index
        %swap3A_3856 = arith.constant 96 : index
        %swap3A_3857 = tpu.vector_load %arg9[%swap3A_3854, %swap3A_3855, %swap3A_3856] {strides = array<i32>} : memref<6x128x128xf32, #tpu.memory_space<vmem>>, vector<16xf32>,
        tpu.vector_store %arg9[%swap3A_3854, %swap3A_3855, %swap3A_3856], %add3A_3853 {strides = array<i32>} : memref<6x128x128xf32, #tpu.memory_space<vmem>>, vector<16xf32>,
        %mul3A_3858 = arith.constant 16 : i32
        %mul3A_3859 = arith.muli %scan3A_208, %mul3A_3858 : i32
        %add3A_3860 = arith.constant 14 : i32
        %add3A_3861 = arith.addi %mul3A_3859, %add3A_3860 : i32
        %get3A_3862 = arith.index_cast %select_n3A_123 : i32 to index
        %get3A_3863 = arith.index_cast %add3A_3861 : i32 to index
        %get3A_3864 = arith.constant 96 : index
        %get3A_3865 = tpu.vector_load %arg9[%get3A_3862, %get3A_3863, %get3A_3864] {strides = array<i32>} : memref<6x128x128xf32, #tpu.memory_space<vmem>>, vector<16xf32>,
        %sub3A_3866 = vector.broadcast %mul3A_1712 : f32 to vector<16xf32>
        %sub3A_3867 = arith.subf %get3A_3865, %sub3A_3866 : vector<16xf32>
        %mul3A_3868 = vector.broadcast %mul3A_1747 : f32 to vector<16xf32>
        %mul3A_3869 = arith.mulf %sub3A_3867, %mul3A_3868 : vector<16xf32>
        %mul3A_3870 = arith.mulf %mul3A_3869, %get3A_3603 : vector<16xf32>
        %add3A_3871 = arith.addf %mul3A_3870, %get3A_3605 : vector<16xf32>
        %swap3A_3872 = arith.index_cast %select_n3A_123 : i32 to index
        %swap3A_3873 = arith.index_cast %add3A_3861 : i32 to index
        %swap3A_3874 = arith.constant 96 : index
        %swap3A_3875 = tpu.vector_load %arg9[%swap3A_3872, %swap3A_3873, %swap3A_3874] {strides = array<i32>} : memref<6x128x128xf32, #tpu.memory_space<vmem>>, vector<16xf32>,
        tpu.vector_store %arg9[%swap3A_3872, %swap3A_3873, %swap3A_3874], %add3A_3871 {strides = array<i32>} : memref<6x128x128xf32, #tpu.memory_space<vmem>>, vector<16xf32>,
        %mul3A_3876 = arith.constant 16 : i32
        %mul3A_3877 = arith.muli %scan3A_208, %mul3A_3876 : i32
        %add3A_3878 = arith.constant 15 : i32
        %add3A_3879 = arith.addi %mul3A_3877, %add3A_3878 : i32
        %get3A_3880 = arith.index_cast %select_n3A_123 : i32 to index
        %get3A_3881 = arith.index_cast %add3A_3879 : i32 to index
        %get3A_3882 = arith.constant 96 : index
        %get3A_3883 = tpu.vector_load %arg9[%get3A_3880, %get3A_3881, %get3A_3882] {strides = array<i32>} : memref<6x128x128xf32, #tpu.memory_space<vmem>>, vector<16xf32>,
        %sub3A_3884 = vector.broadcast %mul3A_1815 : f32 to vector<16xf32>
        %sub3A_3885 = arith.subf %get3A_3883, %sub3A_3884 : vector<16xf32>
        %mul3A_3886 = vector.broadcast %mul3A_1850 : f32 to vector<16xf32>
        %mul3A_3887 = arith.mulf %sub3A_3885, %mul3A_3886 : vector<16xf32>
        %mul3A_3888 = arith.mulf %mul3A_3887, %get3A_3603 : vector<16xf32>
        %add3A_3889 = arith.addf %mul3A_3888, %get3A_3605 : vector<16xf32>
        %swap3A_3890 = arith.index_cast %select_n3A_123 : i32 to index
        %swap3A_3891 = arith.index_cast %add3A_3879 : i32 to index
        %swap3A_3892 = arith.constant 96 : index
        %swap3A_3893 = tpu.vector_load %arg9[%swap3A_3890, %swap3A_3891, %swap3A_3892] {strides = array<i32>} : memref<6x128x128xf32, #tpu.memory_space<vmem>>, vector<16xf32>,
        tpu.vector_store %arg9[%swap3A_3890, %swap3A_3891, %swap3A_3892], %add3A_3889 {strides = array<i32>} : memref<6x128x128xf32, #tpu.memory_space<vmem>>, vector<16xf32>,
        %get3A_3894 = arith.constant 112 : index
        %get3A_3895 = tpu.vector_load %arg10[%get3A_3894] {strides = array<i32>} : memref<128xf32, #tpu.memory_space<vmem>>, vector<16xf32>,
        %get3A_3896 = arith.constant 112 : index
        %get3A_3897 = tpu.vector_load %arg11[%get3A_3896] {strides = array<i32>} : memref<128xf32, #tpu.memory_space<vmem>>, vector<16xf32>,
        %mul3A_3898 = arith.constant 16 : i32
        %mul3A_3899 = arith.muli %scan3A_208, %mul3A_3898 : i32
        %add3A_3900 = arith.constant 0 : i32
        %add3A_3901 = arith.addi %mul3A_3899, %add3A_3900 : i32
        %get3A_3902 = arith.index_cast %select_n3A_123 : i32 to index
        %get3A_3903 = arith.index_cast %add3A_3901 : i32 to index
        %get3A_3904 = arith.constant 112 : index
        %get3A_3905 = tpu.vector_load %arg9[%get3A_3902, %get3A_3903, %get3A_3904] {strides = array<i32>} : memref<6x128x128xf32, #tpu.memory_space<vmem>>, vector<16xf32>,
        %sub3A_3906 = vector.broadcast %mul3A_274 : f32 to vector<16xf32>
        %sub3A_3907 = arith.subf %get3A_3905, %sub3A_3906 : vector<16xf32>
        %mul3A_3908 = vector.broadcast %mul3A_305 : f32 to vector<16xf32>
        %mul3A_3909 = arith.mulf %sub3A_3907, %mul3A_3908 : vector<16xf32>
        %mul3A_3910 = arith.mulf %mul3A_3909, %get3A_3895 : vector<16xf32>
        %add3A_3911 = arith.addf %mul3A_3910, %get3A_3897 : vector<16xf32>
        %swap3A_3912 = arith.index_cast %select_n3A_123 : i32 to index
        %swap3A_3913 = arith.index_cast %add3A_3901 : i32 to index
        %swap3A_3914 = arith.constant 112 : index
        %swap3A_3915 = tpu.vector_load %arg9[%swap3A_3912, %swap3A_3913, %swap3A_3914] {strides = array<i32>} : memref<6x128x128xf32, #tpu.memory_space<vmem>>, vector<16xf32>,
        tpu.vector_store %arg9[%swap3A_3912, %swap3A_3913, %swap3A_3914], %add3A_3911 {strides = array<i32>} : memref<6x128x128xf32, #tpu.memory_space<vmem>>, vector<16xf32>,
        %mul3A_3916 = arith.constant 16 : i32
        %mul3A_3917 = arith.muli %scan3A_208, %mul3A_3916 : i32
        %add3A_3918 = arith.constant 1 : i32
        %add3A_3919 = arith.addi %mul3A_3917, %add3A_3918 : i32
        %get3A_3920 = arith.index_cast %select_n3A_123 : i32 to index
        %get3A_3921 = arith.index_cast %add3A_3919 : i32 to index
        %get3A_3922 = arith.constant 112 : index
        %get3A_3923 = tpu.vector_load %arg9[%get3A_3920, %get3A_3921, %get3A_3922] {strides = array<i32>} : memref<6x128x128xf32, #tpu.memory_space<vmem>>, vector<16xf32>,
        %sub3A_3924 = vector.broadcast %mul3A_373 : f32 to vector<16xf32>
        %sub3A_3925 = arith.subf %get3A_3923, %sub3A_3924 : vector<16xf32>
        %mul3A_3926 = vector.broadcast %mul3A_408 : f32 to vector<16xf32>
        %mul3A_3927 = arith.mulf %sub3A_3925, %mul3A_3926 : vector<16xf32>
        %mul3A_3928 = arith.mulf %mul3A_3927, %get3A_3895 : vector<16xf32>
        %add3A_3929 = arith.addf %mul3A_3928, %get3A_3897 : vector<16xf32>
        %swap3A_3930 = arith.index_cast %select_n3A_123 : i32 to index
        %swap3A_3931 = arith.index_cast %add3A_3919 : i32 to index
        %swap3A_3932 = arith.constant 112 : index
        %swap3A_3933 = tpu.vector_load %arg9[%swap3A_3930, %swap3A_3931, %swap3A_3932] {strides = array<i32>} : memref<6x128x128xf32, #tpu.memory_space<vmem>>, vector<16xf32>,
        tpu.vector_store %arg9[%swap3A_3930, %swap3A_3931, %swap3A_3932], %add3A_3929 {strides = array<i32>} : memref<6x128x128xf32, #tpu.memory_space<vmem>>, vector<16xf32>,
        %mul3A_3934 = arith.constant 16 : i32
        %mul3A_3935 = arith.muli %scan3A_208, %mul3A_3934 : i32
        %add3A_3936 = arith.constant 2 : i32
        %add3A_3937 = arith.addi %mul3A_3935, %add3A_3936 : i32
        %get3A_3938 = arith.index_cast %select_n3A_123 : i32 to index
        %get3A_3939 = arith.index_cast %add3A_3937 : i32 to index
        %get3A_3940 = arith.constant 112 : index
        %get3A_3941 = tpu.vector_load %arg9[%get3A_3938, %get3A_3939, %get3A_3940] {strides = array<i32>} : memref<6x128x128xf32, #tpu.memory_space<vmem>>, vector<16xf32>,
        %sub3A_3942 = vector.broadcast %mul3A_476 : f32 to vector<16xf32>
        %sub3A_3943 = arith.subf %get3A_3941, %sub3A_3942 : vector<16xf32>
        %mul3A_3944 = vector.broadcast %mul3A_511 : f32 to vector<16xf32>
        %mul3A_3945 = arith.mulf %sub3A_3943, %mul3A_3944 : vector<16xf32>
        %mul3A_3946 = arith.mulf %mul3A_3945, %get3A_3895 : vector<16xf32>
        %add3A_3947 = arith.addf %mul3A_3946, %get3A_3897 : vector<16xf32>
        %swap3A_3948 = arith.index_cast %select_n3A_123 : i32 to index
        %swap3A_3949 = arith.index_cast %add3A_3937 : i32 to index
        %swap3A_3950 = arith.constant 112 : index
        %swap3A_3951 = tpu.vector_load %arg9[%swap3A_3948, %swap3A_3949, %swap3A_3950] {strides = array<i32>} : memref<6x128x128xf32, #tpu.memory_space<vmem>>, vector<16xf32>,
        tpu.vector_store %arg9[%swap3A_3948, %swap3A_3949, %swap3A_3950], %add3A_3947 {strides = array<i32>} : memref<6x128x128xf32, #tpu.memory_space<vmem>>, vector<16xf32>,
        %mul3A_3952 = arith.constant 16 : i32
        %mul3A_3953 = arith.muli %scan3A_208, %mul3A_3952 : i32
        %add3A_3954 = arith.constant 3 : i32
        %add3A_3955 = arith.addi %mul3A_3953, %add3A_3954 : i32
        %get3A_3956 = arith.index_cast %select_n3A_123 : i32 to index
        %get3A_3957 = arith.index_cast %add3A_3955 : i32 to index
        %get3A_3958 = arith.constant 112 : index
        %get3A_3959 = tpu.vector_load %arg9[%get3A_3956, %get3A_3957, %get3A_3958] {strides = array<i32>} : memref<6x128x128xf32, #tpu.memory_space<vmem>>, vector<16xf32>,
        %sub3A_3960 = vector.broadcast %mul3A_579 : f32 to vector<16xf32>
        %sub3A_3961 = arith.subf %get3A_3959, %sub3A_3960 : vector<16xf32>
        %mul3A_3962 = vector.broadcast %mul3A_614 : f32 to vector<16xf32>
        %mul3A_3963 = arith.mulf %sub3A_3961, %mul3A_3962 : vector<16xf32>
        %mul3A_3964 = arith.mulf %mul3A_3963, %get3A_3895 : vector<16xf32>
        %add3A_3965 = arith.addf %mul3A_3964, %get3A_3897 : vector<16xf32>
        %swap3A_3966 = arith.index_cast %select_n3A_123 : i32 to index
        %swap3A_3967 = arith.index_cast %add3A_3955 : i32 to index
        %swap3A_3968 = arith.constant 112 : index
        %swap3A_3969 = tpu.vector_load %arg9[%swap3A_3966, %swap3A_3967, %swap3A_3968] {strides = array<i32>} : memref<6x128x128xf32, #tpu.memory_space<vmem>>, vector<16xf32>,
        tpu.vector_store %arg9[%swap3A_3966, %swap3A_3967, %swap3A_3968], %add3A_3965 {strides = array<i32>} : memref<6x128x128xf32, #tpu.memory_space<vmem>>, vector<16xf32>,
        %mul3A_3970 = arith.constant 16 : i32
        %mul3A_3971 = arith.muli %scan3A_208, %mul3A_3970 : i32
        %add3A_3972 = arith.constant 4 : i32
        %add3A_3973 = arith.addi %mul3A_3971, %add3A_3972 : i32
        %get3A_3974 = arith.index_cast %select_n3A_123 : i32 to index
        %get3A_3975 = arith.index_cast %add3A_3973 : i32 to index
        %get3A_3976 = arith.constant 112 : index
        %get3A_3977 = tpu.vector_load %arg9[%get3A_3974, %get3A_3975, %get3A_3976] {strides = array<i32>} : memref<6x128x128xf32, #tpu.memory_space<vmem>>, vector<16xf32>,
        %sub3A_3978 = vector.broadcast %mul3A_682 : f32 to vector<16xf32>
        %sub3A_3979 = arith.subf %get3A_3977, %sub3A_3978 : vector<16xf32>
        %mul3A_3980 = vector.broadcast %mul3A_717 : f32 to vector<16xf32>
        %mul3A_3981 = arith.mulf %sub3A_3979, %mul3A_3980 : vector<16xf32>
        %mul3A_3982 = arith.mulf %mul3A_3981, %get3A_3895 : vector<16xf32>
        %add3A_3983 = arith.addf %mul3A_3982, %get3A_3897 : vector<16xf32>
        %swap3A_3984 = arith.index_cast %select_n3A_123 : i32 to index
        %swap3A_3985 = arith.index_cast %add3A_3973 : i32 to index
        %swap3A_3986 = arith.constant 112 : index
        %swap3A_3987 = tpu.vector_load %arg9[%swap3A_3984, %swap3A_3985, %swap3A_3986] {strides = array<i32>} : memref<6x128x128xf32, #tpu.memory_space<vmem>>, vector<16xf32>,
        tpu.vector_store %arg9[%swap3A_3984, %swap3A_3985, %swap3A_3986], %add3A_3983 {strides = array<i32>} : memref<6x128x128xf32, #tpu.memory_space<vmem>>, vector<16xf32>,
        %mul3A_3988 = arith.constant 16 : i32
        %mul3A_3989 = arith.muli %scan3A_208, %mul3A_3988 : i32
        %add3A_3990 = arith.constant 5 : i32
        %add3A_3991 = arith.addi %mul3A_3989, %add3A_3990 : i32
        %get3A_3992 = arith.index_cast %select_n3A_123 : i32 to index
        %get3A_3993 = arith.index_cast %add3A_3991 : i32 to index
        %get3A_3994 = arith.constant 112 : index
        %get3A_3995 = tpu.vector_load %arg9[%get3A_3992, %get3A_3993, %get3A_3994] {strides = array<i32>} : memref<6x128x128xf32, #tpu.memory_space<vmem>>, vector<16xf32>,
        %sub3A_3996 = vector.broadcast %mul3A_785 : f32 to vector<16xf32>
        %sub3A_3997 = arith.subf %get3A_3995, %sub3A_3996 : vector<16xf32>
        %mul3A_3998 = vector.broadcast %mul3A_820 : f32 to vector<16xf32>
        %mul3A_3999 = arith.mulf %sub3A_3997, %mul3A_3998 : vector<16xf32>
        %mul3A_4000 = arith.mulf %mul3A_3999, %get3A_3895 : vector<16xf32>
        %add3A_4001 = arith.addf %mul3A_4000, %get3A_3897 : vector<16xf32>
        %swap3A_4002 = arith.index_cast %select_n3A_123 : i32 to index
        %swap3A_4003 = arith.index_cast %add3A_3991 : i32 to index
        %swap3A_4004 = arith.constant 112 : index
        %swap3A_4005 = tpu.vector_load %arg9[%swap3A_4002, %swap3A_4003, %swap3A_4004] {strides = array<i32>} : memref<6x128x128xf32, #tpu.memory_space<vmem>>, vector<16xf32>,
        tpu.vector_store %arg9[%swap3A_4002, %swap3A_4003, %swap3A_4004], %add3A_4001 {strides = array<i32>} : memref<6x128x128xf32, #tpu.memory_space<vmem>>, vector<16xf32>,
        %mul3A_4006 = arith.constant 16 : i32
        %mul3A_4007 = arith.muli %scan3A_208, %mul3A_4006 : i32
        %add3A_4008 = arith.constant 6 : i32
        %add3A_4009 = arith.addi %mul3A_4007, %add3A_4008 : i32
        %get3A_4010 = arith.index_cast %select_n3A_123 : i32 to index
        %get3A_4011 = arith.index_cast %add3A_4009 : i32 to index
        %get3A_4012 = arith.constant 112 : index
        %get3A_4013 = tpu.vector_load %arg9[%get3A_4010, %get3A_4011, %get3A_4012] {strides = array<i32>} : memref<6x128x128xf32, #tpu.memory_space<vmem>>, vector<16xf32>,
        %sub3A_4014 = vector.broadcast %mul3A_888 : f32 to vector<16xf32>
        %sub3A_4015 = arith.subf %get3A_4013, %sub3A_4014 : vector<16xf32>
        %mul3A_4016 = vector.broadcast %mul3A_923 : f32 to vector<16xf32>
        %mul3A_4017 = arith.mulf %sub3A_4015, %mul3A_4016 : vector<16xf32>
        %mul3A_4018 = arith.mulf %mul3A_4017, %get3A_3895 : vector<16xf32>
        %add3A_4019 = arith.addf %mul3A_4018, %get3A_3897 : vector<16xf32>
        %swap3A_4020 = arith.index_cast %select_n3A_123 : i32 to index
        %swap3A_4021 = arith.index_cast %add3A_4009 : i32 to index
        %swap3A_4022 = arith.constant 112 : index
        %swap3A_4023 = tpu.vector_load %arg9[%swap3A_4020, %swap3A_4021, %swap3A_4022] {strides = array<i32>} : memref<6x128x128xf32, #tpu.memory_space<vmem>>, vector<16xf32>,
        tpu.vector_store %arg9[%swap3A_4020, %swap3A_4021, %swap3A_4022], %add3A_4019 {strides = array<i32>} : memref<6x128x128xf32, #tpu.memory_space<vmem>>, vector<16xf32>,
        %mul3A_4024 = arith.constant 16 : i32
        %mul3A_4025 = arith.muli %scan3A_208, %mul3A_4024 : i32
        %add3A_4026 = arith.constant 7 : i32
        %add3A_4027 = arith.addi %mul3A_4025, %add3A_4026 : i32
        %get3A_4028 = arith.index_cast %select_n3A_123 : i32 to index
        %get3A_4029 = arith.index_cast %add3A_4027 : i32 to index
        %get3A_4030 = arith.constant 112 : index
        %get3A_4031 = tpu.vector_load %arg9[%get3A_4028, %get3A_4029, %get3A_4030] {strides = array<i32>} : memref<6x128x128xf32, #tpu.memory_space<vmem>>, vector<16xf32>,
        %sub3A_4032 = vector.broadcast %mul3A_991 : f32 to vector<16xf32>
        %sub3A_4033 = arith.subf %get3A_4031, %sub3A_4032 : vector<16xf32>
        %mul3A_4034 = vector.broadcast %mul3A_1026 : f32 to vector<16xf32>
        %mul3A_4035 = arith.mulf %sub3A_4033, %mul3A_4034 : vector<16xf32>
        %mul3A_4036 = arith.mulf %mul3A_4035, %get3A_3895 : vector<16xf32>
        %add3A_4037 = arith.addf %mul3A_4036, %get3A_3897 : vector<16xf32>
        %swap3A_4038 = arith.index_cast %select_n3A_123 : i32 to index
        %swap3A_4039 = arith.index_cast %add3A_4027 : i32 to index
        %swap3A_4040 = arith.constant 112 : index
        %swap3A_4041 = tpu.vector_load %arg9[%swap3A_4038, %swap3A_4039, %swap3A_4040] {strides = array<i32>} : memref<6x128x128xf32, #tpu.memory_space<vmem>>, vector<16xf32>,
        tpu.vector_store %arg9[%swap3A_4038, %swap3A_4039, %swap3A_4040], %add3A_4037 {strides = array<i32>} : memref<6x128x128xf32, #tpu.memory_space<vmem>>, vector<16xf32>,
        %mul3A_4042 = arith.constant 16 : i32
        %mul3A_4043 = arith.muli %scan3A_208, %mul3A_4042 : i32
        %add3A_4044 = arith.constant 8 : i32
        %add3A_4045 = arith.addi %mul3A_4043, %add3A_4044 : i32
        %get3A_4046 = arith.index_cast %select_n3A_123 : i32 to index
        %get3A_4047 = arith.index_cast %add3A_4045 : i32 to index
        %get3A_4048 = arith.constant 112 : index
        %get3A_4049 = tpu.vector_load %arg9[%get3A_4046, %get3A_4047, %get3A_4048] {strides = array<i32>} : memref<6x128x128xf32, #tpu.memory_space<vmem>>, vector<16xf32>,
        %sub3A_4050 = vector.broadcast %mul3A_1094 : f32 to vector<16xf32>
        %sub3A_4051 = arith.subf %get3A_4049, %sub3A_4050 : vector<16xf32>
        %mul3A_4052 = vector.broadcast %mul3A_1129 : f32 to vector<16xf32>
        %mul3A_4053 = arith.mulf %sub3A_4051, %mul3A_4052 : vector<16xf32>
        %mul3A_4054 = arith.mulf %mul3A_4053, %get3A_3895 : vector<16xf32>
        %add3A_4055 = arith.addf %mul3A_4054, %get3A_3897 : vector<16xf32>
        %swap3A_4056 = arith.index_cast %select_n3A_123 : i32 to index
        %swap3A_4057 = arith.index_cast %add3A_4045 : i32 to index
        %swap3A_4058 = arith.constant 112 : index
        %swap3A_4059 = tpu.vector_load %arg9[%swap3A_4056, %swap3A_4057, %swap3A_4058] {strides = array<i32>} : memref<6x128x128xf32, #tpu.memory_space<vmem>>, vector<16xf32>,
        tpu.vector_store %arg9[%swap3A_4056, %swap3A_4057, %swap3A_4058], %add3A_4055 {strides = array<i32>} : memref<6x128x128xf32, #tpu.memory_space<vmem>>, vector<16xf32>,
        %mul3A_4060 = arith.constant 16 : i32
        %mul3A_4061 = arith.muli %scan3A_208, %mul3A_4060 : i32
        %add3A_4062 = arith.constant 9 : i32
        %add3A_4063 = arith.addi %mul3A_4061, %add3A_4062 : i32
        %get3A_4064 = arith.index_cast %select_n3A_123 : i32 to index
        %get3A_4065 = arith.index_cast %add3A_4063 : i32 to index
        %get3A_4066 = arith.constant 112 : index
        %get3A_4067 = tpu.vector_load %arg9[%get3A_4064, %get3A_4065, %get3A_4066] {strides = array<i32>} : memref<6x128x128xf32, #tpu.memory_space<vmem>>, vector<16xf32>,
        %sub3A_4068 = vector.broadcast %mul3A_1197 : f32 to vector<16xf32>
        %sub3A_4069 = arith.subf %get3A_4067, %sub3A_4068 : vector<16xf32>
        %mul3A_4070 = vector.broadcast %mul3A_1232 : f32 to vector<16xf32>
        %mul3A_4071 = arith.mulf %sub3A_4069, %mul3A_4070 : vector<16xf32>
        %mul3A_4072 = arith.mulf %mul3A_4071, %get3A_3895 : vector<16xf32>
        %add3A_4073 = arith.addf %mul3A_4072, %get3A_3897 : vector<16xf32>
        %swap3A_4074 = arith.index_cast %select_n3A_123 : i32 to index
        %swap3A_4075 = arith.index_cast %add3A_4063 : i32 to index
        %swap3A_4076 = arith.constant 112 : index
        %swap3A_4077 = tpu.vector_load %arg9[%swap3A_4074, %swap3A_4075, %swap3A_4076] {strides = array<i32>} : memref<6x128x128xf32, #tpu.memory_space<vmem>>, vector<16xf32>,
        tpu.vector_store %arg9[%swap3A_4074, %swap3A_4075, %swap3A_4076], %add3A_4073 {strides = array<i32>} : memref<6x128x128xf32, #tpu.memory_space<vmem>>, vector<16xf32>,
        %mul3A_4078 = arith.constant 16 : i32
        %mul3A_4079 = arith.muli %scan3A_208, %mul3A_4078 : i32
        %add3A_4080 = arith.constant 10 : i32
        %add3A_4081 = arith.addi %mul3A_4079, %add3A_4080 : i32
        %get3A_4082 = arith.index_cast %select_n3A_123 : i32 to index
        %get3A_4083 = arith.index_cast %add3A_4081 : i32 to index
        %get3A_4084 = arith.constant 112 : index
        %get3A_4085 = tpu.vector_load %arg9[%get3A_4082, %get3A_4083, %get3A_4084] {strides = array<i32>} : memref<6x128x128xf32, #tpu.memory_space<vmem>>, vector<16xf32>,
        %sub3A_4086 = vector.broadcast %mul3A_1300 : f32 to vector<16xf32>
        %sub3A_4087 = arith.subf %get3A_4085, %sub3A_4086 : vector<16xf32>
        %mul3A_4088 = vector.broadcast %mul3A_1335 : f32 to vector<16xf32>
        %mul3A_4089 = arith.mulf %sub3A_4087, %mul3A_4088 : vector<16xf32>
        %mul3A_4090 = arith.mulf %mul3A_4089, %get3A_3895 : vector<16xf32>
        %add3A_4091 = arith.addf %mul3A_4090, %get3A_3897 : vector<16xf32>
        %swap3A_4092 = arith.index_cast %select_n3A_123 : i32 to index
        %swap3A_4093 = arith.index_cast %add3A_4081 : i32 to index
        %swap3A_4094 = arith.constant 112 : index
        %swap3A_4095 = tpu.vector_load %arg9[%swap3A_4092, %swap3A_4093, %swap3A_4094] {strides = array<i32>} : memref<6x128x128xf32, #tpu.memory_space<vmem>>, vector<16xf32>,
        tpu.vector_store %arg9[%swap3A_4092, %swap3A_4093, %swap3A_4094], %add3A_4091 {strides = array<i32>} : memref<6x128x128xf32, #tpu.memory_space<vmem>>, vector<16xf32>,
        %mul3A_4096 = arith.constant 16 : i32
        %mul3A_4097 = arith.muli %scan3A_208, %mul3A_4096 : i32
        %add3A_4098 = arith.constant 11 : i32
        %add3A_4099 = arith.addi %mul3A_4097, %add3A_4098 : i32
        %get3A_4100 = arith.index_cast %select_n3A_123 : i32 to index
        %get3A_4101 = arith.index_cast %add3A_4099 : i32 to index
        %get3A_4102 = arith.constant 112 : index
        %get3A_4103 = tpu.vector_load %arg9[%get3A_4100, %get3A_4101, %get3A_4102] {strides = array<i32>} : memref<6x128x128xf32, #tpu.memory_space<vmem>>, vector<16xf32>,
        %sub3A_4104 = vector.broadcast %mul3A_1403 : f32 to vector<16xf32>
        %sub3A_4105 = arith.subf %get3A_4103, %sub3A_4104 : vector<16xf32>
        %mul3A_4106 = vector.broadcast %mul3A_1438 : f32 to vector<16xf32>
        %mul3A_4107 = arith.mulf %sub3A_4105, %mul3A_4106 : vector<16xf32>
        %mul3A_4108 = arith.mulf %mul3A_4107, %get3A_3895 : vector<16xf32>
        %add3A_4109 = arith.addf %mul3A_4108, %get3A_3897 : vector<16xf32>
        %swap3A_4110 = arith.index_cast %select_n3A_123 : i32 to index
        %swap3A_4111 = arith.index_cast %add3A_4099 : i32 to index
        %swap3A_4112 = arith.constant 112 : index
        %swap3A_4113 = tpu.vector_load %arg9[%swap3A_4110, %swap3A_4111, %swap3A_4112] {strides = array<i32>} : memref<6x128x128xf32, #tpu.memory_space<vmem>>, vector<16xf32>,
        tpu.vector_store %arg9[%swap3A_4110, %swap3A_4111, %swap3A_4112], %add3A_4109 {strides = array<i32>} : memref<6x128x128xf32, #tpu.memory_space<vmem>>, vector<16xf32>,
        %mul3A_4114 = arith.constant 16 : i32
        %mul3A_4115 = arith.muli %scan3A_208, %mul3A_4114 : i32
        %add3A_4116 = arith.constant 12 : i32
        %add3A_4117 = arith.addi %mul3A_4115, %add3A_4116 : i32
        %get3A_4118 = arith.index_cast %select_n3A_123 : i32 to index
        %get3A_4119 = arith.index_cast %add3A_4117 : i32 to index
        %get3A_4120 = arith.constant 112 : index
        %get3A_4121 = tpu.vector_load %arg9[%get3A_4118, %get3A_4119, %get3A_4120] {strides = array<i32>} : memref<6x128x128xf32, #tpu.memory_space<vmem>>, vector<16xf32>,
        %sub3A_4122 = vector.broadcast %mul3A_1506 : f32 to vector<16xf32>
        %sub3A_4123 = arith.subf %get3A_4121, %sub3A_4122 : vector<16xf32>
        %mul3A_4124 = vector.broadcast %mul3A_1541 : f32 to vector<16xf32>
        %mul3A_4125 = arith.mulf %sub3A_4123, %mul3A_4124 : vector<16xf32>
        %mul3A_4126 = arith.mulf %mul3A_4125, %get3A_3895 : vector<16xf32>
        %add3A_4127 = arith.addf %mul3A_4126, %get3A_3897 : vector<16xf32>
        %swap3A_4128 = arith.index_cast %select_n3A_123 : i32 to index
        %swap3A_4129 = arith.index_cast %add3A_4117 : i32 to index
        %swap3A_4130 = arith.constant 112 : index
        %swap3A_4131 = tpu.vector_load %arg9[%swap3A_4128, %swap3A_4129, %swap3A_4130] {strides = array<i32>} : memref<6x128x128xf32, #tpu.memory_space<vmem>>, vector<16xf32>,
        tpu.vector_store %arg9[%swap3A_4128, %swap3A_4129, %swap3A_4130], %add3A_4127 {strides = array<i32>} : memref<6x128x128xf32, #tpu.memory_space<vmem>>, vector<16xf32>,
        %mul3A_4132 = arith.constant 16 : i32
        %mul3A_4133 = arith.muli %scan3A_208, %mul3A_4132 : i32
        %add3A_4134 = arith.constant 13 : i32
        %add3A_4135 = arith.addi %mul3A_4133, %add3A_4134 : i32
        %get3A_4136 = arith.index_cast %select_n3A_123 : i32 to index
        %get3A_4137 = arith.index_cast %add3A_4135 : i32 to index
        %get3A_4138 = arith.constant 112 : index
        %get3A_4139 = tpu.vector_load %arg9[%get3A_4136, %get3A_4137, %get3A_4138] {strides = array<i32>} : memref<6x128x128xf32, #tpu.memory_space<vmem>>, vector<16xf32>,
        %sub3A_4140 = vector.broadcast %mul3A_1609 : f32 to vector<16xf32>
        %sub3A_4141 = arith.subf %get3A_4139, %sub3A_4140 : vector<16xf32>
        %mul3A_4142 = vector.broadcast %mul3A_1644 : f32 to vector<16xf32>
        %mul3A_4143 = arith.mulf %sub3A_4141, %mul3A_4142 : vector<16xf32>
        %mul3A_4144 = arith.mulf %mul3A_4143, %get3A_3895 : vector<16xf32>
        %add3A_4145 = arith.addf %mul3A_4144, %get3A_3897 : vector<16xf32>
        %swap3A_4146 = arith.index_cast %select_n3A_123 : i32 to index
        %swap3A_4147 = arith.index_cast %add3A_4135 : i32 to index
        %swap3A_4148 = arith.constant 112 : index
        %swap3A_4149 = tpu.vector_load %arg9[%swap3A_4146, %swap3A_4147, %swap3A_4148] {strides = array<i32>} : memref<6x128x128xf32, #tpu.memory_space<vmem>>, vector<16xf32>,
        tpu.vector_store %arg9[%swap3A_4146, %swap3A_4147, %swap3A_4148], %add3A_4145 {strides = array<i32>} : memref<6x128x128xf32, #tpu.memory_space<vmem>>, vector<16xf32>,
        %mul3A_4150 = arith.constant 16 : i32
        %mul3A_4151 = arith.muli %scan3A_208, %mul3A_4150 : i32
        %add3A_4152 = arith.constant 14 : i32
        %add3A_4153 = arith.addi %mul3A_4151, %add3A_4152 : i32
        %get3A_4154 = arith.index_cast %select_n3A_123 : i32 to index
        %get3A_4155 = arith.index_cast %add3A_4153 : i32 to index
        %get3A_4156 = arith.constant 112 : index
        %get3A_4157 = tpu.vector_load %arg9[%get3A_4154, %get3A_4155, %get3A_4156] {strides = array<i32>} : memref<6x128x128xf32, #tpu.memory_space<vmem>>, vector<16xf32>,
        %sub3A_4158 = vector.broadcast %mul3A_1712 : f32 to vector<16xf32>
        %sub3A_4159 = arith.subf %get3A_4157, %sub3A_4158 : vector<16xf32>
        %mul3A_4160 = vector.broadcast %mul3A_1747 : f32 to vector<16xf32>
        %mul3A_4161 = arith.mulf %sub3A_4159, %mul3A_4160 : vector<16xf32>
        %mul3A_4162 = arith.mulf %mul3A_4161, %get3A_3895 : vector<16xf32>
        %add3A_4163 = arith.addf %mul3A_4162, %get3A_3897 : vector<16xf32>
        %swap3A_4164 = arith.index_cast %select_n3A_123 : i32 to index
        %swap3A_4165 = arith.index_cast %add3A_4153 : i32 to index
        %swap3A_4166 = arith.constant 112 : index
        %swap3A_4167 = tpu.vector_load %arg9[%swap3A_4164, %swap3A_4165, %swap3A_4166] {strides = array<i32>} : memref<6x128x128xf32, #tpu.memory_space<vmem>>, vector<16xf32>,
        tpu.vector_store %arg9[%swap3A_4164, %swap3A_4165, %swap3A_4166], %add3A_4163 {strides = array<i32>} : memref<6x128x128xf32, #tpu.memory_space<vmem>>, vector<16xf32>,
        %mul3A_4168 = arith.constant 16 : i32
        %mul3A_4169 = arith.muli %scan3A_208, %mul3A_4168 : i32
        %add3A_4170 = arith.constant 15 : i32
        %add3A_4171 = arith.addi %mul3A_4169, %add3A_4170 : i32
        %get3A_4172 = arith.index_cast %select_n3A_123 : i32 to index
        %get3A_4173 = arith.index_cast %add3A_4171 : i32 to index
        %get3A_4174 = arith.constant 112 : index
        %get3A_4175 = tpu.vector_load %arg9[%get3A_4172, %get3A_4173, %get3A_4174] {strides = array<i32>} : memref<6x128x128xf32, #tpu.memory_space<vmem>>, vector<16xf32>,
        %sub3A_4176 = vector.broadcast %mul3A_1815 : f32 to vector<16xf32>
        %sub3A_4177 = arith.subf %get3A_4175, %sub3A_4176 : vector<16xf32>
        %mul3A_4178 = vector.broadcast %mul3A_1850 : f32 to vector<16xf32>
        %mul3A_4179 = arith.mulf %sub3A_4177, %mul3A_4178 : vector<16xf32>
        %mul3A_4180 = arith.mulf %mul3A_4179, %get3A_3895 : vector<16xf32>
        %add3A_4181 = arith.addf %mul3A_4180, %get3A_3897 : vector<16xf32>
        %swap3A_4182 = arith.index_cast %select_n3A_123 : i32 to index
        %swap3A_4183 = arith.index_cast %add3A_4171 : i32 to index
        %swap3A_4184 = arith.constant 112 : index
        %swap3A_4185 = tpu.vector_load %arg9[%swap3A_4182, %swap3A_4183, %swap3A_4184] {strides = array<i32>} : memref<6x128x128xf32, #tpu.memory_space<vmem>>, vector<16xf32>,
        tpu.vector_store %arg9[%swap3A_4182, %swap3A_4183, %swap3A_4184], %add3A_4181 {strides = array<i32>} : memref<6x128x128xf32, #tpu.memory_space<vmem>>, vector<16xf32>,
      }
      %scan3A_199 = arith.constant 8 : i32
      %convert_element_type3A_200 = arith.extui %eq3A_141 : i1 to i32
      %cond3A_201 = arith.constant 0 : i32
      %cond3A_202 = arith.cmpi ne, %convert_element_type3A_200, %cond3A_201 : i32
      scf.if %cond3A_202 {
        %jit3A_208 = arith.constant 6 : i32
        %eq3A_209 = arith.constant 0 : i32
        %eq3A_210 = arith.cmpi eq, %jit3A_208, %eq3A_209 : i32
        %jit3A_211 = arith.constant 1 : i32
        %select_n3A_212 = arith.select %eq3A_210, %jit3A_211, %jit3A_208 : i32
        %rem3A_213 = arith.remsi %scan3A_114, %select_n3A_212 : i32
        %ne3A_214 = arith.constant 0 : i32
        %ne3A_215 = arith.cmpi ne, %rem3A_213, %ne3A_214 : i32
        %lt3A_216 = arith.constant 0 : i32
        %lt3A_217 = arith.cmpi slt, %rem3A_213, %lt3A_216 : i32
        %lt3A_218 = arith.constant 0 : i32
        %lt3A_219 = arith.cmpi slt, %select_n3A_212, %lt3A_218 : i32
        %ne3A_220 = arith.xori %lt3A_217, %lt3A_219 : i1
        %and3A_221 = arith.andi %ne3A_220, %ne3A_215 : i1
        %add3A_222 = arith.addi %rem3A_213, %select_n3A_212 : i32
        %select_n3A_223 = arith.select %and3A_221, %add3A_222, %rem3A_213 : i32
        %mul3A_224 = arith.constant 128 : i32
        %mul3A_225 = arith.muli %scan3A_114, %mul3A_224 : i32
        %add3A_226 = arith.addi %mul3A_2, %mul3A_225 : i32
        %dma_start3A_227 = arith.constant 0 : i32
        %dma_start3A_228 = arith.constant 0 : i32
        %dma_start3A_229 = tpu.memref_slice %arg9[%select_n3A_223, %dma_start3A_227, %dma_start3A_228] : memref<6x128x128xf32, #tpu.memory_space<vmem>> -> memref<1x128x128xf32, #tpu.memory_space<vmem>>
        %dma_start3A_230 = tpu.memref_squeeze %dma_start3A_229 : memref<1x128x128xf32, #tpu.memory_space<vmem>> -> memref<128x128xf32, #tpu.memory_space<vmem>>
        %dma_start3A_231 = arith.constant 0 : i32
        %dma_start3A_232 = tpu.memref_slice %arg7[%add3A_226, %dma_start3A_231] : memref<204800x128xf32, #tpu.memory_space<hbm>> -> memref<128x128xf32, #tpu.memory_space<hbm>>
        %dma_start3A_233 = arith.constant 0 : i32
        %dma_start3A_234 = tpu.memref_slice %arg7[%add3A_226, %dma_start3A_233] : memref<204800x128xf32, #tpu.memory_space<hbm>> -> memref<128x128xf32, #tpu.memory_space<hbm>>
        %dma_start3A_235 = arith.constant 0 : i32
        %dma_start3A_236 = arith.constant 0 : i32
        %dma_start3A_237 = tpu.memref_slice %arg9[%select_n3A_223, %dma_start3A_235, %dma_start3A_236] : memref<6x128x128xf32, #tpu.memory_space<vmem>> -> memref<1x128x128xf32, #tpu.memory_space<vmem>>
        %dma_start3A_238 = tpu.memref_squeeze %dma_start3A_237 : memref<1x128x128xf32, #tpu.memory_space<vmem>> -> memref<128x128xf32, #tpu.memory_space<vmem>>
        tpu.enqueue_dma source(%dma_start3A_238 : memref<128x128xf32, #tpu.memory_space<vmem>>) target(%dma_start3A_234 : memref<128x128xf32, #tpu.memory_space<hbm>>) target_semaphore(%arg14 : memref<!tpu.dma_semaphore, #tpu.memory_space<semaphore_mem>>)
      } else {
      }
      %not3A_203 = arith.constant true
      %not3A_204 = arith.xori %eq3A_141, %not3A_203 : i1
      %convert_element_type3A_205 = arith.extui %not3A_204 : i1 to i32
      %cond3A_206 = arith.constant 0 : i32
      %cond3A_207 = arith.cmpi ne, %convert_element_type3A_205, %cond3A_206 : i32
      scf.if %cond3A_207 {
        %jit3A_208 = arith.constant 6 : i32
        %eq3A_209 = arith.constant 0 : i32
        %eq3A_210 = arith.cmpi eq, %jit3A_208, %eq3A_209 : i32
        %jit3A_211 = arith.constant 1 : i32
        %select_n3A_212 = arith.select %eq3A_210, %jit3A_211, %jit3A_208 : i32
        %rem3A_213 = arith.remsi %scan3A_114, %select_n3A_212 : i32
        %ne3A_214 = arith.constant 0 : i32
        %ne3A_215 = arith.cmpi ne, %rem3A_213, %ne3A_214 : i32
        %lt3A_216 = arith.constant 0 : i32
        %lt3A_217 = arith.cmpi slt, %rem3A_213, %lt3A_216 : i32
        %lt3A_218 = arith.constant 0 : i32
        %lt3A_219 = arith.cmpi slt, %select_n3A_212, %lt3A_218 : i32
        %ne3A_220 = arith.xori %lt3A_217, %lt3A_219 : i1
        %and3A_221 = arith.andi %ne3A_220, %ne3A_215 : i1
        %add3A_222 = arith.addi %rem3A_213, %select_n3A_212 : i32
        %select_n3A_223 = arith.select %and3A_221, %add3A_222, %rem3A_213 : i32
        %mul3A_224 = arith.constant 128 : i32
        %mul3A_225 = arith.muli %scan3A_114, %mul3A_224 : i32
        %add3A_226 = arith.addi %mul3A_2, %mul3A_225 : i32
        %dma_start3A_227 = arith.constant 0 : i32
        %dma_start3A_228 = arith.constant 0 : i32
        %dma_start3A_229 = tpu.memref_slice %arg9[%select_n3A_223, %dma_start3A_227, %dma_start3A_228] : memref<6x128x128xf32, #tpu.memory_space<vmem>> -> memref<1x128x128xf32, #tpu.memory_space<vmem>>
        %dma_start3A_230 = tpu.memref_squeeze %dma_start3A_229 : memref<1x128x128xf32, #tpu.memory_space<vmem>> -> memref<128x128xf32, #tpu.memory_space<vmem>>
        %dma_start3A_231 = arith.constant 0 : i32
        %dma_start3A_232 = tpu.memref_slice %arg7[%add3A_226, %dma_start3A_231] : memref<204800x128xf32, #tpu.memory_space<hbm>> -> memref<128x128xf32, #tpu.memory_space<hbm>>
        %dma_start3A_233 = arith.constant 0 : i32
        %dma_start3A_234 = tpu.memref_slice %arg7[%add3A_226, %dma_start3A_233] : memref<204800x128xf32, #tpu.memory_space<hbm>> -> memref<128x128xf32, #tpu.memory_space<hbm>>
        %dma_start3A_235 = arith.constant 0 : i32
        %dma_start3A_236 = arith.constant 0 : i32
        %dma_start3A_237 = tpu.memref_slice %arg9[%select_n3A_223, %dma_start3A_235, %dma_start3A_236] : memref<6x128x128xf32, #tpu.memory_space<vmem>> -> memref<1x128x128xf32, #tpu.memory_space<vmem>>
        %dma_start3A_238 = tpu.memref_squeeze %dma_start3A_237 : memref<1x128x128xf32, #tpu.memory_space<vmem>> -> memref<128x128xf32, #tpu.memory_space<vmem>>
        tpu.enqueue_dma source(%dma_start3A_238 : memref<128x128xf32, #tpu.memory_space<vmem>>) target(%dma_start3A_234 : memref<128x128xf32, #tpu.memory_space<hbm>>) target_semaphore(%arg15 : memref<!tpu.dma_semaphore, #tpu.memory_space<semaphore_mem>>)
      } else {
      }
    }
    %scan3A_53 = arith.constant 50 : i32
    %add3A_54 = arith.constant 5888 : i32
    %add3A_55 = arith.addi %mul3A_2, %add3A_54 : i32
    %dma_wait3A_56 = arith.constant 4 : i32
    %dma_wait3A_57 = arith.constant 0 : i32
    %dma_wait3A_58 = arith.constant 0 : i32
    %dma_wait3A_59 = tpu.memref_slice %arg9[%dma_wait3A_56, %dma_wait3A_57, %dma_wait3A_58] : memref<6x128x128xf32, #tpu.memory_space<vmem>> -> memref<1x128x128xf32, #tpu.memory_space<vmem>>
    %dma_wait3A_60 = tpu.memref_squeeze %dma_wait3A_59 : memref<1x128x128xf32, #tpu.memory_space<vmem>> -> memref<128x128xf32, #tpu.memory_space<vmem>>
    %dma_wait3A_61 = arith.constant 0 : i32
    %dma_wait3A_62 = tpu.memref_slice %arg7[%add3A_55, %dma_wait3A_61] : memref<204800x128xf32, #tpu.memory_space<hbm>> -> memref<128x128xf32, #tpu.memory_space<hbm>>
    %dma_wait3A_63 = arith.constant 0 : i32
    %dma_wait3A_64 = tpu.memref_slice %arg7[%add3A_55, %dma_wait3A_63] : memref<204800x128xf32, #tpu.memory_space<hbm>> -> memref<128x128xf32, #tpu.memory_space<hbm>>
    %dma_wait3A_65 = arith.constant 0 : i32
    %dma_wait3A_66 = arith.constant 0 : i32
    %dma_wait3A_67 = tpu.memref_slice %arg9[%dma_wait3A_56, %dma_wait3A_65, %dma_wait3A_66] : memref<6x128x128xf32, #tpu.memory_space<vmem>> -> memref<1x128x128xf32, #tpu.memory_space<vmem>>
    %dma_wait3A_68 = tpu.memref_squeeze %dma_wait3A_67 : memref<1x128x128xf32, #tpu.memory_space<vmem>> -> memref<128x128xf32, #tpu.memory_space<vmem>>
    tpu.wait_dma2 semaphore(%arg14 : memref<!tpu.dma_semaphore, #tpu.memory_space<semaphore_mem>>) src(%dma_wait3A_68 : memref<128x128xf32, #tpu.memory_space<vmem>>) dst(%dma_wait3A_64 : memref<128x128xf32, #tpu.memory_space<hbm>>)
    %add3A_69 = arith.constant 6016 : i32
    %add3A_70 = arith.addi %mul3A_2, %add3A_69 : i32
    %dma_wait3A_71 = arith.constant 5 : i32
    %dma_wait3A_72 = arith.constant 0 : i32
    %dma_wait3A_73 = arith.constant 0 : i32
    %dma_wait3A_74 = tpu.memref_slice %arg9[%dma_wait3A_71, %dma_wait3A_72, %dma_wait3A_73] : memref<6x128x128xf32, #tpu.memory_space<vmem>> -> memref<1x128x128xf32, #tpu.memory_space<vmem>>
    %dma_wait3A_75 = tpu.memref_squeeze %dma_wait3A_74 : memref<1x128x128xf32, #tpu.memory_space<vmem>> -> memref<128x128xf32, #tpu.memory_space<vmem>>
    %dma_wait3A_76 = arith.constant 0 : i32
    %dma_wait3A_77 = tpu.memref_slice %arg7[%add3A_70, %dma_wait3A_76] : memref<204800x128xf32, #tpu.memory_space<hbm>> -> memref<128x128xf32, #tpu.memory_space<hbm>>
    %dma_wait3A_78 = arith.constant 0 : i32
    %dma_wait3A_79 = tpu.memref_slice %arg7[%add3A_70, %dma_wait3A_78] : memref<204800x128xf32, #tpu.memory_space<hbm>> -> memref<128x128xf32, #tpu.memory_space<hbm>>
    %dma_wait3A_80 = arith.constant 0 : i32
    %dma_wait3A_81 = arith.constant 0 : i32
    %dma_wait3A_82 = tpu.memref_slice %arg9[%dma_wait3A_71, %dma_wait3A_80, %dma_wait3A_81] : memref<6x128x128xf32, #tpu.memory_space<vmem>> -> memref<1x128x128xf32, #tpu.memory_space<vmem>>
    %dma_wait3A_83 = tpu.memref_squeeze %dma_wait3A_82 : memref<1x128x128xf32, #tpu.memory_space<vmem>> -> memref<128x128xf32, #tpu.memory_space<vmem>>
    tpu.wait_dma2 semaphore(%arg15 : memref<!tpu.dma_semaphore, #tpu.memory_space<semaphore_mem>>) src(%dma_wait3A_83 : memref<128x128xf32, #tpu.memory_space<vmem>>) dst(%dma_wait3A_79 : memref<128x128xf32, #tpu.memory_space<hbm>>)
    %add3A_84 = arith.constant 6144 : i32
    %add3A_85 = arith.addi %mul3A_2, %add3A_84 : i32
    %dma_wait3A_86 = arith.constant 0 : i32
    %dma_wait3A_87 = arith.constant 0 : i32
    %dma_wait3A_88 = arith.constant 0 : i32
    %dma_wait3A_89 = tpu.memref_slice %arg9[%dma_wait3A_86, %dma_wait3A_87, %dma_wait3A_88] : memref<6x128x128xf32, #tpu.memory_space<vmem>> -> memref<1x128x128xf32, #tpu.memory_space<vmem>>
    %dma_wait3A_90 = tpu.memref_squeeze %dma_wait3A_89 : memref<1x128x128xf32, #tpu.memory_space<vmem>> -> memref<128x128xf32, #tpu.memory_space<vmem>>
    %dma_wait3A_91 = arith.constant 0 : i32
    %dma_wait3A_92 = tpu.memref_slice %arg7[%add3A_85, %dma_wait3A_91] : memref<204800x128xf32, #tpu.memory_space<hbm>> -> memref<128x128xf32, #tpu.memory_space<hbm>>
    %dma_wait3A_93 = arith.constant 0 : i32
    %dma_wait3A_94 = tpu.memref_slice %arg7[%add3A_85, %dma_wait3A_93] : memref<204800x128xf32, #tpu.memory_space<hbm>> -> memref<128x128xf32, #tpu.memory_space<hbm>>
    %dma_wait3A_95 = arith.constant 0 : i32
    %dma_wait3A_96 = arith.constant 0 : i32
    %dma_wait3A_97 = tpu.memref_slice %arg9[%dma_wait3A_86, %dma_wait3A_95, %dma_wait3A_96] : memref<6x128x128xf32, #tpu.memory_space<vmem>> -> memref<1x128x128xf32, #tpu.memory_space<vmem>>
    %dma_wait3A_98 = tpu.memref_squeeze %dma_wait3A_97 : memref<1x128x128xf32, #tpu.memory_space<vmem>> -> memref<128x128xf32, #tpu.memory_space<vmem>>
    tpu.wait_dma2 semaphore(%arg14 : memref<!tpu.dma_semaphore, #tpu.memory_space<semaphore_mem>>) src(%dma_wait3A_98 : memref<128x128xf32, #tpu.memory_space<vmem>>) dst(%dma_wait3A_94 : memref<128x128xf32, #tpu.memory_space<hbm>>)
    %add3A_99 = arith.constant 6272 : i32
    %add3A_100 = arith.addi %mul3A_2, %add3A_99 : i32
    %dma_wait3A_101 = arith.constant 1 : i32
    %dma_wait3A_102 = arith.constant 0 : i32
    %dma_wait3A_103 = arith.constant 0 : i32
    %dma_wait3A_104 = tpu.memref_slice %arg9[%dma_wait3A_101, %dma_wait3A_102, %dma_wait3A_103] : memref<6x128x128xf32, #tpu.memory_space<vmem>> -> memref<1x128x128xf32, #tpu.memory_space<vmem>>
    %dma_wait3A_105 = tpu.memref_squeeze %dma_wait3A_104 : memref<1x128x128xf32, #tpu.memory_space<vmem>> -> memref<128x128xf32, #tpu.memory_space<vmem>>
    %dma_wait3A_106 = arith.constant 0 : i32
    %dma_wait3A_107 = tpu.memref_slice %arg7[%add3A_100, %dma_wait3A_106] : memref<204800x128xf32, #tpu.memory_space<hbm>> -> memref<128x128xf32, #tpu.memory_space<hbm>>
    %dma_wait3A_108 = arith.constant 0 : i32
    %dma_wait3A_109 = tpu.memref_slice %arg7[%add3A_100, %dma_wait3A_108] : memref<204800x128xf32, #tpu.memory_space<hbm>> -> memref<128x128xf32, #tpu.memory_space<hbm>>
    %dma_wait3A_110 = arith.constant 0 : i32
    %dma_wait3A_111 = arith.constant 0 : i32
    %dma_wait3A_112 = tpu.memref_slice %arg9[%dma_wait3A_101, %dma_wait3A_110, %dma_wait3A_111] : memref<6x128x128xf32, #tpu.memory_space<vmem>> -> memref<1x128x128xf32, #tpu.memory_space<vmem>>
    %dma_wait3A_113 = tpu.memref_squeeze %dma_wait3A_112 : memref<1x128x128xf32, #tpu.memory_space<vmem>> -> memref<128x128xf32, #tpu.memory_space<vmem>>
    tpu.wait_dma2 semaphore(%arg15 : memref<!tpu.dma_semaphore, #tpu.memory_space<semaphore_mem>>) src(%dma_wait3A_113 : memref<128x128xf32, #tpu.memory_space<vmem>>) dst(%dma_wait3A_109 : memref<128x128xf32, #tpu.memory_space<hbm>>)
    return
  }
}

</mosaic_0001>

<sc_bundles>
// kernel: kernel.3.cloned.1.call-start
scs
__scs_entry_jumppad:
0x0: {  	(pc) =	sbr.rel $0x88, $3  }
0x1: {  	(tag) =	ssettag $0x0;
	lr =	simm.s32 $0x1  }
0x2: {  	[smem:$0x3F99] =	sst lr;
	_ =	strace $0xD0000000  }
0x3: {  	_ = 	snop  }
0x4: {  	_ = 	snop  }
0x5: {  	_ = 	snop  }
0x6: {  	_ = 	snop  }
0x7: {  	_ = 	snop  }
__scs_overlays_trampoline_lowered:
0x8: {  	[smem:$0x3FA8] =	sst s0  }
0x9: {  	[smem:$0x3FA9] =	sst s1  }
0xa: {  	[smem:$0x3FAA] =	sst s2  }
0xb: {  	[smem:$0x3FAB] =	sst s3  }
0xc: {  	[smem:$0x3FAC] =	sst s4  }
0xd: {  	[smem:$0x3FAD] =	sst s5  }
0xe: {  	[smem:$0x3FAE] =	sst s6  }
0xf: {  	[smem:$0x3FAF] =	sst s7  }
0x10: {  	[smem:$0x3FB0] =	sst s8  }
0x11: {  	[smem:$0x3FB1] =	sst s9;
	s0 =	simm.s32 @!p0 $0x0  }
0x12: {  	s1 =	sld [smem:$0x3F97];
	s0 =	simm.s32 @p0 $0x1  }
0x13: {  	[smem:$0x3FB2] =	sst s0;
	s0 =	simm.s32 @!p1 $0x0  }
0x14: {  	s2 =	sld [smem:$0x3F96];
	s0 =	simm.s32 @p1 $0x1  }
0x15: {  	[smem:$0x3FB3] =	sst s0;
	s0 =	simm.s32 @!p2 $0x0  }
0x16: {  	s3 =	sld [smem:$0x3FDB];
	s0 =	simm.s32 @p2 $0x1  }
0x17: {  	s4 =	simm.s32 $0x1BF5;
	[smem:$0x3FB5] =	sst s0  }
0x18: {  	s0 =	sld [smem:$0x3F98];
	_ =	swait.ge [sflag:s4], $0x0  }
0x19: {  	s7 =	sld [smem:$0x3F99]  }
0x1a: {  	s8 =	sadd.s32 $0xFFFFE003, lr  }
0x1b: {  	s9 =	sadd.s32 $0xFFFFFEF7, lr;
	s5 =	simm.s32 $0xFFFFFFFF;
	p2 =	slt.u32 s8, $0xFFFFF086  }
0x1c: {  	p1 =	slt.u32 s9, $0xF7A;
	s5 =	simm.s32 @!p2 $0x0  }
0x1d: {  	s5 =	simm.s32 @p1 $0x1;
	p0 =	seq.s32 s7, s2  }
0x1e: {  	s7 =	smul.u32 @!p0 $0xF7A, s2;
	p2 =	seq.s32 @!p0 s5, $0x0  }
0x1f: {  	s9 =	smul.u32 $0xF7A, s1;
	s8 =	simm.s32 @!p0 $0x1BF5;
	p2 =	por !p2, p0  }
0x20: {  	[sflag:s8] =	ssyncset.s32 @!p0 $0xFFFFF086;
	s6 =	sadd.s32 @!p0 s3, s7;
	s7 =	simm.s32 @!p0 $0x108  }
0x21: {  	s3 =	sadd.s32 s3, s9;
	s6 =	sadd.s32 @!p0 $0x88, s6;
	s7 =	simm.s32 @p2 $0x1082  }
0x22: {  	[simem:s7], [sflag:s8] =	dma.local @!p0 [hbm:s6], $0xF7A  }
0x23: {  	s9 =	sor.u32 $0xD0000000, s2;
	s6 =	simm.s32 $0x108;
	_ =	swait.ge @!p0 [sflag:s8], $0x0  }
0x24: {  	s3 =	sadd.s32 $0x88, s3;
	s6 =	simm.s32 @!p1 $0x1082;
	[sflag:s4] =	ssyncset.s32 $0xFFFFF086  }
0x25: {  	[simem:s6], [sflag:s4] =	dma.local [hbm:s3], $0xF7A  }
0x26: {  	[smem:$0x3F99] =	sst s1;
	(tag) =	ssettag s2;
	_ =	strace s9  }
0x27: {  	s1 =	sld [smem:$0x3FA9]  }
0x28: {  	s2 =	sld [smem:$0x3FAA]  }
0x29: {  	s4 =	sld [smem:$0x3FAC]  }
0x2a: {  	p0 =	seq.s32 s5, $0x0;
	s5 =	sld [smem:$0x3FAD]  }
0x2b: {  	s6 =	sld [smem:$0x3FAE]  }
0x2c: {  	s7 =	sld [smem:$0x3FAF]  }
0x2d: {  	s3 =	simm.s32 $0x108;
	s8 =	sld [smem:$0x3FB0]  }
0x2e: {  	s3 =	simm.s32 @!p0 $0x1082;
	s9 =	sld [smem:$0x3FB1]  }
0x2f: {  	lr =	sadd.s32 s0, s3;
	s0 =	sld [smem:$0x3FA8]  }
0x30: {  	s3 =	sld [smem:$0x3FAB]  }
0x31: {  	[smem:$0x3FB4] =	sst s10  }
0x32: {  	s10 =	sld [smem:$0x3FB2];
	_ =	sdelay $0x3  }
0x33: {  	p0 =	seq.s32 s10, $0x1;
	s10 =	sld [smem:$0x3FB4];
	_ =	sdelay $0x3  }
0x34: {  	[smem:$0x3FB4] =	sst s10  }
0x35: {  	s10 =	sld [smem:$0x3FB3];
	_ =	sdelay $0x3  }
0x36: {  	p1 =	seq.s32 s10, $0x1;
	s10 =	sld [smem:$0x3FB4];
	_ =	sdelay $0x3  }
0x37: {  	[smem:$0x3FB4] =	sst s10  }
0x38: {  	s10 =	sld [smem:$0x3FB5]  }
0x39: {  	_ = 	snop;
	(pc) =	sbr.ind lr, $3  }
0x3a: {  	_ = 	snop  }
0x3b: {  	_ = 	snop  }
0x3c: {  	p2 =	seq.s32 s10, $0x1;
	s10 =	sld [smem:$0x3FB4]  }
0x3d: {  	_ =	shalt  }
0x3e: {  	_ =	shalt  }
0x3f: {  	_ =	shalt  }
0x40: {  	_ =	shalt  }
0x41: {  	_ =	shalt  }
0x42: {  	_ =	shalt  }
0x43: {  	_ =	shalt  }
0x44: {  	_ =	shalt  }
0x45: {  	_ =	shalt  }
0x46: {  	_ =	shalt  }
0x47: {  	_ =	shalt  }
0x48: {  	_ =	shalt  }
0x49: {  	_ =	shalt  }
0x4a: {  	_ =	shalt  }
0x4b: {  	_ =	shalt  }
0x4c: {  	_ =	shalt  }
0x4d: {  	_ =	shalt  }
0x4e: {  	_ =	shalt  }
0x4f: {  	_ =	shalt  }
0x50: {  	_ =	shalt  }
0x51: {  	_ =	shalt  }
0x52: {  	_ =	shalt  }
0x53: {  	_ =	shalt  }
0x54: {  	_ =	shalt  }
0x55: {  	_ =	shalt  }
0x56: {  	_ =	shalt  }
0x57: {  	_ =	shalt  }
0x58: {  	_ =	shalt  }
0x59: {  	_ =	shalt  }
0x5a: {  	_ =	shalt  }
0x5b: {  	_ =	shalt  }
0x5c: {  	_ =	shalt  }
0x5d: {  	_ =	shalt  }
0x5e: {  	_ =	shalt  }
0x5f: {  	_ =	shalt  }
0x60: {  	_ =	shalt  }
0x61: {  	_ =	shalt  }
0x62: {  	_ =	shalt  }
0x63: {  	_ =	shalt  }
0x64: {  	_ =	shalt  }
0x65: {  	_ =	shalt  }
0x66: {  	_ =	shalt  }
0x67: {  	_ =	shalt  }
0x68: {  	_ =	shalt  }
0x69: {  	_ =	shalt  }
0x6a: {  	_ =	shalt  }
0x6b: {  	_ =	shalt  }
0x6c: {  	_ =	shalt  }
0x6d: {  	_ =	shalt  }
0x6e: {  	_ =	shalt  }
0x6f: {  	_ =	shalt  }
0x70: {  	_ =	shalt  }
0x71: {  	_ =	shalt  }
0x72: {  	_ =	shalt  }
0x73: {  	_ =	shalt  }
0x74: {  	_ =	shalt  }
0x75: {  	_ =	shalt  }
0x76: {  	_ =	shalt  }
0x77: {  	_ =	shalt  }
0x78: {  	_ =	shalt  }
0x79: {  	_ =	shalt  }
0x7a: {  	_ =	shalt  }
0x7b: {  	_ =	shalt  }
0x7c: {  	_ =	shalt  }
0x7d: {  	_ =	shalt  }
0x7e: {  	_ =	shalt  }
0x7f: {  	_ =	shalt  }
0x80: {  	_ =	shalt  }
0x81: {  	_ =	shalt  }
0x82: {  	_ =	shalt  }
0x83: {  	_ =	shalt  }
0x84: {  	_ =	shalt  }
0x85: {  	_ =	shalt  }
0x86: {  	_ =	shalt  }
0x87: {  	_ =	shalt  }
.Lfunc_end0:
.L_simem_size_0:
called_computation_lowered:
.L_overlay_start_0:
0x88: {  	s2 =	sld [smem:$0x3FD9]  }
0x89: {  	s3 =	sld [smem:$0x3FFE];
	_ =	sdelay $0x1  }
0x8a: {  	s1 =	srdreg.scid  }
0x8b: {  	s0 =	sand.u32 $0x1, s1  }
0x8c: {  	s17 =	sshll.u32 s0, $0xA;
	s2 =	sadd.s32 s3, s2  }
0x8d: {  	s2 =	sadd.s32 s2, s17  }
0x8e: {  	[smem:$0x3FC0] =	sst s2  }
0x8f: {  	_ = 	snop  }
0x90: {  	s2 =	sld [smem:$0x3FC6]  }
0x91: {  	s18 =	sld [smem:$0x3FC3]  }
0x92: {  	s4 =	sld [smem:$0x3FC2]  }
0x93: {  	s5 =	sld [smem:$0x3FD0];
	(tm) =	ssettm $0x1  }
0x94: {  	s6 =	sld [smem:$0x3FFB];
	_ =	sdelay $0x3  }
0x95: {  	_ =	strace s6  }
0x96: {  	s6 =	sld [smem:$0x3FFC];
	_ =	sdelay $0x3  }
0x97: {  	_ =	strace s6  }
0x98: {  	s6 =	sld [smem:$0x3FFD];
	_ =	sdelay $0x3  }
0x99: {  	_ =	strace s6  }
0x9a: {  	_ =	strace $0x8FFFFFFF  }
0x9b: {  	s19 =	sld [smem:$0x3FDB];
	_ =	sdelay $0x1  }
0x9c: {  	s7 =	simm.s32 $_scs_section_size  }
0x9d: {  	s8 =	simm.s32 $_size__tile_overlayer_lowered;
	s9 =	simm.s32 $_tile_overlayer_lowered  }
0x9e: {  	s22 =	simm.s32 $0x1BFF;
	s21 =	sshll.u32 s9, $0x1;
	s6 =	sadd.s32 s7, s19  }
0x9f: {  	s10 =	simm.s32 $0x0;
	s20 =	sshll.u32 s8, $0x1;
	s8 =	sadd.s32 s21, s6  }
0xa0: {  	[timem:s10], [sflag:s22] =	dma.local [hbm:s8], s20  }
0xa1: {  	_ =	swait.ge [sflag:s22], s20  }
0xa2: {  	s7 =	ssub.s32 $0x0, s20;
	[sflag:s22] =	ssyncset.done $0x0  }
0xa3: {  	[sflag:s22] =	ssyncadd.s32 s7;
	_ =	sdelay $0x1  }
0xa4: {  	s23 =	simm.s32 $0x1B8B  }
0xa5: {  	_ =	swait.ge [sflag:s23], $0x1  }
0xa6: {  	[sflag:s23] =	ssyncset.done $0x0  }
0xa7: {  	s25 =	simm.s32 $0x1B8E;
	s24 =	sld [smem:$0x3FFE];
	[sflag:s23] =	ssyncadd.s32 $0xFFFFFFFF  }
0xa8: {  	s26 =	simm.s32 $execute0_lowered;
	[smem:$0x3FD2] =	sst s25  }
0xa9: {  	s8 =	sshll.u32 s26, $0x1;
	_ =	strace $0x80000046;
	[dreg:$0x1] =	wrdreg $0xFFFFFFFF  }
0xaa: {  	s28 =	simm.s32 $_size_execute0_lowered;
	s6 =	sadd.s32 s6, s8;
	[dreg:$0x0] =	wrdreg $0x0  }
0xab: {  	s8 =	sshll.u32 s28, $0x1;
	[dreg:$0x2] =	wrdreg s6  }
0xac: {  	[dreg:$0x3] =	wrdreg s8  }
0xad: {  	[dreg:$0x4] =	wrdreg $0xC0  }
0xae: {  	_ =	task [dreg:s10], $0x5FFFF  }
0xaf: {  	[dreg:$0x1] =	wrdreg $0xFFFFFFFF  }
0xb0: {  	[dreg:$0x0] =	wrdreg $0x60  }
0xb1: {  	[dreg:$0x2] =	wrdreg s24  }
0xb2: {  	[dreg:$0x3] =	wrdreg s2  }
0xb3: {  	[dreg:$0x4] =	wrdreg s18  }
0xb4: {  	[dreg:$0x5] =	wrdreg s4  }
0xb5: {  	[dreg:$0x6] =	wrdreg s5  }
0xb6: {  	[dreg:$0x7] =	wrdreg $0x9  }
0xb7: {  	_ =	task.clear_ibuf [dreg:s10], $0x8FFFF;
	_ =	strace $0x90000046  }
0xb8: {  	s29 =	simm.s32 $0x9;
	_ =	strace $0x80000048  }
0xb9: {  	_ =	swait.ge [sflag:s29], $0x1  }
0xba: {  	[sflag:s29] =	ssyncadd.s32 $0xFFFFFFFF  }
0xbb: {  	_ =	strace $0x90000048  }
0xbc: {  	_ =	sfence  }
0xbd: {  	s30 =	sld [smem:$0x0];
	_ =	sdelay $0x2  }
0xbe: {  	s31 =	sshll.u32 s1, $0xD;
	s1 =	sshrl.u32 s1, $0x2  }
0xbf: {  	s3 =	sand.u32 $0x4000, s31;
	s1 =	sadd.s32 s1, s30  }
0xc0: {  	s0 =	sor.u32 s3, s0;
	s1 =	sshll.u32 s1, $0x11  }
0xc1: {  	s0 =	sor.u32 s1, s0  }
0xc2: {  	s0 =	sadd.s32 $0x8F2B, s0  }
0xc3: {  	[sflag:s0] =	ssyncadd.remote.s32 $0x1  }
0xc4: {  	_ =	sfence.sel $0xFFFF  }
0xc5: {  	[dreg:$0x0] =	wrdreg $0xFFFFFFFF;
	(pc) =	sbr.abs _section_cstart, $3  }
0xc6: {  	[dreg:$0x1] =	wrdreg $0xFFFFFFFF  }
0xc7: {  	_ =	task.clear_ibuf [dreg:s10], $0x2FFFF;
	_ =	strace $0x9FFFFFFF  }
0xc8: {  	(tm) =	ssettm $0x7FFFFFFF  }
0xc9: {  	_ =	shalt  }
tec
execute0_lowered:
.L_overlay_start_1:
0x0: {  	(tag) =	ssettag $0x1  }
0x1: {  	s1 =	srdreg.scid;
	s2 =	stileid.u32  }
0x2: {  	s1 =	sand.u32 $0x1, s1;
	s2 =	sshll.u32 s2, $0x1  }
0x3: {  	s2 =	sor.u32 s1, s2  }
0x4: {  	s3 =	simm.s32 $0x0;
	s28 =	smul.u32 $0x640, s2  }
0x5: {  	[smem:$0x7FF] =	sst s3;
	s1 =	ssub.s32 $0x2, s1;
	s31 =	smul.u32 $0xC8000, s2  }
0x6: {  	s0 =	rddreg [dreg:$0x0];
	_ =	strace $0x80000047;
	s4 =	sshrl.u32 s1, $0x1  }
0x7: {  	s3 =	sadd.s32 s28, s0;
	s0 =	sadd.s32 $0xA00, s0;
	[dreg:$0x8] =	wrdreg s31  }
0x8: {  	s29 =	ssub.s32 s1, s4;
	[dreg:$0x6] =	wrdreg s0;
	s30 =	sadd.s32 $0x4A00, s3  }
0x9: {  	s0 =	smax.u32 s29, $0x1;
	[dreg:$0x7] =	wrdreg s30  }
0xa: {  	s2 =	simm.s32 $0x0;
	[dreg:$0x9] =	wrdreg s0  }
.LBB2_1:
0xb: {  	[dreg:$0xa] =	wrdreg s2  }
0xc: {  	s0 =	rddreg [dreg:$0x2]  }
0xd: {  	s1 =	simm.s32 $0x0;
	s20 =	simm.s32 $0x1B200;
	s21 =	simm.s32 $0x5  }
0xe: {  	[tilespmem:s20], [sflag:$0x5] =	stream.linear.gather [hbm4b:s0+s1], $0x80, $0x38;
	[tilespmem:$0x1B300] =	vst v63  }
0xf: {  	_ =	swait.ge [sflag:s21], $0x80  }
0x10: {  	[sflag:s21] =	ssyncset.done $0x0  }
0x11: {  	[sflag:s21] =	ssyncadd.s32 $0xFFFFFF80  }
0x12: {  	s3 =	simm.s32 $0x1B280;
	s22 =	rddreg [dreg:$0x3]  }
0x13: {  	[tilespmem:s3], [sflag:$0x5] =	stream.linear.gather [hbm4b:s22+s1], $0x80, $0x38;
	[tilespmem:$0x1B300] =	vst v63  }
0x14: {  	_ =	swait.ge [sflag:s21], $0x80  }
0x15: {  	[sflag:s21] =	ssyncset.done $0x0  }
0x16: {  	s23 =	rddreg [dreg:$0x7];
	[sflag:s21] =	ssyncadd.s32 $0xFFFFFF80  }
0x17: {  	[tilespmem:s1], [sflag:$0x5] =	stream.linear.gather [hbm4b:s23+s1], $0x3200, $0x38;
	[tilespmem:$0x1B300] =	vst v63  }
0x18: {  	_ =	swait.ge [sflag:s21], $0x3200  }
0x19: {  	[sflag:s21] =	ssyncset.done $0x0  }
0x1a: {  	s25 =	simm.s32 $0x80;
	[sflag:s21] =	ssyncadd.s32 $0xFFFFCE00  }
0x1b: {  	s26 =	simm.s32 $0x3200;
	s28 =	simm.s32 $0x1;
	s24 =	rddreg [dreg:$0x1]  }
0x1c: {  	[tilespmem:s26], [sflag:$0x1] =	stream.indirect.gather [hbm4b:s24+s25], $0x80, s1, s25, $0xb8;
	[tilespmem:$0x1B300] =	vst v63  }
0x1d: {  	_ =	swait.ge [sflag:s28], $0x4000  }
0x1e: {  	[sflag:s28] =	ssyncset.done $0x0  }
0x1f: {  	s29 =	rddreg [dreg:$0x6];
	[sflag:s28] =	ssyncadd.s32 $0xFFFFC000  }
0x20: {  	[tilespmem:s26], [sflag:$0x2] =	stream.indirect.gather.add.f32 [hbm:s29], $0x80, s25, s25, $0xb8;
	[tilespmem:$0x1B300] =	vst v63  }
0x21: {  	s30 =	simm.s32 $0x100;
	s31 =	simm.s32 $0x7200;
	s4 =	simm.s32 $0x0  }
0x22: {  	[tilespmem:s31], [sflag:$0x1] =	stream.indirect.gather [hbm4b:s24+s25], $0x80, s30, s25, $0xb8;
	[tilespmem:$0x1B300] =	vst v63  }
.LBB2_2:
0x23: {  	s2 =	sadd.s32 $0x1, s4;
	p0 =	seq.s32 s4, $0x31  }
0x24: {  	s0 =	smul.u32 @!p0 $0xAB, s2  }
0x25: {  	s1 =	simm.s32 $0x2;
	s5 =	sand.u32 $0x1, s4  }
0x26: {  	_ =	swait.ge [sflag:s1], $0x4000;
	p3 =	slt.u32 @!p0 s4, $0x4;
	s0 =	sshrl.u32 @!p0 s0, $0xA  }
0x27: {  	[sflag:s1] =	ssyncset.done $0x0;
	p1 =	por p3, p0;
	s0 =	sand.u32 @!p0 $0x3F, s0  }
0x28: {  	[sflag:s1] =	ssyncadd.s32 $0xFFFFC000;
	s1 =	simm.s32 @!p0 $0x1;
	s0 =	smul.u32 @!p0 $0x6, s0  }
0x29: {  	p4 =	sgt.u32 @!p0 s4, $0x3;
	p1 =	sne.s32 @!p1 s5, $0x0;
	_ =	swait.ge @!p0 [sflag:s1], $0x4000  }
0x2a: {  	[dreg:$0xb] =	wrdreg s2;
	[sflag:s1] =	ssyncset.done @!p0 $0x0;
	s0 =	ssub.s32 @!p0 s2, s0  }
0x2b: {  	s3 =	rddreg [dreg:$0x6];
	s2 =	sshll.u32 @!p0 s2, $0x8;
	s0 =	sand.u32 @!p0 $0xFF, s0  }
0x2c: {  	[sflag:s1] =	ssyncadd.s32 @!p0 $0xFFFFC000;
	s1 =	sand.u32 @!p0 $0x3FFFFF00, s2;
	s0 =	sshll.u32 @!p0 s0, $0xE  }
0x2d: {  	s2 =	simm.s32 @!p0 $0x80;
	s1 =	sor.u32 @!p0 $0x80, s1;
	s0 =	sor.u32 @!p0 $0x3200, s0  }
0x2e: {  	[tilespmem:s0], [sflag:$0x2] =	stream.indirect.gather.add.f32 @!p0 [hbm:s3], $0x80, s1, s2, $0xb8;
	[tilespmem:$0x1B300] =	vst v63  }
0x2f: {  	p2 =	por @!p0 p1, p3;
	p1 =	por @!p0 !p1, p3;
	s1 =	simm.s32 @!p4 $0x0  }
0x30: {  	p1 =	por !p1, p0;
	s1 =	simm.s32 @p4 $0x1  }
0x31: {  	[smem:$0x7FD] =	sst s1;
	s1 =	simm.s32 @!p1 $0x0  }
0x32: {  	s31 =	smul.u32 $0xAB, s4;
	s1 =	simm.s32 @p1 $0x1  }
0x33: {  	p3 =	por !p3, p0;
	p2 =	por p2, p0;
	[smem:$0x7FC] =	sst s1  }
0x34: {  	s0 =	sshrl.u32 s31, $0xA;
	s2 =	simm.s32 @!p2 $0x3;
	s1 =	sld [smem:$0x7FC]  }
0x35: {  	p6 =	por @!p2 $0x1, $0x1;
	s0 =	sand.u32 $0x3F, s0;
	_ =	swait.ge @!p2 [sflag:s2], $0x4000  }
0x36: {  	s0 =	smul.u32 $0x6, s0;
	p1 =	sgt.u32 s4, $0x2F;
	s6 =	sld [smem:$0x7FD]  }
0x37: {  	[dreg:$0xd] =	wrdreg s5;
	p5 =	seq.s32 s1, $0x1;
	s1 =	sadd.s32 @!p1 $0x2, s4  }
0x38: {  	s0 =	ssub.s32 s4, s0;
	[dreg:$0xc] =	wrdreg s4;
	s3 =	smul.u32 @!p1 $0xAB, s1  }
0x39: {  	s0 =	sand.u32 $0xFF, s0;
	p4 =	por @!p5 p6, p6;
	p5 =	seq.s32 s6, $0x1  }
0x3a: {  	p4 =	por @!p3 p5, p5;
	p3 =	por $0x1, $0x1;
	s3 =	sshrl.u32 @!p1 s3, $0xA  }
0x3b: {  	p3 =	por @!p0 p4, p4;
	p0 =	seq.s32 s5, $0x1;
	s3 =	sand.u32 @!p1 $0x3F, s3  }
0x3c: {  	[sflag:s2] =	ssyncset.done @!p2 $0x0;
	p3 =	por !p0, !p3;
	s3 =	smul.u32 @!p1 $0x6, s3  }
0x3d: {  	s0 =	sshll.u32 s0, $0xE;
	[sflag:s2] =	ssyncadd.s32 @!p2 $0xFFFFC000;
	s2 =	simm.s32 @!p3 $0x4  }
0x3e: {  	s0 =	sor.u32 $0x3200, s0;
	_ =	swait.ge @!p3 [sflag:s2], $0x4000;
	s3 =	ssub.s32 @!p1 s1, s3  }
0x3f: {  	[sflag:s2] =	ssyncset.done @!p3 $0x0;
	s1 =	sshll.u32 @!p1 s1, $0x8;
	s3 =	sand.u32 @!p1 $0xFF, s3  }
0x40: {  	[sflag:s2] =	ssyncadd.s32 @!p3 $0xFFFFC000;
	s1 =	sand.u32 @!p1 $0x3FFFFF00, s1;
	s2 =	sshll.u32 @!p1 s3, $0xE  }
0x41: {  	v0 =	vmov s0;
	s3 =	simm.s32 @!p1 $0x80;
	s4 =	rddreg [dreg:$0x1];
	s2 =	sor.u32 @!p1 $0x3200, s2  }
0x42: {  	[tilespmem:s2], [sflag:$0x1] =	stream.indirect.gather @!p1 [hbm4b:s4+s3], $0x80, s1, s3, $0xb8;
	[tilespmem:$0x1B300] =	vst v63  }
0x43: {  	[dreg:$0xe] =	wrdreg s0;
	s1 =	simm.s32 $0x0  }
.LBB2_3:
0x44: {  	s0 =	sshll.u32 s1, $0xD  }
0x45: {  	s29 =	sshra.s32 s0, $0x2  }
0x46: {  	v7 =	vld.idx.msk [tilespmem:v0+s29+$0x0 ss:$0x1], $0xffff  }
0x47: {  	v6 =	vld.idx.msk [tilespmem:v0+s29+$0x10 ss:$0x1], $0xffff  }
0x48: {  	v5 =	vld.idx.msk [tilespmem:v0+s29+$0x20 ss:$0x1], $0xffff  }
0x49: {  	v4 =	vld.idx.msk [tilespmem:v0+s29+$0x30 ss:$0x1], $0xffff  }
0x4a: {  	v3 =	vld.idx.msk [tilespmem:v0+s29+$0x40 ss:$0x1], $0xffff  }
0x4b: {  	v2 =	vld.idx.msk [tilespmem:v0+s29+$0x50 ss:$0x1], $0xffff  }
0x4c: {  	v1 =	vld.idx.msk [tilespmem:v0+s29+$0x60 ss:$0x1], $0xffff  }
0x4d: {  	v8 =	vld.idx.msk [tilespmem:v0+s29+$0x70 ss:$0x1], $0xffff  }
0x4e: {  	v9 =	vmul.f32 v7, v7;
	v10 =	vmul.f32 v6, v6  }
0x4f: {  	v11 =	vmul.f32 v5, v5;
	v12 =	vmul.f32 v4, v4  }
0x50: {  	v13 =	vmul.f32 v3, v3;
	v14 =	vmul.f32 v2, v2  }
0x51: {  	v15 =	vmul.f32 v1, v1;
	v16 =	vadd.f32 v6, v7;
	v17 =	vadd.f32 v4, v5  }
0x52: {  	v18 =	vmul.f32 v8, v8;
	v19 =	vadd.f32 v2, v3;
	v8 =	vadd.f32 v8, v1  }
0x53: {  	v9 =	vadd.f32 v10, v9;
	v44 =	vadd.f32 v12, v11  }
0x54: {  	v45 =	vadd.f32 v14, v13;
	v46 =	vadd.f32 v18, v15  }
0x55: {  	v47 =	vadd.f32 v17, v16;
	v8 =	vadd.f32 v8, v19  }
0x56: {  	v9 =	vadd.f32 v44, v9;
	v48 =	vadd.f32 v46, v45  }
0x57: {  	v50 =	vld.idx.msk [tilespmem:v0+s29+$0x80 ss:$0x1], $0xffff;
	v8 =	vadd.f32 v8, v47  }
0x58: {  	v51 =	vld.idx.msk [tilespmem:v0+s29+$0x90 ss:$0x1], $0xffff;
	v9 =	vadd.f32 v48, v9  }
0x59: {  	v52 =	vld.idx.msk [tilespmem:v0+s29+$0xA0 ss:$0x1], $0xffff;
	(xrf2) =	vadd.scan.msk.f32 $0xffff, v8  }
0x5a: {  	v53 =	vld.idx.msk [tilespmem:v0+s29+$0xB0 ss:$0x1], $0xffff;
	(xrf2) =	vadd.scan.msk.f32 $0xffff, v9  }
0x5b: {  	v54 =	vld.idx.msk [tilespmem:v0+s29+$0xC0 ss:$0x1], $0xffff  }
0x5c: {  	v55 =	vld.idx.msk [tilespmem:v0+s29+$0xD0 ss:$0x1], $0xffff  }
0x5d: {  	v56 =	vld.idx.msk [tilespmem:v0+s29+$0xE0 ss:$0x1], $0xffff  }
0x5e: {  	v57 =	vld.idx.msk [tilespmem:v0+s29+$0xF0 ss:$0x1], $0xffff;
	_ =	sdelay $0x1  }
0x5f: {  	v20 =	vld.idx.msk [tilespmem:v0+s29+$0x100 ss:$0x1], $0xffff;
	v58 =	vmul.f32 v50, v50;
	v59 =	vmul.f32 v51, v51  }
0x60: {  	v23 =	vld.idx.msk [tilespmem:v0+s29+$0x110 ss:$0x1], $0xffff;
	v60 =	vmul.f32 v52, v52;
	v61 =	vmul.f32 v53, v53  }
0x61: {  	v63 =	vld.idx.msk [tilespmem:v0+s29+$0x120 ss:$0x1], $0xffff;
	v21 =	vmul.f32 v54, v54;
	v22 =	vmul.f32 v55, v55  }
0x62: {  	v29 =	vld.idx.msk [tilespmem:v0+s29+$0x130 ss:$0x1], $0xffff;
	v24 =	vmul.f32 v56, v56;
	v62 =	vadd.f32 v53, v52;
	v28 =	vadd.f32 v57, v56;
	v8, _, _ =	vpop (xrf2)  }
0x63: {  	v34 =	vld.idx.msk [tilespmem:v0+s29+$0x150 ss:$0x1], $0xffff;
	v27 =	vmul.f32 v57, v57;
	v12 =	vadd.f32 v55, v54;
	(v2sf) =	vpush v8, $0xF;
	v49, _, _ =	vpop (xrf2)  }
0x64: {  	v36 =	vld.idx.msk [tilespmem:v0+s29+$0x160 ss:$0x1], $0xffff;
	v39 =	vmul.f32 v20, v20;
	v8 =	vadd.f32 v51, v50;
	(v2sf) =	vpush v49, $0xF  }
0x65: {  	v32 =	vld.idx.msk [tilespmem:v0+s29+$0x140 ss:$0x1], $0xffff;
	v40 =	vmul.f32 v23, v23;
	v20 =	vadd.f32 v23, v20;
	v30 =	vadd.f32 v59, v58  }
0x66: {  	v38 =	vld.idx.msk [tilespmem:v0+s29+$0x170 ss:$0x1], $0xffff;
	v42 =	vmul.f32 v63, v63;
	v35 =	vadd.f32 v28, v12;
	v8 =	vadd.f32 v62, v8  }
0x67: {  	v43 =	vmul.f32 v29, v29;
	v31 =	vadd.f32 v61, v60;
	v33 =	vadd.f32 v22, v21  }
0x68: {  	v25 =	vmul.f32 v34, v34;
	v11 =	vadd.f32 v27, v24;
	v8 =	vadd.f32 v35, v8  }
0x69: {  	v26 =	vmul.f32 v36, v36;
	v10 =	vadd.f32 v29, v63;
	v13 =	vadd.f32 v43, v42  }
0x6a: {  	v37 =	vadd.f32 v31, v30;
	v11 =	vadd.f32 v11, v33;
	v45 =	vmul.f32 v32, v32;
	(xrf2) =	vadd.scan.msk.f32 $0xffff, v8  }
0x6b: {  	v47 =	vadd.f32 v34, v32;
	v12 =	vadd.f32 v38, v36;
	v49 =	vmul.f32 v38, v38  }
0x6c: {  	v10 =	vadd.f32 v10, v20;
	v9 =	vadd.f32 v40, v39  }
0x6d: {  	v41 =	vld.idx.msk [tilespmem:v0+s29+$0x180 ss:$0x1], $0xffff;
	v51 =	vadd.f32 v25, v45;
	v19 =	vadd.f32 v49, v26  }
0x6e: {  	v52 =	vld.idx.msk [tilespmem:v0+s29+$0x1D0 ss:$0x1], $0xffff;
	v11 =	vadd.f32 v11, v37;
	v54 =	vadd.f32 v12, v47  }
0x6f: {  	v53 =	vld.idx.msk [tilespmem:v0+s29+$0x1E0 ss:$0x1], $0xffff;
	v9 =	vadd.f32 v13, v9;
	v56 =	vadd.f32 v19, v51  }
0x70: {  	v55 =	vld.idx.msk [tilespmem:v0+s29+$0x1F0 ss:$0x1], $0xffff;
	v8 =	vadd.f32 v54, v10  }
0x71: {  	v44 =	vld.idx.msk [tilespmem:v0+s29+$0x190 ss:$0x1], $0xffff;
	(xrf2) =	vadd.scan.msk.f32 $0xffff, v11;
	v9 =	vadd.f32 v56, v9  }
0x72: {  	v46 =	vld.idx.msk [tilespmem:v0+s29+$0x1A0 ss:$0x1], $0xffff;
	(xrf2) =	vadd.scan.msk.f32 $0xffff, v8;
	s15 =	spop (v2sf)  }
0x73: {  	[dreg:$0xf] =	wrdreg s1;
	v48 =	vld.idx.msk [tilespmem:v0+s29+$0x1B0 ss:$0x1], $0xffff;
	(xrf2) =	vadd.scan.msk.f32 $0xffff, v9;
	s16 =	spop (v2sf)  }
0x74: {  	v50 =	vld.idx.msk [tilespmem:v0+s29+$0x1C0 ss:$0x1], $0xffff;
	v31, _, _ =	vpop (xrf2)  }
0x75: {  	v34 =	vld.idx.msk [tilespmem:v0+s29+$0x200 ss:$0x1], $0xffff  }
0x76: {  	v57 =	vmul.f32 v41, v41;
	v36 =	vld.idx.msk [tilespmem:v0+s29+$0x210 ss:$0x1], $0xffff  }
0x77: {  	v63 =	vmul.f32 v53, v53;
	v58 =	vmul.f32 v44, v44;
	v38 =	vld.idx.msk [tilespmem:v0+s29+$0x220 ss:$0x1], $0xffff  }
0x78: {  	v12 =	vadd.f32 v55, v53;
	v59 =	vmul.f32 v46, v46;
	v18 =	vadd.f32 v44, v41;
	v39 =	vld.idx.msk [tilespmem:v0+s29+$0x230 ss:$0x1], $0xffff  }
0x79: {  	v60 =	vmul.f32 v48, v48;
	v17 =	vadd.f32 v48, v46;
	v29 =	vadd.f32 v58, v57;
	v40 =	vld.idx.msk [tilespmem:v0+s29+$0x240 ss:$0x1], $0xffff  }
0x7a: {  	v62 =	vmul.f32 v52, v52;
	v61 =	vmul.f32 v50, v50;
	v15 =	vadd.f32 v52, v50;
	v41 =	vld.idx.msk [tilespmem:v0+s29+$0x250 ss:$0x1], $0xffff  }
0x7b: {  	v28 =	vmul.f32 v55, v55;
	v30 =	vadd.f32 v17, v18;
	v10 =	vadd.f32 v60, v59;
	s2 =	smul.f32 $7.812500000e-03, s15;
	v42 =	vld.idx.msk [tilespmem:v0+s29+$0x260 ss:$0x1], $0xffff  }
0x7c: {  	v11 =	vadd.f32 v62, v61;
	v12 =	vadd.f32 v12, v15;
	s17 =	smul.f32 $7.812500000e-03, s16;
	v43 =	vld.idx.msk [tilespmem:v0+s29+$0x270 ss:$0x1], $0xffff  }
0x7d: {  	v8 =	vadd.f32 v28, v63;
	s18 =	smul.f32 s2, s2;
	(v2sf) =	vpush v31, $0xF;
	v45 =	vld.idx.msk [tilespmem:v0+s29+$0x280 ss:$0x1], $0xffff  }
0x7e: {  	v32 =	vadd.f32 v12, v30;
	v9 =	vadd.f32 v10, v29;
	v33, _, _ =	vpop (xrf2);
	v49 =	vld.idx.msk [tilespmem:v0+s29+$0x290 ss:$0x1], $0xffff  }
0x7f: {  	v8 =	vadd.f32 v8, v11;
	v52 =	vld.idx.msk [tilespmem:v0+s29+$0x2A0 ss:$0x1], $0xffff;
	(v2sf) =	vpush v33, $0xF;
	s0 =	ssub.f32 s17, s18  }
0x80: {  	v55 =	vld.idx.msk [tilespmem:v0+s29+$0x2B0 ss:$0x1], $0xffff;
	v35, _, _ =	vpop (xrf2)  }
0x81: {  	v8 =	vadd.f32 v8, v9;
	(xrf2) =	vadd.scan.msk.f32 $0xffff, v32;
	v58 =	vld.idx.msk [tilespmem:v0+s29+$0x2C0 ss:$0x1], $0xffff;
	(v2sf) =	vpush v35, $0xF;
	s0 =	smax.f32 s0, $0.0e+00  }
0x82: {  	v61 =	vld.idx.msk [tilespmem:v0+s29+$0x2D0 ss:$0x1], $0xffff;
	v37, _, _ =	vpop (xrf2);
	s0 =	sadd.f32 $9.999999960e-13, s0;
	v47 =	vmul.f32 v34, v34;
	v48 =	vmul.f32 v36, v36  }
0x83: {  	(xrf2) =	vadd.scan.msk.f32 $0xffff, v8;
	(v2sf) =	vpush v37, $0xF;
	v50 =	vmul.f32 v38, v38;
	v51 =	vmul.f32 v39, v39  }
0x84: {  	v63 =	vld.idx.msk [tilespmem:v0+s29+$0x2E0 ss:$0x1], $0xffff;
	v53 =	vmul.f32 v40, v40;
	v8 =	vadd.f32 v36, v34;
	v9 =	vadd.f32 v39, v38;
	s19 =	sshra.s32 s0, $0x1;
	s20 =	smul.f32 $5.000000000e-01, s0  }
0x85: {  	v32 =	vld.idx.msk [tilespmem:v0+s29+$0x2F0 ss:$0x1], $0xffff;
	v54 =	vmul.f32 v41, v41;
	v57 =	vadd.f32 v41, v40;
	v14 =	vadd.f32 v43, v42;
	s21 =	ssub.s32 $0x5F3759DF, s19  }
0x86: {  	[dreg:$0x10] =	wrdreg s2;
	v56 =	vmul.f32 v42, v42;
	v17 =	vadd.f32 v49, v45;
	v10 =	vadd.f32 v55, v52;
	s2 =	smul.f32 s21, s20  }
0x87: {  	v59 =	vmul.f32 v43, v43;
	v12 =	vadd.f32 v61, v58;
	v60 =	vadd.f32 v48, v47  }
0x88: {  	v16 =	vadd.f32 v51, v50;
	v62 =	vadd.f32 v54, v53;
	s2 =	smul.f32 s21, s2  }
0x89: {  	v13 =	vadd.f32 v59, v56;
	v8 =	vadd.f32 v9, v8  }
0x8a: {  	v11 =	vadd.f32 v14, v57;
	v9 =	vadd.f32 v32, v63;
	s2 =	ssub.f32 $1.500000000e+00, s2  }
0x8b: {  	v33 =	vadd.f32 v16, v60;
	v13 =	vadd.f32 v13, v62;
	v44, _, _ =	vpop (xrf2)  }
0x8c: {  	v27 =	vld.idx.msk [tilespmem:v0+s29+$0x330 ss:$0x1], $0xffff;
	v8 =	vadd.f32 v11, v8;
	(v2sf) =	vpush v44, $0xF;
	s0 =	smul.f32 s21, s2;
	s3 =	spop (v2sf)  }
0x8d: {  	v37 =	vld.idx.msk [tilespmem:v0+s29+$0x310 ss:$0x1], $0xffff;
	v10 =	vadd.f32 v10, v17;
	v9 =	vadd.f32 v9, v12;
	v46, _, _ =	vpop (xrf2);
	s5 =	smul.f32 $7.812500000e-03, s3  }
0x8e: {  	v34 =	vld.idx.msk [tilespmem:v0+s29+$0x300 ss:$0x1], $0xffff;
	v13 =	vadd.f32 v13, v33;
	(xrf2) =	vadd.scan.msk.f32 $0xffff, v8;
	(v2sf) =	vpush v46, $0xF;
	s4 =	spop (v2sf);
	s6 =	smul.f32 s0, s20  }
0x8f: {  	v35 =	vmul.f32 v45, v45;
	v40 =	vld.idx.msk [tilespmem:v0+s29+$0x320 ss:$0x1], $0xffff;
	s22 =	smul.f32 $7.812500000e-03, s4  }
0x90: {  	v36 =	vmul.f32 v49, v49;
	v43 =	vld.idx.msk [tilespmem:v0+s29+$0x340 ss:$0x1], $0xffff;
	v9 =	vadd.f32 v9, v10;
	(xrf2) =	vadd.scan.msk.f32 $0xffff, v13;
	s25 =	spop (v2sf);
	s23 =	smul.f32 s5, s5  }
0x91: {  	v41 =	vmul.f32 v58, v58;
	v42 =	vmul.f32 v61, v61;
	v45 =	vld.idx.msk [tilespmem:v0+s29+$0x350 ss:$0x1], $0xffff;
	[dreg:$0x11] =	wrdreg s5;
	s28 =	smul.f32 $7.812500000e-03, s25  }
0x92: {  	v38 =	vmul.f32 v52, v52;
	v39 =	vmul.f32 v55, v55;
	v49 =	vld.idx.msk [tilespmem:v0+s29+$0x370 ss:$0x1], $0xffff;
	(xrf2) =	vadd.scan.msk.f32 $0xffff, v9;
	s26 =	spop (v2sf);
	s11 =	smul.f32 s6, s0  }
0x93: {  	v28 =	vmul.f32 v63, v63;
	v47 =	vadd.f32 v42, v41;
	v44 =	vmul.f32 v32, v32;
	v46 =	vld.idx.msk [tilespmem:v0+s29+$0x360 ss:$0x1], $0xffff;
	s30 =	smul.f32 $7.812500000e-03, s26;
	s24 =	ssub.f32 s22, s23  }
0x94: {  	v16 =	vadd.f32 v36, v35;
	v11 =	vadd.f32 v39, v38;
	s5 =	smul.f32 s28, s28;
	s3 =	ssub.f32 $1.500000000e+00, s11  }
0x95: {  	v50 =	vadd.f32 v37, v34;
	v48 =	vadd.f32 v44, v28;
	s2 =	smax.f32 s24, $0.0e+00  }
0x96: {  	v30 =	vld.idx.msk [tilespmem:v0+s29+$0x390 ss:$0x1], $0xffff;
	v60 =	vmul.f32 v37, v37;
	v51 =	vadd.f32 v27, v40;
	v52 =	vadd.f32 v45, v43;
	s10 =	ssub.f32 s30, s5;
	s0 =	smul.f32 s3, s0  }
0x97: {  	v63 =	vld.idx.msk [tilespmem:v0+s29+$0x380 ss:$0x1], $0xffff;
	v62 =	vmul.f32 v27, v27;
	v11 =	vadd.f32 v11, v16;
	v8 =	vadd.f32 v48, v47;
	s2 =	sadd.f32 $9.999999960e-13, s2  }
0x98: {  	v35 =	vld.idx.msk [tilespmem:v0+s29+$0x3B0 ss:$0x1], $0xffff;
	v59 =	vmul.f32 v34, v34;
	v61 =	vmul.f32 v40, v40;
	v53 =	vadd.f32 v49, v46;
	v57, _, _ =	vpop (xrf2);
	s1 =	smul.f32 s0, s20  }
0x99: {  	v38 =	vld.idx.msk [tilespmem:v0+s29+$0x3C0 ss:$0x1], $0xffff;
	v29 =	vmul.f32 v45, v45;
	v8 =	vadd.f32 v8, v11;
	(v2sf) =	vpush v57, $0xF;
	s7 =	sshra.s32 s2, $0x1;
	s31 =	smul.f32 $5.000000000e-01, s2;
	s2 =	smax.f32 s10, $0.0e+00  }
0x9a: {  	v33 =	vld.idx.msk [tilespmem:v0+s29+$0x3A0 ss:$0x1], $0xffff;
	v54 =	vadd.f32 v51, v50;
	v34 =	vadd.f32 v62, v61;
	v28 =	vmul.f32 v43, v43;
	v58, _, _ =	vpop (xrf2);
	s12 =	ssub.s32 $0x5F3759DF, s7;
	s2 =	sadd.f32 $9.999999960e-13, s2;
	s24 =	smul.f32 s1, s0  }
0x9b: {  	v32 =	vmul.f32 v49, v49;
	v55 =	vadd.f32 v53, v52;
	(xrf2) =	vadd.scan.msk.f32 $0xffff, v8;
	(v2sf) =	vpush v58, $0xF;
	s19 =	spop (v2sf);
	s13 =	smul.f32 s12, s31  }
0x9c: {  	v39 =	vld.idx.msk [tilespmem:v0+s29+$0x3D0 ss:$0x1], $0xffff;
	v12 =	vadd.f32 v30, v63;
	v13 =	vadd.f32 v29, v28;
	v31 =	vmul.f32 v46, v46;
	v36, _, _ =	vpop (xrf2);
	s9 =	smul.f32 $7.812500000e-03, s19  }
0x9d: {  	v42 =	vld.idx.msk [tilespmem:v0+s29+$0x3E0 ss:$0x1], $0xffff;
	v56 =	vadd.f32 v55, v54;
	(v2sf) =	vpush v36, $0xF;
	s8 =	spop (v2sf);
	s14 =	sshra.s32 s2, $0x1;
	s2 =	smul.f32 $5.000000000e-01, s2  }
0x9e: {  	v45 =	vmul.f32 v63, v63;
	v43 =	vld.idx.msk [tilespmem:v0+s29+$0x3F0 ss:$0x1], $0xffff;
	v8 =	vadd.f32 v60, v59;
	v37 =	vadd.f32 v32, v31;
	s21 =	smul.f32 $7.812500000e-03, s8  }
0x9f: {  	v51 =	vmul.f32 v38, v38;
	v48 =	vmul.f32 v33, v33;
	v10 =	vadd.f32 v35, v33;
	(xrf2) =	vadd.scan.msk.f32 $0xffff, v56;
	s6 =	smul.f32 s12, s13;
	s16 =	ssub.s32 $0x5F3759DF, s14  }
0xa0: {  	v49 =	vmul.f32 v35, v35;
	v8 =	vadd.f32 v34, v8;
	v41 =	vadd.f32 v37, v13;
	s7 =	smul.f32 s16, s2  }
0xa1: {  	v46 =	vmul.f32 v30, v30;
	v11 =	vadd.f32 v39, v38;
	v10 =	vadd.f32 v10, v12;
	s22 =	smul.f32 s9, s9;
	s15 =	ssub.f32 $1.500000000e+00, s6  }
0xa2: {  	v52 =	vmul.f32 v39, v39;
	v9 =	vadd.f32 v49, v48;
	v8 =	vadd.f32 v41, v8;
	s8 =	ssub.f32 $1.500000000e+00, s24;
	s17 =	smul.f32 s16, s7  }
0xa3: {  	v54 =	vmul.f32 v42, v42;
	v13 =	vadd.f32 v43, v42;
	v56 =	vmul.f32 v43, v43;
	s3 =	smul.f32 s12, s15  }
0xa4: {  	v59 =	vadd.f32 v52, v51;
	v57 =	vadd.f32 v46, v45;
	(xrf2) =	vadd.scan.msk.f32 $0xffff, v8;
	s0 =	smul.f32 s8, s0;
	s5 =	ssub.f32 $1.500000000e+00, s17  }
0xa5: {  	v11 =	vadd.f32 v13, v11;
	v61 =	vadd.f32 v56, v54;
	v40, _, _ =	vpop (xrf2);
	s18 =	smul.f32 s3, s31  }
0xa6: {  	v9 =	vadd.f32 v9, v57;
	(v2sf) =	vpush v40, $0xF;
	s5 =	smul.f32 s16, s5  }
0xa7: {  	[dreg:$0x12] =	wrdreg s28;
	v10 =	vadd.f32 v11, v10;
	v8 =	vadd.f32 v61, v59;
	s7 =	smul.f32 s18, s3  }
0xa8: {  	s28 =	spop (v2sf);
	s23 =	smul.f32 s5, s2  }
0xa9: {  	(xrf2) =	vadd.scan.msk.f32 $0xffff, v10;
	v8 =	vadd.f32 v8, v9;
	v44, _, _ =	vpop (xrf2);
	s10 =	smul.f32 $7.812500000e-03, s28;
	s20 =	ssub.f32 $1.500000000e+00, s7  }
0xaa: {  	(v2sf) =	vpush v44, $0xF;
	s11 =	spop (v2sf);
	s6 =	smul.f32 s23, s5  }
0xab: {  	(xrf2) =	vadd.scan.msk.f32 $0xffff, v8;
	s7 =	ssub.f32 s21, s22;
	s30 =	smul.f32 $7.812500000e-03, s11  }
0xac: {  	s15 =	spop (v2sf);
	s3 =	smul.f32 s20, s3  }
0xad: {  	v50 =	vld.idx.msk [tilespmem:v0+s29+$0x410 ss:$0x1], $0xffff;
	s17 =	smul.f32 $7.812500000e-03, s15  }
0xae: {  	v47 =	vld.idx.msk [tilespmem:v0+s29+$0x400 ss:$0x1], $0xffff;
	v38, _, _ =	vpop (xrf2);
	s7 =	smax.f32 s7, $0.0e+00;
	s4 =	smul.f32 s3, s31  }
0xaf: {  	(v2sf) =	vpush v38, $0xF;
	s25 =	sadd.f32 $9.999999960e-13, s7;
	s31 =	smul.f32 s10, s10  }
0xb0: {  	s6 =	ssub.f32 $1.500000000e+00, s6;
	s19 =	smul.f32 s17, s17  }
0xb1: {  	v62 =	vld.idx.msk [tilespmem:v0+s29+$0x460 ss:$0x1], $0xffff;
	s1 =	smul.f32 $5.000000000e-01, s25  }
0xb2: {  	v63 =	vld.idx.msk [tilespmem:v0+s29+$0x470 ss:$0x1], $0xffff;
	[dreg:$0x15] =	wrdreg s0;
	s7 =	sshra.s32 s25, $0x1;
	s5 =	smul.f32 s6, s5  }
0xb3: {  	v53 =	vld.idx.msk [tilespmem:v0+s29+$0x420 ss:$0x1], $0xffff;
	v28 =	vmul.f32 v47, v47;
	v20 =	vadd.f32 v50, v47;
	v47, _, _ =	vpop (xrf2);
	[dreg:$0x14] =	wrdreg s10;
	s4 =	smul.f32 s4, s3;
	s26 =	ssub.s32 $0x5F3759DF, s7  }
0xb4: {  	v60 =	vld.idx.msk [tilespmem:v0+s29+$0x450 ss:$0x1], $0xffff;
	(v2sf) =	vpush v47, $0xF;
	s10 =	ssub.f32 s30, s31;
	s7 =	smul.f32 s26, s1  }
0xb5: {  	v55 =	vld.idx.msk [tilespmem:v0+s29+$0x430 ss:$0x1], $0xffff;
	v49, _, _ =	vpop (xrf2);
	s16 =	spop (v2sf);
	s2 =	smul.f32 s5, s2  }
0xb6: {  	v58 =	vld.idx.msk [tilespmem:v0+s29+$0x440 ss:$0x1], $0xffff;
	(v2sf) =	vpush v49, $0xF;
	s18 =	smul.f32 $7.812500000e-03, s16;
	s4 =	ssub.f32 $1.500000000e+00, s4  }
0xb7: {  	s0 =	smax.f32 s10, $0.0e+00;
	s7 =	smul.f32 s26, s7  }
0xb8: {  	v35 =	vmul.f32 v63, v63;
	v34 =	vmul.f32 v62, v62;
	s2 =	smul.f32 s2, s5;
	s0 =	sadd.f32 $9.999999960e-13, s0  }
0xb9: {  	v29 =	vmul.f32 v50, v50;
	v12 =	vadd.f32 v63, v62;
	v63 =	vld.idx.msk [tilespmem:v0+s29+$0x520 ss:$0x1], $0xffff;
	s3 =	smul.f32 s4, s3;
	s30 =	spop (v2sf)  }
0xba: {  	v48 =	vld.idx.msk [tilespmem:v0+s29+$0x4E0 ss:$0x1], $0xffff;
	v37 =	vadd.f32 v35, v34;
	v30 =	vmul.f32 v53, v53;
	v33 =	vmul.f32 v60, v60;
	s7 =	ssub.f32 $1.500000000e+00, s7;
	s13 =	sshra.s32 s0, $0x1;
	s0 =	smul.f32 $5.000000000e-01, s0  }
0xbb: {  	v50 =	vld.idx.msk [tilespmem:v0+s29+$0x4F0 ss:$0x1], $0xffff;
	v36 =	vadd.f32 v29, v28;
	v31 =	vmul.f32 v55, v55;
	v32 =	vmul.f32 v58, v58;
	s2 =	ssub.f32 $1.500000000e+00, s2;
	s6 =	smul.f32 $7.812500000e-03, s30  }
0xbc: {  	v42 =	vld.idx.msk [tilespmem:v0+s29+$0x490 ss:$0x1], $0xffff;
	v15 =	vadd.f32 v55, v53;
	v17 =	vadd.f32 v60, v58;
	s11 =	smul.f32 s26, s7  }
0xbd: {  	v45 =	vld.idx.msk [tilespmem:v0+s29+$0x4C0 ss:$0x1], $0xffff;
	v11 =	vadd.f32 v31, v30;
	[dreg:$0x13] =	wrdreg s9;
	v9 =	vadd.f32 v33, v32;
	s4 =	ssub.s32 $0x5F3759DF, s13;
	s2 =	smul.f32 s2, s5  }
0xbe: {  	v46 =	vld.idx.msk [tilespmem:v0+s29+$0x4D0 ss:$0x1], $0xffff;
	v15 =	vadd.f32 v15, v20;
	v12 =	vadd.f32 v12, v17;
	s31 =	spop (v2sf);
	s14 =	smul.f32 s4, s0  }
0xbf: {  	v41 =	vld.idx.msk [tilespmem:v0+s29+$0x480 ss:$0x1], $0xffff;
	v11 =	vadd.f32 v11, v36;
	v9 =	vadd.f32 v37, v9;
	[dreg:$0x18] =	wrdreg s17;
	s9 =	smul.f32 $7.812500000e-03, s31  }
0xc0: {  	v43 =	vld.idx.msk [tilespmem:v0+s29+$0x4A0 ss:$0x1], $0xffff;
	v39 =	vadd.f32 v12, v15;
	[dreg:$0x1a] =	wrdreg s6;
	s6 =	smul.f32 s6, s6  }
0xc1: {  	v34 =	vld.idx.msk [tilespmem:v0+s29+$0x550 ss:$0x1], $0xffff;
	v40 =	vadd.f32 v9, v11;
	s21 =	ssub.f32 s18, s19;
	s12 =	smul.f32 s11, s1  }
0xc2: {  	v30 =	vld.idx.msk [tilespmem:v0+s29+$0x530 ss:$0x1], $0xffff;
	(xrf2) =	vadd.scan.msk.f32 $0xffff, v39;
	[dreg:$0x17] =	wrdreg s3;
	s20 =	smul.f32 s4, s14  }
0xc3: {  	v28 =	vmul.f32 v50, v50;
	v44 =	vld.idx.msk [tilespmem:v0+s29+$0x4B0 ss:$0x1], $0xffff;
	(xrf2) =	vadd.scan.msk.f32 $0xffff, v40;
	s17 =	spop (v2sf);
	[dreg:$0x16] =	wrdreg s2  }
0xc4: {  	v57 =	vld.idx.msk [tilespmem:v0+s29+$0x500 ss:$0x1], $0xffff;
	v53 =	vmul.f32 v42, v42;
	v52 =	vmul.f32 v41, v41;
	s2 =	smul.f32 s12, s11;
	s3 =	ssub.f32 $1.500000000e+00, s20  }
0xc5: {  	v29 =	vadd.f32 v50, v48;
	v50 =	vld.idx.msk [tilespmem:v0+s29+$0x5B0 ss:$0x1], $0xffff;
	v59 =	vmul.f32 v46, v46;
	v58 =	vmul.f32 v45, v45;
	s12 =	smul.f32 $7.812500000e-03, s17;
	s18 =	spop (v2sf)  }
0xc6: {  	v61 =	vmul.f32 v48, v48;
	v60 =	vld.idx.msk [tilespmem:v0+s29+$0x510 ss:$0x1], $0xffff;
	v31 =	vadd.f32 v53, v52;
	v8 =	vadd.f32 v42, v41;
	s2 =	ssub.f32 $1.500000000e+00, s2;
	s3 =	smul.f32 s4, s3  }
0xc7: {  	v55 =	vmul.f32 v43, v43;
	v36 =	vld.idx.msk [tilespmem:v0+s29+$0x560 ss:$0x1], $0xffff;
	v14 =	vadd.f32 v59, v58;
	v12 =	vadd.f32 v46, v45;
	s19 =	smul.f32 $7.812500000e-03, s18  }
0xc8: {  	v33 =	vld.idx.msk [tilespmem:v0+s29+$0x540 ss:$0x1], $0xffff;
	v10 =	vadd.f32 v30, v63;
	v56 =	vmul.f32 v44, v44;
	v62 =	vadd.f32 v44, v43;
	s2 =	smul.f32 s2, s11  }
0xc9: {  	v52 =	vld.idx.msk [tilespmem:v0+s29+$0x5C0 ss:$0x1], $0xffff;
	v11 =	vadd.f32 v28, v61;
	v35 =	vadd.f32 v29, v12;
	s25 =	smul.f32 s3, s0  }
0xca: {  	v41 =	vld.idx.msk [tilespmem:v0+s29+$0x580 ss:$0x1], $0xffff;
	v42 =	vmul.f32 v63, v63;
	v32 =	vadd.f32 v56, v55;
	v8 =	vadd.f32 v62, v8;
	s5 =	smax.f32 s21, $0.0e+00;
	s1 =	smul.f32 s2, s1  }
0xcb: {  	v46 =	vmul.f32 v34, v34;
	v21 =	vadd.f32 v60, v57;
	v38 =	vld.idx.msk [tilespmem:v0+s29+$0x570 ss:$0x1], $0xffff;
	v11 =	vadd.f32 v11, v14;
	s23 =	sadd.f32 $9.999999960e-13, s5;
	s5 =	smul.f32 s25, s3  }
0xcc: {  	v39 =	vmul.f32 v57, v57;
	v47 =	vld.idx.msk [tilespmem:v0+s29+$0x5A0 ss:$0x1], $0xffff;
	v37 =	vadd.f32 v32, v31;
	v8 =	vadd.f32 v35, v8;
	v51, _, _ =	vpop (xrf2);
	s22 =	smul.f32 s1, s2  }
0xcd: {  	v45 =	vmul.f32 v33, v33;
	v40 =	vmul.f32 v60, v60;
	v44 =	vld.idx.msk [tilespmem:v0+s29+$0x590 ss:$0x1], $0xffff;
	(v2sf) =	vpush v51, $0xF;
	v54, _, _ =	vpop (xrf2);
	s24 =	sshra.s32 s23, $0x1;
	s1 =	smul.f32 $5.000000000e-01, s23  }
0xce: {  	v43 =	vmul.f32 v30, v30;
	v55 =	vld.idx.msk [tilespmem:v0+s29+$0x5E0 ss:$0x1], $0xffff;
	v11 =	vadd.f32 v11, v37;
	(xrf2) =	vadd.scan.msk.f32 $0xffff, v8;
	(v2sf) =	vpush v54, $0xF;
	s4 =	ssub.s32 $0x5F3759DF, s24;
	s20 =	smul.f32 s12, s12;
	s5 =	ssub.f32 $1.500000000e+00, s5  }
0xcf: {  	v48 =	vmul.f32 v36, v36;
	v10 =	vadd.f32 v10, v21;
	v53 =	vadd.f32 v46, v45;
	v56 =	vld.idx.msk [tilespmem:v0+s29+$0x5F0 ss:$0x1], $0xffff;
	s26 =	smul.f32 s4, s1  }
0xd0: {  	v9 =	vadd.f32 v40, v39;
	v13 =	vadd.f32 v43, v42;
	(xrf2) =	vadd.scan.msk.f32 $0xffff, v11;
	v54 =	vld.idx.msk [tilespmem:v0+s29+$0x5D0 ss:$0x1], $0xffff;
	s7 =	ssub.f32 $1.500000000e+00, s22;
	s3 =	smul.f32 s5, s3  }
0xd1: {  	v12 =	vadd.f32 v38, v36;
	v49 =	vadd.f32 v34, v33;
	v51 =	vmul.f32 v38, v38;
	s28 =	smul.f32 s4, s26  }
0xd2: {  	v9 =	vadd.f32 v13, v9;
	v18 =	vadd.f32 v50, v47;
	s10 =	ssub.f32 s9, s6;
	s2 =	smul.f32 s7, s2  }
0xd3: {  	v12 =	vadd.f32 v12, v49;
	v19 =	vadd.f32 v51, v48;
	s0 =	smul.f32 s3, s0;
	s8 =	ssub.f32 $1.500000000e+00, s28  }
0xd4: {  	v17 =	vadd.f32 v44, v41;
	v13 =	vadd.f32 v56, v55;
	[dreg:$0x19] =	wrdreg s2;
	s2 =	smax.f32 s10, $0.0e+00  }
0xd5: {  	v57 =	vadd.f32 v19, v53;
	v14 =	vadd.f32 v54, v52;
	s11 =	smul.f32 s0, s3;
	s13 =	sadd.f32 $9.999999960e-13, s2  }
0xd6: {  	v10 =	vadd.f32 v12, v10;
	v29 =	vadd.f32 v18, v17;
	s4 =	smul.f32 s4, s8  }
0xd7: {  	v61 =	vmul.f32 v50, v50;
	v9 =	vadd.f32 v57, v9;
	v30 =	vadd.f32 v13, v14;
	s5 =	ssub.f32 $1.500000000e+00, s11;
	s0 =	smul.f32 $5.000000000e-01, s13  }
0xd8: {  	v58 =	vmul.f32 v41, v41;
	v62 =	vmul.f32 v52, v52;
	(xrf2) =	vadd.scan.msk.f32 $0xffff, v10;
	v31, _, _ =	vpop (xrf2);
	s15 =	sshra.s32 s13, $0x1;
	s14 =	smul.f32 s4, s1  }
0xd9: {  	v60 =	vmul.f32 v47, v47;
	(xrf2) =	vadd.scan.msk.f32 $0xffff, v9;
	(v2sf) =	vpush v31, $0xF;
	v9 =	vadd.f32 v30, v29;
	s7 =	ssub.s32 $0x5F3759DF, s15;
	s31 =	smul.f32 s5, s3  }
0xda: {  	v59 =	vmul.f32 v44, v44;
	v26 =	vmul.f32 v55, v55;
	v32, _, _ =	vpop (xrf2);
	s16 =	smul.f32 s7, s0  }
0xdb: {  	v27 =	vmul.f32 v56, v56;
	v63 =	vmul.f32 v54, v54;
	(v2sf) =	vpush v32, $0xF;
	(xrf2) =	vadd.scan.msk.f32 $0xffff, v9;
	s22 =	ssub.f32 s19, s20;
	s2 =	smul.f32 s14, s4  }
0xdc: {  	v16 =	vadd.f32 v59, v58;
	v12 =	vadd.f32 v61, v60;
	s10 =	spop (v2sf);
	s21 =	smul.f32 s7, s16  }
0xdd: {  	v8 =	vadd.f32 v27, v26;
	v28 =	vadd.f32 v63, v62;
	s13 =	spop (v2sf);
	s16 =	smul.f32 $7.812500000e-03, s10  }
0xde: {  	s13 =	smul.f32 $7.812500000e-03, s13;
	s2 =	ssub.f32 $1.500000000e+00, s2  }
0xdf: {  	v12 =	vadd.f32 v12, v16;
	v8 =	vadd.f32 v8, v28;
	s23 =	ssub.f32 $1.500000000e+00, s21;
	s15 =	smul.f32 s16, s16  }
0xe0: {  	s24 =	smax.f32 s22, $0.0e+00;
	s4 =	smul.f32 s2, s4  }
0xe1: {  	v40 =	vld.idx.msk [tilespmem:v0+s29+$0x640 ss:$0x1], $0xffff;
	v8 =	vadd.f32 v8, v12;
	s26 =	sadd.f32 $9.999999960e-13, s24;
	s28 =	smul.f32 s7, s23  }
0xe2: {  	v36 =	vld.idx.msk [tilespmem:v0+s29+$0x610 ss:$0x1], $0xffff;
	v33, _, _ =	vpop (xrf2);
	s25 =	smul.f32 s4, s1  }
0xe3: {  	v42 =	vld.idx.msk [tilespmem:v0+s29+$0x650 ss:$0x1], $0xffff;
	(v2sf) =	vpush v33, $0xF;
	(xrf2) =	vadd.scan.msk.f32 $0xffff, v8;
	v34, _, _ =	vpop (xrf2);
	s30 =	sshra.s32 s26, $0x1;
	s17 =	ssub.f32 s13, s15;
	s1 =	smul.f32 $5.000000000e-01, s26  }
0xe4: {  	v43 =	vld.idx.msk [tilespmem:v0+s29+$0x660 ss:$0x1], $0xffff;
	(v2sf) =	vpush v34, $0xF;
	s3 =	ssub.s32 $0x5F3759DF, s30;
	s7 =	smul.f32 s28, s0  }
0xe5: {  	v35 =	vld.idx.msk [tilespmem:v0+s29+$0x600 ss:$0x1], $0xffff;
	v39, _, _ =	vpop (xrf2);
	s8 =	smax.f32 s17, $0.0e+00;
	s2 =	smul.f32 s3, s1  }
0xe6: {  	v47 =	vld.idx.msk [tilespmem:v0+s29+$0x680 ss:$0x1], $0xffff;
	(v2sf) =	vpush v39, $0xF;
	s14 =	smul.f32 s25, s4;
	s8 =	sadd.f32 $9.999999960e-13, s8  }
0xe7: {  	v50 =	vld.idx.msk [tilespmem:v0+s29+$0x690 ss:$0x1], $0xffff;
	s7 =	smul.f32 s7, s28  }
0xe8: {  	v44 =	vld.idx.msk [tilespmem:v0+s29+$0x670 ss:$0x1], $0xffff;
	s25 =	spop (v2sf);
	s18 =	sshra.s32 s8, $0x1;
	s8 =	smul.f32 $5.000000000e-01, s8  }
0xe9: {  	v37 =	vld.idx.msk [tilespmem:v0+s29+$0x620 ss:$0x1], $0xffff;
	s6 =	smul.f32 s3, s2;
	s7 =	ssub.f32 $1.500000000e+00, s7;
	s13 =	ssub.s32 $0x5F3759DF, s18  }
0xea: {  	v38 =	vld.idx.msk [tilespmem:v0+s29+$0x630 ss:$0x1], $0xffff;
	s26 =	spop (v2sf);
	s19 =	smul.f32 s13, s8  }
0xeb: {  	v56 =	vld.idx.msk [tilespmem:v0+s29+$0x6B0 ss:$0x1], $0xffff;
	s11 =	ssub.f32 $1.500000000e+00, s6;
	s5 =	smul.f32 s7, s28  }
0xec: {  	v46 =	vmul.f32 v36, v36;
	v59 =	vld.idx.msk [tilespmem:v0+s29+$0x6C0 ss:$0x1], $0xffff;
	s28 =	smul.f32 $7.812500000e-03, s26  }
0xed: {  	v55 =	vadd.f32 v42, v40;
	v45 =	vmul.f32 v35, v35;
	v51 =	vmul.f32 v40, v40;
	v40 =	vld.idx.msk [tilespmem:v0+s29+$0x730 ss:$0x1], $0xffff;
	v41, _, _ =	vpop (xrf2);
	s7 =	smul.f32 s3, s11  }
0xee: {  	v53 =	vld.idx.msk [tilespmem:v0+s29+$0x6A0 ss:$0x1], $0xffff;
	(v2sf) =	vpush v41, $0xF;
	s15 =	smul.f32 s13, s19  }
0xef: {  	v48 =	vmul.f32 v37, v37;
	v58 =	vadd.f32 v46, v45;
	v45 =	vld.idx.msk [tilespmem:v0+s29+$0x770 ss:$0x1], $0xffff;
	v49 =	vmul.f32 v38, v38;
	s11 =	ssub.f32 $1.500000000e+00, s14;
	s14 =	smul.f32 $7.812500000e-03, s25  }
0xf0: {  	v10 =	vadd.f32 v38, v37;
	v38 =	vld.idx.msk [tilespmem:v0+s29+$0x720 ss:$0x1], $0xffff;
	s0 =	smul.f32 s5, s0  }
0xf1: {  	v57 =	vmul.f32 v44, v44;
	v60 =	vadd.f32 v49, v48;
	v48 =	vld.idx.msk [tilespmem:v0+s29+$0x780 ss:$0x1], $0xffff;
	s9 =	smul.f32 s7, s1  }
0xf2: {  	v52 =	vmul.f32 v42, v42;
	v54 =	vmul.f32 v43, v43;
	v62 =	vld.idx.msk [tilespmem:v0+s29+$0x6D0 ss:$0x1], $0xffff;
	s3 =	spop (v2sf);
	s30 =	smul.f32 s11, s4  }
0xf3: {  	v18 =	vadd.f32 v50, v47;
	v63 =	vld.idx.msk [tilespmem:v0+s29+$0x6E0 ss:$0x1], $0xffff;
	s17 =	spop (v2sf);
	s2 =	smul.f32 s14, s14  }
0xf4: {  	v61 =	vadd.f32 v52, v51;
	v14 =	vadd.f32 v57, v54;
	v51 =	vld.idx.msk [tilespmem:v0+s29+$0x790 ss:$0x1], $0xffff;
	s17 =	smul.f32 $7.812500000e-03, s17  }
0xf5: {  	v27 =	vadd.f32 v60, v58;
	v54 =	vld.idx.msk [tilespmem:v0+s29+$0x7A0 ss:$0x1], $0xffff;
	v13 =	vadd.f32 v40, v38;
	s4 =	spop (v2sf);
	s0 =	smul.f32 s0, s5  }
0xf6: {  	v57 =	vld.idx.msk [tilespmem:v0+s29+$0x7B0 ss:$0x1], $0xffff;
	v14 =	vadd.f32 v14, v61;
	v29 =	vmul.f32 v47, v47;
	v30 =	vmul.f32 v50, v50;
	s24 =	ssub.f32 $1.500000000e+00, s15;
	s19 =	smul.f32 $7.812500000e-03, s4  }
0xf7: {  	v58 =	vmul.f32 v45, v45;
	v28 =	vld.idx.msk [tilespmem:v0+s29+$0x6F0 ss:$0x1], $0xffff;
	v12 =	vadd.f32 v44, v43;
	v9 =	vadd.f32 v56, v53;
	s9 =	smul.f32 s9, s7  }
0xf8: {  	v31 =	vmul.f32 v53, v53;
	v17 =	vadd.f32 v30, v29;
	v8 =	vadd.f32 v36, v35;
	s15 =	smul.f32 s13, s24  }
0xf9: {  	v32 =	vmul.f32 v56, v56;
	v33 =	vld.idx.msk [tilespmem:v0+s29+$0x700 ss:$0x1], $0xffff;
	v16 =	vadd.f32 v62, v59;
	v20 =	vadd.f32 v51, v48;
	s20 =	ssub.f32 $1.500000000e+00, s0;
	s23 =	smul.f32 s19, s19  }
0xfa: {  	v50 =	vmul.f32 v40, v40;
	v44 =	vld.idx.msk [tilespmem:v0+s29+$0x760 ss:$0x1], $0xffff;
	v11 =	vadd.f32 v12, v55;
	v8 =	vadd.f32 v10, v8;
	s9 =	ssub.f32 $1.500000000e+00, s9;
	s11 =	smul.f32 s15, s8  }
0xfb: {  	v30 =	vmul.f32 v48, v48;
	v19 =	vadd.f32 v57, v54;
	v12 =	vadd.f32 v14, v27;
	s22 =	smul.f32 s20, s5  }
0xfc: {  	v61 =	vld.idx.msk [tilespmem:v0+s29+$0x7D0 ss:$0x1], $0xffff;
	v37 =	vmul.f32 v63, v63;
	v10 =	vadd.f32 v28, v63;
	v8 =	vadd.f32 v11, v8;
	s21 =	smul.f32 s9, s7  }
0xfd: {  	v35 =	vmul.f32 v62, v62;
	v36 =	vld.idx.msk [tilespmem:v0+s29+$0x710 ss:$0x1], $0xffff;
	v9 =	vadd.f32 v9, v18;
	v40 =	vadd.f32 v19, v20;
	s5 =	spop (v2sf);
	s7 =	smul.f32 $7.812500000e-03, s3  }
0xfe: {  	v46 =	vmul.f32 v33, v33;
	v34 =	vmul.f32 v59, v59;
	v10 =	vadd.f32 v10, v16;
	(xrf2) =	vadd.scan.msk.f32 $0xffff, v8;
	s9 =	ssub.f32 s28, s2;
	s6 =	smul.f32 $7.812500000e-03, s5  }
0xff: {  	v43 =	vld.idx.msk [tilespmem:v0+s29+$0x750 ss:$0x1], $0xffff;
	v55 =	vmul.f32 v44, v44;
	v11 =	vadd.f32 v32, v31;
	v39 =	vmul.f32 v28, v28;
	s1 =	smul.f32 s21, s1  }
0x100: {  	v59 =	vld.idx.msk [tilespmem:v0+s29+$0x7C0 ss:$0x1], $0xffff;
	v16 =	vadd.f32 v45, v44;
	v9 =	vadd.f32 v10, v9;
	(xrf2) =	vadd.scan.msk.f32 $0xffff, v12;
	s18 =	smul.f32 s7, s7;
	s9 =	smax.f32 s9, $0.0e+00  }
0x101: {  	v31 =	vmul.f32 v51, v51;
	v14 =	vadd.f32 v35, v34;
	v41 =	vld.idx.msk [tilespmem:v0+s29+$0x740 ss:$0x1], $0xffff;
	v42 =	vadd.f32 v39, v37;
	s9 =	sadd.f32 $9.999999960e-13, s9;
	s1 =	smul.f32 s1, s21  }
0x102: {  	v47 =	vmul.f32 v36, v36;
	v23 =	vadd.f32 v36, v33;
	v62 =	vadd.f32 v58, v55;
	(xrf2) =	vadd.scan.msk.f32 $0xffff, v9;
	s17 =	ssub.f32 s17, s18;
	s18 =	smul.f32 s11, s15  }
0x103: {  	v49 =	vmul.f32 v38, v38;
	v29 =	vld.idx.msk [tilespmem:v0+s29+$0x7F0 ss:$0x1], $0xffff;
	v11 =	vadd.f32 v11, v17;
	v14 =	vadd.f32 v42, v14;
	s10 =	ssub.f32 s6, s23;
	s13 =	sshra.s32 s9, $0x1;
	s9 =	smul.f32 $5.000000000e-01, s9  }
0x104: {  	v63 =	vld.idx.msk [tilespmem:v0+s29+$0x7E0 ss:$0x1], $0xffff;
	v38 =	vadd.f32 v31, v30;
	v10 =	vadd.f32 v47, v46;
	s1 =	ssub.f32 $1.500000000e+00, s1;
	s17 =	smax.f32 s17, $0.0e+00;
	s20 =	ssub.s32 $0x5F3759DF, s13  }
0x105: {  	v53 =	vmul.f32 v43, v43;
	v11 =	vadd.f32 v14, v11;
	v14 =	vadd.f32 v50, v49;
	s0 =	sadd.f32 $9.999999960e-13, s17;
	s23 =	smul.f32 s20, s9  }
0x106: {  	v13 =	vadd.f32 v13, v23;
	v52 =	vmul.f32 v41, v41;
	v56 =	vadd.f32 v43, v41;
	s21 =	smul.f32 s1, s21  }
0x107: {  	v32 =	vmul.f32 v54, v54;
	v17 =	vadd.f32 v61, v59;
	v10 =	vadd.f32 v14, v10;
	s17 =	ssub.f32 $1.500000000e+00, s18;
	s24 =	sshra.s32 s0, $0x1;
	s0 =	smul.f32 $5.000000000e-01, s0  }
0x108: {  	v33 =	vmul.f32 v57, v57;
	v60 =	vadd.f32 v53, v52;
	v28 =	vadd.f32 v16, v56;
	v41, _, _ =	vpop (xrf2);
	s1 =	smax.f32 s10, $0.0e+00;
	s23 =	smul.f32 s20, s23  }
0x109: {  	v36 =	vmul.f32 v63, v63;
	v14 =	vadd.f32 v29, v63;
	(v2sf) =	vpush v41, $0xF;
	s1 =	sadd.f32 $9.999999960e-13, s1;
	s15 =	smul.f32 s17, s15;
	s24 =	ssub.s32 $0x5F3759DF, s24  }
0x10a: {  	v37 =	vmul.f32 v29, v29;
	v8 =	vadd.f32 v62, v60;
	v12 =	vadd.f32 v28, v13;
	v42, _, _ =	vpop (xrf2);
	s25 =	smul.f32 s24, s0  }
0x10b: {  	v35 =	vmul.f32 v61, v61;
	(xrf2) =	vadd.scan.msk.f32 $0xffff, v11;
	v14 =	vadd.f32 v14, v17;
	(v2sf) =	vpush v42, $0xF;
	s26 =	sshra.s32 s1, $0x1;
	s1 =	smul.f32 $5.000000000e-01, s1  }
0x10c: {  	v34 =	vmul.f32 v59, v59;
	v39 =	vadd.f32 v37, v36;
	v44, _, _ =	vpop (xrf2);
	v8 =	vadd.f32 v8, v10;
	(xrf2) =	vadd.scan.msk.f32 $0xffff, v12;
	s8 =	smul.f32 s15, s8  }
0x10d: {  	v43 =	vadd.f32 v14, v40;
	(v2sf) =	vpush v44, $0xF;
	s2 =	ssub.f32 $1.500000000e+00, s23;
	s26 =	ssub.s32 $0x5F3759DF, s26;
	s25 =	smul.f32 s24, s25  }
0x10e: {  	v13 =	vadd.f32 v33, v32;
	v10 =	vadd.f32 v35, v34;
	(xrf2) =	vadd.scan.msk.f32 $0xffff, v8;
	s28 =	smul.f32 s26, s1  }
0x10f: {  	(xrf2) =	vadd.scan.msk.f32 $0xffff, v43;
	s18 =	smul.f32 s20, s2  }
0x110: {  	v9 =	vadd.f32 v13, v38;
	v10 =	vadd.f32 v39, v10;
	s8 =	smul.f32 s8, s15  }
0x111: {  	s3 =	ssub.f32 $1.500000000e+00, s25;
	s4 =	smul.f32 s26, s28  }
0x112: {  	v9 =	vadd.f32 v10, v9;
	s10 =	smul.f32 s18, s9  }
0x113: {  	s8 =	ssub.f32 $1.500000000e+00, s8;
	s23 =	smul.f32 s24, s3  }
0x114: {  	(xrf2) =	vadd.scan.msk.f32 $0xffff, v9;
	s13 =	smul.f32 s10, s18  }
0x115: {  	v45, _, _ =	vpop (xrf2);
	s5 =	ssub.f32 $1.500000000e+00, s4;
	s20 =	smul.f32 s8, s15  }
0x116: {  	(v2sf) =	vpush v45, $0xF;
	v46, _, _ =	vpop (xrf2);
	s11 =	smul.f32 s23, s0  }
0x117: {  	(v2sf) =	vpush v46, $0xF;
	s6 =	smul.f32 s26, s5  }
0x118: {  	v47, _, _ =	vpop (xrf2);
	s2 =	ssub.f32 $1.500000000e+00, s13;
	s25 =	smul.f32 s11, s23  }
0x119: {  	(v2sf) =	vpush v47, $0xF;
	v48, _, _ =	vpop (xrf2);
	s10 =	spop (v2sf);
	s17 =	smul.f32 s6, s1  }
0x11a: {  	(v2sf) =	vpush v48, $0xF;
	s8 =	smul.f32 s2, s18;
	s11 =	spop (v2sf)  }
0x11b: {  	s24 =	smul.f32 $7.812500000e-03, s11  }
0x11c: {  	s28 =	spop (v2sf);
	s4 =	smul.f32 s17, s6  }
0x11d: {  	s3 =	ssub.f32 $1.500000000e+00, s25;
	s9 =	smul.f32 s8, s9  }
0x11e: {  	v49, _, _ =	vpop (xrf2);
	s25 =	smul.f32 $7.812500000e-03, s28  }
0x11f: {  	(v2sf) =	vpush v49, $0xF;
	s15 =	smul.f32 s3, s23;
	s5 =	ssub.f32 $1.500000000e+00, s4  }
0x120: {  	s4 =	smul.f32 s25, s25  }
0x121: {  	s18 =	smul.f32 s5, s6  }
0x122: {  	s6 =	smul.f32 s9, s8  }
0x123: {  	s0 =	smul.f32 s15, s0  }
0x124: {  	s9 =	smul.f32 $7.812500000e-03, s10  }
0x125: {  	s2 =	spop (v2sf);
	s1 =	smul.f32 s18, s1  }
0x126: {  	s3 =	spop (v2sf);
	s0 =	smul.f32 s0, s15  }
0x127: {  	s23 =	ssub.f32 $1.500000000e+00, s6;
	s13 =	smul.f32 s9, s9  }
0x128: {  	s5 =	spop (v2sf);
	s1 =	smul.f32 s1, s18  }
0x129: {  	s10 =	spop (v2sf);
	s17 =	smul.f32 s23, s8  }
0x12a: {  	s0 =	ssub.f32 $1.500000000e+00, s0;
	s8 =	smul.f32 $7.812500000e-03, s5  }
0x12b: {  	s26 =	ssub.f32 s24, s13;
	s23 =	smul.f32 $7.812500000e-03, s10  }
0x12c: {  	s1 =	ssub.f32 $1.500000000e+00, s1;
	s15 =	smul.f32 s0, s15  }
0x12d: {  	s0 =	smax.f32 s26, $0.0e+00;
	s26 =	smul.f32 $7.812500000e-03, s3  }
0x12e: {  	s13 =	spop (v2sf);
	s18 =	smul.f32 s1, s18  }
0x12f: {  	s0 =	sadd.f32 $9.999999960e-13, s0;
	s1 =	smul.f32 $7.812500000e-03, s2  }
0x130: {  	s5 =	smul.f32 $7.812500000e-03, s13  }
0x131: {  	s10 =	smul.f32 s26, s26;
	s11 =	sshra.s32 s0, $0x1;
	s6 =	ssub.f32 s1, s4  }
0x132: {  	s4 =	ssub.s32 $0x5F3759DF, s11;
	s11 =	smul.f32 s23, s23  }
0x133: {  	s1 =	ssub.f32 s8, s10;
	s3 =	smax.f32 s6, $0.0e+00  }
0x134: {  	s24 =	smul.f32 $5.000000000e-01, s0;
	s0 =	sadd.f32 $9.999999960e-13, s3  }
0x135: {  	s1 =	smax.f32 s1, $0.0e+00;
	s3 =	ssub.f32 s5, s11  }
0x136: {  	s6 =	smul.f32 s4, s24;
	s1 =	sadd.f32 $9.999999960e-13, s1  }
0x137: {  	s8 =	smul.f32 $5.000000000e-01, s0  }
0x138: {  	s13 =	sshra.s32 s0, $0x1;
	s3 =	smax.f32 s3, $0.0e+00;
	s10 =	smul.f32 $5.000000000e-01, s1  }
0x139: {  	s6 =	smul.f32 s4, s6;
	s5 =	ssub.s32 $0x5F3759DF, s13;
	s3 =	sadd.f32 $9.999999960e-13, s3  }
0x13a: {  	s11 =	sshra.s32 s1, $0x1;
	s28 =	smul.f32 s5, s8  }
0x13b: {  	s2 =	ssub.s32 $0x5F3759DF, s11;
	s11 =	smul.f32 $5.000000000e-01, s3  }
0x13c: {  	s13 =	sshra.s32 s3, $0x1;
	s3 =	smul.f32 s2, s10  }
0x13d: {  	v15 =	vmov s12;
	s12 =	rddreg [dreg:$0x17];
	s28 =	smul.f32 s5, s28;
	s1 =	ssub.s32 $0x5F3759DF, s13  }
0x13e: {  	s6 =	ssub.f32 $1.500000000e+00, s6;
	s13 =	smul.f32 s1, s11  }
0x13f: {  	v58 =	vld.idx.msk [tilespmem:v0+s29+$0x380 ss:$0x1], $0xffff;
	v20 =	vmov s16;
	s16 =	rddreg [dreg:$0x16];
	s0 =	smul.f32 s2, s3  }
0x140: {  	v30 =	vld.idx.msk [tilespmem:v0+s29+$0x400 ss:$0x1], $0xffff;
	s4 =	smul.f32 s4, s6;
	s28 =	ssub.f32 $1.500000000e+00, s28  }
0x141: {  	v32 =	vld.idx.msk [tilespmem:v0+s29+$0x480 ss:$0x1], $0xffff;
	s3 =	smul.f32 s1, s13;
	s0 =	ssub.f32 $1.500000000e+00, s0  }
0x142: {  	s6 =	rddreg [dreg:$0x10];
	s5 =	smul.f32 s5, s28  }
0x143: {  	v23 =	vld [tilespmem:$0x1B200];
	s3 =	ssub.f32 $1.500000000e+00, s3;
	s0 =	smul.f32 s2, s0  }
0x144: {  	v62 =	vld.idx.msk [tilespmem:v0+s29+$0x500 ss:$0x1], $0xffff;
	s13 =	rddreg [dreg:$0x11];
	s2 =	smul.f32 s4, s24  }
0x145: {  	v24 =	vld [tilespmem:$0x1B280];
	v30 =	vsub.f32 v30, v20;
	v10 =	vmov s14;
	s28 =	rddreg [dreg:$0x12];
	s1 =	smul.f32 s1, s3  }
0x146: {  	v61 =	vsub.f32 v58, v15;
	v50 =	vld.idx.msk [tilespmem:v0+s29+$0x80 ss:$0x1], $0xffff;
	v32 =	vsub.f32 v32, v10;
	v18 =	vmov s13;
	s13 =	rddreg [dreg:$0x13];
	s3 =	smul.f32 s5, s8  }
0x147: {  	v51 =	vld.idx.msk [tilespmem:v0+s29+$0x100 ss:$0x1], $0xffff;
	v16 =	vmov s7;
	v30 =	vmul.f32 s20, v30;
	v21 =	vmov s28;
	s28 =	rddreg [dreg:$0x14];
	s2 =	smul.f32 s2, s4  }
0x148: {  	v52 =	vld.idx.msk [tilespmem:v0+s29+$0x180 ss:$0x1], $0xffff;
	v32 =	vmul.f32 s17, v32;
	v17 =	vmov s6;
	v22 =	vmov s13;
	s13 =	rddreg [dreg:$0x18];
	s6 =	smul.f32 s0, s10  }
0x149: {  	v54 =	vld.idx.msk [tilespmem:v0+s29+$0x200 ss:$0x1], $0xffff;
	v28 =	vsub.f32 v62, v16;
	v30 =	vmul.f32 v30, v23;
	v19 =	vmov s28;
	s28 =	rddreg [dreg:$0x1a];
	s3 =	smul.f32 s3, s5  }
0x14a: {  	v55 =	vld.idx.msk [tilespmem:v0+s29+$0x280 ss:$0x1], $0xffff;
	v32 =	vmul.f32 v32, v23;
	v13 =	vmov s13;
	s13 =	rddreg [dreg:$0x15];
	v14 =	vmov s28;
	s28 =	smul.f32 s1, s11  }
0x14b: {  	v57 =	vld.idx.msk [tilespmem:v0+s29+$0x300 ss:$0x1], $0xffff;
	v38 =	vadd.f32 v30, v24;
	v28 =	vmul.f32 s15, v28;
	v8 =	vsub.f32 v50, v18;
	s2 =	ssub.f32 $1.500000000e+00, s2;
	s6 =	smul.f32 s6, s0  }
0x14c: {  	v12 =	vmov s25;
	v40 =	vadd.f32 v32, v24;
	v7 =	vsub.f32 v7, v17;
	s3 =	ssub.f32 $1.500000000e+00, s3;
	s14 =	smul.f32 s28, s1  }
0x14d: {  	v34 =	vld.idx.msk [tilespmem:v0+s29+$0x680 ss:$0x1], $0xffff;
	v42 =	vmul.f32 v28, v23;
	v53 =	vsub.f32 v52, v22;
	v8 =	vmul.f32 s12, v8;
	s2 =	smul.f32 s2, s4;
	s7 =	ssub.f32 $1.500000000e+00, s6  }
0x14e: {  	v9 =	vsub.f32 v51, v21;
	v7 =	vmul.f32 s13, v7;
	v31 =	vsub.f32 v54, v19;
	s28 =	rddreg [dreg:$0x19];
	s5 =	smul.f32 s3, s5  }
0x14f: {  	v63 =	vld.idx.msk [tilespmem:v0+s29+$0x580 ss:$0x1], $0xffff;
	v56 =	vmul.f32 v8, v23;
	v8 =	vmov s19;
	v11 =	vmul.f32 s28, v53;
	s19 =	ssub.f32 $1.500000000e+00, s14;
	s7 =	smul.f32 s7, s0  }
0x150: {  	v25 =	vsub.f32 v55, v13;
	v9 =	vmul.f32 s16, v9;
	v27 =	vsub.f32 v57, v14;
	s4 =	smul.f32 s2, s24  }
0x151: {  	v36 =	vld.idx.msk [tilespmem:v0+s29+$0x780 ss:$0x1], $0xffff;
	v7 =	vmul.f32 v23, v7;
	v29 =	vmul.f32 v11, v23;
	v11 =	vmov s9;
	s9 =	smul.f32 s19, s1  }
0x152: {  	v35 =	vld.idx.msk [tilespmem:v0+s29+$0x700 ss:$0x1], $0xffff;
	[tilespmem:v0+s29+$0x400 ss:$0x1] =	vst.idx.msk $0xffff, v38;
	v41 =	vsub.f32 v34, v12;
	v60 =	vmul.f32 s31, v31;
	v25 =	vmul.f32 s30, v25;
	s6 =	smul.f32 s5, s8  }
0x153: {  	[tilespmem:v0+s29+$0x480 ss:$0x1] =	vst.idx.msk $0xffff, v40;
	v9 =	vmul.f32 v9, v23;
	v27 =	vmul.f32 s22, v27;
	v7 =	vadd.f32 v24, v7;
	s0 =	smul.f32 s4, s2  }
0x154: {  	v33 =	vld.idx.msk [tilespmem:v0+s29+$0x600 ss:$0x1], $0xffff;
	v31 =	vsub.f32 v63, v8;
	v26 =	vadd.f32 v56, v24;
	v25 =	vmul.f32 v25, v23;
	s8 =	smul.f32 s7, s10  }
0x155: {  	v9 =	vadd.f32 v9, v24;
	v27 =	vmul.f32 v27, v23;
	[tilespmem:v0+s29+$0x0 ss:$0x1] =	vst.idx.msk $0xffff, v7;
	s1 =	smul.f32 s6, s5  }
0x156: {  	v31 =	vmul.f32 s18, v31;
	[tilespmem:v0+s29+$0x80 ss:$0x1] =	vst.idx.msk $0xffff, v26;
	v7 =	vmov s26;
	v26 =	vmul.f32 s21, v61;
	s10 =	smul.f32 s9, s11  }
0x157: {  	v63 =	vld.idx.msk [tilespmem:v0+s29+$0x410 ss:$0x1], $0xffff;
	v25 =	vadd.f32 v25, v24;
	[tilespmem:v0+s29+$0x100 ss:$0x1] =	vst.idx.msk $0xffff, v9;
	v9 =	vmov s23;
	v27 =	vadd.f32 v27, v24;
	s0 =	ssub.f32 $1.500000000e+00, s0;
	s3 =	smul.f32 s8, s7  }
0x158: {  	v44 =	vsub.f32 v35, v7;
	v45 =	vmul.f32 v31, v23;
	v56 =	vld.idx.msk [tilespmem:v0+s29+$0x90 ss:$0x1], $0xffff;
	v26 =	vmul.f32 v26, v23;
	s1 =	ssub.f32 $1.500000000e+00, s1;
	s4 =	smul.f32 s10, s9  }
0x159: {  	v35 =	vld.idx.msk [tilespmem:v0+s29+$0x490 ss:$0x1], $0xffff;
	v39 =	vsub.f32 v33, v11;
	[tilespmem:v0+s29+$0x280 ss:$0x1] =	vst.idx.msk $0xffff, v25;
	v47 =	vsub.f32 v36, v9;
	s11 =	smul.f32 s0, s2;
	s14 =	ssub.f32 $1.500000000e+00, s3  }
0x15a: {  	v57 =	vld.idx.msk [tilespmem:v0+s29+$0x110 ss:$0x1], $0xffff;
	v59 =	vadd.f32 v29, v24;
	v29 =	vmul.f32 v60, v23;
	[tilespmem:v0+s29+$0x300 ss:$0x1] =	vst.idx.msk $0xffff, v27;
	s19 =	smul.f32 s1, s5;
	s23 =	ssub.f32 $1.500000000e+00, s4  }
0x15b: {  	v27 =	vadd.f32 v42, v24;
	v49 =	vadd.f32 v45, v24;
	v60 =	vld.idx.msk [tilespmem:v0+s29+$0x290 ss:$0x1], $0xffff;
	s24 =	smul.f32 s14, s7;
	v43 =	vmul.f32 s11, v39  }
0x15c: {  	v26 =	vadd.f32 v26, v24;
	[tilespmem:v0+s29+$0x180 ss:$0x1] =	vst.idx.msk $0xffff, v59;
	v29 =	vadd.f32 v29, v24;
	s25 =	smul.f32 s23, s9;
	v46 =	vmul.f32 s19, v41  }
0x15d: {  	v61 =	vld.idx.msk [tilespmem:v0+s29+$0x310 ss:$0x1], $0xffff;
	[tilespmem:v0+s29+$0x500 ss:$0x1] =	vst.idx.msk $0xffff, v27;
	v28 =	vmul.f32 v43, v23;
	v48 =	vmul.f32 s24, v44  }
0x15e: {  	v58 =	vld.idx.msk [tilespmem:v0+s29+$0x190 ss:$0x1], $0xffff;
	[tilespmem:v0+s29+$0x200 ss:$0x1] =	vst.idx.msk $0xffff, v29;
	v50 =	vmul.f32 v46, v23;
	v51 =	vmul.f32 s25, v47  }
0x15f: {  	[tilespmem:v0+s29+$0x580 ss:$0x1] =	vst.idx.msk $0xffff, v49;
	v59 =	vld.idx.msk [tilespmem:v0+s29+$0x210 ss:$0x1], $0xffff;
	v52 =	vadd.f32 v28, v24;
	v53 =	vmul.f32 v48, v23  }
0x160: {  	[tilespmem:v0+s29+$0x380 ss:$0x1] =	vst.idx.msk $0xffff, v26;
	v41 =	vld.idx.msk [tilespmem:v0+s29+$0x510 ss:$0x1], $0xffff;
	v54 =	vadd.f32 v50, v24;
	v23 =	vmul.f32 v51, v23  }
0x161: {  	v6 =	vsub.f32 v6, v17;
	v43 =	vld.idx.msk [tilespmem:v0+s29+$0x590 ss:$0x1], $0xffff;
	[tilespmem:v0+s29+$0x600 ss:$0x1] =	vst.idx.msk $0xffff, v52;
	v55 =	vadd.f32 v53, v24  }
0x162: {  	v42 =	vsub.f32 v63, v20;
	v62 =	vld.idx.msk [tilespmem:v0+s29+$0x390 ss:$0x1], $0xffff;
	[tilespmem:v0+s29+$0x680 ss:$0x1] =	vst.idx.msk $0xffff, v54;
	v23 =	vadd.f32 v23, v24  }
0x163: {  	v25 =	vsub.f32 v57, v21;
	v36 =	vsub.f32 v60, v13;
	v44 =	vld.idx.msk [tilespmem:v0+s29+$0x610 ss:$0x1], $0xffff;
	[tilespmem:v0+s29+$0x700 ss:$0x1] =	vst.idx.msk $0xffff, v55  }
0x164: {  	v6 =	vmul.f32 s13, v6;
	v30 =	vmul.f32 s20, v42;
	v28 =	vsub.f32 v35, v10;
	v45 =	vld.idx.msk [tilespmem:v0+s29+$0x690 ss:$0x1], $0xffff;
	[tilespmem:v0+s29+$0x780 ss:$0x1] =	vst.idx.msk $0xffff, v23  }
0x165: {  	v25 =	vmul.f32 s16, v25;
	v39 =	vmul.f32 s30, v36;
	v34 =	vsub.f32 v59, v19;
	v26 =	vld [tilespmem:$0x1B210]  }
0x166: {  	v28 =	vmul.f32 s17, v28;
	v29 =	vsub.f32 v41, v16;
	v31 =	vsub.f32 v43, v8;
	v46 =	vld.idx.msk [tilespmem:v0+s29+$0x710 ss:$0x1], $0xffff  }
0x167: {  	v37 =	vmul.f32 s31, v34;
	v24 =	vsub.f32 v56, v18;
	v23 =	vsub.f32 v58, v22;
	v27 =	vld [tilespmem:$0x1B290]  }
0x168: {  	v38 =	vsub.f32 v61, v14;
	v29 =	vmul.f32 s15, v29;
	v51 =	vmul.f32 s18, v31  }
0x169: {  	v40 =	vsub.f32 v62, v15;
	v24 =	vmul.f32 s12, v24;
	v23 =	vmul.f32 s28, v23  }
0x16a: {  	v47 =	vld.idx.msk [tilespmem:v0+s29+$0x790 ss:$0x1], $0xffff;
	v49 =	vsub.f32 v44, v11;
	v52 =	vsub.f32 v45, v12;
	v6 =	vmul.f32 v26, v6  }
0x16b: {  	v55 =	vsub.f32 v46, v7;
	v24 =	vmul.f32 v24, v26;
	v25 =	vmul.f32 v25, v26  }
0x16c: {  	v23 =	vmul.f32 v23, v26;
	v30 =	vmul.f32 v30, v26;
	v6 =	vadd.f32 v27, v6  }
0x16d: {  	v28 =	vmul.f32 v28, v26;
	v53 =	vmul.f32 v29, v26;
	v24 =	vadd.f32 v24, v27  }
0x16e: {  	v54 =	vmul.f32 s11, v49;
	v56 =	vmul.f32 v51, v26;
	v33 =	vadd.f32 v25, v27;
	[tilespmem:v0+s29+$0x10 ss:$0x1] =	vst.idx.msk $0xffff, v6  }
0x16f: {  	v57 =	vmul.f32 s19, v52;
	v58 =	vsub.f32 v47, v9;
	v23 =	vadd.f32 v23, v27;
	[tilespmem:v0+s29+$0x90 ss:$0x1] =	vst.idx.msk $0xffff, v24  }
0x170: {  	v60 =	vmul.f32 v54, v26;
	v61 =	vmul.f32 s24, v55;
	v48 =	vadd.f32 v30, v27;
	[tilespmem:v0+s29+$0x110 ss:$0x1] =	vst.idx.msk $0xffff, v33  }
0x171: {  	v50 =	vadd.f32 v28, v27;
	[tilespmem:v0+s29+$0x190 ss:$0x1] =	vst.idx.msk $0xffff, v23;
	v23 =	vmul.f32 v39, v26;
	v39 =	vld.idx.msk [tilespmem:v0+s29+$0xA0 ss:$0x1], $0xffff  }
0x172: {  	v25 =	vmul.f32 s22, v38;
	v59 =	vadd.f32 v53, v27;
	v24 =	vmul.f32 s21, v40;
	[tilespmem:v0+s29+$0x410 ss:$0x1] =	vst.idx.msk $0xffff, v48;
	v40 =	vld.idx.msk [tilespmem:v0+s29+$0x120 ss:$0x1], $0xffff  }
0x173: {  	v62 =	vadd.f32 v56, v27;
	v63 =	vmul.f32 v57, v26;
	[tilespmem:v0+s29+$0x490 ss:$0x1] =	vst.idx.msk $0xffff, v50;
	v41 =	vld.idx.msk [tilespmem:v0+s29+$0x1A0 ss:$0x1], $0xffff  }
0x174: {  	v34 =	vmul.f32 v61, v26;
	[tilespmem:v0+s29+$0x510 ss:$0x1] =	vst.idx.msk $0xffff, v59;
	v33 =	vadd.f32 v60, v27;
	v46 =	vld.idx.msk [tilespmem:v0+s29+$0x420 ss:$0x1], $0xffff  }
0x175: {  	v6 =	vmul.f32 v37, v26;
	[tilespmem:v0+s29+$0x590 ss:$0x1] =	vst.idx.msk $0xffff, v62;
	v35 =	vadd.f32 v63, v27;
	v49 =	vld.idx.msk [tilespmem:v0+s29+$0x4A0 ss:$0x1], $0xffff  }
0x176: {  	v32 =	vmul.f32 s25, v58;
	v37 =	vadd.f32 v34, v27;
	v55 =	vld.idx.msk [tilespmem:v0+s29+$0x520 ss:$0x1], $0xffff;
	[tilespmem:v0+s29+$0x610 ss:$0x1] =	vst.idx.msk $0xffff, v33  }
0x177: {  	v25 =	vmul.f32 v25, v26;
	v57 =	vld.idx.msk [tilespmem:v0+s29+$0x5A0 ss:$0x1], $0xffff;
	v6 =	vadd.f32 v6, v27;
	[tilespmem:v0+s29+$0x690 ss:$0x1] =	vst.idx.msk $0xffff, v35  }
0x178: {  	v23 =	vadd.f32 v23, v27;
	v24 =	vmul.f32 v24, v26;
	[tilespmem:v0+s29+$0x710 ss:$0x1] =	vst.idx.msk $0xffff, v37;
	v58 =	vld.idx.msk [tilespmem:v0+s29+$0x620 ss:$0x1], $0xffff  }
0x179: {  	v36 =	vmul.f32 v32, v26;
	v25 =	vadd.f32 v25, v27;
	v59 =	vld.idx.msk [tilespmem:v0+s29+$0x6A0 ss:$0x1], $0xffff;
	[tilespmem:v0+s29+$0x210 ss:$0x1] =	vst.idx.msk $0xffff, v6  }
0x17a: {  	v60 =	vld.idx.msk [tilespmem:v0+s29+$0x720 ss:$0x1], $0xffff;
	v24 =	vadd.f32 v24, v27;
	[tilespmem:v0+s29+$0x290 ss:$0x1] =	vst.idx.msk $0xffff, v23  }
0x17b: {  	v5 =	vsub.f32 v5, v17;
	v38 =	vadd.f32 v36, v27;
	[tilespmem:v0+s29+$0x310 ss:$0x1] =	vst.idx.msk $0xffff, v25;
	v42 =	vld.idx.msk [tilespmem:v0+s29+$0x220 ss:$0x1], $0xffff  }
0x17c: {  	v4 =	vsub.f32 v4, v17;
	v43 =	vld.idx.msk [tilespmem:v0+s29+$0x2A0 ss:$0x1], $0xffff;
	[tilespmem:v0+s29+$0x390 ss:$0x1] =	vst.idx.msk $0xffff, v24;
	v24 =	vsub.f32 v39, v18  }
0x17d: {  	[tilespmem:v0+s29+$0x790 ss:$0x1] =	vst.idx.msk $0xffff, v38;
	v44 =	vld.idx.msk [tilespmem:v0+s29+$0x320 ss:$0x1], $0xffff;
	v6 =	vsub.f32 v40, v21;
	v23 =	vsub.f32 v41, v22  }
0x17e: {  	v5 =	vmul.f32 s13, v5;
	v61 =	vld.idx.msk [tilespmem:v0+s29+$0x7A0 ss:$0x1], $0xffff;
	v56 =	vsub.f32 v46, v20;
	v27 =	vsub.f32 v49, v10  }
0x17f: {  	v28 =	vsub.f32 v55, v16;
	v25 =	vld [tilespmem:$0x1B220];
	v24 =	vmul.f32 s12, v24;
	v6 =	vmul.f32 s16, v6  }
0x180: {  	v30 =	vsub.f32 v57, v8;
	v26 =	vld [tilespmem:$0x1B2A0];
	v23 =	vmul.f32 s28, v23;
	v29 =	vmul.f32 s20, v56  }
0x181: {  	v45 =	vld.idx.msk [tilespmem:v0+s29+$0x3A0 ss:$0x1], $0xffff;
	v27 =	vmul.f32 s17, v27;
	v28 =	vmul.f32 s15, v28;
	v63 =	vsub.f32 v58, v11  }
0x182: {  	v36 =	vmul.f32 s18, v30;
	v37 =	vsub.f32 v59, v12;
	v40 =	vsub.f32 v60, v7  }
0x183: {  	v48 =	vsub.f32 v42, v19;
	v50 =	vsub.f32 v43, v13;
	v39 =	vmul.f32 s11, v63  }
0x184: {  	v52 =	vsub.f32 v44, v14;
	v42 =	vmul.f32 s19, v37;
	v5 =	vmul.f32 v25, v5  }
0x185: {  	v43 =	vsub.f32 v61, v9;
	v24 =	vmul.f32 v24, v25;
	v6 =	vmul.f32 v6, v25  }
0x186: {  	v23 =	vmul.f32 v23, v25;
	v54 =	vsub.f32 v45, v15;
	v5 =	vadd.f32 v26, v5  }
0x187: {  	v29 =	vmul.f32 v29, v25;
	v27 =	vmul.f32 v27, v25;
	v24 =	vadd.f32 v24, v26  }
0x188: {  	v46 =	vmul.f32 s24, v40;
	v38 =	vmul.f32 v28, v25;
	v47 =	vadd.f32 v6, v26;
	[tilespmem:v0+s29+$0x20 ss:$0x1] =	vst.idx.msk $0xffff, v5  }
0x189: {  	v51 =	vmul.f32 s31, v48;
	v41 =	vmul.f32 v36, v25;
	v23 =	vadd.f32 v23, v26;
	[tilespmem:v0+s29+$0xA0 ss:$0x1] =	vst.idx.msk $0xffff, v24  }
0x18a: {  	v45 =	vmul.f32 v39, v25;
	v62 =	vadd.f32 v29, v26;
	[tilespmem:v0+s29+$0x120 ss:$0x1] =	vst.idx.msk $0xffff, v47;
	v56 =	vld.idx.msk [tilespmem:v0+s29+$0xB0 ss:$0x1], $0xffff  }
0x18b: {  	v48 =	vmul.f32 v42, v25;
	v35 =	vadd.f32 v27, v26;
	[tilespmem:v0+s29+$0x1A0 ss:$0x1] =	vst.idx.msk $0xffff, v23;
	v57 =	vld.idx.msk [tilespmem:v0+s29+$0x130 ss:$0x1], $0xffff  }
0x18c: {  	v53 =	vmul.f32 s30, v50;
	v6 =	vmul.f32 s22, v52;
	v44 =	vadd.f32 v38, v26;
	[tilespmem:v0+s29+$0x420 ss:$0x1] =	vst.idx.msk $0xffff, v62;
	v58 =	vld.idx.msk [tilespmem:v0+s29+$0x1B0 ss:$0x1], $0xffff  }
0x18d: {  	v50 =	vadd.f32 v45, v26;
	v52 =	vadd.f32 v48, v26;
	[tilespmem:v0+s29+$0x4A0 ss:$0x1] =	vst.idx.msk $0xffff, v35;
	v63 =	vld.idx.msk [tilespmem:v0+s29+$0x430 ss:$0x1], $0xffff  }
0x18e: {  	v5 =	vmul.f32 v51, v25;
	v23 =	vmul.f32 v53, v25;
	[tilespmem:v0+s29+$0x520 ss:$0x1] =	vst.idx.msk $0xffff, v44;
	v33 =	vld.idx.msk [tilespmem:v0+s29+$0x4B0 ss:$0x1], $0xffff  }
0x18f: {  	v49 =	vmul.f32 s25, v43;
	v24 =	vmul.f32 s21, v54;
	v47 =	vadd.f32 v41, v26;
	[tilespmem:v0+s29+$0x620 ss:$0x1] =	vst.idx.msk $0xffff, v50;
	v39 =	vld.idx.msk [tilespmem:v0+s29+$0x530 ss:$0x1], $0xffff  }
0x190: {  	v6 =	vmul.f32 v6, v25;
	[tilespmem:v0+s29+$0x6A0 ss:$0x1] =	vst.idx.msk $0xffff, v52;
	v42 =	vld.idx.msk [tilespmem:v0+s29+$0x630 ss:$0x1], $0xffff;
	v5 =	vadd.f32 v5, v26  }
0x191: {  	v51 =	vmul.f32 v46, v25;
	v43 =	vld.idx.msk [tilespmem:v0+s29+$0x6B0 ss:$0x1], $0xffff;
	v23 =	vadd.f32 v23, v26;
	[tilespmem:v0+s29+$0x5A0 ss:$0x1] =	vst.idx.msk $0xffff, v47  }
0x192: {  	v53 =	vmul.f32 v49, v25;
	v6 =	vadd.f32 v6, v26;
	v41 =	vld.idx.msk [tilespmem:v0+s29+$0x5B0 ss:$0x1], $0xffff;
	[tilespmem:v0+s29+$0x220 ss:$0x1] =	vst.idx.msk $0xffff, v5  }
0x193: {  	v24 =	vmul.f32 v24, v25;
	v54 =	vadd.f32 v51, v26;
	[tilespmem:v0+s29+$0x2A0 ss:$0x1] =	vst.idx.msk $0xffff, v23;
	v59 =	vld.idx.msk [tilespmem:v0+s29+$0x230 ss:$0x1], $0xffff  }
0x194: {  	v55 =	vadd.f32 v53, v26;
	[tilespmem:v0+s29+$0x320 ss:$0x1] =	vst.idx.msk $0xffff, v6;
	v60 =	vld.idx.msk [tilespmem:v0+s29+$0x2B0 ss:$0x1], $0xffff  }
0x195: {  	v4 =	vmul.f32 s13, v4;
	v24 =	vadd.f32 v24, v26;
	[tilespmem:v0+s29+$0x720 ss:$0x1] =	vst.idx.msk $0xffff, v54;
	v61 =	vld.idx.msk [tilespmem:v0+s29+$0x330 ss:$0x1], $0xffff  }
0x196: {  	[tilespmem:v0+s29+$0x7A0 ss:$0x1] =	vst.idx.msk $0xffff, v55;
	v44 =	vld.idx.msk [tilespmem:v0+s29+$0x730 ss:$0x1], $0xffff;
	v23 =	vsub.f32 v56, v18;
	v5 =	vsub.f32 v57, v21  }
0x197: {  	v45 =	vld.idx.msk [tilespmem:v0+s29+$0x7B0 ss:$0x1], $0xffff;
	[tilespmem:v0+s29+$0x3A0 ss:$0x1] =	vst.idx.msk $0xffff, v24;
	v6 =	vsub.f32 v58, v22;
	v40 =	vsub.f32 v63, v20  }
0x198: {  	v26 =	vsub.f32 v33, v10;
	v27 =	vsub.f32 v39, v16;
	v24 =	vld [tilespmem:$0x1B230];
	v23 =	vmul.f32 s12, v23  }
0x199: {  	v47 =	vsub.f32 v42, v11;
	v25 =	vld [tilespmem:$0x1B2B0];
	v5 =	vmul.f32 s16, v5;
	v6 =	vmul.f32 s28, v6  }
0x19a: {  	v50 =	vsub.f32 v43, v12;
	v62 =	vld.idx.msk [tilespmem:v0+s29+$0x3B0 ss:$0x1], $0xffff;
	v28 =	vmul.f32 s20, v40;
	v26 =	vmul.f32 s17, v26  }
0x19b: {  	v29 =	vsub.f32 v41, v8;
	v27 =	vmul.f32 s15, v27;
	v32 =	vsub.f32 v59, v19  }
0x19c: {  	v52 =	vmul.f32 s11, v47;
	v34 =	vsub.f32 v60, v13;
	v36 =	vsub.f32 v61, v14  }
0x19d: {  	v49 =	vmul.f32 s18, v29;
	v53 =	vsub.f32 v44, v7;
	v4 =	vmul.f32 v24, v4  }
0x19e: {  	v56 =	vsub.f32 v45, v9;
	v23 =	vmul.f32 v23, v24;
	v5 =	vmul.f32 v5, v24  }
0x19f: {  	v6 =	vmul.f32 v6, v24;
	v38 =	vsub.f32 v62, v15;
	v4 =	vadd.f32 v25, v4  }
0x1a0: {  	v28 =	vmul.f32 v28, v24;
	v26 =	vmul.f32 v26, v24;
	v23 =	vadd.f32 v23, v25  }
0x1a1: {  	v55 =	vmul.f32 s19, v50;
	v51 =	vmul.f32 v27, v24;
	v31 =	vadd.f32 v5, v25;
	[tilespmem:v0+s29+$0x30 ss:$0x1] =	vst.idx.msk $0xffff, v4  }
0x1a2: {  	v35 =	vmul.f32 s31, v32;
	v54 =	vmul.f32 v49, v24;
	v6 =	vadd.f32 v6, v25;
	[tilespmem:v0+s29+$0xB0 ss:$0x1] =	vst.idx.msk $0xffff, v23  }
0x1a3: {  	v37 =	vmul.f32 s30, v34;
	v58 =	vmul.f32 v52, v24;
	v46 =	vadd.f32 v28, v25;
	[tilespmem:v0+s29+$0x130 ss:$0x1] =	vst.idx.msk $0xffff, v31  }
0x1a4: {  	v59 =	vmul.f32 s24, v53;
	v61 =	vmul.f32 v55, v24;
	v48 =	vadd.f32 v26, v25;
	[tilespmem:v0+s29+$0x1B0 ss:$0x1] =	vst.idx.msk $0xffff, v6  }
0x1a5: {  	v62 =	vmul.f32 s25, v56;
	v5 =	vmul.f32 s22, v36;
	v57 =	vadd.f32 v51, v25;
	[tilespmem:v0+s29+$0x430 ss:$0x1] =	vst.idx.msk $0xffff, v46  }
0x1a6: {  	v60 =	vadd.f32 v54, v25;
	v63 =	vadd.f32 v58, v25;
	[tilespmem:v0+s29+$0x4B0 ss:$0x1] =	vst.idx.msk $0xffff, v48;
	v33 =	vld.idx.msk [tilespmem:v0+s29+$0xC0 ss:$0x1], $0xffff  }
0x1a7: {  	v28 =	vmul.f32 v59, v24;
	v29 =	vadd.f32 v61, v25;
	[tilespmem:v0+s29+$0x530 ss:$0x1] =	vst.idx.msk $0xffff, v57;
	v34 =	vld.idx.msk [tilespmem:v0+s29+$0x140 ss:$0x1], $0xffff  }
0x1a8: {  	v30 =	vmul.f32 v62, v24;
	v4 =	vmul.f32 v35, v24;
	[tilespmem:v0+s29+$0x5B0 ss:$0x1] =	vst.idx.msk $0xffff, v60;
	v35 =	vld.idx.msk [tilespmem:v0+s29+$0x1C0 ss:$0x1], $0xffff  }
0x1a9: {  	v6 =	vmul.f32 v37, v24;
	[tilespmem:v0+s29+$0x630 ss:$0x1] =	vst.idx.msk $0xffff, v63;
	v31 =	vadd.f32 v28, v25;
	v40 =	vld.idx.msk [tilespmem:v0+s29+$0x440 ss:$0x1], $0xffff  }
0x1aa: {  	v23 =	vmul.f32 s21, v38;
	[tilespmem:v0+s29+$0x6B0 ss:$0x1] =	vst.idx.msk $0xffff, v29;
	v32 =	vadd.f32 v30, v25;
	v42 =	vld.idx.msk [tilespmem:v0+s29+$0x4C0 ss:$0x1], $0xffff  }
0x1ab: {  	v5 =	vmul.f32 v5, v24;
	v47 =	vld.idx.msk [tilespmem:v0+s29+$0x540 ss:$0x1], $0xffff;
	v4 =	vadd.f32 v4, v25;
	[tilespmem:v0+s29+$0x730 ss:$0x1] =	vst.idx.msk $0xffff, v31  }
0x1ac: {  	v49 =	vld.idx.msk [tilespmem:v0+s29+$0x5C0 ss:$0x1], $0xffff;
	v6 =	vadd.f32 v6, v25;
	v23 =	vmul.f32 v23, v24;
	[tilespmem:v0+s29+$0x7B0 ss:$0x1] =	vst.idx.msk $0xffff, v32  }
0x1ad: {  	v50 =	vld.idx.msk [tilespmem:v0+s29+$0x640 ss:$0x1], $0xffff;
	v5 =	vadd.f32 v5, v25;
	[tilespmem:v0+s29+$0x230 ss:$0x1] =	vst.idx.msk $0xffff, v4  }
0x1ae: {  	v51 =	vld.idx.msk [tilespmem:v0+s29+$0x6C0 ss:$0x1], $0xffff;
	v23 =	vadd.f32 v23, v25;
	[tilespmem:v0+s29+$0x2B0 ss:$0x1] =	vst.idx.msk $0xffff, v6  }
0x1af: {  	v52 =	vld.idx.msk [tilespmem:v0+s29+$0x740 ss:$0x1], $0xffff;
	[tilespmem:v0+s29+$0x330 ss:$0x1] =	vst.idx.msk $0xffff, v5  }
0x1b0: {  	v53 =	vld.idx.msk [tilespmem:v0+s29+$0x7C0 ss:$0x1], $0xffff;
	[tilespmem:v0+s29+$0x3B0 ss:$0x1] =	vst.idx.msk $0xffff, v23  }
0x1b1: {  	v3 =	vsub.f32 v3, v17;
	v6 =	vsub.f32 v33, v18;
	v23 =	vld [tilespmem:$0x1B240]  }
0x1b2: {  	v36 =	vld.idx.msk [tilespmem:v0+s29+$0x240 ss:$0x1], $0xffff;
	v4 =	vsub.f32 v34, v21;
	v5 =	vsub.f32 v35, v22  }
0x1b3: {  	v3 =	vmul.f32 s13, v3;
	v48 =	vsub.f32 v40, v20;
	v25 =	vsub.f32 v42, v10;
	v24 =	vld [tilespmem:$0x1B2C0]  }
0x1b4: {  	v37 =	vld.idx.msk [tilespmem:v0+s29+$0x2C0 ss:$0x1], $0xffff;
	v26 =	vsub.f32 v47, v16;
	v28 =	vsub.f32 v49, v8;
	v6 =	vmul.f32 s12, v6  }
0x1b5: {  	v38 =	vld.idx.msk [tilespmem:v0+s29+$0x340 ss:$0x1], $0xffff;
	v54 =	vsub.f32 v50, v11;
	v4 =	vmul.f32 s16, v4;
	v5 =	vmul.f32 s28, v5  }
0x1b6: {  	v57 =	vsub.f32 v51, v12;
	v39 =	vld.idx.msk [tilespmem:v0+s29+$0x3C0 ss:$0x1], $0xffff;
	v27 =	vmul.f32 s20, v48;
	v3 =	vmul.f32 v23, v3  }
0x1b7: {  	v25 =	vmul.f32 s17, v25;
	v26 =	vmul.f32 s15, v26;
	v60 =	vsub.f32 v52, v7  }
0x1b8: {  	v63 =	vsub.f32 v53, v9;
	v4 =	vmul.f32 v4, v23;
	v3 =	vadd.f32 v24, v3  }
0x1b9: {  	v56 =	vmul.f32 s18, v28;
	v41 =	vsub.f32 v36, v19;
	v43 =	vsub.f32 v37, v13  }
0x1ba: {  	v62 =	vmul.f32 s19, v57;
	v6 =	vmul.f32 v6, v23;
	[tilespmem:v0+s29+$0x40 ss:$0x1] =	vst.idx.msk $0xffff, v3;
	v3 =	vadd.f32 v4, v24  }
0x1bb: {  	v44 =	vsub.f32 v38, v14;
	v5 =	vmul.f32 v5, v23;
	v46 =	vsub.f32 v39, v15  }
0x1bc: {  	v25 =	vmul.f32 v25, v23;
	v6 =	vadd.f32 v6, v24;
	[tilespmem:v0+s29+$0x140 ss:$0x1] =	vst.idx.msk $0xffff, v3;
	v3 =	vmul.f32 s31, v41  }
0x1bd: {  	v27 =	vmul.f32 v27, v23;
	v61 =	vmul.f32 v56, v23;
	v5 =	vadd.f32 v5, v24  }
0x1be: {  	v59 =	vmul.f32 s11, v54;
	v55 =	vadd.f32 v25, v24;
	[tilespmem:v0+s29+$0xC0 ss:$0x1] =	vst.idx.msk $0xffff, v6;
	v3 =	vmul.f32 v3, v23  }
0x1bf: {  	v45 =	vmul.f32 s30, v43;
	v33 =	vmul.f32 v62, v23;
	v32 =	vadd.f32 v61, v24;
	[tilespmem:v0+s29+$0x1C0 ss:$0x1] =	vst.idx.msk $0xffff, v5  }
0x1c0: {  	v31 =	vmul.f32 s24, v60;
	v58 =	vmul.f32 v26, v23;
	[tilespmem:v0+s29+$0x4C0 ss:$0x1] =	vst.idx.msk $0xffff, v55;
	v3 =	vadd.f32 v3, v24  }
0x1c1: {  	v36 =	vadd.f32 v33, v24;
	v5 =	vmul.f32 v45, v23;
	v6 =	vmul.f32 s21, v46;
	[tilespmem:v0+s29+$0x5C0 ss:$0x1] =	vst.idx.msk $0xffff, v32  }
0x1c2: {  	v34 =	vmul.f32 s25, v63;
	v30 =	vmul.f32 v59, v23;
	[tilespmem:v0+s29+$0x240 ss:$0x1] =	vst.idx.msk $0xffff, v3;
	v3 =	vadd.f32 v27, v24  }
0x1c3: {  	[tilespmem:v0+s29+$0x6C0 ss:$0x1] =	vst.idx.msk $0xffff, v36;
	v39 =	vld.idx.msk [tilespmem:v0+s29+$0xD0 ss:$0x1], $0xffff;
	v5 =	vadd.f32 v5, v24;
	v6 =	vmul.f32 v6, v23  }
0x1c4: {  	v37 =	vmul.f32 v34, v23;
	v40 =	vld.idx.msk [tilespmem:v0+s29+$0x1D0 ss:$0x1], $0xffff;
	[tilespmem:v0+s29+$0x440 ss:$0x1] =	vst.idx.msk $0xffff, v3;
	v3 =	vadd.f32 v58, v24  }
0x1c5: {  	v4 =	vmul.f32 s22, v44;
	v48 =	vld.idx.msk [tilespmem:v0+s29+$0x4D0 ss:$0x1], $0xffff;
	v6 =	vadd.f32 v6, v24;
	[tilespmem:v0+s29+$0x2C0 ss:$0x1] =	vst.idx.msk $0xffff, v5  }
0x1c6: {  	v35 =	vmul.f32 v31, v23;
	v54 =	vld.idx.msk [tilespmem:v0+s29+$0x5D0 ss:$0x1], $0xffff;
	[tilespmem:v0+s29+$0x540 ss:$0x1] =	vst.idx.msk $0xffff, v3;
	v3 =	vadd.f32 v30, v24  }
0x1c7: {  	v38 =	vadd.f32 v37, v24;
	v56 =	vld.idx.msk [tilespmem:v0+s29+$0x6D0 ss:$0x1], $0xffff;
	v4 =	vmul.f32 v4, v23;
	[tilespmem:v0+s29+$0x3C0 ss:$0x1] =	vst.idx.msk $0xffff, v6  }
0x1c8: {  	v44 =	vld.idx.msk [tilespmem:v0+s29+$0x2D0 ss:$0x1], $0xffff;
	[tilespmem:v0+s29+$0x640 ss:$0x1] =	vst.idx.msk $0xffff, v3;
	v3 =	vadd.f32 v35, v24  }
0x1c9: {  	[tilespmem:v0+s29+$0x7C0 ss:$0x1] =	vst.idx.msk $0xffff, v38;
	v4 =	vadd.f32 v4, v24;
	v46 =	vld.idx.msk [tilespmem:v0+s29+$0x3D0 ss:$0x1], $0xffff  }
0x1ca: {  	[tilespmem:v0+s29+$0x740 ss:$0x1] =	vst.idx.msk $0xffff, v3;
	v3 =	vld.idx.msk [tilespmem:v0+s29+$0x150 ss:$0x1], $0xffff  }
0x1cb: {  	[tilespmem:v0+s29+$0x340 ss:$0x1] =	vst.idx.msk $0xffff, v4;
	v43 =	vld.idx.msk [tilespmem:v0+s29+$0x250 ss:$0x1], $0xffff  }
0x1cc: {  	v41 =	vld [tilespmem:$0x1B250]  }
0x1cd: {  	v2 =	vsub.f32 v2, v17;
	v47 =	vld.idx.msk [tilespmem:v0+s29+$0x450 ss:$0x1], $0xffff  }
0x1ce: {  	v5 =	vsub.f32 v39, v18;
	v4 =	vsub.f32 v40, v22;
	v42 =	vld [tilespmem:$0x1B2D0]  }
0x1cf: {  	v2 =	vmul.f32 s13, v2;
	v58 =	vld.idx.msk [tilespmem:v0+s29+$0x7D0 ss:$0x1], $0xffff;
	v3 =	vsub.f32 v3, v21  }
0x1d0: {  	v5 =	vmul.f32 s12, v5;
	v4 =	vmul.f32 s28, v4;
	v27 =	vsub.f32 v54, v8;
	v52 =	vld.idx.msk [tilespmem:v0+s29+$0x550 ss:$0x1], $0xffff  }
0x1d1: {  	v62 =	vsub.f32 v56, v12;
	v55 =	vld.idx.msk [tilespmem:v0+s29+$0x650 ss:$0x1], $0xffff;
	v2 =	vmul.f32 v41, v2;
	v3 =	vmul.f32 s16, v3  }
0x1d2: {  	v45 =	vld.idx.msk [tilespmem:v0+s29+$0x350 ss:$0x1], $0xffff;
	v49 =	vsub.f32 v44, v13;
	v61 =	vmul.f32 s18, v27;
	v24 =	vsub.f32 v48, v10  }
0x1d3: {  	v53 =	vsub.f32 v47, v20;
	v2 =	vadd.f32 v42, v2;
	v3 =	vmul.f32 v3, v41  }
0x1d4: {  	v51 =	vsub.f32 v46, v15;
	v34 =	vsub.f32 v58, v9;
	v24 =	vmul.f32 s17, v24  }
0x1d5: {  	v26 =	vmul.f32 s20, v53;
	[tilespmem:v0+s29+$0x50 ss:$0x1] =	vst.idx.msk $0xffff, v2;
	v2 =	vadd.f32 v3, v42;
	v3 =	vsub.f32 v43, v19  }
0x1d6: {  	v25 =	vsub.f32 v52, v16;
	v59 =	vsub.f32 v55, v11;
	v5 =	vmul.f32 v5, v41  }
0x1d7: {  	v4 =	vmul.f32 v4, v41;
	[tilespmem:v0+s29+$0x150 ss:$0x1] =	vst.idx.msk $0xffff, v2;
	v2 =	vmul.f32 s31, v3;
	v3 =	vsub.f32 v45, v14  }
0x1d8: {  	v57 =	vld.idx.msk [tilespmem:v0+s29+$0x750 ss:$0x1], $0xffff;
	v26 =	vmul.f32 v26, v41;
	v24 =	vmul.f32 v24, v41;
	v5 =	vadd.f32 v5, v42  }
0x1d9: {  	v32 =	vmul.f32 v61, v41;
	v4 =	vadd.f32 v4, v42;
	v3 =	vmul.f32 s22, v3  }
0x1da: {  	v33 =	vmul.f32 s19, v62;
	v60 =	vadd.f32 v24, v42;
	[tilespmem:v0+s29+$0xD0 ss:$0x1] =	vst.idx.msk $0xffff, v5;
	v2 =	vmul.f32 v2, v41  }
0x1db: {  	v36 =	vadd.f32 v32, v42;
	[tilespmem:v0+s29+$0x1D0 ss:$0x1] =	vst.idx.msk $0xffff, v4;
	v3 =	vmul.f32 v3, v41  }
0x1dc: {  	v50 =	vmul.f32 s30, v49;
	v37 =	vmul.f32 v33, v41;
	[tilespmem:v0+s29+$0x4D0 ss:$0x1] =	vst.idx.msk $0xffff, v60;
	v2 =	vadd.f32 v2, v42  }
0x1dd: {  	v25 =	vmul.f32 s15, v25;
	v30 =	vsub.f32 v57, v7;
	[tilespmem:v0+s29+$0x5D0 ss:$0x1] =	vst.idx.msk $0xffff, v36;
	v3 =	vadd.f32 v3, v42  }
0x1de: {  	v39 =	vadd.f32 v37, v42;
	v4 =	vmul.f32 v50, v41;
	v5 =	vmul.f32 s21, v51;
	[tilespmem:v0+s29+$0x250 ss:$0x1] =	vst.idx.msk $0xffff, v2  }
0x1df: {  	v63 =	vmul.f32 s11, v59;
	v2 =	vadd.f32 v26, v42;
	[tilespmem:v0+s29+$0x350 ss:$0x1] =	vst.idx.msk $0xffff, v3;
	v3 =	vmul.f32 v25, v41  }
0x1e0: {  	[tilespmem:v0+s29+$0x6D0 ss:$0x1] =	vst.idx.msk $0xffff, v39;
	v4 =	vadd.f32 v4, v42;
	v5 =	vmul.f32 v5, v41  }
0x1e1: {  	v35 =	vmul.f32 s24, v30;
	[tilespmem:v0+s29+$0x450 ss:$0x1] =	vst.idx.msk $0xffff, v2;
	v2 =	vadd.f32 v3, v42;
	v3 =	vmul.f32 v63, v41  }
0x1e2: {  	v38 =	vmul.f32 s25, v34;
	v49 =	vld.idx.msk [tilespmem:v0+s29+$0x4E0 ss:$0x1], $0xffff;
	v5 =	vadd.f32 v5, v42;
	[tilespmem:v0+s29+$0x2D0 ss:$0x1] =	vst.idx.msk $0xffff, v4  }
0x1e3: {  	v54 =	vld.idx.msk [tilespmem:v0+s29+$0x5E0 ss:$0x1], $0xffff;
	[tilespmem:v0+s29+$0x550 ss:$0x1] =	vst.idx.msk $0xffff, v2;
	v2 =	vadd.f32 v3, v42;
	v3 =	vmul.f32 v35, v41  }
0x1e4: {  	v40 =	vmul.f32 v38, v41;
	v56 =	vld.idx.msk [tilespmem:v0+s29+$0x6E0 ss:$0x1], $0xffff;
	[tilespmem:v0+s29+$0x3D0 ss:$0x1] =	vst.idx.msk $0xffff, v5  }
0x1e5: {  	v45 =	vld.idx.msk [tilespmem:v0+s29+$0x2E0 ss:$0x1], $0xffff;
	[tilespmem:v0+s29+$0x650 ss:$0x1] =	vst.idx.msk $0xffff, v2;
	v2 =	vadd.f32 v3, v42  }
0x1e6: {  	v47 =	vld.idx.msk [tilespmem:v0+s29+$0x3E0 ss:$0x1], $0xffff;
	v3 =	vadd.f32 v40, v42  }
0x1e7: {  	[tilespmem:v0+s29+$0x750 ss:$0x1] =	vst.idx.msk $0xffff, v2;
	v2 =	vld.idx.msk [tilespmem:v0+s29+$0x160 ss:$0x1], $0xffff  }
0x1e8: {  	[tilespmem:v0+s29+$0x7D0 ss:$0x1] =	vst.idx.msk $0xffff, v3;
	v3 =	vld.idx.msk [tilespmem:v0+s29+$0x1E0 ss:$0x1], $0xffff  }
0x1e9: {  	v42 =	vld [tilespmem:$0x1B260]  }
0x1ea: {  	v1 =	vsub.f32 v1, v17;
	v41 =	vld.idx.msk [tilespmem:v0+s29+$0xE0 ss:$0x1], $0xffff  }
0x1eb: {  	v23 =	vsub.f32 v49, v10;
	v61 =	vsub.f32 v56, v12;
	v43 =	vld [tilespmem:$0x1B2E0]  }
0x1ec: {  	v1 =	vmul.f32 s13, v1;
	v48 =	vld.idx.msk [tilespmem:v0+s29+$0x460 ss:$0x1], $0xffff;
	v2 =	vsub.f32 v2, v21  }
0x1ed: {  	v23 =	vmul.f32 s17, v23;
	v29 =	vmul.f32 s19, v61;
	v44 =	vld.idx.msk [tilespmem:v0+s29+$0x260 ss:$0x1], $0xffff;
	v3 =	vsub.f32 v3, v22  }
0x1ee: {  	v46 =	vld.idx.msk [tilespmem:v0+s29+$0x360 ss:$0x1], $0xffff;
	v1 =	vmul.f32 v42, v1;
	v2 =	vmul.f32 s16, v2  }
0x1ef: {  	v26 =	vsub.f32 v54, v8;
	v50 =	vsub.f32 v45, v13;
	v52 =	vld.idx.msk [tilespmem:v0+s29+$0x560 ss:$0x1], $0xffff;
	v3 =	vmul.f32 s28, v3  }
0x1f0: {  	v55 =	vld.idx.msk [tilespmem:v0+s29+$0x660 ss:$0x1], $0xffff;
	v4 =	vsub.f32 v41, v18;
	v1 =	vadd.f32 v43, v1;
	v2 =	vmul.f32 v2, v42  }
0x1f1: {  	v60 =	vmul.f32 s18, v26;
	v53 =	vsub.f32 v48, v20;
	v57 =	vld.idx.msk [tilespmem:v0+s29+$0x760 ss:$0x1], $0xffff;
	v3 =	vmul.f32 v3, v42  }
0x1f2: {  	v4 =	vmul.f32 s12, v4;
	[tilespmem:v0+s29+$0x60 ss:$0x1] =	vst.idx.msk $0xffff, v1;
	v1 =	vadd.f32 v2, v43;
	v2 =	vsub.f32 v44, v19  }
0x1f3: {  	v51 =	vsub.f32 v47, v15;
	v25 =	vmul.f32 s20, v53;
	v58 =	vld.idx.msk [tilespmem:v0+s29+$0x7E0 ss:$0x1], $0xffff;
	v3 =	vadd.f32 v3, v43  }
0x1f4: {  	v4 =	vmul.f32 v4, v42;
	[tilespmem:v0+s29+$0x160 ss:$0x1] =	vst.idx.msk $0xffff, v1;
	v1 =	vmul.f32 s31, v2;
	v2 =	vsub.f32 v46, v14  }
0x1f5: {  	v24 =	vsub.f32 v52, v16;
	v25 =	vmul.f32 v25, v42;
	[tilespmem:v0+s29+$0x1E0 ss:$0x1] =	vst.idx.msk $0xffff, v3;
	v3 =	vmul.f32 s30, v50  }
0x1f6: {  	v59 =	vsub.f32 v55, v11;
	v1 =	vmul.f32 v1, v42;
	v2 =	vmul.f32 s22, v2  }
0x1f7: {  	v23 =	vmul.f32 v23, v42;
	v4 =	vadd.f32 v4, v43;
	v3 =	vmul.f32 v3, v42  }
0x1f8: {  	v63 =	vsub.f32 v57, v7;
	v1 =	vadd.f32 v1, v43;
	v2 =	vmul.f32 v2, v42  }
0x1f9: {  	v24 =	vmul.f32 s15, v24;
	v28 =	vmul.f32 v60, v42;
	[tilespmem:v0+s29+$0xE0 ss:$0x1] =	vst.idx.msk $0xffff, v4;
	v3 =	vadd.f32 v3, v43  }
0x1fa: {  	v62 =	vmul.f32 s11, v59;
	v31 =	vsub.f32 v58, v9;
	v2 =	vadd.f32 v2, v43;
	[tilespmem:v0+s29+$0x260 ss:$0x1] =	vst.idx.msk $0xffff, v1  }
0x1fb: {  	v33 =	vmul.f32 v29, v42;
	v32 =	vmul.f32 s24, v63;
	[tilespmem:v0+s29+$0x2E0 ss:$0x1] =	vst.idx.msk $0xffff, v3;
	v3 =	vadd.f32 v23, v43  }
0x1fc: {  	v36 =	vld.idx.msk [tilespmem:v0+s29+$0xF0 ss:$0x1], $0xffff;
	v1 =	vadd.f32 v25, v43;
	[tilespmem:v0+s29+$0x360 ss:$0x1] =	vst.idx.msk $0xffff, v2;
	v2 =	vmul.f32 v24, v42  }
0x1fd: {  	v34 =	vmul.f32 s25, v31;
	v4 =	vmul.f32 s21, v51;
	v37 =	vld.idx.msk [tilespmem:v0+s29+$0x170 ss:$0x1], $0xffff;
	[tilespmem:v0+s29+$0x4E0 ss:$0x1] =	vst.idx.msk $0xffff, v3;
	v3 =	vadd.f32 v28, v43  }
0x1fe: {  	v38 =	vld.idx.msk [tilespmem:v0+s29+$0x1F0 ss:$0x1], $0xffff;
	[tilespmem:v0+s29+$0x460 ss:$0x1] =	vst.idx.msk $0xffff, v1;
	v1 =	vadd.f32 v2, v43;
	v2 =	vmul.f32 v62, v42  }
0x1ff: {  	v4 =	vmul.f32 v4, v42;
	v39 =	vld.idx.msk [tilespmem:v0+s29+$0x270 ss:$0x1], $0xffff;
	[tilespmem:v0+s29+$0x5E0 ss:$0x1] =	vst.idx.msk $0xffff, v3;
	v3 =	vadd.f32 v33, v43  }
0x200: {  	v40 =	vld.idx.msk [tilespmem:v0+s29+$0x2F0 ss:$0x1], $0xffff;
	[tilespmem:v0+s29+$0x560 ss:$0x1] =	vst.idx.msk $0xffff, v1;
	v1 =	vadd.f32 v2, v43;
	v2 =	vmul.f32 v32, v42  }
0x201: {  	v35 =	vmul.f32 v34, v42;
	v4 =	vadd.f32 v4, v43;
	v41 =	vld.idx.msk [tilespmem:v0+s29+$0x370 ss:$0x1], $0xffff;
	[tilespmem:v0+s29+$0x6E0 ss:$0x1] =	vst.idx.msk $0xffff, v3  }
0x202: {  	v3 =	vld.idx.msk [tilespmem:v0+s29+$0x70 ss:$0x1], $0xffff;
	[tilespmem:v0+s29+$0x660 ss:$0x1] =	vst.idx.msk $0xffff, v1;
	v1 =	vadd.f32 v2, v43  }
0x203: {  	[tilespmem:v0+s29+$0x3E0 ss:$0x1] =	vst.idx.msk $0xffff, v4;
	v44 =	vld.idx.msk [tilespmem:v0+s29+$0x4F0 ss:$0x1], $0xffff;
	v2 =	vadd.f32 v35, v43  }
0x204: {  	v42 =	vld.idx.msk [tilespmem:v0+s29+$0x3F0 ss:$0x1], $0xffff;
	[tilespmem:v0+s29+$0x760 ss:$0x1] =	vst.idx.msk $0xffff, v1  }
0x205: {  	v45 =	vld.idx.msk [tilespmem:v0+s29+$0x570 ss:$0x1], $0xffff;
	[tilespmem:v0+s29+$0x7E0 ss:$0x1] =	vst.idx.msk $0xffff, v2  }
0x206: {  	v4 =	vsub.f32 v36, v18;
	v1 =	vld [tilespmem:$0x1B270]  }
0x207: {  	v5 =	vsub.f32 v37, v21;
	v50 =	vld.idx.msk [tilespmem:v0+s29+$0x6F0 ss:$0x1], $0xffff;
	v3 =	vsub.f32 v3, v17  }
0x208: {  	v4 =	vmul.f32 s12, v4;
	v6 =	vsub.f32 v38, v22;
	v19 =	vsub.f32 v39, v19;
	v2 =	vld [tilespmem:$0x1B2F0]  }
0x209: {  	v5 =	vmul.f32 s16, v5;
	v43 =	vld.idx.msk [tilespmem:v0+s29+$0x470 ss:$0x1], $0xffff;
	v3 =	vmul.f32 s13, v3  }
0x20a: {  	v6 =	vmul.f32 s28, v6;
	v13 =	vsub.f32 v40, v13;
	v19 =	vmul.f32 s31, v19  }
0x20b: {  	v14 =	vsub.f32 v41, v14;
	v48 =	vsub.f32 v44, v10;
	v49 =	vld.idx.msk [tilespmem:v0+s29+$0x670 ss:$0x1], $0xffff;
	v3 =	vmul.f32 v3, v1  }
0x20c: {  	v13 =	vmul.f32 s30, v13;
	v15 =	vsub.f32 v42, v15;
	v16 =	vsub.f32 v45, v16  }
0x20d: {  	v14 =	vmul.f32 s22, v14;
	v12 =	vsub.f32 v50, v12;
	v3 =	vadd.f32 v3, v2  }
0x20e: {  	v53 =	vld.idx.msk [tilespmem:v0+s29+$0x770 ss:$0x1], $0xffff;
	v18 =	vsub.f32 v43, v20;
	v15 =	vmul.f32 s21, v15;
	v52 =	vmul.f32 s15, v16  }
0x20f: {  	v54 =	vld.idx.msk [tilespmem:v0+s29+$0x7F0 ss:$0x1], $0xffff;
	v4 =	vmul.f32 v4, v1;
	[tilespmem:v0+s29+$0x70 ss:$0x1] =	vst.idx.msk $0xffff, v3;
	v3 =	vmul.f32 v6, v1  }
0x210: {  	v10 =	vsub.f32 v49, v11;
	v5 =	vmul.f32 v5, v1;
	v19 =	vmul.f32 v19, v1  }
0x211: {  	v46 =	vld.idx.msk [tilespmem:v0+s29+$0x5F0 ss:$0x1], $0xffff;
	v51 =	vmul.f32 v13, v1;
	v14 =	vmul.f32 v14, v1;
	v3 =	vadd.f32 v3, v2  }
0x212: {  	v15 =	vmul.f32 v15, v1;
	v57 =	vmul.f32 v52, v1;
	v4 =	vadd.f32 v4, v2  }
0x213: {  	v12 =	vmul.f32 s19, v12;
	v7 =	vsub.f32 v53, v7;
	[tilespmem:v0+s29+$0x1F0 ss:$0x1] =	vst.idx.msk $0xffff, v3;
	v3 =	vadd.f32 v19, v2  }
0x214: {  	v58 =	vsub.f32 v54, v9;
	v47 =	vadd.f32 v5, v2;
	[tilespmem:v0+s29+$0xF0 ss:$0x1] =	vst.idx.msk $0xffff, v4  }
0x215: {  	v18 =	vmul.f32 s20, v18;
	v61 =	vmul.f32 v12, v1;
	[tilespmem:v0+s29+$0x270 ss:$0x1] =	vst.idx.msk $0xffff, v3;
	v3 =	vadd.f32 v14, v2  }
0x216: {  	v5 =	vmul.f32 s17, v48;
	v55 =	vadd.f32 v15, v2;
	[tilespmem:v0+s29+$0x170 ss:$0x1] =	vst.idx.msk $0xffff, v47;
	v6 =	vsub.f32 v46, v8  }
0x217: {  	v10 =	vmul.f32 s11, v10;
	v63 =	vadd.f32 v61, v2;
	[tilespmem:v0+s29+$0x370 ss:$0x1] =	vst.idx.msk $0xffff, v3;
	v3 =	vmul.f32 v18, v1  }
0x218: {  	v4 =	vadd.f32 v51, v2;
	[tilespmem:v0+s29+$0x3F0 ss:$0x1] =	vst.idx.msk $0xffff, v55;
	v56 =	vmul.f32 v5, v1;
	v6 =	vmul.f32 s18, v6  }
0x219: {  	v7 =	vmul.f32 s24, v7;
	v59 =	vmul.f32 v10, v1;
	[tilespmem:v0+s29+$0x6F0 ss:$0x1] =	vst.idx.msk $0xffff, v63;
	v3 =	vadd.f32 v3, v2  }
0x21a: {  	v8 =	vmul.f32 s25, v58;
	[tilespmem:v0+s29+$0x2F0 ss:$0x1] =	vst.idx.msk $0xffff, v4;
	v4 =	vadd.f32 v56, v2;
	v6 =	vmul.f32 v6, v1  }
0x21b: {  	s26 =	rddreg [dreg:$0xf];
	v62 =	vmul.f32 v7, v1;
	[tilespmem:v0+s29+$0x470 ss:$0x1] =	vst.idx.msk $0xffff, v3;
	v3 =	vadd.f32 v57, v2  }
0x21c: {  	p1 =	sne.s32 s26, $0x7;
	[tilespmem:v0+s29+$0x4F0 ss:$0x1] =	vst.idx.msk $0xffff, v4;
	v60 =	vadd.f32 v6, v2;
	v1 =	vmul.f32 v8, v1  }
.Ltmp0:
0x21d: {  	[tilespmem:v0+s29+$0x570 ss:$0x1] =	vst.idx.msk $0xffff, v3;
	v3 =	vadd.f32 v59, v2;
	(pc) =	sbr.rel @p1 .LBB2_3-.Ltmp0, $4  }
0x21e: {  	[tilespmem:v0+s29+$0x5F0 ss:$0x1] =	vst.idx.msk $0xffff, v60;
	v1 =	vadd.f32 v1, v2  }
0x21f: {  	[tilespmem:v0+s29+$0x670 ss:$0x1] =	vst.idx.msk $0xffff, v3;
	v3 =	vadd.f32 v62, v2  }
0x220: {  	[tilespmem:v0+s29+$0x7F0 ss:$0x1] =	vst.idx.msk $0xffff, v1  }
0x221: {  	s1 =	sadd.s32 $0x1, s26;
	[tilespmem:v0+s29+$0x770 ss:$0x1] =	vst.idx.msk $0xffff, v3  }
0x222: {  	s0 =	rddreg [dreg:$0xd]  }
0x223: {  	s4 =	rddreg [dreg:$0xc];
	p1 =	sne.s32 s0, $0x0  }
0x224: {  	s3 =	rddreg [dreg:$0x8];
	s0 =	sshll.u32 @!p1 s4, $0xE  }
0x225: {  	s0 =	sadd.s32 @!p1 s3, s0  }
0x226: {  	s2 =	rddreg [dreg:$0x4];
	s0 =	sshrl.u32 @!p1 s0, $0x3  }
0x227: {  	s5 =	rddreg [dreg:$0xe];
	s1 =	simm.s32 @!p1 $0x0;
	s0 =	sadd.s32 @!p1 s2, s0  }
0x228: {  	[hbm4b:s0+s1] =	stream.linear.scatter @!p1 [tilespmem:s5], [sflag:$0x3], $0x4000, $0x38;
	[tilespmem:$0x1B300] =	vst v63  }
0x229: {  	s0 =	sshll.u32 @p0 s4, $0xE  }
0x22a: {  	s0 =	sadd.s32 @p0 s3, s0  }
0x22b: {  	s0 =	sshrl.u32 @p0 s0, $0x3  }
0x22c: {  	s31 =	rddreg [dreg:$0xb];
	s1 =	simm.s32 @p0 $0x0;
	s0 =	sadd.s32 @p0 s2, s0  }
0x22d: {  	[hbm4b:s0+s1] =	stream.linear.scatter @p0 [tilespmem:s5], [sflag:$0x4], $0x4000, $0x38;
	[tilespmem:$0x1B300] =	vst v63  }
0x22e: {  	p0 =	sne.s32 s31, $0x32  }
.Ltmp1:
0x22f: {  	_ = 	snop;
	(pc) =	sbr.rel @p0 .LBB2_2-.Ltmp1, $2  }
0x230: {  	_ =	sdelay $0x2  }
0x231: {  	s4 =	smov.u32 s31  }
0x232: {  	s0 =	simm.s32 $0x3  }
0x233: {  	_ =	swait.ge [sflag:s0], $0x4000  }
0x234: {  	[sflag:s0] =	ssyncset.done $0x0  }
0x235: {  	s1 =	simm.s32 $0x4;
	[sflag:s0] =	ssyncadd.s32 $0xFFFFC000  }
0x236: {  	_ =	swait.ge [sflag:s1], $0x4000  }
0x237: {  	[sflag:s1] =	ssyncset.done $0x0  }
0x238: {  	[sflag:s1] =	ssyncadd.s32 $0xFFFFC000  }
0x239: {  	_ =	swait.ge [sflag:s0], $0x4000  }
0x23a: {  	[sflag:s0] =	ssyncset.done $0x0  }
0x23b: {  	[sflag:s0] =	ssyncadd.s32 $0xFFFFC000  }
0x23c: {  	_ =	swait.ge [sflag:s1], $0x4000  }
0x23d: {  	s2 =	rddreg [dreg:$0xa]  }
0x23e: {  	s31 =	rddreg [dreg:$0x9];
	s2 =	sadd.s32 $0x1, s2  }
0x23f: {  	p0 =	sne.s32 s2, s31  }
.Ltmp2:
0x240: {  	_ = 	snop;
	(pc) =	sbr.rel @p0 .LBB2_1-.Ltmp2, $3  }
0x241: {  	_ =	sdelay $0x1  }
0x242: {  	[sflag:s1] =	ssyncset.done $0x0  }
0x243: {  	[sflag:s1] =	ssyncadd.s32 $0xFFFFC000  }
0x244: {  	_ =	sfence.sel $0x180000  }
0x245: {  	[bflag:$0x0] =	sbarrier.arrive $0xFFFF  }
0x246: {  	_ =	strace $0x90000047  }
0x247: {  	s0 =	stileid.u32;
	[bflag:$0x2] =	sbarrier.arrive $0xFFFF  }
0x248: {  	p0 =	sne.s32 s0, $0x0;
	s0 =	rddreg [dreg:$0x5]  }
0x249: {  	s0 =	sadd.s32 @!p0 $0x100000, s0  }
0x24a: {  	[sflag:s0] =	ssyncadd.tile.s32 @!p0 $0x1;
	_ =	shalt  }
.Lfunc_end2:
_tile_overlayer_lowered:
.L_overlay_start_2:
0x24b: {  	(tag) =	ssettag $0x2  }
0x24c: {  	s0 =	rddreg [dreg:$0x0];
	s2 =	stileid.u32  }
0x24d: {  	s1 =	rddreg [dreg:$0x1];
	p0 =	sne.s32 s2, $0x0  }
0x24e: {  	s3 =	rddreg [dreg:$0x2];
	[bflag:$0x3] =	sbarrier.arrive $0xFFFF;
	s2 =	simm.s32 @!p0 $0x1C05  }
0x24f: {  	[timem:s3], [sflag:s2] =	dma.local @!p0 [hbm:s0], s1  }
0x250: {  	s0 =	simm.s32 @!p0 $0x5  }
0x251: {  	_ =	swait.ge @!p0 [sflag:s0], s1  }
0x252: {  	s1 =	ssub.s32 @!p0 $0x0, s1;
	[sflag:s0] =	ssyncset.done @!p0 $0x0  }
0x253: {  	[sflag:s0] =	ssyncadd.s32 @!p0 s1  }
0x254: {  	[bflag:$0x3] =	sbarrier.arrive $0xFFFF  }
0x255: {  	_ =	shalt  }

</sc_bundles>
